<compile_context>
chip_gen: v7x
topology: tpu7x:2x2x1
jax: 0.10.2.dev20260603
libtpu: 0.0.44.dev20260713+nightly
codegen_flags: <defaults>
</compile_context>

<pallas_src>
import functools
import math

import jax
import jax.numpy as jnp
from jax import lax
from jax.experimental import pallas as pl
from jax.experimental.pallas import tpu as pltpu
from jax.experimental.pallas import tpu_sc as plsc

D_MODEL = 1024
SCALE = math.sqrt(D_MODEL)

NC = 2
NS = 16
L = 16
NW = NC * NS

B_TOTAL = 4 * 8192
B_PER_W = B_TOTAL // NW
CHUNK = 16
N_CHUNKS = B_PER_W // CHUNK
NIN = 4
NOUT = 2
N_OUTER = N_CHUNKS // NIN


def _scale_chunk(src, dst):

    def row(i, _):
        for j in range(D_MODEL // L):
            sl = pl.ds(j * L, L)
            dst[i, sl] = src[i, sl] * SCALE
        return 0

    lax.fori_loop(0, CHUNK, row, 0)


def _body(ids_hbm, table_hbm, out_hbm, idx_flat, idx_v, in0, in1, in2, in3,
          ot0, ot1, g0, g1, g2, g3, s0, s1):
    wid = lax.axis_index("s") * NC + lax.axis_index("c")
    base = wid * B_PER_W

    ins = (in0, in1, in2, in3)
    outs = (ot0, ot1)
    gsems = (g0, g1, g2, g3)
    ssems = (s0, s1)

    tiles_per_row = 8192 // B_PER_W
    pltpu.sync_copy(
        ids_hbm.at[wid // tiles_per_row,
                   pl.ds((wid % tiles_per_row) * B_PER_W, B_PER_W)], idx_flat)

    for i in range(N_CHUNKS):
        idx_v[i, :] = idx_flat[pl.ds(i * L, L)]

    def idx_slice(c):
        return idx_v.at[c]

    for b in range(NIN):
        pltpu.async_copy(table_hbm.at[idx_slice(b)], ins[b], gsems[b])

    def outer(g, _):
        for b in range(NIN):
            j = g * NIN + b
            ob = b % NOUT
            pltpu.make_async_copy(
                table_hbm.at[pl.ds(0, CHUNK)], ins[b], gsems[b]).wait()

            if b >= NOUT:
                pltpu.make_async_copy(
                    outs[ob], out_hbm.at[pl.ds(base, CHUNK)], ssems[ob]).wait()
            else:
                @pl.when(g > 0)
                def _():
                    pltpu.make_async_copy(
                        outs[ob], out_hbm.at[pl.ds(base, CHUNK)],
                        ssems[ob]).wait()

            _scale_chunk(ins[b], outs[ob])

            pltpu.async_copy(
                outs[ob], out_hbm.at[pl.ds(base + j * CHUNK, CHUNK)],
                ssems[ob])

            @pl.when(g < N_OUTER - 1)
            def _():
                pltpu.async_copy(
                    table_hbm.at[idx_slice(j + NIN)], ins[b], gsems[b])

        return 0

    lax.fori_loop(0, N_OUTER, outer, 0)

    for b in range(NOUT):
        pltpu.make_async_copy(
            outs[b], out_hbm.at[pl.ds(base, CHUNK)], ssems[b]).wait()


@jax.jit
def _gather_scale(ids3, table):
    mesh = plsc.VectorSubcoreMesh(core_axis_name="c", subcore_axis_name="s")
    f = functools.partial(
        pl.kernel,
        out_type=jax.ShapeDtypeStruct((B_TOTAL, D_MODEL), jnp.float32),
        mesh=mesh,
        scratch_types=[
            pltpu.VMEM((B_PER_W,), jnp.int32),
            pltpu.VMEM((N_CHUNKS, CHUNK), jnp.int32),
            pltpu.VMEM((CHUNK, D_MODEL), jnp.float32),
            pltpu.VMEM((CHUNK, D_MODEL), jnp.float32),
            pltpu.VMEM((CHUNK, D_MODEL), jnp.float32),
            pltpu.VMEM((CHUNK, D_MODEL), jnp.float32),
            pltpu.VMEM((CHUNK, D_MODEL), jnp.float32),
            pltpu.VMEM((CHUNK, D_MODEL), jnp.float32),
            pltpu.SemaphoreType.DMA,
            pltpu.SemaphoreType.DMA,
            pltpu.SemaphoreType.DMA,
            pltpu.SemaphoreType.DMA,
            pltpu.SemaphoreType.DMA,
            pltpu.SemaphoreType.DMA,
        ],
    )(_body)
    return f(ids3, table)


def kernel(input_ids, table):
    out = _gather_scale(input_ids.astype(jnp.int32), table)
    return out.reshape(*input_ids.shape, D_MODEL)

# --- scband reference (transcript-rebuilt; emitter-appended) ---
"""Pipeline reference for scband-input-encoder-38534446580276 (READ-ONLY COPY).

The authoritative reference and input builder live on the scoring server;
editing this copy changes nothing except your own understanding.
"""

import jax, jax.numpy as jnp
import numpy as np
import math

D_MODEL = 1024
VOCAB_SIZE = 100000

def setup_inputs(seed: int = 0) -> dict:
    key = jax.random.key(seed)
    k_ids, k_tab = jax.random.split(key)
    input_ids = jax.random.randint(k_ids, (4, 8192), 0, VOCAB_SIZE, dtype=jnp.int64 if jax.config.jax_enable_x64 else jnp.int32)
    # embedding table; std = 1/sqrt(d_model) as recommended when scale_sqrt_d_model=True
    table = jax.random.normal(k_tab, (VOCAB_SIZE, D_MODEL), dtype=jnp.float32) * (1.0 / math.sqrt(D_MODEL))
    return {"input_ids": input_ids, "table": table}

def reference(input_ids, table):
    # InputEncoder.forward: x = embedding(input_ids); x = x * sqrt(d_model)
    # no positional encoder; dropout=0.0 -> Identity
    scale = math.sqrt(D_MODEL)
    x = jnp.take(table, input_ids, axis=0)
    x = x * scale
    return x

if __name__ == "__main__":
    import jax
    _d = setup_inputs()
    print(jax.jit(kernel)(*tuple(_d.values())))

</pallas_src>

<mosaic_0001>
#map = affine_map<(d0, d1) -> (0, 0)>
module attributes {stable_mosaic.version = 14 : i64} {
  func.func @_body(%arg0: i32, %arg1: i32, %arg2: memref<4x8192xi32, #tpu.memory_space<hbm>>, %arg3: memref<100000x1024xf32, #tpu.memory_space<hbm>>, %arg4: memref<32768x1024xf32, #tpu.memory_space<hbm>>, %arg5: memref<1024xi32, #tpu.memory_space<vmem>>, %arg6: memref<64x16xi32, #tpu.memory_space<vmem>>, %arg7: memref<16x1024xf32, #tpu.memory_space<vmem>>, %arg8: memref<16x1024xf32, #tpu.memory_space<vmem>>, %arg9: memref<16x1024xf32, #tpu.memory_space<vmem>>, %arg10: memref<16x1024xf32, #tpu.memory_space<vmem>>, %arg11: memref<16x1024xf32, #tpu.memory_space<vmem>>, %arg12: memref<16x1024xf32, #tpu.memory_space<vmem>>, %arg13: memref<!tpu.dma_semaphore, #tpu.memory_space<semaphore_mem>>, %arg14: memref<!tpu.dma_semaphore, #tpu.memory_space<semaphore_mem>>, %arg15: memref<!tpu.dma_semaphore, #tpu.memory_space<semaphore_mem>>, %arg16: memref<!tpu.dma_semaphore, #tpu.memory_space<semaphore_mem>>, %arg17: memref<!tpu.dma_semaphore, #tpu.memory_space<semaphore_mem>>, %arg18: memref<!tpu.dma_semaphore, #tpu.memory_space<semaphore_mem>>) attributes {dimension_semantics = [#tpu.dimension_semantics<core_parallel>, #tpu.dimension_semantics<subcore_parallel>], iteration_bounds = array<i64: 2, 16>, scalar_prefetch = 0 : i64, scratch_operands = 14 : i64, tpu.core_type = #tpu.core_type<sc_vector_subcore>, window_params = [{transform_indices = #map}, {transform_indices = #map}, {transform_indices = #map}]} {
    %mul3A = arith.constant 2 : i32
    %mul3A_0 = arith.muli %arg1, %mul3A : i32
    %add3A = arith.addi %mul3A_0, %arg0 : i32
    %mul3A_1 = arith.constant 1024 : i32
    %mul3A_2 = arith.muli %add3A, %mul3A_1 : i32
    %jit3A = arith.constant 8 : i32
    %div3A = arith.divsi %add3A, %jit3A : i32
    %sign3A = arith.constant 0 : i32
    %sign3A_3 = arith.cmpi sgt, %add3A, %sign3A : i32
    %sign3A_4 = arith.extui %sign3A_3 : i1 to i32
    %sign3A_5 = arith.constant 0 : i32
    %sign3A_6 = arith.cmpi slt, %add3A, %sign3A_5 : i32
    %sign3A_7 = arith.extui %sign3A_6 : i1 to i32
    %sign3A_8 = arith.subi %sign3A_4, %sign3A_7 : i32
    %sign3A_9 = arith.constant 0 : i32
    %sign3A_10 = arith.cmpi sgt, %jit3A, %sign3A_9 : i32
    %sign3A_11 = arith.extui %sign3A_10 : i1 to i32
    %sign3A_12 = arith.constant 0 : i32
    %sign3A_13 = arith.cmpi slt, %jit3A, %sign3A_12 : i32
    %sign3A_14 = arith.extui %sign3A_13 : i1 to i32
    %sign3A_15 = arith.subi %sign3A_11, %sign3A_14 : i32
    %ne3A = arith.cmpi ne, %sign3A_8, %sign3A_15 : i32
    %rem3A = arith.remsi %add3A, %jit3A : i32
    %ne3A_16 = arith.constant 0 : i32
    %ne3A_17 = arith.cmpi ne, %rem3A, %ne3A_16 : i32
    %and3A = arith.andi %ne3A, %ne3A_17 : i1
    %sub3A = arith.constant 1 : i32
    %sub3A_18 = arith.subi %div3A, %sub3A : i32
    %select_n3A = arith.select %and3A, %sub3A_18, %div3A : i32
    %jit3A_19 = arith.constant 8 : i32
    %eq3A = arith.constant 0 : i32
    %eq3A_20 = arith.cmpi eq, %jit3A_19, %eq3A : i32
    %jit3A_21 = arith.constant 1 : i32
    %select_n3A_22 = arith.select %eq3A_20, %jit3A_21, %jit3A_19 : i32
    %rem3A_23 = arith.remsi %add3A, %select_n3A_22 : i32
    %ne3A_24 = arith.constant 0 : i32
    %ne3A_25 = arith.cmpi ne, %rem3A_23, %ne3A_24 : i32
    %lt3A = arith.constant 0 : i32
    %lt3A_26 = arith.cmpi slt, %rem3A_23, %lt3A : i32
    %lt3A_27 = arith.constant 0 : i32
    %lt3A_28 = arith.cmpi slt, %select_n3A_22, %lt3A_27 : i32
    %ne3A_29 = arith.xori %lt3A_26, %lt3A_28 : i1
    %and3A_30 = arith.andi %ne3A_29, %ne3A_25 : i1
    %add3A_31 = arith.addi %rem3A_23, %select_n3A_22 : i32
    %select_n3A_32 = arith.select %and3A_30, %add3A_31, %rem3A_23 : i32
    %mul3A_33 = arith.constant 1024 : i32
    %mul3A_34 = arith.muli %select_n3A_32, %mul3A_33 : i32
    "tpu.region"() ({
      %run_scoped3A = tpu.sem_alloc : memref<!tpu.dma_semaphore, #tpu.memory_space<semaphore_mem>>
      %dma_start3A_649 = tpu.memref_slice %arg2[%select_n3A, %mul3A_34] : memref<4x8192xi32, #tpu.memory_space<hbm>> -> memref<1x1024xi32, #tpu.memory_space<hbm>>
      %dma_start3A_650 = tpu.memref_squeeze %dma_start3A_649 : memref<1x1024xi32, #tpu.memory_space<hbm>> -> memref<1024xi32, #tpu.memory_space<hbm>>
      %dma_start3A_651 = tpu.memref_slice %arg2[%select_n3A, %mul3A_34] : memref<4x8192xi32, #tpu.memory_space<hbm>> -> memref<1x1024xi32, #tpu.memory_space<hbm>>
      %dma_start3A_652 = tpu.memref_squeeze %dma_start3A_651 : memref<1x1024xi32, #tpu.memory_space<hbm>> -> memref<1024xi32, #tpu.memory_space<hbm>>
      tpu.enqueue_dma source(%dma_start3A_652 : memref<1024xi32, #tpu.memory_space<hbm>>) target(%arg5 : memref<1024xi32, #tpu.memory_space<vmem>>) target_semaphore(%run_scoped3A : memref<!tpu.dma_semaphore, #tpu.memory_space<semaphore_mem>>)
      %dma_wait3A_653 = tpu.memref_slice %arg2[%select_n3A, %mul3A_34] : memref<4x8192xi32, #tpu.memory_space<hbm>> -> memref<1x1024xi32, #tpu.memory_space<hbm>>
      %dma_wait3A_654 = tpu.memref_squeeze %dma_wait3A_653 : memref<1x1024xi32, #tpu.memory_space<hbm>> -> memref<1024xi32, #tpu.memory_space<hbm>>
      %dma_wait3A_655 = tpu.memref_slice %arg2[%select_n3A, %mul3A_34] : memref<4x8192xi32, #tpu.memory_space<hbm>> -> memref<1x1024xi32, #tpu.memory_space<hbm>>
      %dma_wait3A_656 = tpu.memref_squeeze %dma_wait3A_655 : memref<1x1024xi32, #tpu.memory_space<hbm>> -> memref<1024xi32, #tpu.memory_space<hbm>>
      tpu.wait_dma2 semaphore(%run_scoped3A : memref<!tpu.dma_semaphore, #tpu.memory_space<semaphore_mem>>) src(%dma_wait3A_656 : memref<1024xi32, #tpu.memory_space<hbm>>) dst(%arg5 : memref<1024xi32, #tpu.memory_space<vmem>>)
      tpu.yield
    }) : () -> ()
    %get3A = arith.constant 0 : index
    %get3A_35 = tpu.vector_load %arg5[%get3A] {strides = array<i32>} : memref<1024xi32, #tpu.memory_space<vmem>>, vector<16xi32>,
    %get3A_36 = vector.shape_cast %get3A_35 : vector<16xi32> to vector<16xi32>
    %swap3A = arith.constant 0 : i32
    %swap3A_37 = arith.index_cast %swap3A : i32 to index
    %swap3A_38 = arith.constant 0 : index
    %swap3A_39 = tpu.vector_load %arg6[%swap3A_37, %swap3A_38] {strides = array<i32>} : memref<64x16xi32, #tpu.memory_space<vmem>>, vector<1x16xi32>,
    %swap3A_40 = vector.shape_cast %swap3A_39 : vector<1x16xi32> to vector<16xi32>
    %swap3A_41 = vector.shape_cast %get3A_36 : vector<16xi32> to vector<1x16xi32>
    tpu.vector_store %arg6[%swap3A_37, %swap3A_38], %swap3A_41 {strides = array<i32>} : memref<64x16xi32, #tpu.memory_space<vmem>>, vector<1x16xi32>,
    %get3A_42 = arith.constant 16 : index
    %get3A_43 = tpu.vector_load %arg5[%get3A_42] {strides = array<i32>} : memref<1024xi32, #tpu.memory_space<vmem>>, vector<16xi32>,
    %get3A_44 = vector.shape_cast %get3A_43 : vector<16xi32> to vector<16xi32>
    %swap3A_45 = arith.constant 1 : i32
    %swap3A_46 = arith.index_cast %swap3A_45 : i32 to index
    %swap3A_47 = arith.constant 0 : index
    %swap3A_48 = tpu.vector_load %arg6[%swap3A_46, %swap3A_47] {strides = array<i32>} : memref<64x16xi32, #tpu.memory_space<vmem>>, vector<1x16xi32>,
    %swap3A_49 = vector.shape_cast %swap3A_48 : vector<1x16xi32> to vector<16xi32>
    %swap3A_50 = vector.shape_cast %get3A_44 : vector<16xi32> to vector<1x16xi32>
    tpu.vector_store %arg6[%swap3A_46, %swap3A_47], %swap3A_50 {strides = array<i32>} : memref<64x16xi32, #tpu.memory_space<vmem>>, vector<1x16xi32>,
    %get3A_51 = arith.constant 32 : index
    %get3A_52 = tpu.vector_load %arg5[%get3A_51] {strides = array<i32>} : memref<1024xi32, #tpu.memory_space<vmem>>, vector<16xi32>,
    %get3A_53 = vector.shape_cast %get3A_52 : vector<16xi32> to vector<16xi32>
    %swap3A_54 = arith.constant 2 : i32
    %swap3A_55 = arith.index_cast %swap3A_54 : i32 to index
    %swap3A_56 = arith.constant 0 : index
    %swap3A_57 = tpu.vector_load %arg6[%swap3A_55, %swap3A_56] {strides = array<i32>} : memref<64x16xi32, #tpu.memory_space<vmem>>, vector<1x16xi32>,
    %swap3A_58 = vector.shape_cast %swap3A_57 : vector<1x16xi32> to vector<16xi32>
    %swap3A_59 = vector.shape_cast %get3A_53 : vector<16xi32> to vector<1x16xi32>
    tpu.vector_store %arg6[%swap3A_55, %swap3A_56], %swap3A_59 {strides = array<i32>} : memref<64x16xi32, #tpu.memory_space<vmem>>, vector<1x16xi32>,
    %get3A_60 = arith.constant 48 : index
    %get3A_61 = tpu.vector_load %arg5[%get3A_60] {strides = array<i32>} : memref<1024xi32, #tpu.memory_space<vmem>>, vector<16xi32>,
    %get3A_62 = vector.shape_cast %get3A_61 : vector<16xi32> to vector<16xi32>
    %swap3A_63 = arith.constant 3 : i32
    %swap3A_64 = arith.index_cast %swap3A_63 : i32 to index
    %swap3A_65 = arith.constant 0 : index
    %swap3A_66 = tpu.vector_load %arg6[%swap3A_64, %swap3A_65] {strides = array<i32>} : memref<64x16xi32, #tpu.memory_space<vmem>>, vector<1x16xi32>,
    %swap3A_67 = vector.shape_cast %swap3A_66 : vector<1x16xi32> to vector<16xi32>
    %swap3A_68 = vector.shape_cast %get3A_62 : vector<16xi32> to vector<1x16xi32>
    tpu.vector_store %arg6[%swap3A_64, %swap3A_65], %swap3A_68 {strides = array<i32>} : memref<64x16xi32, #tpu.memory_space<vmem>>, vector<1x16xi32>,
    %get3A_69 = arith.constant 64 : index
    %get3A_70 = tpu.vector_load %arg5[%get3A_69] {strides = array<i32>} : memref<1024xi32, #tpu.memory_space<vmem>>, vector<16xi32>,
    %get3A_71 = vector.shape_cast %get3A_70 : vector<16xi32> to vector<16xi32>
    %swap3A_72 = arith.constant 4 : i32
    %swap3A_73 = arith.index_cast %swap3A_72 : i32 to index
    %swap3A_74 = arith.constant 0 : index
    %swap3A_75 = tpu.vector_load %arg6[%swap3A_73, %swap3A_74] {strides = array<i32>} : memref<64x16xi32, #tpu.memory_space<vmem>>, vector<1x16xi32>,
    %swap3A_76 = vector.shape_cast %swap3A_75 : vector<1x16xi32> to vector<16xi32>
    %swap3A_77 = vector.shape_cast %get3A_71 : vector<16xi32> to vector<1x16xi32>
    tpu.vector_store %arg6[%swap3A_73, %swap3A_74], %swap3A_77 {strides = array<i32>} : memref<64x16xi32, #tpu.memory_space<vmem>>, vector<1x16xi32>,
    %get3A_78 = arith.constant 80 : index
    %get3A_79 = tpu.vector_load %arg5[%get3A_78] {strides = array<i32>} : memref<1024xi32, #tpu.memory_space<vmem>>, vector<16xi32>,
    %get3A_80 = vector.shape_cast %get3A_79 : vector<16xi32> to vector<16xi32>
    %swap3A_81 = arith.constant 5 : i32
    %swap3A_82 = arith.index_cast %swap3A_81 : i32 to index
    %swap3A_83 = arith.constant 0 : index
    %swap3A_84 = tpu.vector_load %arg6[%swap3A_82, %swap3A_83] {strides = array<i32>} : memref<64x16xi32, #tpu.memory_space<vmem>>, vector<1x16xi32>,
    %swap3A_85 = vector.shape_cast %swap3A_84 : vector<1x16xi32> to vector<16xi32>
    %swap3A_86 = vector.shape_cast %get3A_80 : vector<16xi32> to vector<1x16xi32>
    tpu.vector_store %arg6[%swap3A_82, %swap3A_83], %swap3A_86 {strides = array<i32>} : memref<64x16xi32, #tpu.memory_space<vmem>>, vector<1x16xi32>,
    %get3A_87 = arith.constant 96 : index
    %get3A_88 = tpu.vector_load %arg5[%get3A_87] {strides = array<i32>} : memref<1024xi32, #tpu.memory_space<vmem>>, vector<16xi32>,
    %get3A_89 = vector.shape_cast %get3A_88 : vector<16xi32> to vector<16xi32>
    %swap3A_90 = arith.constant 6 : i32
    %swap3A_91 = arith.index_cast %swap3A_90 : i32 to index
    %swap3A_92 = arith.constant 0 : index
    %swap3A_93 = tpu.vector_load %arg6[%swap3A_91, %swap3A_92] {strides = array<i32>} : memref<64x16xi32, #tpu.memory_space<vmem>>, vector<1x16xi32>,
    %swap3A_94 = vector.shape_cast %swap3A_93 : vector<1x16xi32> to vector<16xi32>
    %swap3A_95 = vector.shape_cast %get3A_89 : vector<16xi32> to vector<1x16xi32>
    tpu.vector_store %arg6[%swap3A_91, %swap3A_92], %swap3A_95 {strides = array<i32>} : memref<64x16xi32, #tpu.memory_space<vmem>>, vector<1x16xi32>,
    %get3A_96 = arith.constant 112 : index
    %get3A_97 = tpu.vector_load %arg5[%get3A_96] {strides = array<i32>} : memref<1024xi32, #tpu.memory_space<vmem>>, vector<16xi32>,
    %get3A_98 = vector.shape_cast %get3A_97 : vector<16xi32> to vector<16xi32>
    %swap3A_99 = arith.constant 7 : i32
    %swap3A_100 = arith.index_cast %swap3A_99 : i32 to index
    %swap3A_101 = arith.constant 0 : index
    %swap3A_102 = tpu.vector_load %arg6[%swap3A_100, %swap3A_101] {strides = array<i32>} : memref<64x16xi32, #tpu.memory_space<vmem>>, vector<1x16xi32>,
    %swap3A_103 = vector.shape_cast %swap3A_102 : vector<1x16xi32> to vector<16xi32>
    %swap3A_104 = vector.shape_cast %get3A_98 : vector<16xi32> to vector<1x16xi32>
    tpu.vector_store %arg6[%swap3A_100, %swap3A_101], %swap3A_104 {strides = array<i32>} : memref<64x16xi32, #tpu.memory_space<vmem>>, vector<1x16xi32>,
    %get3A_105 = arith.constant 128 : index
    %get3A_106 = tpu.vector_load %arg5[%get3A_105] {strides = array<i32>} : memref<1024xi32, #tpu.memory_space<vmem>>, vector<16xi32>,
    %get3A_107 = vector.shape_cast %get3A_106 : vector<16xi32> to vector<16xi32>
    %swap3A_108 = arith.constant 8 : i32
    %swap3A_109 = arith.index_cast %swap3A_108 : i32 to index
    %swap3A_110 = arith.constant 0 : index
    %swap3A_111 = tpu.vector_load %arg6[%swap3A_109, %swap3A_110] {strides = array<i32>} : memref<64x16xi32, #tpu.memory_space<vmem>>, vector<1x16xi32>,
    %swap3A_112 = vector.shape_cast %swap3A_111 : vector<1x16xi32> to vector<16xi32>
    %swap3A_113 = vector.shape_cast %get3A_107 : vector<16xi32> to vector<1x16xi32>
    tpu.vector_store %arg6[%swap3A_109, %swap3A_110], %swap3A_113 {strides = array<i32>} : memref<64x16xi32, #tpu.memory_space<vmem>>, vector<1x16xi32>,
    %get3A_114 = arith.constant 144 : index
    %get3A_115 = tpu.vector_load %arg5[%get3A_114] {strides = array<i32>} : memref<1024xi32, #tpu.memory_space<vmem>>, vector<16xi32>,
    %get3A_116 = vector.shape_cast %get3A_115 : vector<16xi32> to vector<16xi32>
    %swap3A_117 = arith.constant 9 : i32
    %swap3A_118 = arith.index_cast %swap3A_117 : i32 to index
    %swap3A_119 = arith.constant 0 : index
    %swap3A_120 = tpu.vector_load %arg6[%swap3A_118, %swap3A_119] {strides = array<i32>} : memref<64x16xi32, #tpu.memory_space<vmem>>, vector<1x16xi32>,
    %swap3A_121 = vector.shape_cast %swap3A_120 : vector<1x16xi32> to vector<16xi32>
    %swap3A_122 = vector.shape_cast %get3A_116 : vector<16xi32> to vector<1x16xi32>
    tpu.vector_store %arg6[%swap3A_118, %swap3A_119], %swap3A_122 {strides = array<i32>} : memref<64x16xi32, #tpu.memory_space<vmem>>, vector<1x16xi32>,
    %get3A_123 = arith.constant 160 : index
    %get3A_124 = tpu.vector_load %arg5[%get3A_123] {strides = array<i32>} : memref<1024xi32, #tpu.memory_space<vmem>>, vector<16xi32>,
    %get3A_125 = vector.shape_cast %get3A_124 : vector<16xi32> to vector<16xi32>
    %swap3A_126 = arith.constant 10 : i32
    %swap3A_127 = arith.index_cast %swap3A_126 : i32 to index
    %swap3A_128 = arith.constant 0 : index
    %swap3A_129 = tpu.vector_load %arg6[%swap3A_127, %swap3A_128] {strides = array<i32>} : memref<64x16xi32, #tpu.memory_space<vmem>>, vector<1x16xi32>,
    %swap3A_130 = vector.shape_cast %swap3A_129 : vector<1x16xi32> to vector<16xi32>
    %swap3A_131 = vector.shape_cast %get3A_125 : vector<16xi32> to vector<1x16xi32>
    tpu.vector_store %arg6[%swap3A_127, %swap3A_128], %swap3A_131 {strides = array<i32>} : memref<64x16xi32, #tpu.memory_space<vmem>>, vector<1x16xi32>,
    %get3A_132 = arith.constant 176 : index
    %get3A_133 = tpu.vector_load %arg5[%get3A_132] {strides = array<i32>} : memref<1024xi32, #tpu.memory_space<vmem>>, vector<16xi32>,
    %get3A_134 = vector.shape_cast %get3A_133 : vector<16xi32> to vector<16xi32>
    %swap3A_135 = arith.constant 11 : i32
    %swap3A_136 = arith.index_cast %swap3A_135 : i32 to index
    %swap3A_137 = arith.constant 0 : index
    %swap3A_138 = tpu.vector_load %arg6[%swap3A_136, %swap3A_137] {strides = array<i32>} : memref<64x16xi32, #tpu.memory_space<vmem>>, vector<1x16xi32>,
    %swap3A_139 = vector.shape_cast %swap3A_138 : vector<1x16xi32> to vector<16xi32>
    %swap3A_140 = vector.shape_cast %get3A_134 : vector<16xi32> to vector<1x16xi32>
    tpu.vector_store %arg6[%swap3A_136, %swap3A_137], %swap3A_140 {strides = array<i32>} : memref<64x16xi32, #tpu.memory_space<vmem>>, vector<1x16xi32>,
    %get3A_141 = arith.constant 192 : index
    %get3A_142 = tpu.vector_load %arg5[%get3A_141] {strides = array<i32>} : memref<1024xi32, #tpu.memory_space<vmem>>, vector<16xi32>,
    %get3A_143 = vector.shape_cast %get3A_142 : vector<16xi32> to vector<16xi32>
    %swap3A_144 = arith.constant 12 : i32
    %swap3A_145 = arith.index_cast %swap3A_144 : i32 to index
    %swap3A_146 = arith.constant 0 : index
    %swap3A_147 = tpu.vector_load %arg6[%swap3A_145, %swap3A_146] {strides = array<i32>} : memref<64x16xi32, #tpu.memory_space<vmem>>, vector<1x16xi32>,
    %swap3A_148 = vector.shape_cast %swap3A_147 : vector<1x16xi32> to vector<16xi32>
    %swap3A_149 = vector.shape_cast %get3A_143 : vector<16xi32> to vector<1x16xi32>
    tpu.vector_store %arg6[%swap3A_145, %swap3A_146], %swap3A_149 {strides = array<i32>} : memref<64x16xi32, #tpu.memory_space<vmem>>, vector<1x16xi32>,
    %get3A_150 = arith.constant 208 : index
    %get3A_151 = tpu.vector_load %arg5[%get3A_150] {strides = array<i32>} : memref<1024xi32, #tpu.memory_space<vmem>>, vector<16xi32>,
    %get3A_152 = vector.shape_cast %get3A_151 : vector<16xi32> to vector<16xi32>
    %swap3A_153 = arith.constant 13 : i32
    %swap3A_154 = arith.index_cast %swap3A_153 : i32 to index
    %swap3A_155 = arith.constant 0 : index
    %swap3A_156 = tpu.vector_load %arg6[%swap3A_154, %swap3A_155] {strides = array<i32>} : memref<64x16xi32, #tpu.memory_space<vmem>>, vector<1x16xi32>,
    %swap3A_157 = vector.shape_cast %swap3A_156 : vector<1x16xi32> to vector<16xi32>
    %swap3A_158 = vector.shape_cast %get3A_152 : vector<16xi32> to vector<1x16xi32>
    tpu.vector_store %arg6[%swap3A_154, %swap3A_155], %swap3A_158 {strides = array<i32>} : memref<64x16xi32, #tpu.memory_space<vmem>>, vector<1x16xi32>,
    %get3A_159 = arith.constant 224 : index
    %get3A_160 = tpu.vector_load %arg5[%get3A_159] {strides = array<i32>} : memref<1024xi32, #tpu.memory_space<vmem>>, vector<16xi32>,
    %get3A_161 = vector.shape_cast %get3A_160 : vector<16xi32> to vector<16xi32>
    %swap3A_162 = arith.constant 14 : i32
    %swap3A_163 = arith.index_cast %swap3A_162 : i32 to index
    %swap3A_164 = arith.constant 0 : index
    %swap3A_165 = tpu.vector_load %arg6[%swap3A_163, %swap3A_164] {strides = array<i32>} : memref<64x16xi32, #tpu.memory_space<vmem>>, vector<1x16xi32>,
    %swap3A_166 = vector.shape_cast %swap3A_165 : vector<1x16xi32> to vector<16xi32>
    %swap3A_167 = vector.shape_cast %get3A_161 : vector<16xi32> to vector<1x16xi32>
    tpu.vector_store %arg6[%swap3A_163, %swap3A_164], %swap3A_167 {strides = array<i32>} : memref<64x16xi32, #tpu.memory_space<vmem>>, vector<1x16xi32>,
    %get3A_168 = arith.constant 240 : index
    %get3A_169 = tpu.vector_load %arg5[%get3A_168] {strides = array<i32>} : memref<1024xi32, #tpu.memory_space<vmem>>, vector<16xi32>,
    %get3A_170 = vector.shape_cast %get3A_169 : vector<16xi32> to vector<16xi32>
    %swap3A_171 = arith.constant 15 : i32
    %swap3A_172 = arith.index_cast %swap3A_171 : i32 to index
    %swap3A_173 = arith.constant 0 : index
    %swap3A_174 = tpu.vector_load %arg6[%swap3A_172, %swap3A_173] {strides = array<i32>} : memref<64x16xi32, #tpu.memory_space<vmem>>, vector<1x16xi32>,
    %swap3A_175 = vector.shape_cast %swap3A_174 : vector<1x16xi32> to vector<16xi32>
    %swap3A_176 = vector.shape_cast %get3A_170 : vector<16xi32> to vector<1x16xi32>
    tpu.vector_store %arg6[%swap3A_172, %swap3A_173], %swap3A_176 {strides = array<i32>} : memref<64x16xi32, #tpu.memory_space<vmem>>, vector<1x16xi32>,
    %get3A_177 = arith.constant 256 : index
    %get3A_178 = tpu.vector_load %arg5[%get3A_177] {strides = array<i32>} : memref<1024xi32, #tpu.memory_space<vmem>>, vector<16xi32>,
    %get3A_179 = vector.shape_cast %get3A_178 : vector<16xi32> to vector<16xi32>
    %swap3A_180 = arith.constant 16 : i32
    %swap3A_181 = arith.index_cast %swap3A_180 : i32 to index
    %swap3A_182 = arith.constant 0 : index
    %swap3A_183 = tpu.vector_load %arg6[%swap3A_181, %swap3A_182] {strides = array<i32>} : memref<64x16xi32, #tpu.memory_space<vmem>>, vector<1x16xi32>,
    %swap3A_184 = vector.shape_cast %swap3A_183 : vector<1x16xi32> to vector<16xi32>
    %swap3A_185 = vector.shape_cast %get3A_179 : vector<16xi32> to vector<1x16xi32>
    tpu.vector_store %arg6[%swap3A_181, %swap3A_182], %swap3A_185 {strides = array<i32>} : memref<64x16xi32, #tpu.memory_space<vmem>>, vector<1x16xi32>,
    %get3A_186 = arith.constant 272 : index
    %get3A_187 = tpu.vector_load %arg5[%get3A_186] {strides = array<i32>} : memref<1024xi32, #tpu.memory_space<vmem>>, vector<16xi32>,
    %get3A_188 = vector.shape_cast %get3A_187 : vector<16xi32> to vector<16xi32>
    %swap3A_189 = arith.constant 17 : i32
    %swap3A_190 = arith.index_cast %swap3A_189 : i32 to index
    %swap3A_191 = arith.constant 0 : index
    %swap3A_192 = tpu.vector_load %arg6[%swap3A_190, %swap3A_191] {strides = array<i32>} : memref<64x16xi32, #tpu.memory_space<vmem>>, vector<1x16xi32>,
    %swap3A_193 = vector.shape_cast %swap3A_192 : vector<1x16xi32> to vector<16xi32>
    %swap3A_194 = vector.shape_cast %get3A_188 : vector<16xi32> to vector<1x16xi32>
    tpu.vector_store %arg6[%swap3A_190, %swap3A_191], %swap3A_194 {strides = array<i32>} : memref<64x16xi32, #tpu.memory_space<vmem>>, vector<1x16xi32>,
    %get3A_195 = arith.constant 288 : index
    %get3A_196 = tpu.vector_load %arg5[%get3A_195] {strides = array<i32>} : memref<1024xi32, #tpu.memory_space<vmem>>, vector<16xi32>,
    %get3A_197 = vector.shape_cast %get3A_196 : vector<16xi32> to vector<16xi32>
    %swap3A_198 = arith.constant 18 : i32
    %swap3A_199 = arith.index_cast %swap3A_198 : i32 to index
    %swap3A_200 = arith.constant 0 : index
    %swap3A_201 = tpu.vector_load %arg6[%swap3A_199, %swap3A_200] {strides = array<i32>} : memref<64x16xi32, #tpu.memory_space<vmem>>, vector<1x16xi32>,
    %swap3A_202 = vector.shape_cast %swap3A_201 : vector<1x16xi32> to vector<16xi32>
    %swap3A_203 = vector.shape_cast %get3A_197 : vector<16xi32> to vector<1x16xi32>
    tpu.vector_store %arg6[%swap3A_199, %swap3A_200], %swap3A_203 {strides = array<i32>} : memref<64x16xi32, #tpu.memory_space<vmem>>, vector<1x16xi32>,
    %get3A_204 = arith.constant 304 : index
    %get3A_205 = tpu.vector_load %arg5[%get3A_204] {strides = array<i32>} : memref<1024xi32, #tpu.memory_space<vmem>>, vector<16xi32>,
    %get3A_206 = vector.shape_cast %get3A_205 : vector<16xi32> to vector<16xi32>
    %swap3A_207 = arith.constant 19 : i32
    %swap3A_208 = arith.index_cast %swap3A_207 : i32 to index
    %swap3A_209 = arith.constant 0 : index
    %swap3A_210 = tpu.vector_load %arg6[%swap3A_208, %swap3A_209] {strides = array<i32>} : memref<64x16xi32, #tpu.memory_space<vmem>>, vector<1x16xi32>,
    %swap3A_211 = vector.shape_cast %swap3A_210 : vector<1x16xi32> to vector<16xi32>
    %swap3A_212 = vector.shape_cast %get3A_206 : vector<16xi32> to vector<1x16xi32>
    tpu.vector_store %arg6[%swap3A_208, %swap3A_209], %swap3A_212 {strides = array<i32>} : memref<64x16xi32, #tpu.memory_space<vmem>>, vector<1x16xi32>,
    %get3A_213 = arith.constant 320 : index
    %get3A_214 = tpu.vector_load %arg5[%get3A_213] {strides = array<i32>} : memref<1024xi32, #tpu.memory_space<vmem>>, vector<16xi32>,
    %get3A_215 = vector.shape_cast %get3A_214 : vector<16xi32> to vector<16xi32>
    %swap3A_216 = arith.constant 20 : i32
    %swap3A_217 = arith.index_cast %swap3A_216 : i32 to index
    %swap3A_218 = arith.constant 0 : index
    %swap3A_219 = tpu.vector_load %arg6[%swap3A_217, %swap3A_218] {strides = array<i32>} : memref<64x16xi32, #tpu.memory_space<vmem>>, vector<1x16xi32>,
    %swap3A_220 = vector.shape_cast %swap3A_219 : vector<1x16xi32> to vector<16xi32>
    %swap3A_221 = vector.shape_cast %get3A_215 : vector<16xi32> to vector<1x16xi32>
    tpu.vector_store %arg6[%swap3A_217, %swap3A_218], %swap3A_221 {strides = array<i32>} : memref<64x16xi32, #tpu.memory_space<vmem>>, vector<1x16xi32>,
    %get3A_222 = arith.constant 336 : index
    %get3A_223 = tpu.vector_load %arg5[%get3A_222] {strides = array<i32>} : memref<1024xi32, #tpu.memory_space<vmem>>, vector<16xi32>,
    %get3A_224 = vector.shape_cast %get3A_223 : vector<16xi32> to vector<16xi32>
    %swap3A_225 = arith.constant 21 : i32
    %swap3A_226 = arith.index_cast %swap3A_225 : i32 to index
    %swap3A_227 = arith.constant 0 : index
    %swap3A_228 = tpu.vector_load %arg6[%swap3A_226, %swap3A_227] {strides = array<i32>} : memref<64x16xi32, #tpu.memory_space<vmem>>, vector<1x16xi32>,
    %swap3A_229 = vector.shape_cast %swap3A_228 : vector<1x16xi32> to vector<16xi32>
    %swap3A_230 = vector.shape_cast %get3A_224 : vector<16xi32> to vector<1x16xi32>
    tpu.vector_store %arg6[%swap3A_226, %swap3A_227], %swap3A_230 {strides = array<i32>} : memref<64x16xi32, #tpu.memory_space<vmem>>, vector<1x16xi32>,
    %get3A_231 = arith.constant 352 : index
    %get3A_232 = tpu.vector_load %arg5[%get3A_231] {strides = array<i32>} : memref<1024xi32, #tpu.memory_space<vmem>>, vector<16xi32>,
    %get3A_233 = vector.shape_cast %get3A_232 : vector<16xi32> to vector<16xi32>
    %swap3A_234 = arith.constant 22 : i32
    %swap3A_235 = arith.index_cast %swap3A_234 : i32 to index
    %swap3A_236 = arith.constant 0 : index
    %swap3A_237 = tpu.vector_load %arg6[%swap3A_235, %swap3A_236] {strides = array<i32>} : memref<64x16xi32, #tpu.memory_space<vmem>>, vector<1x16xi32>,
    %swap3A_238 = vector.shape_cast %swap3A_237 : vector<1x16xi32> to vector<16xi32>
    %swap3A_239 = vector.shape_cast %get3A_233 : vector<16xi32> to vector<1x16xi32>
    tpu.vector_store %arg6[%swap3A_235, %swap3A_236], %swap3A_239 {strides = array<i32>} : memref<64x16xi32, #tpu.memory_space<vmem>>, vector<1x16xi32>,
    %get3A_240 = arith.constant 368 : index
    %get3A_241 = tpu.vector_load %arg5[%get3A_240] {strides = array<i32>} : memref<1024xi32, #tpu.memory_space<vmem>>, vector<16xi32>,
    %get3A_242 = vector.shape_cast %get3A_241 : vector<16xi32> to vector<16xi32>
    %swap3A_243 = arith.constant 23 : i32
    %swap3A_244 = arith.index_cast %swap3A_243 : i32 to index
    %swap3A_245 = arith.constant 0 : index
    %swap3A_246 = tpu.vector_load %arg6[%swap3A_244, %swap3A_245] {strides = array<i32>} : memref<64x16xi32, #tpu.memory_space<vmem>>, vector<1x16xi32>,
    %swap3A_247 = vector.shape_cast %swap3A_246 : vector<1x16xi32> to vector<16xi32>
    %swap3A_248 = vector.shape_cast %get3A_242 : vector<16xi32> to vector<1x16xi32>
    tpu.vector_store %arg6[%swap3A_244, %swap3A_245], %swap3A_248 {strides = array<i32>} : memref<64x16xi32, #tpu.memory_space<vmem>>, vector<1x16xi32>,
    %get3A_249 = arith.constant 384 : index
    %get3A_250 = tpu.vector_load %arg5[%get3A_249] {strides = array<i32>} : memref<1024xi32, #tpu.memory_space<vmem>>, vector<16xi32>,
    %get3A_251 = vector.shape_cast %get3A_250 : vector<16xi32> to vector<16xi32>
    %swap3A_252 = arith.constant 24 : i32
    %swap3A_253 = arith.index_cast %swap3A_252 : i32 to index
    %swap3A_254 = arith.constant 0 : index
    %swap3A_255 = tpu.vector_load %arg6[%swap3A_253, %swap3A_254] {strides = array<i32>} : memref<64x16xi32, #tpu.memory_space<vmem>>, vector<1x16xi32>,
    %swap3A_256 = vector.shape_cast %swap3A_255 : vector<1x16xi32> to vector<16xi32>
    %swap3A_257 = vector.shape_cast %get3A_251 : vector<16xi32> to vector<1x16xi32>
    tpu.vector_store %arg6[%swap3A_253, %swap3A_254], %swap3A_257 {strides = array<i32>} : memref<64x16xi32, #tpu.memory_space<vmem>>, vector<1x16xi32>,
    %get3A_258 = arith.constant 400 : index
    %get3A_259 = tpu.vector_load %arg5[%get3A_258] {strides = array<i32>} : memref<1024xi32, #tpu.memory_space<vmem>>, vector<16xi32>,
    %get3A_260 = vector.shape_cast %get3A_259 : vector<16xi32> to vector<16xi32>
    %swap3A_261 = arith.constant 25 : i32
    %swap3A_262 = arith.index_cast %swap3A_261 : i32 to index
    %swap3A_263 = arith.constant 0 : index
    %swap3A_264 = tpu.vector_load %arg6[%swap3A_262, %swap3A_263] {strides = array<i32>} : memref<64x16xi32, #tpu.memory_space<vmem>>, vector<1x16xi32>,
    %swap3A_265 = vector.shape_cast %swap3A_264 : vector<1x16xi32> to vector<16xi32>
    %swap3A_266 = vector.shape_cast %get3A_260 : vector<16xi32> to vector<1x16xi32>
    tpu.vector_store %arg6[%swap3A_262, %swap3A_263], %swap3A_266 {strides = array<i32>} : memref<64x16xi32, #tpu.memory_space<vmem>>, vector<1x16xi32>,
    %get3A_267 = arith.constant 416 : index
    %get3A_268 = tpu.vector_load %arg5[%get3A_267] {strides = array<i32>} : memref<1024xi32, #tpu.memory_space<vmem>>, vector<16xi32>,
    %get3A_269 = vector.shape_cast %get3A_268 : vector<16xi32> to vector<16xi32>
    %swap3A_270 = arith.constant 26 : i32
    %swap3A_271 = arith.index_cast %swap3A_270 : i32 to index
    %swap3A_272 = arith.constant 0 : index
    %swap3A_273 = tpu.vector_load %arg6[%swap3A_271, %swap3A_272] {strides = array<i32>} : memref<64x16xi32, #tpu.memory_space<vmem>>, vector<1x16xi32>,
    %swap3A_274 = vector.shape_cast %swap3A_273 : vector<1x16xi32> to vector<16xi32>
    %swap3A_275 = vector.shape_cast %get3A_269 : vector<16xi32> to vector<1x16xi32>
    tpu.vector_store %arg6[%swap3A_271, %swap3A_272], %swap3A_275 {strides = array<i32>} : memref<64x16xi32, #tpu.memory_space<vmem>>, vector<1x16xi32>,
    %get3A_276 = arith.constant 432 : index
    %get3A_277 = tpu.vector_load %arg5[%get3A_276] {strides = array<i32>} : memref<1024xi32, #tpu.memory_space<vmem>>, vector<16xi32>,
    %get3A_278 = vector.shape_cast %get3A_277 : vector<16xi32> to vector<16xi32>
    %swap3A_279 = arith.constant 27 : i32
    %swap3A_280 = arith.index_cast %swap3A_279 : i32 to index
    %swap3A_281 = arith.constant 0 : index
    %swap3A_282 = tpu.vector_load %arg6[%swap3A_280, %swap3A_281] {strides = array<i32>} : memref<64x16xi32, #tpu.memory_space<vmem>>, vector<1x16xi32>,
    %swap3A_283 = vector.shape_cast %swap3A_282 : vector<1x16xi32> to vector<16xi32>
    %swap3A_284 = vector.shape_cast %get3A_278 : vector<16xi32> to vector<1x16xi32>
    tpu.vector_store %arg6[%swap3A_280, %swap3A_281], %swap3A_284 {strides = array<i32>} : memref<64x16xi32, #tpu.memory_space<vmem>>, vector<1x16xi32>,
    %get3A_285 = arith.constant 448 : index
    %get3A_286 = tpu.vector_load %arg5[%get3A_285] {strides = array<i32>} : memref<1024xi32, #tpu.memory_space<vmem>>, vector<16xi32>,
    %get3A_287 = vector.shape_cast %get3A_286 : vector<16xi32> to vector<16xi32>
    %swap3A_288 = arith.constant 28 : i32
    %swap3A_289 = arith.index_cast %swap3A_288 : i32 to index
    %swap3A_290 = arith.constant 0 : index
    %swap3A_291 = tpu.vector_load %arg6[%swap3A_289, %swap3A_290] {strides = array<i32>} : memref<64x16xi32, #tpu.memory_space<vmem>>, vector<1x16xi32>,
    %swap3A_292 = vector.shape_cast %swap3A_291 : vector<1x16xi32> to vector<16xi32>
    %swap3A_293 = vector.shape_cast %get3A_287 : vector<16xi32> to vector<1x16xi32>
    tpu.vector_store %arg6[%swap3A_289, %swap3A_290], %swap3A_293 {strides = array<i32>} : memref<64x16xi32, #tpu.memory_space<vmem>>, vector<1x16xi32>,
    %get3A_294 = arith.constant 464 : index
    %get3A_295 = tpu.vector_load %arg5[%get3A_294] {strides = array<i32>} : memref<1024xi32, #tpu.memory_space<vmem>>, vector<16xi32>,
    %get3A_296 = vector.shape_cast %get3A_295 : vector<16xi32> to vector<16xi32>
    %swap3A_297 = arith.constant 29 : i32
    %swap3A_298 = arith.index_cast %swap3A_297 : i32 to index
    %swap3A_299 = arith.constant 0 : index
    %swap3A_300 = tpu.vector_load %arg6[%swap3A_298, %swap3A_299] {strides = array<i32>} : memref<64x16xi32, #tpu.memory_space<vmem>>, vector<1x16xi32>,
    %swap3A_301 = vector.shape_cast %swap3A_300 : vector<1x16xi32> to vector<16xi32>
    %swap3A_302 = vector.shape_cast %get3A_296 : vector<16xi32> to vector<1x16xi32>
    tpu.vector_store %arg6[%swap3A_298, %swap3A_299], %swap3A_302 {strides = array<i32>} : memref<64x16xi32, #tpu.memory_space<vmem>>, vector<1x16xi32>,
    %get3A_303 = arith.constant 480 : index
    %get3A_304 = tpu.vector_load %arg5[%get3A_303] {strides = array<i32>} : memref<1024xi32, #tpu.memory_space<vmem>>, vector<16xi32>,
    %get3A_305 = vector.shape_cast %get3A_304 : vector<16xi32> to vector<16xi32>
    %swap3A_306 = arith.constant 30 : i32
    %swap3A_307 = arith.index_cast %swap3A_306 : i32 to index
    %swap3A_308 = arith.constant 0 : index
    %swap3A_309 = tpu.vector_load %arg6[%swap3A_307, %swap3A_308] {strides = array<i32>} : memref<64x16xi32, #tpu.memory_space<vmem>>, vector<1x16xi32>,
    %swap3A_310 = vector.shape_cast %swap3A_309 : vector<1x16xi32> to vector<16xi32>
    %swap3A_311 = vector.shape_cast %get3A_305 : vector<16xi32> to vector<1x16xi32>
    tpu.vector_store %arg6[%swap3A_307, %swap3A_308], %swap3A_311 {strides = array<i32>} : memref<64x16xi32, #tpu.memory_space<vmem>>, vector<1x16xi32>,
    %get3A_312 = arith.constant 496 : index
    %get3A_313 = tpu.vector_load %arg5[%get3A_312] {strides = array<i32>} : memref<1024xi32, #tpu.memory_space<vmem>>, vector<16xi32>,
    %get3A_314 = vector.shape_cast %get3A_313 : vector<16xi32> to vector<16xi32>
    %swap3A_315 = arith.constant 31 : i32
    %swap3A_316 = arith.index_cast %swap3A_315 : i32 to index
    %swap3A_317 = arith.constant 0 : index
    %swap3A_318 = tpu.vector_load %arg6[%swap3A_316, %swap3A_317] {strides = array<i32>} : memref<64x16xi32, #tpu.memory_space<vmem>>, vector<1x16xi32>,
    %swap3A_319 = vector.shape_cast %swap3A_318 : vector<1x16xi32> to vector<16xi32>
    %swap3A_320 = vector.shape_cast %get3A_314 : vector<16xi32> to vector<1x16xi32>
    tpu.vector_store %arg6[%swap3A_316, %swap3A_317], %swap3A_320 {strides = array<i32>} : memref<64x16xi32, #tpu.memory_space<vmem>>, vector<1x16xi32>,
    %get3A_321 = arith.constant 512 : index
    %get3A_322 = tpu.vector_load %arg5[%get3A_321] {strides = array<i32>} : memref<1024xi32, #tpu.memory_space<vmem>>, vector<16xi32>,
    %get3A_323 = vector.shape_cast %get3A_322 : vector<16xi32> to vector<16xi32>
    %swap3A_324 = arith.constant 32 : i32
    %swap3A_325 = arith.index_cast %swap3A_324 : i32 to index
    %swap3A_326 = arith.constant 0 : index
    %swap3A_327 = tpu.vector_load %arg6[%swap3A_325, %swap3A_326] {strides = array<i32>} : memref<64x16xi32, #tpu.memory_space<vmem>>, vector<1x16xi32>,
    %swap3A_328 = vector.shape_cast %swap3A_327 : vector<1x16xi32> to vector<16xi32>
    %swap3A_329 = vector.shape_cast %get3A_323 : vector<16xi32> to vector<1x16xi32>
    tpu.vector_store %arg6[%swap3A_325, %swap3A_326], %swap3A_329 {strides = array<i32>} : memref<64x16xi32, #tpu.memory_space<vmem>>, vector<1x16xi32>,
    %get3A_330 = arith.constant 528 : index
    %get3A_331 = tpu.vector_load %arg5[%get3A_330] {strides = array<i32>} : memref<1024xi32, #tpu.memory_space<vmem>>, vector<16xi32>,
    %get3A_332 = vector.shape_cast %get3A_331 : vector<16xi32> to vector<16xi32>
    %swap3A_333 = arith.constant 33 : i32
    %swap3A_334 = arith.index_cast %swap3A_333 : i32 to index
    %swap3A_335 = arith.constant 0 : index
    %swap3A_336 = tpu.vector_load %arg6[%swap3A_334, %swap3A_335] {strides = array<i32>} : memref<64x16xi32, #tpu.memory_space<vmem>>, vector<1x16xi32>,
    %swap3A_337 = vector.shape_cast %swap3A_336 : vector<1x16xi32> to vector<16xi32>
    %swap3A_338 = vector.shape_cast %get3A_332 : vector<16xi32> to vector<1x16xi32>
    tpu.vector_store %arg6[%swap3A_334, %swap3A_335], %swap3A_338 {strides = array<i32>} : memref<64x16xi32, #tpu.memory_space<vmem>>, vector<1x16xi32>,
    %get3A_339 = arith.constant 544 : index
    %get3A_340 = tpu.vector_load %arg5[%get3A_339] {strides = array<i32>} : memref<1024xi32, #tpu.memory_space<vmem>>, vector<16xi32>,
    %get3A_341 = vector.shape_cast %get3A_340 : vector<16xi32> to vector<16xi32>
    %swap3A_342 = arith.constant 34 : i32
    %swap3A_343 = arith.index_cast %swap3A_342 : i32 to index
    %swap3A_344 = arith.constant 0 : index
    %swap3A_345 = tpu.vector_load %arg6[%swap3A_343, %swap3A_344] {strides = array<i32>} : memref<64x16xi32, #tpu.memory_space<vmem>>, vector<1x16xi32>,
    %swap3A_346 = vector.shape_cast %swap3A_345 : vector<1x16xi32> to vector<16xi32>
    %swap3A_347 = vector.shape_cast %get3A_341 : vector<16xi32> to vector<1x16xi32>
    tpu.vector_store %arg6[%swap3A_343, %swap3A_344], %swap3A_347 {strides = array<i32>} : memref<64x16xi32, #tpu.memory_space<vmem>>, vector<1x16xi32>,
    %get3A_348 = arith.constant 560 : index
    %get3A_349 = tpu.vector_load %arg5[%get3A_348] {strides = array<i32>} : memref<1024xi32, #tpu.memory_space<vmem>>, vector<16xi32>,
    %get3A_350 = vector.shape_cast %get3A_349 : vector<16xi32> to vector<16xi32>
    %swap3A_351 = arith.constant 35 : i32
    %swap3A_352 = arith.index_cast %swap3A_351 : i32 to index
    %swap3A_353 = arith.constant 0 : index
    %swap3A_354 = tpu.vector_load %arg6[%swap3A_352, %swap3A_353] {strides = array<i32>} : memref<64x16xi32, #tpu.memory_space<vmem>>, vector<1x16xi32>,
    %swap3A_355 = vector.shape_cast %swap3A_354 : vector<1x16xi32> to vector<16xi32>
    %swap3A_356 = vector.shape_cast %get3A_350 : vector<16xi32> to vector<1x16xi32>
    tpu.vector_store %arg6[%swap3A_352, %swap3A_353], %swap3A_356 {strides = array<i32>} : memref<64x16xi32, #tpu.memory_space<vmem>>, vector<1x16xi32>,
    %get3A_357 = arith.constant 576 : index
    %get3A_358 = tpu.vector_load %arg5[%get3A_357] {strides = array<i32>} : memref<1024xi32, #tpu.memory_space<vmem>>, vector<16xi32>,
    %get3A_359 = vector.shape_cast %get3A_358 : vector<16xi32> to vector<16xi32>
    %swap3A_360 = arith.constant 36 : i32
    %swap3A_361 = arith.index_cast %swap3A_360 : i32 to index
    %swap3A_362 = arith.constant 0 : index
    %swap3A_363 = tpu.vector_load %arg6[%swap3A_361, %swap3A_362] {strides = array<i32>} : memref<64x16xi32, #tpu.memory_space<vmem>>, vector<1x16xi32>,
    %swap3A_364 = vector.shape_cast %swap3A_363 : vector<1x16xi32> to vector<16xi32>
    %swap3A_365 = vector.shape_cast %get3A_359 : vector<16xi32> to vector<1x16xi32>
    tpu.vector_store %arg6[%swap3A_361, %swap3A_362], %swap3A_365 {strides = array<i32>} : memref<64x16xi32, #tpu.memory_space<vmem>>, vector<1x16xi32>,
    %get3A_366 = arith.constant 592 : index
    %get3A_367 = tpu.vector_load %arg5[%get3A_366] {strides = array<i32>} : memref<1024xi32, #tpu.memory_space<vmem>>, vector<16xi32>,
    %get3A_368 = vector.shape_cast %get3A_367 : vector<16xi32> to vector<16xi32>
    %swap3A_369 = arith.constant 37 : i32
    %swap3A_370 = arith.index_cast %swap3A_369 : i32 to index
    %swap3A_371 = arith.constant 0 : index
    %swap3A_372 = tpu.vector_load %arg6[%swap3A_370, %swap3A_371] {strides = array<i32>} : memref<64x16xi32, #tpu.memory_space<vmem>>, vector<1x16xi32>,
    %swap3A_373 = vector.shape_cast %swap3A_372 : vector<1x16xi32> to vector<16xi32>
    %swap3A_374 = vector.shape_cast %get3A_368 : vector<16xi32> to vector<1x16xi32>
    tpu.vector_store %arg6[%swap3A_370, %swap3A_371], %swap3A_374 {strides = array<i32>} : memref<64x16xi32, #tpu.memory_space<vmem>>, vector<1x16xi32>,
    %get3A_375 = arith.constant 608 : index
    %get3A_376 = tpu.vector_load %arg5[%get3A_375] {strides = array<i32>} : memref<1024xi32, #tpu.memory_space<vmem>>, vector<16xi32>,
    %get3A_377 = vector.shape_cast %get3A_376 : vector<16xi32> to vector<16xi32>
    %swap3A_378 = arith.constant 38 : i32
    %swap3A_379 = arith.index_cast %swap3A_378 : i32 to index
    %swap3A_380 = arith.constant 0 : index
    %swap3A_381 = tpu.vector_load %arg6[%swap3A_379, %swap3A_380] {strides = array<i32>} : memref<64x16xi32, #tpu.memory_space<vmem>>, vector<1x16xi32>,
    %swap3A_382 = vector.shape_cast %swap3A_381 : vector<1x16xi32> to vector<16xi32>
    %swap3A_383 = vector.shape_cast %get3A_377 : vector<16xi32> to vector<1x16xi32>
    tpu.vector_store %arg6[%swap3A_379, %swap3A_380], %swap3A_383 {strides = array<i32>} : memref<64x16xi32, #tpu.memory_space<vmem>>, vector<1x16xi32>,
    %get3A_384 = arith.constant 624 : index
    %get3A_385 = tpu.vector_load %arg5[%get3A_384] {strides = array<i32>} : memref<1024xi32, #tpu.memory_space<vmem>>, vector<16xi32>,
    %get3A_386 = vector.shape_cast %get3A_385 : vector<16xi32> to vector<16xi32>
    %swap3A_387 = arith.constant 39 : i32
    %swap3A_388 = arith.index_cast %swap3A_387 : i32 to index
    %swap3A_389 = arith.constant 0 : index
    %swap3A_390 = tpu.vector_load %arg6[%swap3A_388, %swap3A_389] {strides = array<i32>} : memref<64x16xi32, #tpu.memory_space<vmem>>, vector<1x16xi32>,
    %swap3A_391 = vector.shape_cast %swap3A_390 : vector<1x16xi32> to vector<16xi32>
    %swap3A_392 = vector.shape_cast %get3A_386 : vector<16xi32> to vector<1x16xi32>
    tpu.vector_store %arg6[%swap3A_388, %swap3A_389], %swap3A_392 {strides = array<i32>} : memref<64x16xi32, #tpu.memory_space<vmem>>, vector<1x16xi32>,
    %get3A_393 = arith.constant 640 : index
    %get3A_394 = tpu.vector_load %arg5[%get3A_393] {strides = array<i32>} : memref<1024xi32, #tpu.memory_space<vmem>>, vector<16xi32>,
    %get3A_395 = vector.shape_cast %get3A_394 : vector<16xi32> to vector<16xi32>
    %swap3A_396 = arith.constant 40 : i32
    %swap3A_397 = arith.index_cast %swap3A_396 : i32 to index
    %swap3A_398 = arith.constant 0 : index
    %swap3A_399 = tpu.vector_load %arg6[%swap3A_397, %swap3A_398] {strides = array<i32>} : memref<64x16xi32, #tpu.memory_space<vmem>>, vector<1x16xi32>,
    %swap3A_400 = vector.shape_cast %swap3A_399 : vector<1x16xi32> to vector<16xi32>
    %swap3A_401 = vector.shape_cast %get3A_395 : vector<16xi32> to vector<1x16xi32>
    tpu.vector_store %arg6[%swap3A_397, %swap3A_398], %swap3A_401 {strides = array<i32>} : memref<64x16xi32, #tpu.memory_space<vmem>>, vector<1x16xi32>,
    %get3A_402 = arith.constant 656 : index
    %get3A_403 = tpu.vector_load %arg5[%get3A_402] {strides = array<i32>} : memref<1024xi32, #tpu.memory_space<vmem>>, vector<16xi32>,
    %get3A_404 = vector.shape_cast %get3A_403 : vector<16xi32> to vector<16xi32>
    %swap3A_405 = arith.constant 41 : i32
    %swap3A_406 = arith.index_cast %swap3A_405 : i32 to index
    %swap3A_407 = arith.constant 0 : index
    %swap3A_408 = tpu.vector_load %arg6[%swap3A_406, %swap3A_407] {strides = array<i32>} : memref<64x16xi32, #tpu.memory_space<vmem>>, vector<1x16xi32>,
    %swap3A_409 = vector.shape_cast %swap3A_408 : vector<1x16xi32> to vector<16xi32>
    %swap3A_410 = vector.shape_cast %get3A_404 : vector<16xi32> to vector<1x16xi32>
    tpu.vector_store %arg6[%swap3A_406, %swap3A_407], %swap3A_410 {strides = array<i32>} : memref<64x16xi32, #tpu.memory_space<vmem>>, vector<1x16xi32>,
    %get3A_411 = arith.constant 672 : index
    %get3A_412 = tpu.vector_load %arg5[%get3A_411] {strides = array<i32>} : memref<1024xi32, #tpu.memory_space<vmem>>, vector<16xi32>,
    %get3A_413 = vector.shape_cast %get3A_412 : vector<16xi32> to vector<16xi32>
    %swap3A_414 = arith.constant 42 : i32
    %swap3A_415 = arith.index_cast %swap3A_414 : i32 to index
    %swap3A_416 = arith.constant 0 : index
    %swap3A_417 = tpu.vector_load %arg6[%swap3A_415, %swap3A_416] {strides = array<i32>} : memref<64x16xi32, #tpu.memory_space<vmem>>, vector<1x16xi32>,
    %swap3A_418 = vector.shape_cast %swap3A_417 : vector<1x16xi32> to vector<16xi32>
    %swap3A_419 = vector.shape_cast %get3A_413 : vector<16xi32> to vector<1x16xi32>
    tpu.vector_store %arg6[%swap3A_415, %swap3A_416], %swap3A_419 {strides = array<i32>} : memref<64x16xi32, #tpu.memory_space<vmem>>, vector<1x16xi32>,
    %get3A_420 = arith.constant 688 : index
    %get3A_421 = tpu.vector_load %arg5[%get3A_420] {strides = array<i32>} : memref<1024xi32, #tpu.memory_space<vmem>>, vector<16xi32>,
    %get3A_422 = vector.shape_cast %get3A_421 : vector<16xi32> to vector<16xi32>
    %swap3A_423 = arith.constant 43 : i32
    %swap3A_424 = arith.index_cast %swap3A_423 : i32 to index
    %swap3A_425 = arith.constant 0 : index
    %swap3A_426 = tpu.vector_load %arg6[%swap3A_424, %swap3A_425] {strides = array<i32>} : memref<64x16xi32, #tpu.memory_space<vmem>>, vector<1x16xi32>,
    %swap3A_427 = vector.shape_cast %swap3A_426 : vector<1x16xi32> to vector<16xi32>
    %swap3A_428 = vector.shape_cast %get3A_422 : vector<16xi32> to vector<1x16xi32>
    tpu.vector_store %arg6[%swap3A_424, %swap3A_425], %swap3A_428 {strides = array<i32>} : memref<64x16xi32, #tpu.memory_space<vmem>>, vector<1x16xi32>,
    %get3A_429 = arith.constant 704 : index
    %get3A_430 = tpu.vector_load %arg5[%get3A_429] {strides = array<i32>} : memref<1024xi32, #tpu.memory_space<vmem>>, vector<16xi32>,
    %get3A_431 = vector.shape_cast %get3A_430 : vector<16xi32> to vector<16xi32>
    %swap3A_432 = arith.constant 44 : i32
    %swap3A_433 = arith.index_cast %swap3A_432 : i32 to index
    %swap3A_434 = arith.constant 0 : index
    %swap3A_435 = tpu.vector_load %arg6[%swap3A_433, %swap3A_434] {strides = array<i32>} : memref<64x16xi32, #tpu.memory_space<vmem>>, vector<1x16xi32>,
    %swap3A_436 = vector.shape_cast %swap3A_435 : vector<1x16xi32> to vector<16xi32>
    %swap3A_437 = vector.shape_cast %get3A_431 : vector<16xi32> to vector<1x16xi32>
    tpu.vector_store %arg6[%swap3A_433, %swap3A_434], %swap3A_437 {strides = array<i32>} : memref<64x16xi32, #tpu.memory_space<vmem>>, vector<1x16xi32>,
    %get3A_438 = arith.constant 720 : index
    %get3A_439 = tpu.vector_load %arg5[%get3A_438] {strides = array<i32>} : memref<1024xi32, #tpu.memory_space<vmem>>, vector<16xi32>,
    %get3A_440 = vector.shape_cast %get3A_439 : vector<16xi32> to vector<16xi32>
    %swap3A_441 = arith.constant 45 : i32
    %swap3A_442 = arith.index_cast %swap3A_441 : i32 to index
    %swap3A_443 = arith.constant 0 : index
    %swap3A_444 = tpu.vector_load %arg6[%swap3A_442, %swap3A_443] {strides = array<i32>} : memref<64x16xi32, #tpu.memory_space<vmem>>, vector<1x16xi32>,
    %swap3A_445 = vector.shape_cast %swap3A_444 : vector<1x16xi32> to vector<16xi32>
    %swap3A_446 = vector.shape_cast %get3A_440 : vector<16xi32> to vector<1x16xi32>
    tpu.vector_store %arg6[%swap3A_442, %swap3A_443], %swap3A_446 {strides = array<i32>} : memref<64x16xi32, #tpu.memory_space<vmem>>, vector<1x16xi32>,
    %get3A_447 = arith.constant 736 : index
    %get3A_448 = tpu.vector_load %arg5[%get3A_447] {strides = array<i32>} : memref<1024xi32, #tpu.memory_space<vmem>>, vector<16xi32>,
    %get3A_449 = vector.shape_cast %get3A_448 : vector<16xi32> to vector<16xi32>
    %swap3A_450 = arith.constant 46 : i32
    %swap3A_451 = arith.index_cast %swap3A_450 : i32 to index
    %swap3A_452 = arith.constant 0 : index
    %swap3A_453 = tpu.vector_load %arg6[%swap3A_451, %swap3A_452] {strides = array<i32>} : memref<64x16xi32, #tpu.memory_space<vmem>>, vector<1x16xi32>,
    %swap3A_454 = vector.shape_cast %swap3A_453 : vector<1x16xi32> to vector<16xi32>
    %swap3A_455 = vector.shape_cast %get3A_449 : vector<16xi32> to vector<1x16xi32>
    tpu.vector_store %arg6[%swap3A_451, %swap3A_452], %swap3A_455 {strides = array<i32>} : memref<64x16xi32, #tpu.memory_space<vmem>>, vector<1x16xi32>,
    %get3A_456 = arith.constant 752 : index
    %get3A_457 = tpu.vector_load %arg5[%get3A_456] {strides = array<i32>} : memref<1024xi32, #tpu.memory_space<vmem>>, vector<16xi32>,
    %get3A_458 = vector.shape_cast %get3A_457 : vector<16xi32> to vector<16xi32>
    %swap3A_459 = arith.constant 47 : i32
    %swap3A_460 = arith.index_cast %swap3A_459 : i32 to index
    %swap3A_461 = arith.constant 0 : index
    %swap3A_462 = tpu.vector_load %arg6[%swap3A_460, %swap3A_461] {strides = array<i32>} : memref<64x16xi32, #tpu.memory_space<vmem>>, vector<1x16xi32>,
    %swap3A_463 = vector.shape_cast %swap3A_462 : vector<1x16xi32> to vector<16xi32>
    %swap3A_464 = vector.shape_cast %get3A_458 : vector<16xi32> to vector<1x16xi32>
    tpu.vector_store %arg6[%swap3A_460, %swap3A_461], %swap3A_464 {strides = array<i32>} : memref<64x16xi32, #tpu.memory_space<vmem>>, vector<1x16xi32>,
    %get3A_465 = arith.constant 768 : index
    %get3A_466 = tpu.vector_load %arg5[%get3A_465] {strides = array<i32>} : memref<1024xi32, #tpu.memory_space<vmem>>, vector<16xi32>,
    %get3A_467 = vector.shape_cast %get3A_466 : vector<16xi32> to vector<16xi32>
    %swap3A_468 = arith.constant 48 : i32
    %swap3A_469 = arith.index_cast %swap3A_468 : i32 to index
    %swap3A_470 = arith.constant 0 : index
    %swap3A_471 = tpu.vector_load %arg6[%swap3A_469, %swap3A_470] {strides = array<i32>} : memref<64x16xi32, #tpu.memory_space<vmem>>, vector<1x16xi32>,
    %swap3A_472 = vector.shape_cast %swap3A_471 : vector<1x16xi32> to vector<16xi32>
    %swap3A_473 = vector.shape_cast %get3A_467 : vector<16xi32> to vector<1x16xi32>
    tpu.vector_store %arg6[%swap3A_469, %swap3A_470], %swap3A_473 {strides = array<i32>} : memref<64x16xi32, #tpu.memory_space<vmem>>, vector<1x16xi32>,
    %get3A_474 = arith.constant 784 : index
    %get3A_475 = tpu.vector_load %arg5[%get3A_474] {strides = array<i32>} : memref<1024xi32, #tpu.memory_space<vmem>>, vector<16xi32>,
    %get3A_476 = vector.shape_cast %get3A_475 : vector<16xi32> to vector<16xi32>
    %swap3A_477 = arith.constant 49 : i32
    %swap3A_478 = arith.index_cast %swap3A_477 : i32 to index
    %swap3A_479 = arith.constant 0 : index
    %swap3A_480 = tpu.vector_load %arg6[%swap3A_478, %swap3A_479] {strides = array<i32>} : memref<64x16xi32, #tpu.memory_space<vmem>>, vector<1x16xi32>,
    %swap3A_481 = vector.shape_cast %swap3A_480 : vector<1x16xi32> to vector<16xi32>
    %swap3A_482 = vector.shape_cast %get3A_476 : vector<16xi32> to vector<1x16xi32>
    tpu.vector_store %arg6[%swap3A_478, %swap3A_479], %swap3A_482 {strides = array<i32>} : memref<64x16xi32, #tpu.memory_space<vmem>>, vector<1x16xi32>,
    %get3A_483 = arith.constant 800 : index
    %get3A_484 = tpu.vector_load %arg5[%get3A_483] {strides = array<i32>} : memref<1024xi32, #tpu.memory_space<vmem>>, vector<16xi32>,
    %get3A_485 = vector.shape_cast %get3A_484 : vector<16xi32> to vector<16xi32>
    %swap3A_486 = arith.constant 50 : i32
    %swap3A_487 = arith.index_cast %swap3A_486 : i32 to index
    %swap3A_488 = arith.constant 0 : index
    %swap3A_489 = tpu.vector_load %arg6[%swap3A_487, %swap3A_488] {strides = array<i32>} : memref<64x16xi32, #tpu.memory_space<vmem>>, vector<1x16xi32>,
    %swap3A_490 = vector.shape_cast %swap3A_489 : vector<1x16xi32> to vector<16xi32>
    %swap3A_491 = vector.shape_cast %get3A_485 : vector<16xi32> to vector<1x16xi32>
    tpu.vector_store %arg6[%swap3A_487, %swap3A_488], %swap3A_491 {strides = array<i32>} : memref<64x16xi32, #tpu.memory_space<vmem>>, vector<1x16xi32>,
    %get3A_492 = arith.constant 816 : index
    %get3A_493 = tpu.vector_load %arg5[%get3A_492] {strides = array<i32>} : memref<1024xi32, #tpu.memory_space<vmem>>, vector<16xi32>,
    %get3A_494 = vector.shape_cast %get3A_493 : vector<16xi32> to vector<16xi32>
    %swap3A_495 = arith.constant 51 : i32
    %swap3A_496 = arith.index_cast %swap3A_495 : i32 to index
    %swap3A_497 = arith.constant 0 : index
    %swap3A_498 = tpu.vector_load %arg6[%swap3A_496, %swap3A_497] {strides = array<i32>} : memref<64x16xi32, #tpu.memory_space<vmem>>, vector<1x16xi32>,
    %swap3A_499 = vector.shape_cast %swap3A_498 : vector<1x16xi32> to vector<16xi32>
    %swap3A_500 = vector.shape_cast %get3A_494 : vector<16xi32> to vector<1x16xi32>
    tpu.vector_store %arg6[%swap3A_496, %swap3A_497], %swap3A_500 {strides = array<i32>} : memref<64x16xi32, #tpu.memory_space<vmem>>, vector<1x16xi32>,
    %get3A_501 = arith.constant 832 : index
    %get3A_502 = tpu.vector_load %arg5[%get3A_501] {strides = array<i32>} : memref<1024xi32, #tpu.memory_space<vmem>>, vector<16xi32>,
    %get3A_503 = vector.shape_cast %get3A_502 : vector<16xi32> to vector<16xi32>
    %swap3A_504 = arith.constant 52 : i32
    %swap3A_505 = arith.index_cast %swap3A_504 : i32 to index
    %swap3A_506 = arith.constant 0 : index
    %swap3A_507 = tpu.vector_load %arg6[%swap3A_505, %swap3A_506] {strides = array<i32>} : memref<64x16xi32, #tpu.memory_space<vmem>>, vector<1x16xi32>,
    %swap3A_508 = vector.shape_cast %swap3A_507 : vector<1x16xi32> to vector<16xi32>
    %swap3A_509 = vector.shape_cast %get3A_503 : vector<16xi32> to vector<1x16xi32>
    tpu.vector_store %arg6[%swap3A_505, %swap3A_506], %swap3A_509 {strides = array<i32>} : memref<64x16xi32, #tpu.memory_space<vmem>>, vector<1x16xi32>,
    %get3A_510 = arith.constant 848 : index
    %get3A_511 = tpu.vector_load %arg5[%get3A_510] {strides = array<i32>} : memref<1024xi32, #tpu.memory_space<vmem>>, vector<16xi32>,
    %get3A_512 = vector.shape_cast %get3A_511 : vector<16xi32> to vector<16xi32>
    %swap3A_513 = arith.constant 53 : i32
    %swap3A_514 = arith.index_cast %swap3A_513 : i32 to index
    %swap3A_515 = arith.constant 0 : index
    %swap3A_516 = tpu.vector_load %arg6[%swap3A_514, %swap3A_515] {strides = array<i32>} : memref<64x16xi32, #tpu.memory_space<vmem>>, vector<1x16xi32>,
    %swap3A_517 = vector.shape_cast %swap3A_516 : vector<1x16xi32> to vector<16xi32>
    %swap3A_518 = vector.shape_cast %get3A_512 : vector<16xi32> to vector<1x16xi32>
    tpu.vector_store %arg6[%swap3A_514, %swap3A_515], %swap3A_518 {strides = array<i32>} : memref<64x16xi32, #tpu.memory_space<vmem>>, vector<1x16xi32>,
    %get3A_519 = arith.constant 864 : index
    %get3A_520 = tpu.vector_load %arg5[%get3A_519] {strides = array<i32>} : memref<1024xi32, #tpu.memory_space<vmem>>, vector<16xi32>,
    %get3A_521 = vector.shape_cast %get3A_520 : vector<16xi32> to vector<16xi32>
    %swap3A_522 = arith.constant 54 : i32
    %swap3A_523 = arith.index_cast %swap3A_522 : i32 to index
    %swap3A_524 = arith.constant 0 : index
    %swap3A_525 = tpu.vector_load %arg6[%swap3A_523, %swap3A_524] {strides = array<i32>} : memref<64x16xi32, #tpu.memory_space<vmem>>, vector<1x16xi32>,
    %swap3A_526 = vector.shape_cast %swap3A_525 : vector<1x16xi32> to vector<16xi32>
    %swap3A_527 = vector.shape_cast %get3A_521 : vector<16xi32> to vector<1x16xi32>
    tpu.vector_store %arg6[%swap3A_523, %swap3A_524], %swap3A_527 {strides = array<i32>} : memref<64x16xi32, #tpu.memory_space<vmem>>, vector<1x16xi32>,
    %get3A_528 = arith.constant 880 : index
    %get3A_529 = tpu.vector_load %arg5[%get3A_528] {strides = array<i32>} : memref<1024xi32, #tpu.memory_space<vmem>>, vector<16xi32>,
    %get3A_530 = vector.shape_cast %get3A_529 : vector<16xi32> to vector<16xi32>
    %swap3A_531 = arith.constant 55 : i32
    %swap3A_532 = arith.index_cast %swap3A_531 : i32 to index
    %swap3A_533 = arith.constant 0 : index
    %swap3A_534 = tpu.vector_load %arg6[%swap3A_532, %swap3A_533] {strides = array<i32>} : memref<64x16xi32, #tpu.memory_space<vmem>>, vector<1x16xi32>,
    %swap3A_535 = vector.shape_cast %swap3A_534 : vector<1x16xi32> to vector<16xi32>
    %swap3A_536 = vector.shape_cast %get3A_530 : vector<16xi32> to vector<1x16xi32>
    tpu.vector_store %arg6[%swap3A_532, %swap3A_533], %swap3A_536 {strides = array<i32>} : memref<64x16xi32, #tpu.memory_space<vmem>>, vector<1x16xi32>,
    %get3A_537 = arith.constant 896 : index
    %get3A_538 = tpu.vector_load %arg5[%get3A_537] {strides = array<i32>} : memref<1024xi32, #tpu.memory_space<vmem>>, vector<16xi32>,
    %get3A_539 = vector.shape_cast %get3A_538 : vector<16xi32> to vector<16xi32>
    %swap3A_540 = arith.constant 56 : i32
    %swap3A_541 = arith.index_cast %swap3A_540 : i32 to index
    %swap3A_542 = arith.constant 0 : index
    %swap3A_543 = tpu.vector_load %arg6[%swap3A_541, %swap3A_542] {strides = array<i32>} : memref<64x16xi32, #tpu.memory_space<vmem>>, vector<1x16xi32>,
    %swap3A_544 = vector.shape_cast %swap3A_543 : vector<1x16xi32> to vector<16xi32>
    %swap3A_545 = vector.shape_cast %get3A_539 : vector<16xi32> to vector<1x16xi32>
    tpu.vector_store %arg6[%swap3A_541, %swap3A_542], %swap3A_545 {strides = array<i32>} : memref<64x16xi32, #tpu.memory_space<vmem>>, vector<1x16xi32>,
    %get3A_546 = arith.constant 912 : index
    %get3A_547 = tpu.vector_load %arg5[%get3A_546] {strides = array<i32>} : memref<1024xi32, #tpu.memory_space<vmem>>, vector<16xi32>,
    %get3A_548 = vector.shape_cast %get3A_547 : vector<16xi32> to vector<16xi32>
    %swap3A_549 = arith.constant 57 : i32
    %swap3A_550 = arith.index_cast %swap3A_549 : i32 to index
    %swap3A_551 = arith.constant 0 : index
    %swap3A_552 = tpu.vector_load %arg6[%swap3A_550, %swap3A_551] {strides = array<i32>} : memref<64x16xi32, #tpu.memory_space<vmem>>, vector<1x16xi32>,
    %swap3A_553 = vector.shape_cast %swap3A_552 : vector<1x16xi32> to vector<16xi32>
    %swap3A_554 = vector.shape_cast %get3A_548 : vector<16xi32> to vector<1x16xi32>
    tpu.vector_store %arg6[%swap3A_550, %swap3A_551], %swap3A_554 {strides = array<i32>} : memref<64x16xi32, #tpu.memory_space<vmem>>, vector<1x16xi32>,
    %get3A_555 = arith.constant 928 : index
    %get3A_556 = tpu.vector_load %arg5[%get3A_555] {strides = array<i32>} : memref<1024xi32, #tpu.memory_space<vmem>>, vector<16xi32>,
    %get3A_557 = vector.shape_cast %get3A_556 : vector<16xi32> to vector<16xi32>
    %swap3A_558 = arith.constant 58 : i32
    %swap3A_559 = arith.index_cast %swap3A_558 : i32 to index
    %swap3A_560 = arith.constant 0 : index
    %swap3A_561 = tpu.vector_load %arg6[%swap3A_559, %swap3A_560] {strides = array<i32>} : memref<64x16xi32, #tpu.memory_space<vmem>>, vector<1x16xi32>,
    %swap3A_562 = vector.shape_cast %swap3A_561 : vector<1x16xi32> to vector<16xi32>
    %swap3A_563 = vector.shape_cast %get3A_557 : vector<16xi32> to vector<1x16xi32>
    tpu.vector_store %arg6[%swap3A_559, %swap3A_560], %swap3A_563 {strides = array<i32>} : memref<64x16xi32, #tpu.memory_space<vmem>>, vector<1x16xi32>,
    %get3A_564 = arith.constant 944 : index
    %get3A_565 = tpu.vector_load %arg5[%get3A_564] {strides = array<i32>} : memref<1024xi32, #tpu.memory_space<vmem>>, vector<16xi32>,
    %get3A_566 = vector.shape_cast %get3A_565 : vector<16xi32> to vector<16xi32>
    %swap3A_567 = arith.constant 59 : i32
    %swap3A_568 = arith.index_cast %swap3A_567 : i32 to index
    %swap3A_569 = arith.constant 0 : index
    %swap3A_570 = tpu.vector_load %arg6[%swap3A_568, %swap3A_569] {strides = array<i32>} : memref<64x16xi32, #tpu.memory_space<vmem>>, vector<1x16xi32>,
    %swap3A_571 = vector.shape_cast %swap3A_570 : vector<1x16xi32> to vector<16xi32>
    %swap3A_572 = vector.shape_cast %get3A_566 : vector<16xi32> to vector<1x16xi32>
    tpu.vector_store %arg6[%swap3A_568, %swap3A_569], %swap3A_572 {strides = array<i32>} : memref<64x16xi32, #tpu.memory_space<vmem>>, vector<1x16xi32>,
    %get3A_573 = arith.constant 960 : index
    %get3A_574 = tpu.vector_load %arg5[%get3A_573] {strides = array<i32>} : memref<1024xi32, #tpu.memory_space<vmem>>, vector<16xi32>,
    %get3A_575 = vector.shape_cast %get3A_574 : vector<16xi32> to vector<16xi32>
    %swap3A_576 = arith.constant 60 : i32
    %swap3A_577 = arith.index_cast %swap3A_576 : i32 to index
    %swap3A_578 = arith.constant 0 : index
    %swap3A_579 = tpu.vector_load %arg6[%swap3A_577, %swap3A_578] {strides = array<i32>} : memref<64x16xi32, #tpu.memory_space<vmem>>, vector<1x16xi32>,
    %swap3A_580 = vector.shape_cast %swap3A_579 : vector<1x16xi32> to vector<16xi32>
    %swap3A_581 = vector.shape_cast %get3A_575 : vector<16xi32> to vector<1x16xi32>
    tpu.vector_store %arg6[%swap3A_577, %swap3A_578], %swap3A_581 {strides = array<i32>} : memref<64x16xi32, #tpu.memory_space<vmem>>, vector<1x16xi32>,
    %get3A_582 = arith.constant 976 : index
    %get3A_583 = tpu.vector_load %arg5[%get3A_582] {strides = array<i32>} : memref<1024xi32, #tpu.memory_space<vmem>>, vector<16xi32>,
    %get3A_584 = vector.shape_cast %get3A_583 : vector<16xi32> to vector<16xi32>
    %swap3A_585 = arith.constant 61 : i32
    %swap3A_586 = arith.index_cast %swap3A_585 : i32 to index
    %swap3A_587 = arith.constant 0 : index
    %swap3A_588 = tpu.vector_load %arg6[%swap3A_586, %swap3A_587] {strides = array<i32>} : memref<64x16xi32, #tpu.memory_space<vmem>>, vector<1x16xi32>,
    %swap3A_589 = vector.shape_cast %swap3A_588 : vector<1x16xi32> to vector<16xi32>
    %swap3A_590 = vector.shape_cast %get3A_584 : vector<16xi32> to vector<1x16xi32>
    tpu.vector_store %arg6[%swap3A_586, %swap3A_587], %swap3A_590 {strides = array<i32>} : memref<64x16xi32, #tpu.memory_space<vmem>>, vector<1x16xi32>,
    %get3A_591 = arith.constant 992 : index
    %get3A_592 = tpu.vector_load %arg5[%get3A_591] {strides = array<i32>} : memref<1024xi32, #tpu.memory_space<vmem>>, vector<16xi32>,
    %get3A_593 = vector.shape_cast %get3A_592 : vector<16xi32> to vector<16xi32>
    %swap3A_594 = arith.constant 62 : i32
    %swap3A_595 = arith.index_cast %swap3A_594 : i32 to index
    %swap3A_596 = arith.constant 0 : index
    %swap3A_597 = tpu.vector_load %arg6[%swap3A_595, %swap3A_596] {strides = array<i32>} : memref<64x16xi32, #tpu.memory_space<vmem>>, vector<1x16xi32>,
    %swap3A_598 = vector.shape_cast %swap3A_597 : vector<1x16xi32> to vector<16xi32>
    %swap3A_599 = vector.shape_cast %get3A_593 : vector<16xi32> to vector<1x16xi32>
    tpu.vector_store %arg6[%swap3A_595, %swap3A_596], %swap3A_599 {strides = array<i32>} : memref<64x16xi32, #tpu.memory_space<vmem>>, vector<1x16xi32>,
    %get3A_600 = arith.constant 1008 : index
    %get3A_601 = tpu.vector_load %arg5[%get3A_600] {strides = array<i32>} : memref<1024xi32, #tpu.memory_space<vmem>>, vector<16xi32>,
    %get3A_602 = vector.shape_cast %get3A_601 : vector<16xi32> to vector<16xi32>
    %swap3A_603 = arith.constant 63 : i32
    %swap3A_604 = arith.index_cast %swap3A_603 : i32 to index
    %swap3A_605 = arith.constant 0 : index
    %swap3A_606 = tpu.vector_load %arg6[%swap3A_604, %swap3A_605] {strides = array<i32>} : memref<64x16xi32, #tpu.memory_space<vmem>>, vector<1x16xi32>,
    %swap3A_607 = vector.shape_cast %swap3A_606 : vector<1x16xi32> to vector<16xi32>
    %swap3A_608 = vector.shape_cast %get3A_602 : vector<16xi32> to vector<1x16xi32>
    tpu.vector_store %arg6[%swap3A_604, %swap3A_605], %swap3A_608 {strides = array<i32>} : memref<64x16xi32, #tpu.memory_space<vmem>>, vector<1x16xi32>,
    %dma_start3A = arith.constant 0 : i32
    %dma_start3A_609 = arith.constant 0 : i32
    %dma_start3A_610 = tpu.memref_slice %arg6[%dma_start3A, %dma_start3A_609] : memref<64x16xi32, #tpu.memory_space<vmem>> -> memref<1x16xi32, #tpu.memory_space<vmem>>
    %dma_start3A_611 = tpu.memref_squeeze %dma_start3A_610 : memref<1x16xi32, #tpu.memory_space<vmem>> -> memref<16xi32, #tpu.memory_space<vmem>>
    %dma_start3A_612 = arith.constant 0 : i32
    %dma_start3A_613 = arith.constant 0 : i32
    %dma_start3A_614 = tpu.memref_slice %arg3[%dma_start3A_612, %dma_start3A_613] : memref<100000x1024xf32, #tpu.memory_space<hbm>> -> memref<100000x1024xf32, #tpu.memory_space<hbm>>
    tpu.enqueue_indirect_dma source(%dma_start3A_614 : memref<100000x1024xf32, #tpu.memory_space<hbm>>) target(%arg7 : memref<16x1024xf32, #tpu.memory_space<vmem>>) offsets(%dma_start3A_611 : memref<16xi32, #tpu.memory_space<vmem>>) semaphore(%arg13 : memref<!tpu.dma_semaphore, #tpu.memory_space<semaphore_mem>>)
    %dma_start3A_615 = arith.constant 1 : i32
    %dma_start3A_616 = arith.constant 0 : i32
    %dma_start3A_617 = tpu.memref_slice %arg6[%dma_start3A_615, %dma_start3A_616] : memref<64x16xi32, #tpu.memory_space<vmem>> -> memref<1x16xi32, #tpu.memory_space<vmem>>
    %dma_start3A_618 = tpu.memref_squeeze %dma_start3A_617 : memref<1x16xi32, #tpu.memory_space<vmem>> -> memref<16xi32, #tpu.memory_space<vmem>>
    %dma_start3A_619 = arith.constant 0 : i32
    %dma_start3A_620 = arith.constant 0 : i32
    %dma_start3A_621 = tpu.memref_slice %arg3[%dma_start3A_619, %dma_start3A_620] : memref<100000x1024xf32, #tpu.memory_space<hbm>> -> memref<100000x1024xf32, #tpu.memory_space<hbm>>
    tpu.enqueue_indirect_dma source(%dma_start3A_621 : memref<100000x1024xf32, #tpu.memory_space<hbm>>) target(%arg8 : memref<16x1024xf32, #tpu.memory_space<vmem>>) offsets(%dma_start3A_618 : memref<16xi32, #tpu.memory_space<vmem>>) semaphore(%arg14 : memref<!tpu.dma_semaphore, #tpu.memory_space<semaphore_mem>>)
    %dma_start3A_622 = arith.constant 2 : i32
    %dma_start3A_623 = arith.constant 0 : i32
    %dma_start3A_624 = tpu.memref_slice %arg6[%dma_start3A_622, %dma_start3A_623] : memref<64x16xi32, #tpu.memory_space<vmem>> -> memref<1x16xi32, #tpu.memory_space<vmem>>
    %dma_start3A_625 = tpu.memref_squeeze %dma_start3A_624 : memref<1x16xi32, #tpu.memory_space<vmem>> -> memref<16xi32, #tpu.memory_space<vmem>>
    %dma_start3A_626 = arith.constant 0 : i32
    %dma_start3A_627 = arith.constant 0 : i32
    %dma_start3A_628 = tpu.memref_slice %arg3[%dma_start3A_626, %dma_start3A_627] : memref<100000x1024xf32, #tpu.memory_space<hbm>> -> memref<100000x1024xf32, #tpu.memory_space<hbm>>
    tpu.enqueue_indirect_dma source(%dma_start3A_628 : memref<100000x1024xf32, #tpu.memory_space<hbm>>) target(%arg9 : memref<16x1024xf32, #tpu.memory_space<vmem>>) offsets(%dma_start3A_625 : memref<16xi32, #tpu.memory_space<vmem>>) semaphore(%arg15 : memref<!tpu.dma_semaphore, #tpu.memory_space<semaphore_mem>>)
    %dma_start3A_629 = arith.constant 3 : i32
    %dma_start3A_630 = arith.constant 0 : i32
    %dma_start3A_631 = tpu.memref_slice %arg6[%dma_start3A_629, %dma_start3A_630] : memref<64x16xi32, #tpu.memory_space<vmem>> -> memref<1x16xi32, #tpu.memory_space<vmem>>
    %dma_start3A_632 = tpu.memref_squeeze %dma_start3A_631 : memref<1x16xi32, #tpu.memory_space<vmem>> -> memref<16xi32, #tpu.memory_space<vmem>>
    %dma_start3A_633 = arith.constant 0 : i32
    %dma_start3A_634 = arith.constant 0 : i32
    %dma_start3A_635 = tpu.memref_slice %arg3[%dma_start3A_633, %dma_start3A_634] : memref<100000x1024xf32, #tpu.memory_space<hbm>> -> memref<100000x1024xf32, #tpu.memory_space<hbm>>
    tpu.enqueue_indirect_dma source(%dma_start3A_635 : memref<100000x1024xf32, #tpu.memory_space<hbm>>) target(%arg10 : memref<16x1024xf32, #tpu.memory_space<vmem>>) offsets(%dma_start3A_632 : memref<16xi32, #tpu.memory_space<vmem>>) semaphore(%arg16 : memref<!tpu.dma_semaphore, #tpu.memory_space<semaphore_mem>>)
    %scan3A = arith.constant 0 : i32
    %scan3A_636 = arith.constant 0 : i32
    %scan3A_637 = arith.constant 16 : i32
    %scan3A_638 = arith.addi %scan3A_636, %scan3A_637 : i32
    %scan3A_639 = arith.constant 1 : i32
    %scan3A_640 = scf.for %scan3A_649 = %scan3A_636 to %scan3A_638 step %scan3A_639 iter_args(%scan3A_650 = %scan3A) -> (i32)  : i32 {
      %mul3A_651 = arith.constant 4 : i32
      %mul3A_652 = arith.muli %scan3A_649, %mul3A_651 : i32
      %add3A_653 = arith.constant 0 : i32
      %add3A_654 = arith.addi %mul3A_652, %add3A_653 : i32
      %dma_wait3A_655 = arith.constant 0 : i32
      %dma_wait3A_656 = arith.constant 0 : i32
      %dma_wait3A_657 = tpu.memref_slice %arg3[%dma_wait3A_655, %dma_wait3A_656] : memref<100000x1024xf32, #tpu.memory_space<hbm>> -> memref<16x1024xf32, #tpu.memory_space<hbm>>
      %dma_wait3A_658 = arith.constant 0 : i32
      %dma_wait3A_659 = arith.constant 0 : i32
      %dma_wait3A_660 = tpu.memref_slice %arg3[%dma_wait3A_658, %dma_wait3A_659] : memref<100000x1024xf32, #tpu.memory_space<hbm>> -> memref<16x1024xf32, #tpu.memory_space<hbm>>
      tpu.wait_dma2 semaphore(%arg13 : memref<!tpu.dma_semaphore, #tpu.memory_space<semaphore_mem>>) src(%dma_wait3A_660 : memref<16x1024xf32, #tpu.memory_space<hbm>>) dst(%arg7 : memref<16x1024xf32, #tpu.memory_space<vmem>>)
      %gt3A = arith.constant 0 : i32
      %gt3A_661 = arith.cmpi sgt, %scan3A_649, %gt3A : i32
      %convert_element_type3A = arith.extui %gt3A_661 : i1 to i32
      %cond3A = arith.constant 0 : i32
      %cond3A_662 = arith.cmpi ne, %convert_element_type3A, %cond3A : i32
      scf.if %cond3A_662 {
        %dma_wait3A_783 = arith.constant 0 : i32
        %dma_wait3A_784 = tpu.memref_slice %arg4[%mul3A_2, %dma_wait3A_783] : memref<32768x1024xf32, #tpu.memory_space<hbm>> -> memref<16x1024xf32, #tpu.memory_space<hbm>>
        %dma_wait3A_785 = arith.constant 0 : i32
        %dma_wait3A_786 = tpu.memref_slice %arg4[%mul3A_2, %dma_wait3A_785] : memref<32768x1024xf32, #tpu.memory_space<hbm>> -> memref<16x1024xf32, #tpu.memory_space<hbm>>
        tpu.wait_dma2 semaphore(%arg17 : memref<!tpu.dma_semaphore, #tpu.memory_space<semaphore_mem>>) src(%arg11 : memref<16x1024xf32, #tpu.memory_space<vmem>>) dst(%dma_wait3A_786 : memref<16x1024xf32, #tpu.memory_space<hbm>>)
      } else {
      }
      %scan3A_663 = arith.constant 0 : i32
      %scan3A_664 = arith.constant 0 : i32
      %scan3A_665 = arith.constant 16 : i32
      %scan3A_666 = arith.addi %scan3A_664, %scan3A_665 : i32
      %scan3A_667 = arith.constant 1 : i32
      %scan3A_668 = scf.for %scan3A_783 = %scan3A_664 to %scan3A_666 step %scan3A_667 iter_args(%scan3A_784 = %scan3A_663) -> (i32)  : i32 {
        %get3A_785 = arith.index_cast %scan3A_783 : i32 to index
        %get3A_786 = arith.constant 0 : index
        %get3A_787 = tpu.vector_load %arg7[%get3A_785, %get3A_786] {strides = array<i32>} : memref<16x1024xf32, #tpu.memory_space<vmem>>, vector<1x16xf32>,
        %get3A_788 = vector.shape_cast %get3A_787 : vector<1x16xf32> to vector<16xf32>
        %mul3A_789 = arith.constant 3.200000e+01 : f32
        %mul3A_790 = vector.broadcast %mul3A_789 : f32 to vector<16xf32>
        %mul3A_791 = arith.mulf %get3A_788, %mul3A_790 : vector<16xf32>
        %swap3A_792 = arith.index_cast %scan3A_783 : i32 to index
        %swap3A_793 = arith.constant 0 : index
        %swap3A_794 = tpu.vector_load %arg11[%swap3A_792, %swap3A_793] {strides = array<i32>} : memref<16x1024xf32, #tpu.memory_space<vmem>>, vector<1x16xf32>,
        %swap3A_795 = vector.shape_cast %swap3A_794 : vector<1x16xf32> to vector<16xf32>
        %swap3A_796 = vector.shape_cast %mul3A_791 : vector<16xf32> to vector<1x16xf32>
        tpu.vector_store %arg11[%swap3A_792, %swap3A_793], %swap3A_796 {strides = array<i32>} : memref<16x1024xf32, #tpu.memory_space<vmem>>, vector<1x16xf32>,
        %get3A_797 = arith.index_cast %scan3A_783 : i32 to index
        %get3A_798 = arith.constant 16 : index
        %get3A_799 = tpu.vector_load %arg7[%get3A_797, %get3A_798] {strides = array<i32>} : memref<16x1024xf32, #tpu.memory_space<vmem>>, vector<1x16xf32>,
        %get3A_800 = vector.shape_cast %get3A_799 : vector<1x16xf32> to vector<16xf32>
        %mul3A_801 = arith.constant 3.200000e+01 : f32
        %mul3A_802 = vector.broadcast %mul3A_801 : f32 to vector<16xf32>
        %mul3A_803 = arith.mulf %get3A_800, %mul3A_802 : vector<16xf32>
        %swap3A_804 = arith.index_cast %scan3A_783 : i32 to index
        %swap3A_805 = arith.constant 16 : index
        %swap3A_806 = tpu.vector_load %arg11[%swap3A_804, %swap3A_805] {strides = array<i32>} : memref<16x1024xf32, #tpu.memory_space<vmem>>, vector<1x16xf32>,
        %swap3A_807 = vector.shape_cast %swap3A_806 : vector<1x16xf32> to vector<16xf32>
        %swap3A_808 = vector.shape_cast %mul3A_803 : vector<16xf32> to vector<1x16xf32>
        tpu.vector_store %arg11[%swap3A_804, %swap3A_805], %swap3A_808 {strides = array<i32>} : memref<16x1024xf32, #tpu.memory_space<vmem>>, vector<1x16xf32>,
        %get3A_809 = arith.index_cast %scan3A_783 : i32 to index
        %get3A_810 = arith.constant 32 : index
        %get3A_811 = tpu.vector_load %arg7[%get3A_809, %get3A_810] {strides = array<i32>} : memref<16x1024xf32, #tpu.memory_space<vmem>>, vector<1x16xf32>,
        %get3A_812 = vector.shape_cast %get3A_811 : vector<1x16xf32> to vector<16xf32>
        %mul3A_813 = arith.constant 3.200000e+01 : f32
        %mul3A_814 = vector.broadcast %mul3A_813 : f32 to vector<16xf32>
        %mul3A_815 = arith.mulf %get3A_812, %mul3A_814 : vector<16xf32>
        %swap3A_816 = arith.index_cast %scan3A_783 : i32 to index
        %swap3A_817 = arith.constant 32 : index
        %swap3A_818 = tpu.vector_load %arg11[%swap3A_816, %swap3A_817] {strides = array<i32>} : memref<16x1024xf32, #tpu.memory_space<vmem>>, vector<1x16xf32>,
        %swap3A_819 = vector.shape_cast %swap3A_818 : vector<1x16xf32> to vector<16xf32>
        %swap3A_820 = vector.shape_cast %mul3A_815 : vector<16xf32> to vector<1x16xf32>
        tpu.vector_store %arg11[%swap3A_816, %swap3A_817], %swap3A_820 {strides = array<i32>} : memref<16x1024xf32, #tpu.memory_space<vmem>>, vector<1x16xf32>,
        %get3A_821 = arith.index_cast %scan3A_783 : i32 to index
        %get3A_822 = arith.constant 48 : index
        %get3A_823 = tpu.vector_load %arg7[%get3A_821, %get3A_822] {strides = array<i32>} : memref<16x1024xf32, #tpu.memory_space<vmem>>, vector<1x16xf32>,
        %get3A_824 = vector.shape_cast %get3A_823 : vector<1x16xf32> to vector<16xf32>
        %mul3A_825 = arith.constant 3.200000e+01 : f32
        %mul3A_826 = vector.broadcast %mul3A_825 : f32 to vector<16xf32>
        %mul3A_827 = arith.mulf %get3A_824, %mul3A_826 : vector<16xf32>
        %swap3A_828 = arith.index_cast %scan3A_783 : i32 to index
        %swap3A_829 = arith.constant 48 : index
        %swap3A_830 = tpu.vector_load %arg11[%swap3A_828, %swap3A_829] {strides = array<i32>} : memref<16x1024xf32, #tpu.memory_space<vmem>>, vector<1x16xf32>,
        %swap3A_831 = vector.shape_cast %swap3A_830 : vector<1x16xf32> to vector<16xf32>
        %swap3A_832 = vector.shape_cast %mul3A_827 : vector<16xf32> to vector<1x16xf32>
        tpu.vector_store %arg11[%swap3A_828, %swap3A_829], %swap3A_832 {strides = array<i32>} : memref<16x1024xf32, #tpu.memory_space<vmem>>, vector<1x16xf32>,
        %get3A_833 = arith.index_cast %scan3A_783 : i32 to index
        %get3A_834 = arith.constant 64 : index
        %get3A_835 = tpu.vector_load %arg7[%get3A_833, %get3A_834] {strides = array<i32>} : memref<16x1024xf32, #tpu.memory_space<vmem>>, vector<1x16xf32>,
        %get3A_836 = vector.shape_cast %get3A_835 : vector<1x16xf32> to vector<16xf32>
        %mul3A_837 = arith.constant 3.200000e+01 : f32
        %mul3A_838 = vector.broadcast %mul3A_837 : f32 to vector<16xf32>
        %mul3A_839 = arith.mulf %get3A_836, %mul3A_838 : vector<16xf32>
        %swap3A_840 = arith.index_cast %scan3A_783 : i32 to index
        %swap3A_841 = arith.constant 64 : index
        %swap3A_842 = tpu.vector_load %arg11[%swap3A_840, %swap3A_841] {strides = array<i32>} : memref<16x1024xf32, #tpu.memory_space<vmem>>, vector<1x16xf32>,
        %swap3A_843 = vector.shape_cast %swap3A_842 : vector<1x16xf32> to vector<16xf32>
        %swap3A_844 = vector.shape_cast %mul3A_839 : vector<16xf32> to vector<1x16xf32>
        tpu.vector_store %arg11[%swap3A_840, %swap3A_841], %swap3A_844 {strides = array<i32>} : memref<16x1024xf32, #tpu.memory_space<vmem>>, vector<1x16xf32>,
        %get3A_845 = arith.index_cast %scan3A_783 : i32 to index
        %get3A_846 = arith.constant 80 : index
        %get3A_847 = tpu.vector_load %arg7[%get3A_845, %get3A_846] {strides = array<i32>} : memref<16x1024xf32, #tpu.memory_space<vmem>>, vector<1x16xf32>,
        %get3A_848 = vector.shape_cast %get3A_847 : vector<1x16xf32> to vector<16xf32>
        %mul3A_849 = arith.constant 3.200000e+01 : f32
        %mul3A_850 = vector.broadcast %mul3A_849 : f32 to vector<16xf32>
        %mul3A_851 = arith.mulf %get3A_848, %mul3A_850 : vector<16xf32>
        %swap3A_852 = arith.index_cast %scan3A_783 : i32 to index
        %swap3A_853 = arith.constant 80 : index
        %swap3A_854 = tpu.vector_load %arg11[%swap3A_852, %swap3A_853] {strides = array<i32>} : memref<16x1024xf32, #tpu.memory_space<vmem>>, vector<1x16xf32>,
        %swap3A_855 = vector.shape_cast %swap3A_854 : vector<1x16xf32> to vector<16xf32>
        %swap3A_856 = vector.shape_cast %mul3A_851 : vector<16xf32> to vector<1x16xf32>
        tpu.vector_store %arg11[%swap3A_852, %swap3A_853], %swap3A_856 {strides = array<i32>} : memref<16x1024xf32, #tpu.memory_space<vmem>>, vector<1x16xf32>,
        %get3A_857 = arith.index_cast %scan3A_783 : i32 to index
        %get3A_858 = arith.constant 96 : index
        %get3A_859 = tpu.vector_load %arg7[%get3A_857, %get3A_858] {strides = array<i32>} : memref<16x1024xf32, #tpu.memory_space<vmem>>, vector<1x16xf32>,
        %get3A_860 = vector.shape_cast %get3A_859 : vector<1x16xf32> to vector<16xf32>
        %mul3A_861 = arith.constant 3.200000e+01 : f32
        %mul3A_862 = vector.broadcast %mul3A_861 : f32 to vector<16xf32>
        %mul3A_863 = arith.mulf %get3A_860, %mul3A_862 : vector<16xf32>
        %swap3A_864 = arith.index_cast %scan3A_783 : i32 to index
        %swap3A_865 = arith.constant 96 : index
        %swap3A_866 = tpu.vector_load %arg11[%swap3A_864, %swap3A_865] {strides = array<i32>} : memref<16x1024xf32, #tpu.memory_space<vmem>>, vector<1x16xf32>,
        %swap3A_867 = vector.shape_cast %swap3A_866 : vector<1x16xf32> to vector<16xf32>
        %swap3A_868 = vector.shape_cast %mul3A_863 : vector<16xf32> to vector<1x16xf32>
        tpu.vector_store %arg11[%swap3A_864, %swap3A_865], %swap3A_868 {strides = array<i32>} : memref<16x1024xf32, #tpu.memory_space<vmem>>, vector<1x16xf32>,
        %get3A_869 = arith.index_cast %scan3A_783 : i32 to index
        %get3A_870 = arith.constant 112 : index
        %get3A_871 = tpu.vector_load %arg7[%get3A_869, %get3A_870] {strides = array<i32>} : memref<16x1024xf32, #tpu.memory_space<vmem>>, vector<1x16xf32>,
        %get3A_872 = vector.shape_cast %get3A_871 : vector<1x16xf32> to vector<16xf32>
        %mul3A_873 = arith.constant 3.200000e+01 : f32
        %mul3A_874 = vector.broadcast %mul3A_873 : f32 to vector<16xf32>
        %mul3A_875 = arith.mulf %get3A_872, %mul3A_874 : vector<16xf32>
        %swap3A_876 = arith.index_cast %scan3A_783 : i32 to index
        %swap3A_877 = arith.constant 112 : index
        %swap3A_878 = tpu.vector_load %arg11[%swap3A_876, %swap3A_877] {strides = array<i32>} : memref<16x1024xf32, #tpu.memory_space<vmem>>, vector<1x16xf32>,
        %swap3A_879 = vector.shape_cast %swap3A_878 : vector<1x16xf32> to vector<16xf32>
        %swap3A_880 = vector.shape_cast %mul3A_875 : vector<16xf32> to vector<1x16xf32>
        tpu.vector_store %arg11[%swap3A_876, %swap3A_877], %swap3A_880 {strides = array<i32>} : memref<16x1024xf32, #tpu.memory_space<vmem>>, vector<1x16xf32>,
        %get3A_881 = arith.index_cast %scan3A_783 : i32 to index
        %get3A_882 = arith.constant 128 : index
        %get3A_883 = tpu.vector_load %arg7[%get3A_881, %get3A_882] {strides = array<i32>} : memref<16x1024xf32, #tpu.memory_space<vmem>>, vector<1x16xf32>,
        %get3A_884 = vector.shape_cast %get3A_883 : vector<1x16xf32> to vector<16xf32>
        %mul3A_885 = arith.constant 3.200000e+01 : f32
        %mul3A_886 = vector.broadcast %mul3A_885 : f32 to vector<16xf32>
        %mul3A_887 = arith.mulf %get3A_884, %mul3A_886 : vector<16xf32>
        %swap3A_888 = arith.index_cast %scan3A_783 : i32 to index
        %swap3A_889 = arith.constant 128 : index
        %swap3A_890 = tpu.vector_load %arg11[%swap3A_888, %swap3A_889] {strides = array<i32>} : memref<16x1024xf32, #tpu.memory_space<vmem>>, vector<1x16xf32>,
        %swap3A_891 = vector.shape_cast %swap3A_890 : vector<1x16xf32> to vector<16xf32>
        %swap3A_892 = vector.shape_cast %mul3A_887 : vector<16xf32> to vector<1x16xf32>
        tpu.vector_store %arg11[%swap3A_888, %swap3A_889], %swap3A_892 {strides = array<i32>} : memref<16x1024xf32, #tpu.memory_space<vmem>>, vector<1x16xf32>,
        %get3A_893 = arith.index_cast %scan3A_783 : i32 to index
        %get3A_894 = arith.constant 144 : index
        %get3A_895 = tpu.vector_load %arg7[%get3A_893, %get3A_894] {strides = array<i32>} : memref<16x1024xf32, #tpu.memory_space<vmem>>, vector<1x16xf32>,
        %get3A_896 = vector.shape_cast %get3A_895 : vector<1x16xf32> to vector<16xf32>
        %mul3A_897 = arith.constant 3.200000e+01 : f32
        %mul3A_898 = vector.broadcast %mul3A_897 : f32 to vector<16xf32>
        %mul3A_899 = arith.mulf %get3A_896, %mul3A_898 : vector<16xf32>
        %swap3A_900 = arith.index_cast %scan3A_783 : i32 to index
        %swap3A_901 = arith.constant 144 : index
        %swap3A_902 = tpu.vector_load %arg11[%swap3A_900, %swap3A_901] {strides = array<i32>} : memref<16x1024xf32, #tpu.memory_space<vmem>>, vector<1x16xf32>,
        %swap3A_903 = vector.shape_cast %swap3A_902 : vector<1x16xf32> to vector<16xf32>
        %swap3A_904 = vector.shape_cast %mul3A_899 : vector<16xf32> to vector<1x16xf32>
        tpu.vector_store %arg11[%swap3A_900, %swap3A_901], %swap3A_904 {strides = array<i32>} : memref<16x1024xf32, #tpu.memory_space<vmem>>, vector<1x16xf32>,
        %get3A_905 = arith.index_cast %scan3A_783 : i32 to index
        %get3A_906 = arith.constant 160 : index
        %get3A_907 = tpu.vector_load %arg7[%get3A_905, %get3A_906] {strides = array<i32>} : memref<16x1024xf32, #tpu.memory_space<vmem>>, vector<1x16xf32>,
        %get3A_908 = vector.shape_cast %get3A_907 : vector<1x16xf32> to vector<16xf32>
        %mul3A_909 = arith.constant 3.200000e+01 : f32
        %mul3A_910 = vector.broadcast %mul3A_909 : f32 to vector<16xf32>
        %mul3A_911 = arith.mulf %get3A_908, %mul3A_910 : vector<16xf32>
        %swap3A_912 = arith.index_cast %scan3A_783 : i32 to index
        %swap3A_913 = arith.constant 160 : index
        %swap3A_914 = tpu.vector_load %arg11[%swap3A_912, %swap3A_913] {strides = array<i32>} : memref<16x1024xf32, #tpu.memory_space<vmem>>, vector<1x16xf32>,
        %swap3A_915 = vector.shape_cast %swap3A_914 : vector<1x16xf32> to vector<16xf32>
        %swap3A_916 = vector.shape_cast %mul3A_911 : vector<16xf32> to vector<1x16xf32>
        tpu.vector_store %arg11[%swap3A_912, %swap3A_913], %swap3A_916 {strides = array<i32>} : memref<16x1024xf32, #tpu.memory_space<vmem>>, vector<1x16xf32>,
        %get3A_917 = arith.index_cast %scan3A_783 : i32 to index
        %get3A_918 = arith.constant 176 : index
        %get3A_919 = tpu.vector_load %arg7[%get3A_917, %get3A_918] {strides = array<i32>} : memref<16x1024xf32, #tpu.memory_space<vmem>>, vector<1x16xf32>,
        %get3A_920 = vector.shape_cast %get3A_919 : vector<1x16xf32> to vector<16xf32>
        %mul3A_921 = arith.constant 3.200000e+01 : f32
        %mul3A_922 = vector.broadcast %mul3A_921 : f32 to vector<16xf32>
        %mul3A_923 = arith.mulf %get3A_920, %mul3A_922 : vector<16xf32>
        %swap3A_924 = arith.index_cast %scan3A_783 : i32 to index
        %swap3A_925 = arith.constant 176 : index
        %swap3A_926 = tpu.vector_load %arg11[%swap3A_924, %swap3A_925] {strides = array<i32>} : memref<16x1024xf32, #tpu.memory_space<vmem>>, vector<1x16xf32>,
        %swap3A_927 = vector.shape_cast %swap3A_926 : vector<1x16xf32> to vector<16xf32>
        %swap3A_928 = vector.shape_cast %mul3A_923 : vector<16xf32> to vector<1x16xf32>
        tpu.vector_store %arg11[%swap3A_924, %swap3A_925], %swap3A_928 {strides = array<i32>} : memref<16x1024xf32, #tpu.memory_space<vmem>>, vector<1x16xf32>,
        %get3A_929 = arith.index_cast %scan3A_783 : i32 to index
        %get3A_930 = arith.constant 192 : index
        %get3A_931 = tpu.vector_load %arg7[%get3A_929, %get3A_930] {strides = array<i32>} : memref<16x1024xf32, #tpu.memory_space<vmem>>, vector<1x16xf32>,
        %get3A_932 = vector.shape_cast %get3A_931 : vector<1x16xf32> to vector<16xf32>
        %mul3A_933 = arith.constant 3.200000e+01 : f32
        %mul3A_934 = vector.broadcast %mul3A_933 : f32 to vector<16xf32>
        %mul3A_935 = arith.mulf %get3A_932, %mul3A_934 : vector<16xf32>
        %swap3A_936 = arith.index_cast %scan3A_783 : i32 to index
        %swap3A_937 = arith.constant 192 : index
        %swap3A_938 = tpu.vector_load %arg11[%swap3A_936, %swap3A_937] {strides = array<i32>} : memref<16x1024xf32, #tpu.memory_space<vmem>>, vector<1x16xf32>,
        %swap3A_939 = vector.shape_cast %swap3A_938 : vector<1x16xf32> to vector<16xf32>
        %swap3A_940 = vector.shape_cast %mul3A_935 : vector<16xf32> to vector<1x16xf32>
        tpu.vector_store %arg11[%swap3A_936, %swap3A_937], %swap3A_940 {strides = array<i32>} : memref<16x1024xf32, #tpu.memory_space<vmem>>, vector<1x16xf32>,
        %get3A_941 = arith.index_cast %scan3A_783 : i32 to index
        %get3A_942 = arith.constant 208 : index
        %get3A_943 = tpu.vector_load %arg7[%get3A_941, %get3A_942] {strides = array<i32>} : memref<16x1024xf32, #tpu.memory_space<vmem>>, vector<1x16xf32>,
        %get3A_944 = vector.shape_cast %get3A_943 : vector<1x16xf32> to vector<16xf32>
        %mul3A_945 = arith.constant 3.200000e+01 : f32
        %mul3A_946 = vector.broadcast %mul3A_945 : f32 to vector<16xf32>
        %mul3A_947 = arith.mulf %get3A_944, %mul3A_946 : vector<16xf32>
        %swap3A_948 = arith.index_cast %scan3A_783 : i32 to index
        %swap3A_949 = arith.constant 208 : index
        %swap3A_950 = tpu.vector_load %arg11[%swap3A_948, %swap3A_949] {strides = array<i32>} : memref<16x1024xf32, #tpu.memory_space<vmem>>, vector<1x16xf32>,
        %swap3A_951 = vector.shape_cast %swap3A_950 : vector<1x16xf32> to vector<16xf32>
        %swap3A_952 = vector.shape_cast %mul3A_947 : vector<16xf32> to vector<1x16xf32>
        tpu.vector_store %arg11[%swap3A_948, %swap3A_949], %swap3A_952 {strides = array<i32>} : memref<16x1024xf32, #tpu.memory_space<vmem>>, vector<1x16xf32>,
        %get3A_953 = arith.index_cast %scan3A_783 : i32 to index
        %get3A_954 = arith.constant 224 : index
        %get3A_955 = tpu.vector_load %arg7[%get3A_953, %get3A_954] {strides = array<i32>} : memref<16x1024xf32, #tpu.memory_space<vmem>>, vector<1x16xf32>,
        %get3A_956 = vector.shape_cast %get3A_955 : vector<1x16xf32> to vector<16xf32>
        %mul3A_957 = arith.constant 3.200000e+01 : f32
        %mul3A_958 = vector.broadcast %mul3A_957 : f32 to vector<16xf32>
        %mul3A_959 = arith.mulf %get3A_956, %mul3A_958 : vector<16xf32>
        %swap3A_960 = arith.index_cast %scan3A_783 : i32 to index
        %swap3A_961 = arith.constant 224 : index
        %swap3A_962 = tpu.vector_load %arg11[%swap3A_960, %swap3A_961] {strides = array<i32>} : memref<16x1024xf32, #tpu.memory_space<vmem>>, vector<1x16xf32>,
        %swap3A_963 = vector.shape_cast %swap3A_962 : vector<1x16xf32> to vector<16xf32>
        %swap3A_964 = vector.shape_cast %mul3A_959 : vector<16xf32> to vector<1x16xf32>
        tpu.vector_store %arg11[%swap3A_960, %swap3A_961], %swap3A_964 {strides = array<i32>} : memref<16x1024xf32, #tpu.memory_space<vmem>>, vector<1x16xf32>,
        %get3A_965 = arith.index_cast %scan3A_783 : i32 to index
        %get3A_966 = arith.constant 240 : index
        %get3A_967 = tpu.vector_load %arg7[%get3A_965, %get3A_966] {strides = array<i32>} : memref<16x1024xf32, #tpu.memory_space<vmem>>, vector<1x16xf32>,
        %get3A_968 = vector.shape_cast %get3A_967 : vector<1x16xf32> to vector<16xf32>
        %mul3A_969 = arith.constant 3.200000e+01 : f32
        %mul3A_970 = vector.broadcast %mul3A_969 : f32 to vector<16xf32>
        %mul3A_971 = arith.mulf %get3A_968, %mul3A_970 : vector<16xf32>
        %swap3A_972 = arith.index_cast %scan3A_783 : i32 to index
        %swap3A_973 = arith.constant 240 : index
        %swap3A_974 = tpu.vector_load %arg11[%swap3A_972, %swap3A_973] {strides = array<i32>} : memref<16x1024xf32, #tpu.memory_space<vmem>>, vector<1x16xf32>,
        %swap3A_975 = vector.shape_cast %swap3A_974 : vector<1x16xf32> to vector<16xf32>
        %swap3A_976 = vector.shape_cast %mul3A_971 : vector<16xf32> to vector<1x16xf32>
        tpu.vector_store %arg11[%swap3A_972, %swap3A_973], %swap3A_976 {strides = array<i32>} : memref<16x1024xf32, #tpu.memory_space<vmem>>, vector<1x16xf32>,
        %get3A_977 = arith.index_cast %scan3A_783 : i32 to index
        %get3A_978 = arith.constant 256 : index
        %get3A_979 = tpu.vector_load %arg7[%get3A_977, %get3A_978] {strides = array<i32>} : memref<16x1024xf32, #tpu.memory_space<vmem>>, vector<1x16xf32>,
        %get3A_980 = vector.shape_cast %get3A_979 : vector<1x16xf32> to vector<16xf32>
        %mul3A_981 = arith.constant 3.200000e+01 : f32
        %mul3A_982 = vector.broadcast %mul3A_981 : f32 to vector<16xf32>
        %mul3A_983 = arith.mulf %get3A_980, %mul3A_982 : vector<16xf32>
        %swap3A_984 = arith.index_cast %scan3A_783 : i32 to index
        %swap3A_985 = arith.constant 256 : index
        %swap3A_986 = tpu.vector_load %arg11[%swap3A_984, %swap3A_985] {strides = array<i32>} : memref<16x1024xf32, #tpu.memory_space<vmem>>, vector<1x16xf32>,
        %swap3A_987 = vector.shape_cast %swap3A_986 : vector<1x16xf32> to vector<16xf32>
        %swap3A_988 = vector.shape_cast %mul3A_983 : vector<16xf32> to vector<1x16xf32>
        tpu.vector_store %arg11[%swap3A_984, %swap3A_985], %swap3A_988 {strides = array<i32>} : memref<16x1024xf32, #tpu.memory_space<vmem>>, vector<1x16xf32>,
        %get3A_989 = arith.index_cast %scan3A_783 : i32 to index
        %get3A_990 = arith.constant 272 : index
        %get3A_991 = tpu.vector_load %arg7[%get3A_989, %get3A_990] {strides = array<i32>} : memref<16x1024xf32, #tpu.memory_space<vmem>>, vector<1x16xf32>,
        %get3A_992 = vector.shape_cast %get3A_991 : vector<1x16xf32> to vector<16xf32>
        %mul3A_993 = arith.constant 3.200000e+01 : f32
        %mul3A_994 = vector.broadcast %mul3A_993 : f32 to vector<16xf32>
        %mul3A_995 = arith.mulf %get3A_992, %mul3A_994 : vector<16xf32>
        %swap3A_996 = arith.index_cast %scan3A_783 : i32 to index
        %swap3A_997 = arith.constant 272 : index
        %swap3A_998 = tpu.vector_load %arg11[%swap3A_996, %swap3A_997] {strides = array<i32>} : memref<16x1024xf32, #tpu.memory_space<vmem>>, vector<1x16xf32>,
        %swap3A_999 = vector.shape_cast %swap3A_998 : vector<1x16xf32> to vector<16xf32>
        %swap3A_1000 = vector.shape_cast %mul3A_995 : vector<16xf32> to vector<1x16xf32>
        tpu.vector_store %arg11[%swap3A_996, %swap3A_997], %swap3A_1000 {strides = array<i32>} : memref<16x1024xf32, #tpu.memory_space<vmem>>, vector<1x16xf32>,
        %get3A_1001 = arith.index_cast %scan3A_783 : i32 to index
        %get3A_1002 = arith.constant 288 : index
        %get3A_1003 = tpu.vector_load %arg7[%get3A_1001, %get3A_1002] {strides = array<i32>} : memref<16x1024xf32, #tpu.memory_space<vmem>>, vector<1x16xf32>,
        %get3A_1004 = vector.shape_cast %get3A_1003 : vector<1x16xf32> to vector<16xf32>
        %mul3A_1005 = arith.constant 3.200000e+01 : f32
        %mul3A_1006 = vector.broadcast %mul3A_1005 : f32 to vector<16xf32>
        %mul3A_1007 = arith.mulf %get3A_1004, %mul3A_1006 : vector<16xf32>
        %swap3A_1008 = arith.index_cast %scan3A_783 : i32 to index
        %swap3A_1009 = arith.constant 288 : index
        %swap3A_1010 = tpu.vector_load %arg11[%swap3A_1008, %swap3A_1009] {strides = array<i32>} : memref<16x1024xf32, #tpu.memory_space<vmem>>, vector<1x16xf32>,
        %swap3A_1011 = vector.shape_cast %swap3A_1010 : vector<1x16xf32> to vector<16xf32>
        %swap3A_1012 = vector.shape_cast %mul3A_1007 : vector<16xf32> to vector<1x16xf32>
        tpu.vector_store %arg11[%swap3A_1008, %swap3A_1009], %swap3A_1012 {strides = array<i32>} : memref<16x1024xf32, #tpu.memory_space<vmem>>, vector<1x16xf32>,
        %get3A_1013 = arith.index_cast %scan3A_783 : i32 to index
        %get3A_1014 = arith.constant 304 : index
        %get3A_1015 = tpu.vector_load %arg7[%get3A_1013, %get3A_1014] {strides = array<i32>} : memref<16x1024xf32, #tpu.memory_space<vmem>>, vector<1x16xf32>,
        %get3A_1016 = vector.shape_cast %get3A_1015 : vector<1x16xf32> to vector<16xf32>
        %mul3A_1017 = arith.constant 3.200000e+01 : f32
        %mul3A_1018 = vector.broadcast %mul3A_1017 : f32 to vector<16xf32>
        %mul3A_1019 = arith.mulf %get3A_1016, %mul3A_1018 : vector<16xf32>
        %swap3A_1020 = arith.index_cast %scan3A_783 : i32 to index
        %swap3A_1021 = arith.constant 304 : index
        %swap3A_1022 = tpu.vector_load %arg11[%swap3A_1020, %swap3A_1021] {strides = array<i32>} : memref<16x1024xf32, #tpu.memory_space<vmem>>, vector<1x16xf32>,
        %swap3A_1023 = vector.shape_cast %swap3A_1022 : vector<1x16xf32> to vector<16xf32>
        %swap3A_1024 = vector.shape_cast %mul3A_1019 : vector<16xf32> to vector<1x16xf32>
        tpu.vector_store %arg11[%swap3A_1020, %swap3A_1021], %swap3A_1024 {strides = array<i32>} : memref<16x1024xf32, #tpu.memory_space<vmem>>, vector<1x16xf32>,
        %get3A_1025 = arith.index_cast %scan3A_783 : i32 to index
        %get3A_1026 = arith.constant 320 : index
        %get3A_1027 = tpu.vector_load %arg7[%get3A_1025, %get3A_1026] {strides = array<i32>} : memref<16x1024xf32, #tpu.memory_space<vmem>>, vector<1x16xf32>,
        %get3A_1028 = vector.shape_cast %get3A_1027 : vector<1x16xf32> to vector<16xf32>
        %mul3A_1029 = arith.constant 3.200000e+01 : f32
        %mul3A_1030 = vector.broadcast %mul3A_1029 : f32 to vector<16xf32>
        %mul3A_1031 = arith.mulf %get3A_1028, %mul3A_1030 : vector<16xf32>
        %swap3A_1032 = arith.index_cast %scan3A_783 : i32 to index
        %swap3A_1033 = arith.constant 320 : index
        %swap3A_1034 = tpu.vector_load %arg11[%swap3A_1032, %swap3A_1033] {strides = array<i32>} : memref<16x1024xf32, #tpu.memory_space<vmem>>, vector<1x16xf32>,
        %swap3A_1035 = vector.shape_cast %swap3A_1034 : vector<1x16xf32> to vector<16xf32>
        %swap3A_1036 = vector.shape_cast %mul3A_1031 : vector<16xf32> to vector<1x16xf32>
        tpu.vector_store %arg11[%swap3A_1032, %swap3A_1033], %swap3A_1036 {strides = array<i32>} : memref<16x1024xf32, #tpu.memory_space<vmem>>, vector<1x16xf32>,
        %get3A_1037 = arith.index_cast %scan3A_783 : i32 to index
        %get3A_1038 = arith.constant 336 : index
        %get3A_1039 = tpu.vector_load %arg7[%get3A_1037, %get3A_1038] {strides = array<i32>} : memref<16x1024xf32, #tpu.memory_space<vmem>>, vector<1x16xf32>,
        %get3A_1040 = vector.shape_cast %get3A_1039 : vector<1x16xf32> to vector<16xf32>
        %mul3A_1041 = arith.constant 3.200000e+01 : f32
        %mul3A_1042 = vector.broadcast %mul3A_1041 : f32 to vector<16xf32>
        %mul3A_1043 = arith.mulf %get3A_1040, %mul3A_1042 : vector<16xf32>
        %swap3A_1044 = arith.index_cast %scan3A_783 : i32 to index
        %swap3A_1045 = arith.constant 336 : index
        %swap3A_1046 = tpu.vector_load %arg11[%swap3A_1044, %swap3A_1045] {strides = array<i32>} : memref<16x1024xf32, #tpu.memory_space<vmem>>, vector<1x16xf32>,
        %swap3A_1047 = vector.shape_cast %swap3A_1046 : vector<1x16xf32> to vector<16xf32>
        %swap3A_1048 = vector.shape_cast %mul3A_1043 : vector<16xf32> to vector<1x16xf32>
        tpu.vector_store %arg11[%swap3A_1044, %swap3A_1045], %swap3A_1048 {strides = array<i32>} : memref<16x1024xf32, #tpu.memory_space<vmem>>, vector<1x16xf32>,
        %get3A_1049 = arith.index_cast %scan3A_783 : i32 to index
        %get3A_1050 = arith.constant 352 : index
        %get3A_1051 = tpu.vector_load %arg7[%get3A_1049, %get3A_1050] {strides = array<i32>} : memref<16x1024xf32, #tpu.memory_space<vmem>>, vector<1x16xf32>,
        %get3A_1052 = vector.shape_cast %get3A_1051 : vector<1x16xf32> to vector<16xf32>
        %mul3A_1053 = arith.constant 3.200000e+01 : f32
        %mul3A_1054 = vector.broadcast %mul3A_1053 : f32 to vector<16xf32>
        %mul3A_1055 = arith.mulf %get3A_1052, %mul3A_1054 : vector<16xf32>
        %swap3A_1056 = arith.index_cast %scan3A_783 : i32 to index
        %swap3A_1057 = arith.constant 352 : index
        %swap3A_1058 = tpu.vector_load %arg11[%swap3A_1056, %swap3A_1057] {strides = array<i32>} : memref<16x1024xf32, #tpu.memory_space<vmem>>, vector<1x16xf32>,
        %swap3A_1059 = vector.shape_cast %swap3A_1058 : vector<1x16xf32> to vector<16xf32>
        %swap3A_1060 = vector.shape_cast %mul3A_1055 : vector<16xf32> to vector<1x16xf32>
        tpu.vector_store %arg11[%swap3A_1056, %swap3A_1057], %swap3A_1060 {strides = array<i32>} : memref<16x1024xf32, #tpu.memory_space<vmem>>, vector<1x16xf32>,
        %get3A_1061 = arith.index_cast %scan3A_783 : i32 to index
        %get3A_1062 = arith.constant 368 : index
        %get3A_1063 = tpu.vector_load %arg7[%get3A_1061, %get3A_1062] {strides = array<i32>} : memref<16x1024xf32, #tpu.memory_space<vmem>>, vector<1x16xf32>,
        %get3A_1064 = vector.shape_cast %get3A_1063 : vector<1x16xf32> to vector<16xf32>
        %mul3A_1065 = arith.constant 3.200000e+01 : f32
        %mul3A_1066 = vector.broadcast %mul3A_1065 : f32 to vector<16xf32>
        %mul3A_1067 = arith.mulf %get3A_1064, %mul3A_1066 : vector<16xf32>
        %swap3A_1068 = arith.index_cast %scan3A_783 : i32 to index
        %swap3A_1069 = arith.constant 368 : index
        %swap3A_1070 = tpu.vector_load %arg11[%swap3A_1068, %swap3A_1069] {strides = array<i32>} : memref<16x1024xf32, #tpu.memory_space<vmem>>, vector<1x16xf32>,
        %swap3A_1071 = vector.shape_cast %swap3A_1070 : vector<1x16xf32> to vector<16xf32>
        %swap3A_1072 = vector.shape_cast %mul3A_1067 : vector<16xf32> to vector<1x16xf32>
        tpu.vector_store %arg11[%swap3A_1068, %swap3A_1069], %swap3A_1072 {strides = array<i32>} : memref<16x1024xf32, #tpu.memory_space<vmem>>, vector<1x16xf32>,
        %get3A_1073 = arith.index_cast %scan3A_783 : i32 to index
        %get3A_1074 = arith.constant 384 : index
        %get3A_1075 = tpu.vector_load %arg7[%get3A_1073, %get3A_1074] {strides = array<i32>} : memref<16x1024xf32, #tpu.memory_space<vmem>>, vector<1x16xf32>,
        %get3A_1076 = vector.shape_cast %get3A_1075 : vector<1x16xf32> to vector<16xf32>
        %mul3A_1077 = arith.constant 3.200000e+01 : f32
        %mul3A_1078 = vector.broadcast %mul3A_1077 : f32 to vector<16xf32>
        %mul3A_1079 = arith.mulf %get3A_1076, %mul3A_1078 : vector<16xf32>
        %swap3A_1080 = arith.index_cast %scan3A_783 : i32 to index
        %swap3A_1081 = arith.constant 384 : index
        %swap3A_1082 = tpu.vector_load %arg11[%swap3A_1080, %swap3A_1081] {strides = array<i32>} : memref<16x1024xf32, #tpu.memory_space<vmem>>, vector<1x16xf32>,
        %swap3A_1083 = vector.shape_cast %swap3A_1082 : vector<1x16xf32> to vector<16xf32>
        %swap3A_1084 = vector.shape_cast %mul3A_1079 : vector<16xf32> to vector<1x16xf32>
        tpu.vector_store %arg11[%swap3A_1080, %swap3A_1081], %swap3A_1084 {strides = array<i32>} : memref<16x1024xf32, #tpu.memory_space<vmem>>, vector<1x16xf32>,
        %get3A_1085 = arith.index_cast %scan3A_783 : i32 to index
        %get3A_1086 = arith.constant 400 : index
        %get3A_1087 = tpu.vector_load %arg7[%get3A_1085, %get3A_1086] {strides = array<i32>} : memref<16x1024xf32, #tpu.memory_space<vmem>>, vector<1x16xf32>,
        %get3A_1088 = vector.shape_cast %get3A_1087 : vector<1x16xf32> to vector<16xf32>
        %mul3A_1089 = arith.constant 3.200000e+01 : f32
        %mul3A_1090 = vector.broadcast %mul3A_1089 : f32 to vector<16xf32>
        %mul3A_1091 = arith.mulf %get3A_1088, %mul3A_1090 : vector<16xf32>
        %swap3A_1092 = arith.index_cast %scan3A_783 : i32 to index
        %swap3A_1093 = arith.constant 400 : index
        %swap3A_1094 = tpu.vector_load %arg11[%swap3A_1092, %swap3A_1093] {strides = array<i32>} : memref<16x1024xf32, #tpu.memory_space<vmem>>, vector<1x16xf32>,
        %swap3A_1095 = vector.shape_cast %swap3A_1094 : vector<1x16xf32> to vector<16xf32>
        %swap3A_1096 = vector.shape_cast %mul3A_1091 : vector<16xf32> to vector<1x16xf32>
        tpu.vector_store %arg11[%swap3A_1092, %swap3A_1093], %swap3A_1096 {strides = array<i32>} : memref<16x1024xf32, #tpu.memory_space<vmem>>, vector<1x16xf32>,
        %get3A_1097 = arith.index_cast %scan3A_783 : i32 to index
        %get3A_1098 = arith.constant 416 : index
        %get3A_1099 = tpu.vector_load %arg7[%get3A_1097, %get3A_1098] {strides = array<i32>} : memref<16x1024xf32, #tpu.memory_space<vmem>>, vector<1x16xf32>,
        %get3A_1100 = vector.shape_cast %get3A_1099 : vector<1x16xf32> to vector<16xf32>
        %mul3A_1101 = arith.constant 3.200000e+01 : f32
        %mul3A_1102 = vector.broadcast %mul3A_1101 : f32 to vector<16xf32>
        %mul3A_1103 = arith.mulf %get3A_1100, %mul3A_1102 : vector<16xf32>
        %swap3A_1104 = arith.index_cast %scan3A_783 : i32 to index
        %swap3A_1105 = arith.constant 416 : index
        %swap3A_1106 = tpu.vector_load %arg11[%swap3A_1104, %swap3A_1105] {strides = array<i32>} : memref<16x1024xf32, #tpu.memory_space<vmem>>, vector<1x16xf32>,
        %swap3A_1107 = vector.shape_cast %swap3A_1106 : vector<1x16xf32> to vector<16xf32>
        %swap3A_1108 = vector.shape_cast %mul3A_1103 : vector<16xf32> to vector<1x16xf32>
        tpu.vector_store %arg11[%swap3A_1104, %swap3A_1105], %swap3A_1108 {strides = array<i32>} : memref<16x1024xf32, #tpu.memory_space<vmem>>, vector<1x16xf32>,
        %get3A_1109 = arith.index_cast %scan3A_783 : i32 to index
        %get3A_1110 = arith.constant 432 : index
        %get3A_1111 = tpu.vector_load %arg7[%get3A_1109, %get3A_1110] {strides = array<i32>} : memref<16x1024xf32, #tpu.memory_space<vmem>>, vector<1x16xf32>,
        %get3A_1112 = vector.shape_cast %get3A_1111 : vector<1x16xf32> to vector<16xf32>
        %mul3A_1113 = arith.constant 3.200000e+01 : f32
        %mul3A_1114 = vector.broadcast %mul3A_1113 : f32 to vector<16xf32>
        %mul3A_1115 = arith.mulf %get3A_1112, %mul3A_1114 : vector<16xf32>
        %swap3A_1116 = arith.index_cast %scan3A_783 : i32 to index
        %swap3A_1117 = arith.constant 432 : index
        %swap3A_1118 = tpu.vector_load %arg11[%swap3A_1116, %swap3A_1117] {strides = array<i32>} : memref<16x1024xf32, #tpu.memory_space<vmem>>, vector<1x16xf32>,
        %swap3A_1119 = vector.shape_cast %swap3A_1118 : vector<1x16xf32> to vector<16xf32>
        %swap3A_1120 = vector.shape_cast %mul3A_1115 : vector<16xf32> to vector<1x16xf32>
        tpu.vector_store %arg11[%swap3A_1116, %swap3A_1117], %swap3A_1120 {strides = array<i32>} : memref<16x1024xf32, #tpu.memory_space<vmem>>, vector<1x16xf32>,
        %get3A_1121 = arith.index_cast %scan3A_783 : i32 to index
        %get3A_1122 = arith.constant 448 : index
        %get3A_1123 = tpu.vector_load %arg7[%get3A_1121, %get3A_1122] {strides = array<i32>} : memref<16x1024xf32, #tpu.memory_space<vmem>>, vector<1x16xf32>,
        %get3A_1124 = vector.shape_cast %get3A_1123 : vector<1x16xf32> to vector<16xf32>
        %mul3A_1125 = arith.constant 3.200000e+01 : f32
        %mul3A_1126 = vector.broadcast %mul3A_1125 : f32 to vector<16xf32>
        %mul3A_1127 = arith.mulf %get3A_1124, %mul3A_1126 : vector<16xf32>
        %swap3A_1128 = arith.index_cast %scan3A_783 : i32 to index
        %swap3A_1129 = arith.constant 448 : index
        %swap3A_1130 = tpu.vector_load %arg11[%swap3A_1128, %swap3A_1129] {strides = array<i32>} : memref<16x1024xf32, #tpu.memory_space<vmem>>, vector<1x16xf32>,
        %swap3A_1131 = vector.shape_cast %swap3A_1130 : vector<1x16xf32> to vector<16xf32>
        %swap3A_1132 = vector.shape_cast %mul3A_1127 : vector<16xf32> to vector<1x16xf32>
        tpu.vector_store %arg11[%swap3A_1128, %swap3A_1129], %swap3A_1132 {strides = array<i32>} : memref<16x1024xf32, #tpu.memory_space<vmem>>, vector<1x16xf32>,
        %get3A_1133 = arith.index_cast %scan3A_783 : i32 to index
        %get3A_1134 = arith.constant 464 : index
        %get3A_1135 = tpu.vector_load %arg7[%get3A_1133, %get3A_1134] {strides = array<i32>} : memref<16x1024xf32, #tpu.memory_space<vmem>>, vector<1x16xf32>,
        %get3A_1136 = vector.shape_cast %get3A_1135 : vector<1x16xf32> to vector<16xf32>
        %mul3A_1137 = arith.constant 3.200000e+01 : f32
        %mul3A_1138 = vector.broadcast %mul3A_1137 : f32 to vector<16xf32>
        %mul3A_1139 = arith.mulf %get3A_1136, %mul3A_1138 : vector<16xf32>
        %swap3A_1140 = arith.index_cast %scan3A_783 : i32 to index
        %swap3A_1141 = arith.constant 464 : index
        %swap3A_1142 = tpu.vector_load %arg11[%swap3A_1140, %swap3A_1141] {strides = array<i32>} : memref<16x1024xf32, #tpu.memory_space<vmem>>, vector<1x16xf32>,
        %swap3A_1143 = vector.shape_cast %swap3A_1142 : vector<1x16xf32> to vector<16xf32>
        %swap3A_1144 = vector.shape_cast %mul3A_1139 : vector<16xf32> to vector<1x16xf32>
        tpu.vector_store %arg11[%swap3A_1140, %swap3A_1141], %swap3A_1144 {strides = array<i32>} : memref<16x1024xf32, #tpu.memory_space<vmem>>, vector<1x16xf32>,
        %get3A_1145 = arith.index_cast %scan3A_783 : i32 to index
        %get3A_1146 = arith.constant 480 : index
        %get3A_1147 = tpu.vector_load %arg7[%get3A_1145, %get3A_1146] {strides = array<i32>} : memref<16x1024xf32, #tpu.memory_space<vmem>>, vector<1x16xf32>,
        %get3A_1148 = vector.shape_cast %get3A_1147 : vector<1x16xf32> to vector<16xf32>
        %mul3A_1149 = arith.constant 3.200000e+01 : f32
        %mul3A_1150 = vector.broadcast %mul3A_1149 : f32 to vector<16xf32>
        %mul3A_1151 = arith.mulf %get3A_1148, %mul3A_1150 : vector<16xf32>
        %swap3A_1152 = arith.index_cast %scan3A_783 : i32 to index
        %swap3A_1153 = arith.constant 480 : index
        %swap3A_1154 = tpu.vector_load %arg11[%swap3A_1152, %swap3A_1153] {strides = array<i32>} : memref<16x1024xf32, #tpu.memory_space<vmem>>, vector<1x16xf32>,
        %swap3A_1155 = vector.shape_cast %swap3A_1154 : vector<1x16xf32> to vector<16xf32>
        %swap3A_1156 = vector.shape_cast %mul3A_1151 : vector<16xf32> to vector<1x16xf32>
        tpu.vector_store %arg11[%swap3A_1152, %swap3A_1153], %swap3A_1156 {strides = array<i32>} : memref<16x1024xf32, #tpu.memory_space<vmem>>, vector<1x16xf32>,
        %get3A_1157 = arith.index_cast %scan3A_783 : i32 to index
        %get3A_1158 = arith.constant 496 : index
        %get3A_1159 = tpu.vector_load %arg7[%get3A_1157, %get3A_1158] {strides = array<i32>} : memref<16x1024xf32, #tpu.memory_space<vmem>>, vector<1x16xf32>,
        %get3A_1160 = vector.shape_cast %get3A_1159 : vector<1x16xf32> to vector<16xf32>
        %mul3A_1161 = arith.constant 3.200000e+01 : f32
        %mul3A_1162 = vector.broadcast %mul3A_1161 : f32 to vector<16xf32>
        %mul3A_1163 = arith.mulf %get3A_1160, %mul3A_1162 : vector<16xf32>
        %swap3A_1164 = arith.index_cast %scan3A_783 : i32 to index
        %swap3A_1165 = arith.constant 496 : index
        %swap3A_1166 = tpu.vector_load %arg11[%swap3A_1164, %swap3A_1165] {strides = array<i32>} : memref<16x1024xf32, #tpu.memory_space<vmem>>, vector<1x16xf32>,
        %swap3A_1167 = vector.shape_cast %swap3A_1166 : vector<1x16xf32> to vector<16xf32>
        %swap3A_1168 = vector.shape_cast %mul3A_1163 : vector<16xf32> to vector<1x16xf32>
        tpu.vector_store %arg11[%swap3A_1164, %swap3A_1165], %swap3A_1168 {strides = array<i32>} : memref<16x1024xf32, #tpu.memory_space<vmem>>, vector<1x16xf32>,
        %get3A_1169 = arith.index_cast %scan3A_783 : i32 to index
        %get3A_1170 = arith.constant 512 : index
        %get3A_1171 = tpu.vector_load %arg7[%get3A_1169, %get3A_1170] {strides = array<i32>} : memref<16x1024xf32, #tpu.memory_space<vmem>>, vector<1x16xf32>,
        %get3A_1172 = vector.shape_cast %get3A_1171 : vector<1x16xf32> to vector<16xf32>
        %mul3A_1173 = arith.constant 3.200000e+01 : f32
        %mul3A_1174 = vector.broadcast %mul3A_1173 : f32 to vector<16xf32>
        %mul3A_1175 = arith.mulf %get3A_1172, %mul3A_1174 : vector<16xf32>
        %swap3A_1176 = arith.index_cast %scan3A_783 : i32 to index
        %swap3A_1177 = arith.constant 512 : index
        %swap3A_1178 = tpu.vector_load %arg11[%swap3A_1176, %swap3A_1177] {strides = array<i32>} : memref<16x1024xf32, #tpu.memory_space<vmem>>, vector<1x16xf32>,
        %swap3A_1179 = vector.shape_cast %swap3A_1178 : vector<1x16xf32> to vector<16xf32>
        %swap3A_1180 = vector.shape_cast %mul3A_1175 : vector<16xf32> to vector<1x16xf32>
        tpu.vector_store %arg11[%swap3A_1176, %swap3A_1177], %swap3A_1180 {strides = array<i32>} : memref<16x1024xf32, #tpu.memory_space<vmem>>, vector<1x16xf32>,
        %get3A_1181 = arith.index_cast %scan3A_783 : i32 to index
        %get3A_1182 = arith.constant 528 : index
        %get3A_1183 = tpu.vector_load %arg7[%get3A_1181, %get3A_1182] {strides = array<i32>} : memref<16x1024xf32, #tpu.memory_space<vmem>>, vector<1x16xf32>,
        %get3A_1184 = vector.shape_cast %get3A_1183 : vector<1x16xf32> to vector<16xf32>
        %mul3A_1185 = arith.constant 3.200000e+01 : f32
        %mul3A_1186 = vector.broadcast %mul3A_1185 : f32 to vector<16xf32>
        %mul3A_1187 = arith.mulf %get3A_1184, %mul3A_1186 : vector<16xf32>
        %swap3A_1188 = arith.index_cast %scan3A_783 : i32 to index
        %swap3A_1189 = arith.constant 528 : index
        %swap3A_1190 = tpu.vector_load %arg11[%swap3A_1188, %swap3A_1189] {strides = array<i32>} : memref<16x1024xf32, #tpu.memory_space<vmem>>, vector<1x16xf32>,
        %swap3A_1191 = vector.shape_cast %swap3A_1190 : vector<1x16xf32> to vector<16xf32>
        %swap3A_1192 = vector.shape_cast %mul3A_1187 : vector<16xf32> to vector<1x16xf32>
        tpu.vector_store %arg11[%swap3A_1188, %swap3A_1189], %swap3A_1192 {strides = array<i32>} : memref<16x1024xf32, #tpu.memory_space<vmem>>, vector<1x16xf32>,
        %get3A_1193 = arith.index_cast %scan3A_783 : i32 to index
        %get3A_1194 = arith.constant 544 : index
        %get3A_1195 = tpu.vector_load %arg7[%get3A_1193, %get3A_1194] {strides = array<i32>} : memref<16x1024xf32, #tpu.memory_space<vmem>>, vector<1x16xf32>,
        %get3A_1196 = vector.shape_cast %get3A_1195 : vector<1x16xf32> to vector<16xf32>
        %mul3A_1197 = arith.constant 3.200000e+01 : f32
        %mul3A_1198 = vector.broadcast %mul3A_1197 : f32 to vector<16xf32>
        %mul3A_1199 = arith.mulf %get3A_1196, %mul3A_1198 : vector<16xf32>
        %swap3A_1200 = arith.index_cast %scan3A_783 : i32 to index
        %swap3A_1201 = arith.constant 544 : index
        %swap3A_1202 = tpu.vector_load %arg11[%swap3A_1200, %swap3A_1201] {strides = array<i32>} : memref<16x1024xf32, #tpu.memory_space<vmem>>, vector<1x16xf32>,
        %swap3A_1203 = vector.shape_cast %swap3A_1202 : vector<1x16xf32> to vector<16xf32>
        %swap3A_1204 = vector.shape_cast %mul3A_1199 : vector<16xf32> to vector<1x16xf32>
        tpu.vector_store %arg11[%swap3A_1200, %swap3A_1201], %swap3A_1204 {strides = array<i32>} : memref<16x1024xf32, #tpu.memory_space<vmem>>, vector<1x16xf32>,
        %get3A_1205 = arith.index_cast %scan3A_783 : i32 to index
        %get3A_1206 = arith.constant 560 : index
        %get3A_1207 = tpu.vector_load %arg7[%get3A_1205, %get3A_1206] {strides = array<i32>} : memref<16x1024xf32, #tpu.memory_space<vmem>>, vector<1x16xf32>,
        %get3A_1208 = vector.shape_cast %get3A_1207 : vector<1x16xf32> to vector<16xf32>
        %mul3A_1209 = arith.constant 3.200000e+01 : f32
        %mul3A_1210 = vector.broadcast %mul3A_1209 : f32 to vector<16xf32>
        %mul3A_1211 = arith.mulf %get3A_1208, %mul3A_1210 : vector<16xf32>
        %swap3A_1212 = arith.index_cast %scan3A_783 : i32 to index
        %swap3A_1213 = arith.constant 560 : index
        %swap3A_1214 = tpu.vector_load %arg11[%swap3A_1212, %swap3A_1213] {strides = array<i32>} : memref<16x1024xf32, #tpu.memory_space<vmem>>, vector<1x16xf32>,
        %swap3A_1215 = vector.shape_cast %swap3A_1214 : vector<1x16xf32> to vector<16xf32>
        %swap3A_1216 = vector.shape_cast %mul3A_1211 : vector<16xf32> to vector<1x16xf32>
        tpu.vector_store %arg11[%swap3A_1212, %swap3A_1213], %swap3A_1216 {strides = array<i32>} : memref<16x1024xf32, #tpu.memory_space<vmem>>, vector<1x16xf32>,
        %get3A_1217 = arith.index_cast %scan3A_783 : i32 to index
        %get3A_1218 = arith.constant 576 : index
        %get3A_1219 = tpu.vector_load %arg7[%get3A_1217, %get3A_1218] {strides = array<i32>} : memref<16x1024xf32, #tpu.memory_space<vmem>>, vector<1x16xf32>,
        %get3A_1220 = vector.shape_cast %get3A_1219 : vector<1x16xf32> to vector<16xf32>
        %mul3A_1221 = arith.constant 3.200000e+01 : f32
        %mul3A_1222 = vector.broadcast %mul3A_1221 : f32 to vector<16xf32>
        %mul3A_1223 = arith.mulf %get3A_1220, %mul3A_1222 : vector<16xf32>
        %swap3A_1224 = arith.index_cast %scan3A_783 : i32 to index
        %swap3A_1225 = arith.constant 576 : index
        %swap3A_1226 = tpu.vector_load %arg11[%swap3A_1224, %swap3A_1225] {strides = array<i32>} : memref<16x1024xf32, #tpu.memory_space<vmem>>, vector<1x16xf32>,
        %swap3A_1227 = vector.shape_cast %swap3A_1226 : vector<1x16xf32> to vector<16xf32>
        %swap3A_1228 = vector.shape_cast %mul3A_1223 : vector<16xf32> to vector<1x16xf32>
        tpu.vector_store %arg11[%swap3A_1224, %swap3A_1225], %swap3A_1228 {strides = array<i32>} : memref<16x1024xf32, #tpu.memory_space<vmem>>, vector<1x16xf32>,
        %get3A_1229 = arith.index_cast %scan3A_783 : i32 to index
        %get3A_1230 = arith.constant 592 : index
        %get3A_1231 = tpu.vector_load %arg7[%get3A_1229, %get3A_1230] {strides = array<i32>} : memref<16x1024xf32, #tpu.memory_space<vmem>>, vector<1x16xf32>,
        %get3A_1232 = vector.shape_cast %get3A_1231 : vector<1x16xf32> to vector<16xf32>
        %mul3A_1233 = arith.constant 3.200000e+01 : f32
        %mul3A_1234 = vector.broadcast %mul3A_1233 : f32 to vector<16xf32>
        %mul3A_1235 = arith.mulf %get3A_1232, %mul3A_1234 : vector<16xf32>
        %swap3A_1236 = arith.index_cast %scan3A_783 : i32 to index
        %swap3A_1237 = arith.constant 592 : index
        %swap3A_1238 = tpu.vector_load %arg11[%swap3A_1236, %swap3A_1237] {strides = array<i32>} : memref<16x1024xf32, #tpu.memory_space<vmem>>, vector<1x16xf32>,
        %swap3A_1239 = vector.shape_cast %swap3A_1238 : vector<1x16xf32> to vector<16xf32>
        %swap3A_1240 = vector.shape_cast %mul3A_1235 : vector<16xf32> to vector<1x16xf32>
        tpu.vector_store %arg11[%swap3A_1236, %swap3A_1237], %swap3A_1240 {strides = array<i32>} : memref<16x1024xf32, #tpu.memory_space<vmem>>, vector<1x16xf32>,
        %get3A_1241 = arith.index_cast %scan3A_783 : i32 to index
        %get3A_1242 = arith.constant 608 : index
        %get3A_1243 = tpu.vector_load %arg7[%get3A_1241, %get3A_1242] {strides = array<i32>} : memref<16x1024xf32, #tpu.memory_space<vmem>>, vector<1x16xf32>,
        %get3A_1244 = vector.shape_cast %get3A_1243 : vector<1x16xf32> to vector<16xf32>
        %mul3A_1245 = arith.constant 3.200000e+01 : f32
        %mul3A_1246 = vector.broadcast %mul3A_1245 : f32 to vector<16xf32>
        %mul3A_1247 = arith.mulf %get3A_1244, %mul3A_1246 : vector<16xf32>
        %swap3A_1248 = arith.index_cast %scan3A_783 : i32 to index
        %swap3A_1249 = arith.constant 608 : index
        %swap3A_1250 = tpu.vector_load %arg11[%swap3A_1248, %swap3A_1249] {strides = array<i32>} : memref<16x1024xf32, #tpu.memory_space<vmem>>, vector<1x16xf32>,
        %swap3A_1251 = vector.shape_cast %swap3A_1250 : vector<1x16xf32> to vector<16xf32>
        %swap3A_1252 = vector.shape_cast %mul3A_1247 : vector<16xf32> to vector<1x16xf32>
        tpu.vector_store %arg11[%swap3A_1248, %swap3A_1249], %swap3A_1252 {strides = array<i32>} : memref<16x1024xf32, #tpu.memory_space<vmem>>, vector<1x16xf32>,
        %get3A_1253 = arith.index_cast %scan3A_783 : i32 to index
        %get3A_1254 = arith.constant 624 : index
        %get3A_1255 = tpu.vector_load %arg7[%get3A_1253, %get3A_1254] {strides = array<i32>} : memref<16x1024xf32, #tpu.memory_space<vmem>>, vector<1x16xf32>,
        %get3A_1256 = vector.shape_cast %get3A_1255 : vector<1x16xf32> to vector<16xf32>
        %mul3A_1257 = arith.constant 3.200000e+01 : f32
        %mul3A_1258 = vector.broadcast %mul3A_1257 : f32 to vector<16xf32>
        %mul3A_1259 = arith.mulf %get3A_1256, %mul3A_1258 : vector<16xf32>
        %swap3A_1260 = arith.index_cast %scan3A_783 : i32 to index
        %swap3A_1261 = arith.constant 624 : index
        %swap3A_1262 = tpu.vector_load %arg11[%swap3A_1260, %swap3A_1261] {strides = array<i32>} : memref<16x1024xf32, #tpu.memory_space<vmem>>, vector<1x16xf32>,
        %swap3A_1263 = vector.shape_cast %swap3A_1262 : vector<1x16xf32> to vector<16xf32>
        %swap3A_1264 = vector.shape_cast %mul3A_1259 : vector<16xf32> to vector<1x16xf32>
        tpu.vector_store %arg11[%swap3A_1260, %swap3A_1261], %swap3A_1264 {strides = array<i32>} : memref<16x1024xf32, #tpu.memory_space<vmem>>, vector<1x16xf32>,
        %get3A_1265 = arith.index_cast %scan3A_783 : i32 to index
        %get3A_1266 = arith.constant 640 : index
        %get3A_1267 = tpu.vector_load %arg7[%get3A_1265, %get3A_1266] {strides = array<i32>} : memref<16x1024xf32, #tpu.memory_space<vmem>>, vector<1x16xf32>,
        %get3A_1268 = vector.shape_cast %get3A_1267 : vector<1x16xf32> to vector<16xf32>
        %mul3A_1269 = arith.constant 3.200000e+01 : f32
        %mul3A_1270 = vector.broadcast %mul3A_1269 : f32 to vector<16xf32>
        %mul3A_1271 = arith.mulf %get3A_1268, %mul3A_1270 : vector<16xf32>
        %swap3A_1272 = arith.index_cast %scan3A_783 : i32 to index
        %swap3A_1273 = arith.constant 640 : index
        %swap3A_1274 = tpu.vector_load %arg11[%swap3A_1272, %swap3A_1273] {strides = array<i32>} : memref<16x1024xf32, #tpu.memory_space<vmem>>, vector<1x16xf32>,
        %swap3A_1275 = vector.shape_cast %swap3A_1274 : vector<1x16xf32> to vector<16xf32>
        %swap3A_1276 = vector.shape_cast %mul3A_1271 : vector<16xf32> to vector<1x16xf32>
        tpu.vector_store %arg11[%swap3A_1272, %swap3A_1273], %swap3A_1276 {strides = array<i32>} : memref<16x1024xf32, #tpu.memory_space<vmem>>, vector<1x16xf32>,
        %get3A_1277 = arith.index_cast %scan3A_783 : i32 to index
        %get3A_1278 = arith.constant 656 : index
        %get3A_1279 = tpu.vector_load %arg7[%get3A_1277, %get3A_1278] {strides = array<i32>} : memref<16x1024xf32, #tpu.memory_space<vmem>>, vector<1x16xf32>,
        %get3A_1280 = vector.shape_cast %get3A_1279 : vector<1x16xf32> to vector<16xf32>
        %mul3A_1281 = arith.constant 3.200000e+01 : f32
        %mul3A_1282 = vector.broadcast %mul3A_1281 : f32 to vector<16xf32>
        %mul3A_1283 = arith.mulf %get3A_1280, %mul3A_1282 : vector<16xf32>
        %swap3A_1284 = arith.index_cast %scan3A_783 : i32 to index
        %swap3A_1285 = arith.constant 656 : index
        %swap3A_1286 = tpu.vector_load %arg11[%swap3A_1284, %swap3A_1285] {strides = array<i32>} : memref<16x1024xf32, #tpu.memory_space<vmem>>, vector<1x16xf32>,
        %swap3A_1287 = vector.shape_cast %swap3A_1286 : vector<1x16xf32> to vector<16xf32>
        %swap3A_1288 = vector.shape_cast %mul3A_1283 : vector<16xf32> to vector<1x16xf32>
        tpu.vector_store %arg11[%swap3A_1284, %swap3A_1285], %swap3A_1288 {strides = array<i32>} : memref<16x1024xf32, #tpu.memory_space<vmem>>, vector<1x16xf32>,
        %get3A_1289 = arith.index_cast %scan3A_783 : i32 to index
        %get3A_1290 = arith.constant 672 : index
        %get3A_1291 = tpu.vector_load %arg7[%get3A_1289, %get3A_1290] {strides = array<i32>} : memref<16x1024xf32, #tpu.memory_space<vmem>>, vector<1x16xf32>,
        %get3A_1292 = vector.shape_cast %get3A_1291 : vector<1x16xf32> to vector<16xf32>
        %mul3A_1293 = arith.constant 3.200000e+01 : f32
        %mul3A_1294 = vector.broadcast %mul3A_1293 : f32 to vector<16xf32>
        %mul3A_1295 = arith.mulf %get3A_1292, %mul3A_1294 : vector<16xf32>
        %swap3A_1296 = arith.index_cast %scan3A_783 : i32 to index
        %swap3A_1297 = arith.constant 672 : index
        %swap3A_1298 = tpu.vector_load %arg11[%swap3A_1296, %swap3A_1297] {strides = array<i32>} : memref<16x1024xf32, #tpu.memory_space<vmem>>, vector<1x16xf32>,
        %swap3A_1299 = vector.shape_cast %swap3A_1298 : vector<1x16xf32> to vector<16xf32>
        %swap3A_1300 = vector.shape_cast %mul3A_1295 : vector<16xf32> to vector<1x16xf32>
        tpu.vector_store %arg11[%swap3A_1296, %swap3A_1297], %swap3A_1300 {strides = array<i32>} : memref<16x1024xf32, #tpu.memory_space<vmem>>, vector<1x16xf32>,
        %get3A_1301 = arith.index_cast %scan3A_783 : i32 to index
        %get3A_1302 = arith.constant 688 : index
        %get3A_1303 = tpu.vector_load %arg7[%get3A_1301, %get3A_1302] {strides = array<i32>} : memref<16x1024xf32, #tpu.memory_space<vmem>>, vector<1x16xf32>,
        %get3A_1304 = vector.shape_cast %get3A_1303 : vector<1x16xf32> to vector<16xf32>
        %mul3A_1305 = arith.constant 3.200000e+01 : f32
        %mul3A_1306 = vector.broadcast %mul3A_1305 : f32 to vector<16xf32>
        %mul3A_1307 = arith.mulf %get3A_1304, %mul3A_1306 : vector<16xf32>
        %swap3A_1308 = arith.index_cast %scan3A_783 : i32 to index
        %swap3A_1309 = arith.constant 688 : index
        %swap3A_1310 = tpu.vector_load %arg11[%swap3A_1308, %swap3A_1309] {strides = array<i32>} : memref<16x1024xf32, #tpu.memory_space<vmem>>, vector<1x16xf32>,
        %swap3A_1311 = vector.shape_cast %swap3A_1310 : vector<1x16xf32> to vector<16xf32>
        %swap3A_1312 = vector.shape_cast %mul3A_1307 : vector<16xf32> to vector<1x16xf32>
        tpu.vector_store %arg11[%swap3A_1308, %swap3A_1309], %swap3A_1312 {strides = array<i32>} : memref<16x1024xf32, #tpu.memory_space<vmem>>, vector<1x16xf32>,
        %get3A_1313 = arith.index_cast %scan3A_783 : i32 to index
        %get3A_1314 = arith.constant 704 : index
        %get3A_1315 = tpu.vector_load %arg7[%get3A_1313, %get3A_1314] {strides = array<i32>} : memref<16x1024xf32, #tpu.memory_space<vmem>>, vector<1x16xf32>,
        %get3A_1316 = vector.shape_cast %get3A_1315 : vector<1x16xf32> to vector<16xf32>
        %mul3A_1317 = arith.constant 3.200000e+01 : f32
        %mul3A_1318 = vector.broadcast %mul3A_1317 : f32 to vector<16xf32>
        %mul3A_1319 = arith.mulf %get3A_1316, %mul3A_1318 : vector<16xf32>
        %swap3A_1320 = arith.index_cast %scan3A_783 : i32 to index
        %swap3A_1321 = arith.constant 704 : index
        %swap3A_1322 = tpu.vector_load %arg11[%swap3A_1320, %swap3A_1321] {strides = array<i32>} : memref<16x1024xf32, #tpu.memory_space<vmem>>, vector<1x16xf32>,
        %swap3A_1323 = vector.shape_cast %swap3A_1322 : vector<1x16xf32> to vector<16xf32>
        %swap3A_1324 = vector.shape_cast %mul3A_1319 : vector<16xf32> to vector<1x16xf32>
        tpu.vector_store %arg11[%swap3A_1320, %swap3A_1321], %swap3A_1324 {strides = array<i32>} : memref<16x1024xf32, #tpu.memory_space<vmem>>, vector<1x16xf32>,
        %get3A_1325 = arith.index_cast %scan3A_783 : i32 to index
        %get3A_1326 = arith.constant 720 : index
        %get3A_1327 = tpu.vector_load %arg7[%get3A_1325, %get3A_1326] {strides = array<i32>} : memref<16x1024xf32, #tpu.memory_space<vmem>>, vector<1x16xf32>,
        %get3A_1328 = vector.shape_cast %get3A_1327 : vector<1x16xf32> to vector<16xf32>
        %mul3A_1329 = arith.constant 3.200000e+01 : f32
        %mul3A_1330 = vector.broadcast %mul3A_1329 : f32 to vector<16xf32>
        %mul3A_1331 = arith.mulf %get3A_1328, %mul3A_1330 : vector<16xf32>
        %swap3A_1332 = arith.index_cast %scan3A_783 : i32 to index
        %swap3A_1333 = arith.constant 720 : index
        %swap3A_1334 = tpu.vector_load %arg11[%swap3A_1332, %swap3A_1333] {strides = array<i32>} : memref<16x1024xf32, #tpu.memory_space<vmem>>, vector<1x16xf32>,
        %swap3A_1335 = vector.shape_cast %swap3A_1334 : vector<1x16xf32> to vector<16xf32>
        %swap3A_1336 = vector.shape_cast %mul3A_1331 : vector<16xf32> to vector<1x16xf32>
        tpu.vector_store %arg11[%swap3A_1332, %swap3A_1333], %swap3A_1336 {strides = array<i32>} : memref<16x1024xf32, #tpu.memory_space<vmem>>, vector<1x16xf32>,
        %get3A_1337 = arith.index_cast %scan3A_783 : i32 to index
        %get3A_1338 = arith.constant 736 : index
        %get3A_1339 = tpu.vector_load %arg7[%get3A_1337, %get3A_1338] {strides = array<i32>} : memref<16x1024xf32, #tpu.memory_space<vmem>>, vector<1x16xf32>,
        %get3A_1340 = vector.shape_cast %get3A_1339 : vector<1x16xf32> to vector<16xf32>
        %mul3A_1341 = arith.constant 3.200000e+01 : f32
        %mul3A_1342 = vector.broadcast %mul3A_1341 : f32 to vector<16xf32>
        %mul3A_1343 = arith.mulf %get3A_1340, %mul3A_1342 : vector<16xf32>
        %swap3A_1344 = arith.index_cast %scan3A_783 : i32 to index
        %swap3A_1345 = arith.constant 736 : index
        %swap3A_1346 = tpu.vector_load %arg11[%swap3A_1344, %swap3A_1345] {strides = array<i32>} : memref<16x1024xf32, #tpu.memory_space<vmem>>, vector<1x16xf32>,
        %swap3A_1347 = vector.shape_cast %swap3A_1346 : vector<1x16xf32> to vector<16xf32>
        %swap3A_1348 = vector.shape_cast %mul3A_1343 : vector<16xf32> to vector<1x16xf32>
        tpu.vector_store %arg11[%swap3A_1344, %swap3A_1345], %swap3A_1348 {strides = array<i32>} : memref<16x1024xf32, #tpu.memory_space<vmem>>, vector<1x16xf32>,
        %get3A_1349 = arith.index_cast %scan3A_783 : i32 to index
        %get3A_1350 = arith.constant 752 : index
        %get3A_1351 = tpu.vector_load %arg7[%get3A_1349, %get3A_1350] {strides = array<i32>} : memref<16x1024xf32, #tpu.memory_space<vmem>>, vector<1x16xf32>,
        %get3A_1352 = vector.shape_cast %get3A_1351 : vector<1x16xf32> to vector<16xf32>
        %mul3A_1353 = arith.constant 3.200000e+01 : f32
        %mul3A_1354 = vector.broadcast %mul3A_1353 : f32 to vector<16xf32>
        %mul3A_1355 = arith.mulf %get3A_1352, %mul3A_1354 : vector<16xf32>
        %swap3A_1356 = arith.index_cast %scan3A_783 : i32 to index
        %swap3A_1357 = arith.constant 752 : index
        %swap3A_1358 = tpu.vector_load %arg11[%swap3A_1356, %swap3A_1357] {strides = array<i32>} : memref<16x1024xf32, #tpu.memory_space<vmem>>, vector<1x16xf32>,
        %swap3A_1359 = vector.shape_cast %swap3A_1358 : vector<1x16xf32> to vector<16xf32>
        %swap3A_1360 = vector.shape_cast %mul3A_1355 : vector<16xf32> to vector<1x16xf32>
        tpu.vector_store %arg11[%swap3A_1356, %swap3A_1357], %swap3A_1360 {strides = array<i32>} : memref<16x1024xf32, #tpu.memory_space<vmem>>, vector<1x16xf32>,
        %get3A_1361 = arith.index_cast %scan3A_783 : i32 to index
        %get3A_1362 = arith.constant 768 : index
        %get3A_1363 = tpu.vector_load %arg7[%get3A_1361, %get3A_1362] {strides = array<i32>} : memref<16x1024xf32, #tpu.memory_space<vmem>>, vector<1x16xf32>,
        %get3A_1364 = vector.shape_cast %get3A_1363 : vector<1x16xf32> to vector<16xf32>
        %mul3A_1365 = arith.constant 3.200000e+01 : f32
        %mul3A_1366 = vector.broadcast %mul3A_1365 : f32 to vector<16xf32>
        %mul3A_1367 = arith.mulf %get3A_1364, %mul3A_1366 : vector<16xf32>
        %swap3A_1368 = arith.index_cast %scan3A_783 : i32 to index
        %swap3A_1369 = arith.constant 768 : index
        %swap3A_1370 = tpu.vector_load %arg11[%swap3A_1368, %swap3A_1369] {strides = array<i32>} : memref<16x1024xf32, #tpu.memory_space<vmem>>, vector<1x16xf32>,
        %swap3A_1371 = vector.shape_cast %swap3A_1370 : vector<1x16xf32> to vector<16xf32>
        %swap3A_1372 = vector.shape_cast %mul3A_1367 : vector<16xf32> to vector<1x16xf32>
        tpu.vector_store %arg11[%swap3A_1368, %swap3A_1369], %swap3A_1372 {strides = array<i32>} : memref<16x1024xf32, #tpu.memory_space<vmem>>, vector<1x16xf32>,
        %get3A_1373 = arith.index_cast %scan3A_783 : i32 to index
        %get3A_1374 = arith.constant 784 : index
        %get3A_1375 = tpu.vector_load %arg7[%get3A_1373, %get3A_1374] {strides = array<i32>} : memref<16x1024xf32, #tpu.memory_space<vmem>>, vector<1x16xf32>,
        %get3A_1376 = vector.shape_cast %get3A_1375 : vector<1x16xf32> to vector<16xf32>
        %mul3A_1377 = arith.constant 3.200000e+01 : f32
        %mul3A_1378 = vector.broadcast %mul3A_1377 : f32 to vector<16xf32>
        %mul3A_1379 = arith.mulf %get3A_1376, %mul3A_1378 : vector<16xf32>
        %swap3A_1380 = arith.index_cast %scan3A_783 : i32 to index
        %swap3A_1381 = arith.constant 784 : index
        %swap3A_1382 = tpu.vector_load %arg11[%swap3A_1380, %swap3A_1381] {strides = array<i32>} : memref<16x1024xf32, #tpu.memory_space<vmem>>, vector<1x16xf32>,
        %swap3A_1383 = vector.shape_cast %swap3A_1382 : vector<1x16xf32> to vector<16xf32>
        %swap3A_1384 = vector.shape_cast %mul3A_1379 : vector<16xf32> to vector<1x16xf32>
        tpu.vector_store %arg11[%swap3A_1380, %swap3A_1381], %swap3A_1384 {strides = array<i32>} : memref<16x1024xf32, #tpu.memory_space<vmem>>, vector<1x16xf32>,
        %get3A_1385 = arith.index_cast %scan3A_783 : i32 to index
        %get3A_1386 = arith.constant 800 : index
        %get3A_1387 = tpu.vector_load %arg7[%get3A_1385, %get3A_1386] {strides = array<i32>} : memref<16x1024xf32, #tpu.memory_space<vmem>>, vector<1x16xf32>,
        %get3A_1388 = vector.shape_cast %get3A_1387 : vector<1x16xf32> to vector<16xf32>
        %mul3A_1389 = arith.constant 3.200000e+01 : f32
        %mul3A_1390 = vector.broadcast %mul3A_1389 : f32 to vector<16xf32>
        %mul3A_1391 = arith.mulf %get3A_1388, %mul3A_1390 : vector<16xf32>
        %swap3A_1392 = arith.index_cast %scan3A_783 : i32 to index
        %swap3A_1393 = arith.constant 800 : index
        %swap3A_1394 = tpu.vector_load %arg11[%swap3A_1392, %swap3A_1393] {strides = array<i32>} : memref<16x1024xf32, #tpu.memory_space<vmem>>, vector<1x16xf32>,
        %swap3A_1395 = vector.shape_cast %swap3A_1394 : vector<1x16xf32> to vector<16xf32>
        %swap3A_1396 = vector.shape_cast %mul3A_1391 : vector<16xf32> to vector<1x16xf32>
        tpu.vector_store %arg11[%swap3A_1392, %swap3A_1393], %swap3A_1396 {strides = array<i32>} : memref<16x1024xf32, #tpu.memory_space<vmem>>, vector<1x16xf32>,
        %get3A_1397 = arith.index_cast %scan3A_783 : i32 to index
        %get3A_1398 = arith.constant 816 : index
        %get3A_1399 = tpu.vector_load %arg7[%get3A_1397, %get3A_1398] {strides = array<i32>} : memref<16x1024xf32, #tpu.memory_space<vmem>>, vector<1x16xf32>,
        %get3A_1400 = vector.shape_cast %get3A_1399 : vector<1x16xf32> to vector<16xf32>
        %mul3A_1401 = arith.constant 3.200000e+01 : f32
        %mul3A_1402 = vector.broadcast %mul3A_1401 : f32 to vector<16xf32>
        %mul3A_1403 = arith.mulf %get3A_1400, %mul3A_1402 : vector<16xf32>
        %swap3A_1404 = arith.index_cast %scan3A_783 : i32 to index
        %swap3A_1405 = arith.constant 816 : index
        %swap3A_1406 = tpu.vector_load %arg11[%swap3A_1404, %swap3A_1405] {strides = array<i32>} : memref<16x1024xf32, #tpu.memory_space<vmem>>, vector<1x16xf32>,
        %swap3A_1407 = vector.shape_cast %swap3A_1406 : vector<1x16xf32> to vector<16xf32>
        %swap3A_1408 = vector.shape_cast %mul3A_1403 : vector<16xf32> to vector<1x16xf32>
        tpu.vector_store %arg11[%swap3A_1404, %swap3A_1405], %swap3A_1408 {strides = array<i32>} : memref<16x1024xf32, #tpu.memory_space<vmem>>, vector<1x16xf32>,
        %get3A_1409 = arith.index_cast %scan3A_783 : i32 to index
        %get3A_1410 = arith.constant 832 : index
        %get3A_1411 = tpu.vector_load %arg7[%get3A_1409, %get3A_1410] {strides = array<i32>} : memref<16x1024xf32, #tpu.memory_space<vmem>>, vector<1x16xf32>,
        %get3A_1412 = vector.shape_cast %get3A_1411 : vector<1x16xf32> to vector<16xf32>
        %mul3A_1413 = arith.constant 3.200000e+01 : f32
        %mul3A_1414 = vector.broadcast %mul3A_1413 : f32 to vector<16xf32>
        %mul3A_1415 = arith.mulf %get3A_1412, %mul3A_1414 : vector<16xf32>
        %swap3A_1416 = arith.index_cast %scan3A_783 : i32 to index
        %swap3A_1417 = arith.constant 832 : index
        %swap3A_1418 = tpu.vector_load %arg11[%swap3A_1416, %swap3A_1417] {strides = array<i32>} : memref<16x1024xf32, #tpu.memory_space<vmem>>, vector<1x16xf32>,
        %swap3A_1419 = vector.shape_cast %swap3A_1418 : vector<1x16xf32> to vector<16xf32>
        %swap3A_1420 = vector.shape_cast %mul3A_1415 : vector<16xf32> to vector<1x16xf32>
        tpu.vector_store %arg11[%swap3A_1416, %swap3A_1417], %swap3A_1420 {strides = array<i32>} : memref<16x1024xf32, #tpu.memory_space<vmem>>, vector<1x16xf32>,
        %get3A_1421 = arith.index_cast %scan3A_783 : i32 to index
        %get3A_1422 = arith.constant 848 : index
        %get3A_1423 = tpu.vector_load %arg7[%get3A_1421, %get3A_1422] {strides = array<i32>} : memref<16x1024xf32, #tpu.memory_space<vmem>>, vector<1x16xf32>,
        %get3A_1424 = vector.shape_cast %get3A_1423 : vector<1x16xf32> to vector<16xf32>
        %mul3A_1425 = arith.constant 3.200000e+01 : f32
        %mul3A_1426 = vector.broadcast %mul3A_1425 : f32 to vector<16xf32>
        %mul3A_1427 = arith.mulf %get3A_1424, %mul3A_1426 : vector<16xf32>
        %swap3A_1428 = arith.index_cast %scan3A_783 : i32 to index
        %swap3A_1429 = arith.constant 848 : index
        %swap3A_1430 = tpu.vector_load %arg11[%swap3A_1428, %swap3A_1429] {strides = array<i32>} : memref<16x1024xf32, #tpu.memory_space<vmem>>, vector<1x16xf32>,
        %swap3A_1431 = vector.shape_cast %swap3A_1430 : vector<1x16xf32> to vector<16xf32>
        %swap3A_1432 = vector.shape_cast %mul3A_1427 : vector<16xf32> to vector<1x16xf32>
        tpu.vector_store %arg11[%swap3A_1428, %swap3A_1429], %swap3A_1432 {strides = array<i32>} : memref<16x1024xf32, #tpu.memory_space<vmem>>, vector<1x16xf32>,
        %get3A_1433 = arith.index_cast %scan3A_783 : i32 to index
        %get3A_1434 = arith.constant 864 : index
        %get3A_1435 = tpu.vector_load %arg7[%get3A_1433, %get3A_1434] {strides = array<i32>} : memref<16x1024xf32, #tpu.memory_space<vmem>>, vector<1x16xf32>,
        %get3A_1436 = vector.shape_cast %get3A_1435 : vector<1x16xf32> to vector<16xf32>
        %mul3A_1437 = arith.constant 3.200000e+01 : f32
        %mul3A_1438 = vector.broadcast %mul3A_1437 : f32 to vector<16xf32>
        %mul3A_1439 = arith.mulf %get3A_1436, %mul3A_1438 : vector<16xf32>
        %swap3A_1440 = arith.index_cast %scan3A_783 : i32 to index
        %swap3A_1441 = arith.constant 864 : index
        %swap3A_1442 = tpu.vector_load %arg11[%swap3A_1440, %swap3A_1441] {strides = array<i32>} : memref<16x1024xf32, #tpu.memory_space<vmem>>, vector<1x16xf32>,
        %swap3A_1443 = vector.shape_cast %swap3A_1442 : vector<1x16xf32> to vector<16xf32>
        %swap3A_1444 = vector.shape_cast %mul3A_1439 : vector<16xf32> to vector<1x16xf32>
        tpu.vector_store %arg11[%swap3A_1440, %swap3A_1441], %swap3A_1444 {strides = array<i32>} : memref<16x1024xf32, #tpu.memory_space<vmem>>, vector<1x16xf32>,
        %get3A_1445 = arith.index_cast %scan3A_783 : i32 to index
        %get3A_1446 = arith.constant 880 : index
        %get3A_1447 = tpu.vector_load %arg7[%get3A_1445, %get3A_1446] {strides = array<i32>} : memref<16x1024xf32, #tpu.memory_space<vmem>>, vector<1x16xf32>,
        %get3A_1448 = vector.shape_cast %get3A_1447 : vector<1x16xf32> to vector<16xf32>
        %mul3A_1449 = arith.constant 3.200000e+01 : f32
        %mul3A_1450 = vector.broadcast %mul3A_1449 : f32 to vector<16xf32>
        %mul3A_1451 = arith.mulf %get3A_1448, %mul3A_1450 : vector<16xf32>
        %swap3A_1452 = arith.index_cast %scan3A_783 : i32 to index
        %swap3A_1453 = arith.constant 880 : index
        %swap3A_1454 = tpu.vector_load %arg11[%swap3A_1452, %swap3A_1453] {strides = array<i32>} : memref<16x1024xf32, #tpu.memory_space<vmem>>, vector<1x16xf32>,
        %swap3A_1455 = vector.shape_cast %swap3A_1454 : vector<1x16xf32> to vector<16xf32>
        %swap3A_1456 = vector.shape_cast %mul3A_1451 : vector<16xf32> to vector<1x16xf32>
        tpu.vector_store %arg11[%swap3A_1452, %swap3A_1453], %swap3A_1456 {strides = array<i32>} : memref<16x1024xf32, #tpu.memory_space<vmem>>, vector<1x16xf32>,
        %get3A_1457 = arith.index_cast %scan3A_783 : i32 to index
        %get3A_1458 = arith.constant 896 : index
        %get3A_1459 = tpu.vector_load %arg7[%get3A_1457, %get3A_1458] {strides = array<i32>} : memref<16x1024xf32, #tpu.memory_space<vmem>>, vector<1x16xf32>,
        %get3A_1460 = vector.shape_cast %get3A_1459 : vector<1x16xf32> to vector<16xf32>
        %mul3A_1461 = arith.constant 3.200000e+01 : f32
        %mul3A_1462 = vector.broadcast %mul3A_1461 : f32 to vector<16xf32>
        %mul3A_1463 = arith.mulf %get3A_1460, %mul3A_1462 : vector<16xf32>
        %swap3A_1464 = arith.index_cast %scan3A_783 : i32 to index
        %swap3A_1465 = arith.constant 896 : index
        %swap3A_1466 = tpu.vector_load %arg11[%swap3A_1464, %swap3A_1465] {strides = array<i32>} : memref<16x1024xf32, #tpu.memory_space<vmem>>, vector<1x16xf32>,
        %swap3A_1467 = vector.shape_cast %swap3A_1466 : vector<1x16xf32> to vector<16xf32>
        %swap3A_1468 = vector.shape_cast %mul3A_1463 : vector<16xf32> to vector<1x16xf32>
        tpu.vector_store %arg11[%swap3A_1464, %swap3A_1465], %swap3A_1468 {strides = array<i32>} : memref<16x1024xf32, #tpu.memory_space<vmem>>, vector<1x16xf32>,
        %get3A_1469 = arith.index_cast %scan3A_783 : i32 to index
        %get3A_1470 = arith.constant 912 : index
        %get3A_1471 = tpu.vector_load %arg7[%get3A_1469, %get3A_1470] {strides = array<i32>} : memref<16x1024xf32, #tpu.memory_space<vmem>>, vector<1x16xf32>,
        %get3A_1472 = vector.shape_cast %get3A_1471 : vector<1x16xf32> to vector<16xf32>
        %mul3A_1473 = arith.constant 3.200000e+01 : f32
        %mul3A_1474 = vector.broadcast %mul3A_1473 : f32 to vector<16xf32>
        %mul3A_1475 = arith.mulf %get3A_1472, %mul3A_1474 : vector<16xf32>
        %swap3A_1476 = arith.index_cast %scan3A_783 : i32 to index
        %swap3A_1477 = arith.constant 912 : index
        %swap3A_1478 = tpu.vector_load %arg11[%swap3A_1476, %swap3A_1477] {strides = array<i32>} : memref<16x1024xf32, #tpu.memory_space<vmem>>, vector<1x16xf32>,
        %swap3A_1479 = vector.shape_cast %swap3A_1478 : vector<1x16xf32> to vector<16xf32>
        %swap3A_1480 = vector.shape_cast %mul3A_1475 : vector<16xf32> to vector<1x16xf32>
        tpu.vector_store %arg11[%swap3A_1476, %swap3A_1477], %swap3A_1480 {strides = array<i32>} : memref<16x1024xf32, #tpu.memory_space<vmem>>, vector<1x16xf32>,
        %get3A_1481 = arith.index_cast %scan3A_783 : i32 to index
        %get3A_1482 = arith.constant 928 : index
        %get3A_1483 = tpu.vector_load %arg7[%get3A_1481, %get3A_1482] {strides = array<i32>} : memref<16x1024xf32, #tpu.memory_space<vmem>>, vector<1x16xf32>,
        %get3A_1484 = vector.shape_cast %get3A_1483 : vector<1x16xf32> to vector<16xf32>
        %mul3A_1485 = arith.constant 3.200000e+01 : f32
        %mul3A_1486 = vector.broadcast %mul3A_1485 : f32 to vector<16xf32>
        %mul3A_1487 = arith.mulf %get3A_1484, %mul3A_1486 : vector<16xf32>
        %swap3A_1488 = arith.index_cast %scan3A_783 : i32 to index
        %swap3A_1489 = arith.constant 928 : index
        %swap3A_1490 = tpu.vector_load %arg11[%swap3A_1488, %swap3A_1489] {strides = array<i32>} : memref<16x1024xf32, #tpu.memory_space<vmem>>, vector<1x16xf32>,
        %swap3A_1491 = vector.shape_cast %swap3A_1490 : vector<1x16xf32> to vector<16xf32>
        %swap3A_1492 = vector.shape_cast %mul3A_1487 : vector<16xf32> to vector<1x16xf32>
        tpu.vector_store %arg11[%swap3A_1488, %swap3A_1489], %swap3A_1492 {strides = array<i32>} : memref<16x1024xf32, #tpu.memory_space<vmem>>, vector<1x16xf32>,
        %get3A_1493 = arith.index_cast %scan3A_783 : i32 to index
        %get3A_1494 = arith.constant 944 : index
        %get3A_1495 = tpu.vector_load %arg7[%get3A_1493, %get3A_1494] {strides = array<i32>} : memref<16x1024xf32, #tpu.memory_space<vmem>>, vector<1x16xf32>,
        %get3A_1496 = vector.shape_cast %get3A_1495 : vector<1x16xf32> to vector<16xf32>
        %mul3A_1497 = arith.constant 3.200000e+01 : f32
        %mul3A_1498 = vector.broadcast %mul3A_1497 : f32 to vector<16xf32>
        %mul3A_1499 = arith.mulf %get3A_1496, %mul3A_1498 : vector<16xf32>
        %swap3A_1500 = arith.index_cast %scan3A_783 : i32 to index
        %swap3A_1501 = arith.constant 944 : index
        %swap3A_1502 = tpu.vector_load %arg11[%swap3A_1500, %swap3A_1501] {strides = array<i32>} : memref<16x1024xf32, #tpu.memory_space<vmem>>, vector<1x16xf32>,
        %swap3A_1503 = vector.shape_cast %swap3A_1502 : vector<1x16xf32> to vector<16xf32>
        %swap3A_1504 = vector.shape_cast %mul3A_1499 : vector<16xf32> to vector<1x16xf32>
        tpu.vector_store %arg11[%swap3A_1500, %swap3A_1501], %swap3A_1504 {strides = array<i32>} : memref<16x1024xf32, #tpu.memory_space<vmem>>, vector<1x16xf32>,
        %get3A_1505 = arith.index_cast %scan3A_783 : i32 to index
        %get3A_1506 = arith.constant 960 : index
        %get3A_1507 = tpu.vector_load %arg7[%get3A_1505, %get3A_1506] {strides = array<i32>} : memref<16x1024xf32, #tpu.memory_space<vmem>>, vector<1x16xf32>,
        %get3A_1508 = vector.shape_cast %get3A_1507 : vector<1x16xf32> to vector<16xf32>
        %mul3A_1509 = arith.constant 3.200000e+01 : f32
        %mul3A_1510 = vector.broadcast %mul3A_1509 : f32 to vector<16xf32>
        %mul3A_1511 = arith.mulf %get3A_1508, %mul3A_1510 : vector<16xf32>
        %swap3A_1512 = arith.index_cast %scan3A_783 : i32 to index
        %swap3A_1513 = arith.constant 960 : index
        %swap3A_1514 = tpu.vector_load %arg11[%swap3A_1512, %swap3A_1513] {strides = array<i32>} : memref<16x1024xf32, #tpu.memory_space<vmem>>, vector<1x16xf32>,
        %swap3A_1515 = vector.shape_cast %swap3A_1514 : vector<1x16xf32> to vector<16xf32>
        %swap3A_1516 = vector.shape_cast %mul3A_1511 : vector<16xf32> to vector<1x16xf32>
        tpu.vector_store %arg11[%swap3A_1512, %swap3A_1513], %swap3A_1516 {strides = array<i32>} : memref<16x1024xf32, #tpu.memory_space<vmem>>, vector<1x16xf32>,
        %get3A_1517 = arith.index_cast %scan3A_783 : i32 to index
        %get3A_1518 = arith.constant 976 : index
        %get3A_1519 = tpu.vector_load %arg7[%get3A_1517, %get3A_1518] {strides = array<i32>} : memref<16x1024xf32, #tpu.memory_space<vmem>>, vector<1x16xf32>,
        %get3A_1520 = vector.shape_cast %get3A_1519 : vector<1x16xf32> to vector<16xf32>
        %mul3A_1521 = arith.constant 3.200000e+01 : f32
        %mul3A_1522 = vector.broadcast %mul3A_1521 : f32 to vector<16xf32>
        %mul3A_1523 = arith.mulf %get3A_1520, %mul3A_1522 : vector<16xf32>
        %swap3A_1524 = arith.index_cast %scan3A_783 : i32 to index
        %swap3A_1525 = arith.constant 976 : index
        %swap3A_1526 = tpu.vector_load %arg11[%swap3A_1524, %swap3A_1525] {strides = array<i32>} : memref<16x1024xf32, #tpu.memory_space<vmem>>, vector<1x16xf32>,
        %swap3A_1527 = vector.shape_cast %swap3A_1526 : vector<1x16xf32> to vector<16xf32>
        %swap3A_1528 = vector.shape_cast %mul3A_1523 : vector<16xf32> to vector<1x16xf32>
        tpu.vector_store %arg11[%swap3A_1524, %swap3A_1525], %swap3A_1528 {strides = array<i32>} : memref<16x1024xf32, #tpu.memory_space<vmem>>, vector<1x16xf32>,
        %get3A_1529 = arith.index_cast %scan3A_783 : i32 to index
        %get3A_1530 = arith.constant 992 : index
        %get3A_1531 = tpu.vector_load %arg7[%get3A_1529, %get3A_1530] {strides = array<i32>} : memref<16x1024xf32, #tpu.memory_space<vmem>>, vector<1x16xf32>,
        %get3A_1532 = vector.shape_cast %get3A_1531 : vector<1x16xf32> to vector<16xf32>
        %mul3A_1533 = arith.constant 3.200000e+01 : f32
        %mul3A_1534 = vector.broadcast %mul3A_1533 : f32 to vector<16xf32>
        %mul3A_1535 = arith.mulf %get3A_1532, %mul3A_1534 : vector<16xf32>
        %swap3A_1536 = arith.index_cast %scan3A_783 : i32 to index
        %swap3A_1537 = arith.constant 992 : index
        %swap3A_1538 = tpu.vector_load %arg11[%swap3A_1536, %swap3A_1537] {strides = array<i32>} : memref<16x1024xf32, #tpu.memory_space<vmem>>, vector<1x16xf32>,
        %swap3A_1539 = vector.shape_cast %swap3A_1538 : vector<1x16xf32> to vector<16xf32>
        %swap3A_1540 = vector.shape_cast %mul3A_1535 : vector<16xf32> to vector<1x16xf32>
        tpu.vector_store %arg11[%swap3A_1536, %swap3A_1537], %swap3A_1540 {strides = array<i32>} : memref<16x1024xf32, #tpu.memory_space<vmem>>, vector<1x16xf32>,
        %get3A_1541 = arith.index_cast %scan3A_783 : i32 to index
        %get3A_1542 = arith.constant 1008 : index
        %get3A_1543 = tpu.vector_load %arg7[%get3A_1541, %get3A_1542] {strides = array<i32>} : memref<16x1024xf32, #tpu.memory_space<vmem>>, vector<1x16xf32>,
        %get3A_1544 = vector.shape_cast %get3A_1543 : vector<1x16xf32> to vector<16xf32>
        %mul3A_1545 = arith.constant 3.200000e+01 : f32
        %mul3A_1546 = vector.broadcast %mul3A_1545 : f32 to vector<16xf32>
        %mul3A_1547 = arith.mulf %get3A_1544, %mul3A_1546 : vector<16xf32>
        %swap3A_1548 = arith.index_cast %scan3A_783 : i32 to index
        %swap3A_1549 = arith.constant 1008 : index
        %swap3A_1550 = tpu.vector_load %arg11[%swap3A_1548, %swap3A_1549] {strides = array<i32>} : memref<16x1024xf32, #tpu.memory_space<vmem>>, vector<1x16xf32>,
        %swap3A_1551 = vector.shape_cast %swap3A_1550 : vector<1x16xf32> to vector<16xf32>
        %swap3A_1552 = vector.shape_cast %mul3A_1547 : vector<16xf32> to vector<1x16xf32>
        tpu.vector_store %arg11[%swap3A_1548, %swap3A_1549], %swap3A_1552 {strides = array<i32>} : memref<16x1024xf32, #tpu.memory_space<vmem>>, vector<1x16xf32>,
        %scan3A_1553 = arith.constant 0 : i32
        scf.yield %scan3A_1553 : i32
      }
      %scan3A_669 = arith.constant 16 : i32
      %mul3A_670 = arith.constant 16 : i32
      %mul3A_671 = arith.muli %add3A_654, %mul3A_670 : i32
      %add3A_672 = arith.addi %mul3A_2, %mul3A_671 : i32
      %dma_start3A_673 = arith.constant 0 : i32
      %dma_start3A_674 = tpu.memref_slice %arg4[%add3A_672, %dma_start3A_673] : memref<32768x1024xf32, #tpu.memory_space<hbm>> -> memref<16x1024xf32, #tpu.memory_space<hbm>>
      %dma_start3A_675 = arith.constant 0 : i32
      %dma_start3A_676 = tpu.memref_slice %arg4[%add3A_672, %dma_start3A_675] : memref<32768x1024xf32, #tpu.memory_space<hbm>> -> memref<16x1024xf32, #tpu.memory_space<hbm>>
      tpu.enqueue_dma source(%arg11 : memref<16x1024xf32, #tpu.memory_space<vmem>>) target(%dma_start3A_676 : memref<16x1024xf32, #tpu.memory_space<hbm>>) target_semaphore(%arg17 : memref<!tpu.dma_semaphore, #tpu.memory_space<semaphore_mem>>)
      %lt3A_677 = arith.constant 15 : i32
      %lt3A_678 = arith.cmpi slt, %scan3A_649, %lt3A_677 : i32
      %convert_element_type3A_679 = arith.extui %lt3A_678 : i1 to i32
      %cond3A_680 = arith.constant 0 : i32
      %cond3A_681 = arith.cmpi ne, %convert_element_type3A_679, %cond3A_680 : i32
      scf.if %cond3A_681 {
        %add3A_783 = arith.constant 4 : i32
        %add3A_784 = arith.addi %add3A_654, %add3A_783 : i32
        %dma_start3A_785 = arith.constant 0 : i32
        %dma_start3A_786 = tpu.memref_slice %arg6[%add3A_784, %dma_start3A_785] : memref<64x16xi32, #tpu.memory_space<vmem>> -> memref<1x16xi32, #tpu.memory_space<vmem>>
        %dma_start3A_787 = tpu.memref_squeeze %dma_start3A_786 : memref<1x16xi32, #tpu.memory_space<vmem>> -> memref<16xi32, #tpu.memory_space<vmem>>
        %dma_start3A_788 = arith.constant 0 : i32
        %dma_start3A_789 = arith.constant 0 : i32
        %dma_start3A_790 = tpu.memref_slice %arg3[%dma_start3A_788, %dma_start3A_789] : memref<100000x1024xf32, #tpu.memory_space<hbm>> -> memref<100000x1024xf32, #tpu.memory_space<hbm>>
        tpu.enqueue_indirect_dma source(%dma_start3A_790 : memref<100000x1024xf32, #tpu.memory_space<hbm>>) target(%arg7 : memref<16x1024xf32, #tpu.memory_space<vmem>>) offsets(%dma_start3A_787 : memref<16xi32, #tpu.memory_space<vmem>>) semaphore(%arg13 : memref<!tpu.dma_semaphore, #tpu.memory_space<semaphore_mem>>)
      } else {
      }
      %mul3A_682 = arith.constant 4 : i32
      %mul3A_683 = arith.muli %scan3A_649, %mul3A_682 : i32
      %add3A_684 = arith.constant 1 : i32
      %add3A_685 = arith.addi %mul3A_683, %add3A_684 : i32
      %dma_wait3A_686 = arith.constant 0 : i32
      %dma_wait3A_687 = arith.constant 0 : i32
      %dma_wait3A_688 = tpu.memref_slice %arg3[%dma_wait3A_686, %dma_wait3A_687] : memref<100000x1024xf32, #tpu.memory_space<hbm>> -> memref<16x1024xf32, #tpu.memory_space<hbm>>
      %dma_wait3A_689 = arith.constant 0 : i32
      %dma_wait3A_690 = arith.constant 0 : i32
      %dma_wait3A_691 = tpu.memref_slice %arg3[%dma_wait3A_689, %dma_wait3A_690] : memref<100000x1024xf32, #tpu.memory_space<hbm>> -> memref<16x1024xf32, #tpu.memory_space<hbm>>
      tpu.wait_dma2 semaphore(%arg14 : memref<!tpu.dma_semaphore, #tpu.memory_space<semaphore_mem>>) src(%dma_wait3A_691 : memref<16x1024xf32, #tpu.memory_space<hbm>>) dst(%arg8 : memref<16x1024xf32, #tpu.memory_space<vmem>>)
      %gt3A_692 = arith.constant 0 : i32
      %gt3A_693 = arith.cmpi sgt, %scan3A_649, %gt3A_692 : i32
      %convert_element_type3A_694 = arith.extui %gt3A_693 : i1 to i32
      %cond3A_695 = arith.constant 0 : i32
      %cond3A_696 = arith.cmpi ne, %convert_element_type3A_694, %cond3A_695 : i32
      scf.if %cond3A_696 {
        %dma_wait3A_783 = arith.constant 0 : i32
        %dma_wait3A_784 = tpu.memref_slice %arg4[%mul3A_2, %dma_wait3A_783] : memref<32768x1024xf32, #tpu.memory_space<hbm>> -> memref<16x1024xf32, #tpu.memory_space<hbm>>
        %dma_wait3A_785 = arith.constant 0 : i32
        %dma_wait3A_786 = tpu.memref_slice %arg4[%mul3A_2, %dma_wait3A_785] : memref<32768x1024xf32, #tpu.memory_space<hbm>> -> memref<16x1024xf32, #tpu.memory_space<hbm>>
        tpu.wait_dma2 semaphore(%arg18 : memref<!tpu.dma_semaphore, #tpu.memory_space<semaphore_mem>>) src(%arg12 : memref<16x1024xf32, #tpu.memory_space<vmem>>) dst(%dma_wait3A_786 : memref<16x1024xf32, #tpu.memory_space<hbm>>)
      } else {
      }
      %scan3A_697 = arith.constant 0 : i32
      %scan3A_698 = arith.constant 0 : i32
      %scan3A_699 = arith.constant 16 : i32
      %scan3A_700 = arith.addi %scan3A_698, %scan3A_699 : i32
      %scan3A_701 = arith.constant 1 : i32
      %scan3A_702 = scf.for %scan3A_783 = %scan3A_698 to %scan3A_700 step %scan3A_701 iter_args(%scan3A_784 = %scan3A_697) -> (i32)  : i32 {
        %get3A_785 = arith.index_cast %scan3A_783 : i32 to index
        %get3A_786 = arith.constant 0 : index
        %get3A_787 = tpu.vector_load %arg8[%get3A_785, %get3A_786] {strides = array<i32>} : memref<16x1024xf32, #tpu.memory_space<vmem>>, vector<1x16xf32>,
        %get3A_788 = vector.shape_cast %get3A_787 : vector<1x16xf32> to vector<16xf32>
        %mul3A_789 = arith.constant 3.200000e+01 : f32
        %mul3A_790 = vector.broadcast %mul3A_789 : f32 to vector<16xf32>
        %mul3A_791 = arith.mulf %get3A_788, %mul3A_790 : vector<16xf32>
        %swap3A_792 = arith.index_cast %scan3A_783 : i32 to index
        %swap3A_793 = arith.constant 0 : index
        %swap3A_794 = tpu.vector_load %arg12[%swap3A_792, %swap3A_793] {strides = array<i32>} : memref<16x1024xf32, #tpu.memory_space<vmem>>, vector<1x16xf32>,
        %swap3A_795 = vector.shape_cast %swap3A_794 : vector<1x16xf32> to vector<16xf32>
        %swap3A_796 = vector.shape_cast %mul3A_791 : vector<16xf32> to vector<1x16xf32>
        tpu.vector_store %arg12[%swap3A_792, %swap3A_793], %swap3A_796 {strides = array<i32>} : memref<16x1024xf32, #tpu.memory_space<vmem>>, vector<1x16xf32>,
        %get3A_797 = arith.index_cast %scan3A_783 : i32 to index
        %get3A_798 = arith.constant 16 : index
        %get3A_799 = tpu.vector_load %arg8[%get3A_797, %get3A_798] {strides = array<i32>} : memref<16x1024xf32, #tpu.memory_space<vmem>>, vector<1x16xf32>,
        %get3A_800 = vector.shape_cast %get3A_799 : vector<1x16xf32> to vector<16xf32>
        %mul3A_801 = arith.constant 3.200000e+01 : f32
        %mul3A_802 = vector.broadcast %mul3A_801 : f32 to vector<16xf32>
        %mul3A_803 = arith.mulf %get3A_800, %mul3A_802 : vector<16xf32>
        %swap3A_804 = arith.index_cast %scan3A_783 : i32 to index
        %swap3A_805 = arith.constant 16 : index
        %swap3A_806 = tpu.vector_load %arg12[%swap3A_804, %swap3A_805] {strides = array<i32>} : memref<16x1024xf32, #tpu.memory_space<vmem>>, vector<1x16xf32>,
        %swap3A_807 = vector.shape_cast %swap3A_806 : vector<1x16xf32> to vector<16xf32>
        %swap3A_808 = vector.shape_cast %mul3A_803 : vector<16xf32> to vector<1x16xf32>
        tpu.vector_store %arg12[%swap3A_804, %swap3A_805], %swap3A_808 {strides = array<i32>} : memref<16x1024xf32, #tpu.memory_space<vmem>>, vector<1x16xf32>,
        %get3A_809 = arith.index_cast %scan3A_783 : i32 to index
        %get3A_810 = arith.constant 32 : index
        %get3A_811 = tpu.vector_load %arg8[%get3A_809, %get3A_810] {strides = array<i32>} : memref<16x1024xf32, #tpu.memory_space<vmem>>, vector<1x16xf32>,
        %get3A_812 = vector.shape_cast %get3A_811 : vector<1x16xf32> to vector<16xf32>
        %mul3A_813 = arith.constant 3.200000e+01 : f32
        %mul3A_814 = vector.broadcast %mul3A_813 : f32 to vector<16xf32>
        %mul3A_815 = arith.mulf %get3A_812, %mul3A_814 : vector<16xf32>
        %swap3A_816 = arith.index_cast %scan3A_783 : i32 to index
        %swap3A_817 = arith.constant 32 : index
        %swap3A_818 = tpu.vector_load %arg12[%swap3A_816, %swap3A_817] {strides = array<i32>} : memref<16x1024xf32, #tpu.memory_space<vmem>>, vector<1x16xf32>,
        %swap3A_819 = vector.shape_cast %swap3A_818 : vector<1x16xf32> to vector<16xf32>
        %swap3A_820 = vector.shape_cast %mul3A_815 : vector<16xf32> to vector<1x16xf32>
        tpu.vector_store %arg12[%swap3A_816, %swap3A_817], %swap3A_820 {strides = array<i32>} : memref<16x1024xf32, #tpu.memory_space<vmem>>, vector<1x16xf32>,
        %get3A_821 = arith.index_cast %scan3A_783 : i32 to index
        %get3A_822 = arith.constant 48 : index
        %get3A_823 = tpu.vector_load %arg8[%get3A_821, %get3A_822] {strides = array<i32>} : memref<16x1024xf32, #tpu.memory_space<vmem>>, vector<1x16xf32>,
        %get3A_824 = vector.shape_cast %get3A_823 : vector<1x16xf32> to vector<16xf32>
        %mul3A_825 = arith.constant 3.200000e+01 : f32
        %mul3A_826 = vector.broadcast %mul3A_825 : f32 to vector<16xf32>
        %mul3A_827 = arith.mulf %get3A_824, %mul3A_826 : vector<16xf32>
        %swap3A_828 = arith.index_cast %scan3A_783 : i32 to index
        %swap3A_829 = arith.constant 48 : index
        %swap3A_830 = tpu.vector_load %arg12[%swap3A_828, %swap3A_829] {strides = array<i32>} : memref<16x1024xf32, #tpu.memory_space<vmem>>, vector<1x16xf32>,
        %swap3A_831 = vector.shape_cast %swap3A_830 : vector<1x16xf32> to vector<16xf32>
        %swap3A_832 = vector.shape_cast %mul3A_827 : vector<16xf32> to vector<1x16xf32>
        tpu.vector_store %arg12[%swap3A_828, %swap3A_829], %swap3A_832 {strides = array<i32>} : memref<16x1024xf32, #tpu.memory_space<vmem>>, vector<1x16xf32>,
        %get3A_833 = arith.index_cast %scan3A_783 : i32 to index
        %get3A_834 = arith.constant 64 : index
        %get3A_835 = tpu.vector_load %arg8[%get3A_833, %get3A_834] {strides = array<i32>} : memref<16x1024xf32, #tpu.memory_space<vmem>>, vector<1x16xf32>,
        %get3A_836 = vector.shape_cast %get3A_835 : vector<1x16xf32> to vector<16xf32>
        %mul3A_837 = arith.constant 3.200000e+01 : f32
        %mul3A_838 = vector.broadcast %mul3A_837 : f32 to vector<16xf32>
        %mul3A_839 = arith.mulf %get3A_836, %mul3A_838 : vector<16xf32>
        %swap3A_840 = arith.index_cast %scan3A_783 : i32 to index
        %swap3A_841 = arith.constant 64 : index
        %swap3A_842 = tpu.vector_load %arg12[%swap3A_840, %swap3A_841] {strides = array<i32>} : memref<16x1024xf32, #tpu.memory_space<vmem>>, vector<1x16xf32>,
        %swap3A_843 = vector.shape_cast %swap3A_842 : vector<1x16xf32> to vector<16xf32>
        %swap3A_844 = vector.shape_cast %mul3A_839 : vector<16xf32> to vector<1x16xf32>
        tpu.vector_store %arg12[%swap3A_840, %swap3A_841], %swap3A_844 {strides = array<i32>} : memref<16x1024xf32, #tpu.memory_space<vmem>>, vector<1x16xf32>,
        %get3A_845 = arith.index_cast %scan3A_783 : i32 to index
        %get3A_846 = arith.constant 80 : index
        %get3A_847 = tpu.vector_load %arg8[%get3A_845, %get3A_846] {strides = array<i32>} : memref<16x1024xf32, #tpu.memory_space<vmem>>, vector<1x16xf32>,
        %get3A_848 = vector.shape_cast %get3A_847 : vector<1x16xf32> to vector<16xf32>
        %mul3A_849 = arith.constant 3.200000e+01 : f32
        %mul3A_850 = vector.broadcast %mul3A_849 : f32 to vector<16xf32>
        %mul3A_851 = arith.mulf %get3A_848, %mul3A_850 : vector<16xf32>
        %swap3A_852 = arith.index_cast %scan3A_783 : i32 to index
        %swap3A_853 = arith.constant 80 : index
        %swap3A_854 = tpu.vector_load %arg12[%swap3A_852, %swap3A_853] {strides = array<i32>} : memref<16x1024xf32, #tpu.memory_space<vmem>>, vector<1x16xf32>,
        %swap3A_855 = vector.shape_cast %swap3A_854 : vector<1x16xf32> to vector<16xf32>
        %swap3A_856 = vector.shape_cast %mul3A_851 : vector<16xf32> to vector<1x16xf32>
        tpu.vector_store %arg12[%swap3A_852, %swap3A_853], %swap3A_856 {strides = array<i32>} : memref<16x1024xf32, #tpu.memory_space<vmem>>, vector<1x16xf32>,
        %get3A_857 = arith.index_cast %scan3A_783 : i32 to index
        %get3A_858 = arith.constant 96 : index
        %get3A_859 = tpu.vector_load %arg8[%get3A_857, %get3A_858] {strides = array<i32>} : memref<16x1024xf32, #tpu.memory_space<vmem>>, vector<1x16xf32>,
        %get3A_860 = vector.shape_cast %get3A_859 : vector<1x16xf32> to vector<16xf32>
        %mul3A_861 = arith.constant 3.200000e+01 : f32
        %mul3A_862 = vector.broadcast %mul3A_861 : f32 to vector<16xf32>
        %mul3A_863 = arith.mulf %get3A_860, %mul3A_862 : vector<16xf32>
        %swap3A_864 = arith.index_cast %scan3A_783 : i32 to index
        %swap3A_865 = arith.constant 96 : index
        %swap3A_866 = tpu.vector_load %arg12[%swap3A_864, %swap3A_865] {strides = array<i32>} : memref<16x1024xf32, #tpu.memory_space<vmem>>, vector<1x16xf32>,
        %swap3A_867 = vector.shape_cast %swap3A_866 : vector<1x16xf32> to vector<16xf32>
        %swap3A_868 = vector.shape_cast %mul3A_863 : vector<16xf32> to vector<1x16xf32>
        tpu.vector_store %arg12[%swap3A_864, %swap3A_865], %swap3A_868 {strides = array<i32>} : memref<16x1024xf32, #tpu.memory_space<vmem>>, vector<1x16xf32>,
        %get3A_869 = arith.index_cast %scan3A_783 : i32 to index
        %get3A_870 = arith.constant 112 : index
        %get3A_871 = tpu.vector_load %arg8[%get3A_869, %get3A_870] {strides = array<i32>} : memref<16x1024xf32, #tpu.memory_space<vmem>>, vector<1x16xf32>,
        %get3A_872 = vector.shape_cast %get3A_871 : vector<1x16xf32> to vector<16xf32>
        %mul3A_873 = arith.constant 3.200000e+01 : f32
        %mul3A_874 = vector.broadcast %mul3A_873 : f32 to vector<16xf32>
        %mul3A_875 = arith.mulf %get3A_872, %mul3A_874 : vector<16xf32>
        %swap3A_876 = arith.index_cast %scan3A_783 : i32 to index
        %swap3A_877 = arith.constant 112 : index
        %swap3A_878 = tpu.vector_load %arg12[%swap3A_876, %swap3A_877] {strides = array<i32>} : memref<16x1024xf32, #tpu.memory_space<vmem>>, vector<1x16xf32>,
        %swap3A_879 = vector.shape_cast %swap3A_878 : vector<1x16xf32> to vector<16xf32>
        %swap3A_880 = vector.shape_cast %mul3A_875 : vector<16xf32> to vector<1x16xf32>
        tpu.vector_store %arg12[%swap3A_876, %swap3A_877], %swap3A_880 {strides = array<i32>} : memref<16x1024xf32, #tpu.memory_space<vmem>>, vector<1x16xf32>,
        %get3A_881 = arith.index_cast %scan3A_783 : i32 to index
        %get3A_882 = arith.constant 128 : index
        %get3A_883 = tpu.vector_load %arg8[%get3A_881, %get3A_882] {strides = array<i32>} : memref<16x1024xf32, #tpu.memory_space<vmem>>, vector<1x16xf32>,
        %get3A_884 = vector.shape_cast %get3A_883 : vector<1x16xf32> to vector<16xf32>
        %mul3A_885 = arith.constant 3.200000e+01 : f32
        %mul3A_886 = vector.broadcast %mul3A_885 : f32 to vector<16xf32>
        %mul3A_887 = arith.mulf %get3A_884, %mul3A_886 : vector<16xf32>
        %swap3A_888 = arith.index_cast %scan3A_783 : i32 to index
        %swap3A_889 = arith.constant 128 : index
        %swap3A_890 = tpu.vector_load %arg12[%swap3A_888, %swap3A_889] {strides = array<i32>} : memref<16x1024xf32, #tpu.memory_space<vmem>>, vector<1x16xf32>,
        %swap3A_891 = vector.shape_cast %swap3A_890 : vector<1x16xf32> to vector<16xf32>
        %swap3A_892 = vector.shape_cast %mul3A_887 : vector<16xf32> to vector<1x16xf32>
        tpu.vector_store %arg12[%swap3A_888, %swap3A_889], %swap3A_892 {strides = array<i32>} : memref<16x1024xf32, #tpu.memory_space<vmem>>, vector<1x16xf32>,
        %get3A_893 = arith.index_cast %scan3A_783 : i32 to index
        %get3A_894 = arith.constant 144 : index
        %get3A_895 = tpu.vector_load %arg8[%get3A_893, %get3A_894] {strides = array<i32>} : memref<16x1024xf32, #tpu.memory_space<vmem>>, vector<1x16xf32>,
        %get3A_896 = vector.shape_cast %get3A_895 : vector<1x16xf32> to vector<16xf32>
        %mul3A_897 = arith.constant 3.200000e+01 : f32
        %mul3A_898 = vector.broadcast %mul3A_897 : f32 to vector<16xf32>
        %mul3A_899 = arith.mulf %get3A_896, %mul3A_898 : vector<16xf32>
        %swap3A_900 = arith.index_cast %scan3A_783 : i32 to index
        %swap3A_901 = arith.constant 144 : index
        %swap3A_902 = tpu.vector_load %arg12[%swap3A_900, %swap3A_901] {strides = array<i32>} : memref<16x1024xf32, #tpu.memory_space<vmem>>, vector<1x16xf32>,
        %swap3A_903 = vector.shape_cast %swap3A_902 : vector<1x16xf32> to vector<16xf32>
        %swap3A_904 = vector.shape_cast %mul3A_899 : vector<16xf32> to vector<1x16xf32>
        tpu.vector_store %arg12[%swap3A_900, %swap3A_901], %swap3A_904 {strides = array<i32>} : memref<16x1024xf32, #tpu.memory_space<vmem>>, vector<1x16xf32>,
        %get3A_905 = arith.index_cast %scan3A_783 : i32 to index
        %get3A_906 = arith.constant 160 : index
        %get3A_907 = tpu.vector_load %arg8[%get3A_905, %get3A_906] {strides = array<i32>} : memref<16x1024xf32, #tpu.memory_space<vmem>>, vector<1x16xf32>,
        %get3A_908 = vector.shape_cast %get3A_907 : vector<1x16xf32> to vector<16xf32>
        %mul3A_909 = arith.constant 3.200000e+01 : f32
        %mul3A_910 = vector.broadcast %mul3A_909 : f32 to vector<16xf32>
        %mul3A_911 = arith.mulf %get3A_908, %mul3A_910 : vector<16xf32>
        %swap3A_912 = arith.index_cast %scan3A_783 : i32 to index
        %swap3A_913 = arith.constant 160 : index
        %swap3A_914 = tpu.vector_load %arg12[%swap3A_912, %swap3A_913] {strides = array<i32>} : memref<16x1024xf32, #tpu.memory_space<vmem>>, vector<1x16xf32>,
        %swap3A_915 = vector.shape_cast %swap3A_914 : vector<1x16xf32> to vector<16xf32>
        %swap3A_916 = vector.shape_cast %mul3A_911 : vector<16xf32> to vector<1x16xf32>
        tpu.vector_store %arg12[%swap3A_912, %swap3A_913], %swap3A_916 {strides = array<i32>} : memref<16x1024xf32, #tpu.memory_space<vmem>>, vector<1x16xf32>,
        %get3A_917 = arith.index_cast %scan3A_783 : i32 to index
        %get3A_918 = arith.constant 176 : index
        %get3A_919 = tpu.vector_load %arg8[%get3A_917, %get3A_918] {strides = array<i32>} : memref<16x1024xf32, #tpu.memory_space<vmem>>, vector<1x16xf32>,
        %get3A_920 = vector.shape_cast %get3A_919 : vector<1x16xf32> to vector<16xf32>
        %mul3A_921 = arith.constant 3.200000e+01 : f32
        %mul3A_922 = vector.broadcast %mul3A_921 : f32 to vector<16xf32>
        %mul3A_923 = arith.mulf %get3A_920, %mul3A_922 : vector<16xf32>
        %swap3A_924 = arith.index_cast %scan3A_783 : i32 to index
        %swap3A_925 = arith.constant 176 : index
        %swap3A_926 = tpu.vector_load %arg12[%swap3A_924, %swap3A_925] {strides = array<i32>} : memref<16x1024xf32, #tpu.memory_space<vmem>>, vector<1x16xf32>,
        %swap3A_927 = vector.shape_cast %swap3A_926 : vector<1x16xf32> to vector<16xf32>
        %swap3A_928 = vector.shape_cast %mul3A_923 : vector<16xf32> to vector<1x16xf32>
        tpu.vector_store %arg12[%swap3A_924, %swap3A_925], %swap3A_928 {strides = array<i32>} : memref<16x1024xf32, #tpu.memory_space<vmem>>, vector<1x16xf32>,
        %get3A_929 = arith.index_cast %scan3A_783 : i32 to index
        %get3A_930 = arith.constant 192 : index
        %get3A_931 = tpu.vector_load %arg8[%get3A_929, %get3A_930] {strides = array<i32>} : memref<16x1024xf32, #tpu.memory_space<vmem>>, vector<1x16xf32>,
        %get3A_932 = vector.shape_cast %get3A_931 : vector<1x16xf32> to vector<16xf32>
        %mul3A_933 = arith.constant 3.200000e+01 : f32
        %mul3A_934 = vector.broadcast %mul3A_933 : f32 to vector<16xf32>
        %mul3A_935 = arith.mulf %get3A_932, %mul3A_934 : vector<16xf32>
        %swap3A_936 = arith.index_cast %scan3A_783 : i32 to index
        %swap3A_937 = arith.constant 192 : index
        %swap3A_938 = tpu.vector_load %arg12[%swap3A_936, %swap3A_937] {strides = array<i32>} : memref<16x1024xf32, #tpu.memory_space<vmem>>, vector<1x16xf32>,
        %swap3A_939 = vector.shape_cast %swap3A_938 : vector<1x16xf32> to vector<16xf32>
        %swap3A_940 = vector.shape_cast %mul3A_935 : vector<16xf32> to vector<1x16xf32>
        tpu.vector_store %arg12[%swap3A_936, %swap3A_937], %swap3A_940 {strides = array<i32>} : memref<16x1024xf32, #tpu.memory_space<vmem>>, vector<1x16xf32>,
        %get3A_941 = arith.index_cast %scan3A_783 : i32 to index
        %get3A_942 = arith.constant 208 : index
        %get3A_943 = tpu.vector_load %arg8[%get3A_941, %get3A_942] {strides = array<i32>} : memref<16x1024xf32, #tpu.memory_space<vmem>>, vector<1x16xf32>,
        %get3A_944 = vector.shape_cast %get3A_943 : vector<1x16xf32> to vector<16xf32>
        %mul3A_945 = arith.constant 3.200000e+01 : f32
        %mul3A_946 = vector.broadcast %mul3A_945 : f32 to vector<16xf32>
        %mul3A_947 = arith.mulf %get3A_944, %mul3A_946 : vector<16xf32>
        %swap3A_948 = arith.index_cast %scan3A_783 : i32 to index
        %swap3A_949 = arith.constant 208 : index
        %swap3A_950 = tpu.vector_load %arg12[%swap3A_948, %swap3A_949] {strides = array<i32>} : memref<16x1024xf32, #tpu.memory_space<vmem>>, vector<1x16xf32>,
        %swap3A_951 = vector.shape_cast %swap3A_950 : vector<1x16xf32> to vector<16xf32>
        %swap3A_952 = vector.shape_cast %mul3A_947 : vector<16xf32> to vector<1x16xf32>
        tpu.vector_store %arg12[%swap3A_948, %swap3A_949], %swap3A_952 {strides = array<i32>} : memref<16x1024xf32, #tpu.memory_space<vmem>>, vector<1x16xf32>,
        %get3A_953 = arith.index_cast %scan3A_783 : i32 to index
        %get3A_954 = arith.constant 224 : index
        %get3A_955 = tpu.vector_load %arg8[%get3A_953, %get3A_954] {strides = array<i32>} : memref<16x1024xf32, #tpu.memory_space<vmem>>, vector<1x16xf32>,
        %get3A_956 = vector.shape_cast %get3A_955 : vector<1x16xf32> to vector<16xf32>
        %mul3A_957 = arith.constant 3.200000e+01 : f32
        %mul3A_958 = vector.broadcast %mul3A_957 : f32 to vector<16xf32>
        %mul3A_959 = arith.mulf %get3A_956, %mul3A_958 : vector<16xf32>
        %swap3A_960 = arith.index_cast %scan3A_783 : i32 to index
        %swap3A_961 = arith.constant 224 : index
        %swap3A_962 = tpu.vector_load %arg12[%swap3A_960, %swap3A_961] {strides = array<i32>} : memref<16x1024xf32, #tpu.memory_space<vmem>>, vector<1x16xf32>,
        %swap3A_963 = vector.shape_cast %swap3A_962 : vector<1x16xf32> to vector<16xf32>
        %swap3A_964 = vector.shape_cast %mul3A_959 : vector<16xf32> to vector<1x16xf32>
        tpu.vector_store %arg12[%swap3A_960, %swap3A_961], %swap3A_964 {strides = array<i32>} : memref<16x1024xf32, #tpu.memory_space<vmem>>, vector<1x16xf32>,
        %get3A_965 = arith.index_cast %scan3A_783 : i32 to index
        %get3A_966 = arith.constant 240 : index
        %get3A_967 = tpu.vector_load %arg8[%get3A_965, %get3A_966] {strides = array<i32>} : memref<16x1024xf32, #tpu.memory_space<vmem>>, vector<1x16xf32>,
        %get3A_968 = vector.shape_cast %get3A_967 : vector<1x16xf32> to vector<16xf32>
        %mul3A_969 = arith.constant 3.200000e+01 : f32
        %mul3A_970 = vector.broadcast %mul3A_969 : f32 to vector<16xf32>
        %mul3A_971 = arith.mulf %get3A_968, %mul3A_970 : vector<16xf32>
        %swap3A_972 = arith.index_cast %scan3A_783 : i32 to index
        %swap3A_973 = arith.constant 240 : index
        %swap3A_974 = tpu.vector_load %arg12[%swap3A_972, %swap3A_973] {strides = array<i32>} : memref<16x1024xf32, #tpu.memory_space<vmem>>, vector<1x16xf32>,
        %swap3A_975 = vector.shape_cast %swap3A_974 : vector<1x16xf32> to vector<16xf32>
        %swap3A_976 = vector.shape_cast %mul3A_971 : vector<16xf32> to vector<1x16xf32>
        tpu.vector_store %arg12[%swap3A_972, %swap3A_973], %swap3A_976 {strides = array<i32>} : memref<16x1024xf32, #tpu.memory_space<vmem>>, vector<1x16xf32>,
        %get3A_977 = arith.index_cast %scan3A_783 : i32 to index
        %get3A_978 = arith.constant 256 : index
        %get3A_979 = tpu.vector_load %arg8[%get3A_977, %get3A_978] {strides = array<i32>} : memref<16x1024xf32, #tpu.memory_space<vmem>>, vector<1x16xf32>,
        %get3A_980 = vector.shape_cast %get3A_979 : vector<1x16xf32> to vector<16xf32>
        %mul3A_981 = arith.constant 3.200000e+01 : f32
        %mul3A_982 = vector.broadcast %mul3A_981 : f32 to vector<16xf32>
        %mul3A_983 = arith.mulf %get3A_980, %mul3A_982 : vector<16xf32>
        %swap3A_984 = arith.index_cast %scan3A_783 : i32 to index
        %swap3A_985 = arith.constant 256 : index
        %swap3A_986 = tpu.vector_load %arg12[%swap3A_984, %swap3A_985] {strides = array<i32>} : memref<16x1024xf32, #tpu.memory_space<vmem>>, vector<1x16xf32>,
        %swap3A_987 = vector.shape_cast %swap3A_986 : vector<1x16xf32> to vector<16xf32>
        %swap3A_988 = vector.shape_cast %mul3A_983 : vector<16xf32> to vector<1x16xf32>
        tpu.vector_store %arg12[%swap3A_984, %swap3A_985], %swap3A_988 {strides = array<i32>} : memref<16x1024xf32, #tpu.memory_space<vmem>>, vector<1x16xf32>,
        %get3A_989 = arith.index_cast %scan3A_783 : i32 to index
        %get3A_990 = arith.constant 272 : index
        %get3A_991 = tpu.vector_load %arg8[%get3A_989, %get3A_990] {strides = array<i32>} : memref<16x1024xf32, #tpu.memory_space<vmem>>, vector<1x16xf32>,
        %get3A_992 = vector.shape_cast %get3A_991 : vector<1x16xf32> to vector<16xf32>
        %mul3A_993 = arith.constant 3.200000e+01 : f32
        %mul3A_994 = vector.broadcast %mul3A_993 : f32 to vector<16xf32>
        %mul3A_995 = arith.mulf %get3A_992, %mul3A_994 : vector<16xf32>
        %swap3A_996 = arith.index_cast %scan3A_783 : i32 to index
        %swap3A_997 = arith.constant 272 : index
        %swap3A_998 = tpu.vector_load %arg12[%swap3A_996, %swap3A_997] {strides = array<i32>} : memref<16x1024xf32, #tpu.memory_space<vmem>>, vector<1x16xf32>,
        %swap3A_999 = vector.shape_cast %swap3A_998 : vector<1x16xf32> to vector<16xf32>
        %swap3A_1000 = vector.shape_cast %mul3A_995 : vector<16xf32> to vector<1x16xf32>
        tpu.vector_store %arg12[%swap3A_996, %swap3A_997], %swap3A_1000 {strides = array<i32>} : memref<16x1024xf32, #tpu.memory_space<vmem>>, vector<1x16xf32>,
        %get3A_1001 = arith.index_cast %scan3A_783 : i32 to index
        %get3A_1002 = arith.constant 288 : index
        %get3A_1003 = tpu.vector_load %arg8[%get3A_1001, %get3A_1002] {strides = array<i32>} : memref<16x1024xf32, #tpu.memory_space<vmem>>, vector<1x16xf32>,
        %get3A_1004 = vector.shape_cast %get3A_1003 : vector<1x16xf32> to vector<16xf32>
        %mul3A_1005 = arith.constant 3.200000e+01 : f32
        %mul3A_1006 = vector.broadcast %mul3A_1005 : f32 to vector<16xf32>
        %mul3A_1007 = arith.mulf %get3A_1004, %mul3A_1006 : vector<16xf32>
        %swap3A_1008 = arith.index_cast %scan3A_783 : i32 to index
        %swap3A_1009 = arith.constant 288 : index
        %swap3A_1010 = tpu.vector_load %arg12[%swap3A_1008, %swap3A_1009] {strides = array<i32>} : memref<16x1024xf32, #tpu.memory_space<vmem>>, vector<1x16xf32>,
        %swap3A_1011 = vector.shape_cast %swap3A_1010 : vector<1x16xf32> to vector<16xf32>
        %swap3A_1012 = vector.shape_cast %mul3A_1007 : vector<16xf32> to vector<1x16xf32>
        tpu.vector_store %arg12[%swap3A_1008, %swap3A_1009], %swap3A_1012 {strides = array<i32>} : memref<16x1024xf32, #tpu.memory_space<vmem>>, vector<1x16xf32>,
        %get3A_1013 = arith.index_cast %scan3A_783 : i32 to index
        %get3A_1014 = arith.constant 304 : index
        %get3A_1015 = tpu.vector_load %arg8[%get3A_1013, %get3A_1014] {strides = array<i32>} : memref<16x1024xf32, #tpu.memory_space<vmem>>, vector<1x16xf32>,
        %get3A_1016 = vector.shape_cast %get3A_1015 : vector<1x16xf32> to vector<16xf32>
        %mul3A_1017 = arith.constant 3.200000e+01 : f32
        %mul3A_1018 = vector.broadcast %mul3A_1017 : f32 to vector<16xf32>
        %mul3A_1019 = arith.mulf %get3A_1016, %mul3A_1018 : vector<16xf32>
        %swap3A_1020 = arith.index_cast %scan3A_783 : i32 to index
        %swap3A_1021 = arith.constant 304 : index
        %swap3A_1022 = tpu.vector_load %arg12[%swap3A_1020, %swap3A_1021] {strides = array<i32>} : memref<16x1024xf32, #tpu.memory_space<vmem>>, vector<1x16xf32>,
        %swap3A_1023 = vector.shape_cast %swap3A_1022 : vector<1x16xf32> to vector<16xf32>
        %swap3A_1024 = vector.shape_cast %mul3A_1019 : vector<16xf32> to vector<1x16xf32>
        tpu.vector_store %arg12[%swap3A_1020, %swap3A_1021], %swap3A_1024 {strides = array<i32>} : memref<16x1024xf32, #tpu.memory_space<vmem>>, vector<1x16xf32>,
        %get3A_1025 = arith.index_cast %scan3A_783 : i32 to index
        %get3A_1026 = arith.constant 320 : index
        %get3A_1027 = tpu.vector_load %arg8[%get3A_1025, %get3A_1026] {strides = array<i32>} : memref<16x1024xf32, #tpu.memory_space<vmem>>, vector<1x16xf32>,
        %get3A_1028 = vector.shape_cast %get3A_1027 : vector<1x16xf32> to vector<16xf32>
        %mul3A_1029 = arith.constant 3.200000e+01 : f32
        %mul3A_1030 = vector.broadcast %mul3A_1029 : f32 to vector<16xf32>
        %mul3A_1031 = arith.mulf %get3A_1028, %mul3A_1030 : vector<16xf32>
        %swap3A_1032 = arith.index_cast %scan3A_783 : i32 to index
        %swap3A_1033 = arith.constant 320 : index
        %swap3A_1034 = tpu.vector_load %arg12[%swap3A_1032, %swap3A_1033] {strides = array<i32>} : memref<16x1024xf32, #tpu.memory_space<vmem>>, vector<1x16xf32>,
        %swap3A_1035 = vector.shape_cast %swap3A_1034 : vector<1x16xf32> to vector<16xf32>
        %swap3A_1036 = vector.shape_cast %mul3A_1031 : vector<16xf32> to vector<1x16xf32>
        tpu.vector_store %arg12[%swap3A_1032, %swap3A_1033], %swap3A_1036 {strides = array<i32>} : memref<16x1024xf32, #tpu.memory_space<vmem>>, vector<1x16xf32>,
        %get3A_1037 = arith.index_cast %scan3A_783 : i32 to index
        %get3A_1038 = arith.constant 336 : index
        %get3A_1039 = tpu.vector_load %arg8[%get3A_1037, %get3A_1038] {strides = array<i32>} : memref<16x1024xf32, #tpu.memory_space<vmem>>, vector<1x16xf32>,
        %get3A_1040 = vector.shape_cast %get3A_1039 : vector<1x16xf32> to vector<16xf32>
        %mul3A_1041 = arith.constant 3.200000e+01 : f32
        %mul3A_1042 = vector.broadcast %mul3A_1041 : f32 to vector<16xf32>
        %mul3A_1043 = arith.mulf %get3A_1040, %mul3A_1042 : vector<16xf32>
        %swap3A_1044 = arith.index_cast %scan3A_783 : i32 to index
        %swap3A_1045 = arith.constant 336 : index
        %swap3A_1046 = tpu.vector_load %arg12[%swap3A_1044, %swap3A_1045] {strides = array<i32>} : memref<16x1024xf32, #tpu.memory_space<vmem>>, vector<1x16xf32>,
        %swap3A_1047 = vector.shape_cast %swap3A_1046 : vector<1x16xf32> to vector<16xf32>
        %swap3A_1048 = vector.shape_cast %mul3A_1043 : vector<16xf32> to vector<1x16xf32>
        tpu.vector_store %arg12[%swap3A_1044, %swap3A_1045], %swap3A_1048 {strides = array<i32>} : memref<16x1024xf32, #tpu.memory_space<vmem>>, vector<1x16xf32>,
        %get3A_1049 = arith.index_cast %scan3A_783 : i32 to index
        %get3A_1050 = arith.constant 352 : index
        %get3A_1051 = tpu.vector_load %arg8[%get3A_1049, %get3A_1050] {strides = array<i32>} : memref<16x1024xf32, #tpu.memory_space<vmem>>, vector<1x16xf32>,
        %get3A_1052 = vector.shape_cast %get3A_1051 : vector<1x16xf32> to vector<16xf32>
        %mul3A_1053 = arith.constant 3.200000e+01 : f32
        %mul3A_1054 = vector.broadcast %mul3A_1053 : f32 to vector<16xf32>
        %mul3A_1055 = arith.mulf %get3A_1052, %mul3A_1054 : vector<16xf32>
        %swap3A_1056 = arith.index_cast %scan3A_783 : i32 to index
        %swap3A_1057 = arith.constant 352 : index
        %swap3A_1058 = tpu.vector_load %arg12[%swap3A_1056, %swap3A_1057] {strides = array<i32>} : memref<16x1024xf32, #tpu.memory_space<vmem>>, vector<1x16xf32>,
        %swap3A_1059 = vector.shape_cast %swap3A_1058 : vector<1x16xf32> to vector<16xf32>
        %swap3A_1060 = vector.shape_cast %mul3A_1055 : vector<16xf32> to vector<1x16xf32>
        tpu.vector_store %arg12[%swap3A_1056, %swap3A_1057], %swap3A_1060 {strides = array<i32>} : memref<16x1024xf32, #tpu.memory_space<vmem>>, vector<1x16xf32>,
        %get3A_1061 = arith.index_cast %scan3A_783 : i32 to index
        %get3A_1062 = arith.constant 368 : index
        %get3A_1063 = tpu.vector_load %arg8[%get3A_1061, %get3A_1062] {strides = array<i32>} : memref<16x1024xf32, #tpu.memory_space<vmem>>, vector<1x16xf32>,
        %get3A_1064 = vector.shape_cast %get3A_1063 : vector<1x16xf32> to vector<16xf32>
        %mul3A_1065 = arith.constant 3.200000e+01 : f32
        %mul3A_1066 = vector.broadcast %mul3A_1065 : f32 to vector<16xf32>
        %mul3A_1067 = arith.mulf %get3A_1064, %mul3A_1066 : vector<16xf32>
        %swap3A_1068 = arith.index_cast %scan3A_783 : i32 to index
        %swap3A_1069 = arith.constant 368 : index
        %swap3A_1070 = tpu.vector_load %arg12[%swap3A_1068, %swap3A_1069] {strides = array<i32>} : memref<16x1024xf32, #tpu.memory_space<vmem>>, vector<1x16xf32>,
        %swap3A_1071 = vector.shape_cast %swap3A_1070 : vector<1x16xf32> to vector<16xf32>
        %swap3A_1072 = vector.shape_cast %mul3A_1067 : vector<16xf32> to vector<1x16xf32>
        tpu.vector_store %arg12[%swap3A_1068, %swap3A_1069], %swap3A_1072 {strides = array<i32>} : memref<16x1024xf32, #tpu.memory_space<vmem>>, vector<1x16xf32>,
        %get3A_1073 = arith.index_cast %scan3A_783 : i32 to index
        %get3A_1074 = arith.constant 384 : index
        %get3A_1075 = tpu.vector_load %arg8[%get3A_1073, %get3A_1074] {strides = array<i32>} : memref<16x1024xf32, #tpu.memory_space<vmem>>, vector<1x16xf32>,
        %get3A_1076 = vector.shape_cast %get3A_1075 : vector<1x16xf32> to vector<16xf32>
        %mul3A_1077 = arith.constant 3.200000e+01 : f32
        %mul3A_1078 = vector.broadcast %mul3A_1077 : f32 to vector<16xf32>
        %mul3A_1079 = arith.mulf %get3A_1076, %mul3A_1078 : vector<16xf32>
        %swap3A_1080 = arith.index_cast %scan3A_783 : i32 to index
        %swap3A_1081 = arith.constant 384 : index
        %swap3A_1082 = tpu.vector_load %arg12[%swap3A_1080, %swap3A_1081] {strides = array<i32>} : memref<16x1024xf32, #tpu.memory_space<vmem>>, vector<1x16xf32>,
        %swap3A_1083 = vector.shape_cast %swap3A_1082 : vector<1x16xf32> to vector<16xf32>
        %swap3A_1084 = vector.shape_cast %mul3A_1079 : vector<16xf32> to vector<1x16xf32>
        tpu.vector_store %arg12[%swap3A_1080, %swap3A_1081], %swap3A_1084 {strides = array<i32>} : memref<16x1024xf32, #tpu.memory_space<vmem>>, vector<1x16xf32>,
        %get3A_1085 = arith.index_cast %scan3A_783 : i32 to index
        %get3A_1086 = arith.constant 400 : index
        %get3A_1087 = tpu.vector_load %arg8[%get3A_1085, %get3A_1086] {strides = array<i32>} : memref<16x1024xf32, #tpu.memory_space<vmem>>, vector<1x16xf32>,
        %get3A_1088 = vector.shape_cast %get3A_1087 : vector<1x16xf32> to vector<16xf32>
        %mul3A_1089 = arith.constant 3.200000e+01 : f32
        %mul3A_1090 = vector.broadcast %mul3A_1089 : f32 to vector<16xf32>
        %mul3A_1091 = arith.mulf %get3A_1088, %mul3A_1090 : vector<16xf32>
        %swap3A_1092 = arith.index_cast %scan3A_783 : i32 to index
        %swap3A_1093 = arith.constant 400 : index
        %swap3A_1094 = tpu.vector_load %arg12[%swap3A_1092, %swap3A_1093] {strides = array<i32>} : memref<16x1024xf32, #tpu.memory_space<vmem>>, vector<1x16xf32>,
        %swap3A_1095 = vector.shape_cast %swap3A_1094 : vector<1x16xf32> to vector<16xf32>
        %swap3A_1096 = vector.shape_cast %mul3A_1091 : vector<16xf32> to vector<1x16xf32>
        tpu.vector_store %arg12[%swap3A_1092, %swap3A_1093], %swap3A_1096 {strides = array<i32>} : memref<16x1024xf32, #tpu.memory_space<vmem>>, vector<1x16xf32>,
        %get3A_1097 = arith.index_cast %scan3A_783 : i32 to index
        %get3A_1098 = arith.constant 416 : index
        %get3A_1099 = tpu.vector_load %arg8[%get3A_1097, %get3A_1098] {strides = array<i32>} : memref<16x1024xf32, #tpu.memory_space<vmem>>, vector<1x16xf32>,
        %get3A_1100 = vector.shape_cast %get3A_1099 : vector<1x16xf32> to vector<16xf32>
        %mul3A_1101 = arith.constant 3.200000e+01 : f32
        %mul3A_1102 = vector.broadcast %mul3A_1101 : f32 to vector<16xf32>
        %mul3A_1103 = arith.mulf %get3A_1100, %mul3A_1102 : vector<16xf32>
        %swap3A_1104 = arith.index_cast %scan3A_783 : i32 to index
        %swap3A_1105 = arith.constant 416 : index
        %swap3A_1106 = tpu.vector_load %arg12[%swap3A_1104, %swap3A_1105] {strides = array<i32>} : memref<16x1024xf32, #tpu.memory_space<vmem>>, vector<1x16xf32>,
        %swap3A_1107 = vector.shape_cast %swap3A_1106 : vector<1x16xf32> to vector<16xf32>
        %swap3A_1108 = vector.shape_cast %mul3A_1103 : vector<16xf32> to vector<1x16xf32>
        tpu.vector_store %arg12[%swap3A_1104, %swap3A_1105], %swap3A_1108 {strides = array<i32>} : memref<16x1024xf32, #tpu.memory_space<vmem>>, vector<1x16xf32>,
        %get3A_1109 = arith.index_cast %scan3A_783 : i32 to index
        %get3A_1110 = arith.constant 432 : index
        %get3A_1111 = tpu.vector_load %arg8[%get3A_1109, %get3A_1110] {strides = array<i32>} : memref<16x1024xf32, #tpu.memory_space<vmem>>, vector<1x16xf32>,
        %get3A_1112 = vector.shape_cast %get3A_1111 : vector<1x16xf32> to vector<16xf32>
        %mul3A_1113 = arith.constant 3.200000e+01 : f32
        %mul3A_1114 = vector.broadcast %mul3A_1113 : f32 to vector<16xf32>
        %mul3A_1115 = arith.mulf %get3A_1112, %mul3A_1114 : vector<16xf32>
        %swap3A_1116 = arith.index_cast %scan3A_783 : i32 to index
        %swap3A_1117 = arith.constant 432 : index
        %swap3A_1118 = tpu.vector_load %arg12[%swap3A_1116, %swap3A_1117] {strides = array<i32>} : memref<16x1024xf32, #tpu.memory_space<vmem>>, vector<1x16xf32>,
        %swap3A_1119 = vector.shape_cast %swap3A_1118 : vector<1x16xf32> to vector<16xf32>
        %swap3A_1120 = vector.shape_cast %mul3A_1115 : vector<16xf32> to vector<1x16xf32>
        tpu.vector_store %arg12[%swap3A_1116, %swap3A_1117], %swap3A_1120 {strides = array<i32>} : memref<16x1024xf32, #tpu.memory_space<vmem>>, vector<1x16xf32>,
        %get3A_1121 = arith.index_cast %scan3A_783 : i32 to index
        %get3A_1122 = arith.constant 448 : index
        %get3A_1123 = tpu.vector_load %arg8[%get3A_1121, %get3A_1122] {strides = array<i32>} : memref<16x1024xf32, #tpu.memory_space<vmem>>, vector<1x16xf32>,
        %get3A_1124 = vector.shape_cast %get3A_1123 : vector<1x16xf32> to vector<16xf32>
        %mul3A_1125 = arith.constant 3.200000e+01 : f32
        %mul3A_1126 = vector.broadcast %mul3A_1125 : f32 to vector<16xf32>
        %mul3A_1127 = arith.mulf %get3A_1124, %mul3A_1126 : vector<16xf32>
        %swap3A_1128 = arith.index_cast %scan3A_783 : i32 to index
        %swap3A_1129 = arith.constant 448 : index
        %swap3A_1130 = tpu.vector_load %arg12[%swap3A_1128, %swap3A_1129] {strides = array<i32>} : memref<16x1024xf32, #tpu.memory_space<vmem>>, vector<1x16xf32>,
        %swap3A_1131 = vector.shape_cast %swap3A_1130 : vector<1x16xf32> to vector<16xf32>
        %swap3A_1132 = vector.shape_cast %mul3A_1127 : vector<16xf32> to vector<1x16xf32>
        tpu.vector_store %arg12[%swap3A_1128, %swap3A_1129], %swap3A_1132 {strides = array<i32>} : memref<16x1024xf32, #tpu.memory_space<vmem>>, vector<1x16xf32>,
        %get3A_1133 = arith.index_cast %scan3A_783 : i32 to index
        %get3A_1134 = arith.constant 464 : index
        %get3A_1135 = tpu.vector_load %arg8[%get3A_1133, %get3A_1134] {strides = array<i32>} : memref<16x1024xf32, #tpu.memory_space<vmem>>, vector<1x16xf32>,
        %get3A_1136 = vector.shape_cast %get3A_1135 : vector<1x16xf32> to vector<16xf32>
        %mul3A_1137 = arith.constant 3.200000e+01 : f32
        %mul3A_1138 = vector.broadcast %mul3A_1137 : f32 to vector<16xf32>
        %mul3A_1139 = arith.mulf %get3A_1136, %mul3A_1138 : vector<16xf32>
        %swap3A_1140 = arith.index_cast %scan3A_783 : i32 to index
        %swap3A_1141 = arith.constant 464 : index
        %swap3A_1142 = tpu.vector_load %arg12[%swap3A_1140, %swap3A_1141] {strides = array<i32>} : memref<16x1024xf32, #tpu.memory_space<vmem>>, vector<1x16xf32>,
        %swap3A_1143 = vector.shape_cast %swap3A_1142 : vector<1x16xf32> to vector<16xf32>
        %swap3A_1144 = vector.shape_cast %mul3A_1139 : vector<16xf32> to vector<1x16xf32>
        tpu.vector_store %arg12[%swap3A_1140, %swap3A_1141], %swap3A_1144 {strides = array<i32>} : memref<16x1024xf32, #tpu.memory_space<vmem>>, vector<1x16xf32>,
        %get3A_1145 = arith.index_cast %scan3A_783 : i32 to index
        %get3A_1146 = arith.constant 480 : index
        %get3A_1147 = tpu.vector_load %arg8[%get3A_1145, %get3A_1146] {strides = array<i32>} : memref<16x1024xf32, #tpu.memory_space<vmem>>, vector<1x16xf32>,
        %get3A_1148 = vector.shape_cast %get3A_1147 : vector<1x16xf32> to vector<16xf32>
        %mul3A_1149 = arith.constant 3.200000e+01 : f32
        %mul3A_1150 = vector.broadcast %mul3A_1149 : f32 to vector<16xf32>
        %mul3A_1151 = arith.mulf %get3A_1148, %mul3A_1150 : vector<16xf32>
        %swap3A_1152 = arith.index_cast %scan3A_783 : i32 to index
        %swap3A_1153 = arith.constant 480 : index
        %swap3A_1154 = tpu.vector_load %arg12[%swap3A_1152, %swap3A_1153] {strides = array<i32>} : memref<16x1024xf32, #tpu.memory_space<vmem>>, vector<1x16xf32>,
        %swap3A_1155 = vector.shape_cast %swap3A_1154 : vector<1x16xf32> to vector<16xf32>
        %swap3A_1156 = vector.shape_cast %mul3A_1151 : vector<16xf32> to vector<1x16xf32>
        tpu.vector_store %arg12[%swap3A_1152, %swap3A_1153], %swap3A_1156 {strides = array<i32>} : memref<16x1024xf32, #tpu.memory_space<vmem>>, vector<1x16xf32>,
        %get3A_1157 = arith.index_cast %scan3A_783 : i32 to index
        %get3A_1158 = arith.constant 496 : index
        %get3A_1159 = tpu.vector_load %arg8[%get3A_1157, %get3A_1158] {strides = array<i32>} : memref<16x1024xf32, #tpu.memory_space<vmem>>, vector<1x16xf32>,
        %get3A_1160 = vector.shape_cast %get3A_1159 : vector<1x16xf32> to vector<16xf32>
        %mul3A_1161 = arith.constant 3.200000e+01 : f32
        %mul3A_1162 = vector.broadcast %mul3A_1161 : f32 to vector<16xf32>
        %mul3A_1163 = arith.mulf %get3A_1160, %mul3A_1162 : vector<16xf32>
        %swap3A_1164 = arith.index_cast %scan3A_783 : i32 to index
        %swap3A_1165 = arith.constant 496 : index
        %swap3A_1166 = tpu.vector_load %arg12[%swap3A_1164, %swap3A_1165] {strides = array<i32>} : memref<16x1024xf32, #tpu.memory_space<vmem>>, vector<1x16xf32>,
        %swap3A_1167 = vector.shape_cast %swap3A_1166 : vector<1x16xf32> to vector<16xf32>
        %swap3A_1168 = vector.shape_cast %mul3A_1163 : vector<16xf32> to vector<1x16xf32>
        tpu.vector_store %arg12[%swap3A_1164, %swap3A_1165], %swap3A_1168 {strides = array<i32>} : memref<16x1024xf32, #tpu.memory_space<vmem>>, vector<1x16xf32>,
        %get3A_1169 = arith.index_cast %scan3A_783 : i32 to index
        %get3A_1170 = arith.constant 512 : index
        %get3A_1171 = tpu.vector_load %arg8[%get3A_1169, %get3A_1170] {strides = array<i32>} : memref<16x1024xf32, #tpu.memory_space<vmem>>, vector<1x16xf32>,
        %get3A_1172 = vector.shape_cast %get3A_1171 : vector<1x16xf32> to vector<16xf32>
        %mul3A_1173 = arith.constant 3.200000e+01 : f32
        %mul3A_1174 = vector.broadcast %mul3A_1173 : f32 to vector<16xf32>
        %mul3A_1175 = arith.mulf %get3A_1172, %mul3A_1174 : vector<16xf32>
        %swap3A_1176 = arith.index_cast %scan3A_783 : i32 to index
        %swap3A_1177 = arith.constant 512 : index
        %swap3A_1178 = tpu.vector_load %arg12[%swap3A_1176, %swap3A_1177] {strides = array<i32>} : memref<16x1024xf32, #tpu.memory_space<vmem>>, vector<1x16xf32>,
        %swap3A_1179 = vector.shape_cast %swap3A_1178 : vector<1x16xf32> to vector<16xf32>
        %swap3A_1180 = vector.shape_cast %mul3A_1175 : vector<16xf32> to vector<1x16xf32>
        tpu.vector_store %arg12[%swap3A_1176, %swap3A_1177], %swap3A_1180 {strides = array<i32>} : memref<16x1024xf32, #tpu.memory_space<vmem>>, vector<1x16xf32>,
        %get3A_1181 = arith.index_cast %scan3A_783 : i32 to index
        %get3A_1182 = arith.constant 528 : index
        %get3A_1183 = tpu.vector_load %arg8[%get3A_1181, %get3A_1182] {strides = array<i32>} : memref<16x1024xf32, #tpu.memory_space<vmem>>, vector<1x16xf32>,
        %get3A_1184 = vector.shape_cast %get3A_1183 : vector<1x16xf32> to vector<16xf32>
        %mul3A_1185 = arith.constant 3.200000e+01 : f32
        %mul3A_1186 = vector.broadcast %mul3A_1185 : f32 to vector<16xf32>
        %mul3A_1187 = arith.mulf %get3A_1184, %mul3A_1186 : vector<16xf32>
        %swap3A_1188 = arith.index_cast %scan3A_783 : i32 to index
        %swap3A_1189 = arith.constant 528 : index
        %swap3A_1190 = tpu.vector_load %arg12[%swap3A_1188, %swap3A_1189] {strides = array<i32>} : memref<16x1024xf32, #tpu.memory_space<vmem>>, vector<1x16xf32>,
        %swap3A_1191 = vector.shape_cast %swap3A_1190 : vector<1x16xf32> to vector<16xf32>
        %swap3A_1192 = vector.shape_cast %mul3A_1187 : vector<16xf32> to vector<1x16xf32>
        tpu.vector_store %arg12[%swap3A_1188, %swap3A_1189], %swap3A_1192 {strides = array<i32>} : memref<16x1024xf32, #tpu.memory_space<vmem>>, vector<1x16xf32>,
        %get3A_1193 = arith.index_cast %scan3A_783 : i32 to index
        %get3A_1194 = arith.constant 544 : index
        %get3A_1195 = tpu.vector_load %arg8[%get3A_1193, %get3A_1194] {strides = array<i32>} : memref<16x1024xf32, #tpu.memory_space<vmem>>, vector<1x16xf32>,
        %get3A_1196 = vector.shape_cast %get3A_1195 : vector<1x16xf32> to vector<16xf32>
        %mul3A_1197 = arith.constant 3.200000e+01 : f32
        %mul3A_1198 = vector.broadcast %mul3A_1197 : f32 to vector<16xf32>
        %mul3A_1199 = arith.mulf %get3A_1196, %mul3A_1198 : vector<16xf32>
        %swap3A_1200 = arith.index_cast %scan3A_783 : i32 to index
        %swap3A_1201 = arith.constant 544 : index
        %swap3A_1202 = tpu.vector_load %arg12[%swap3A_1200, %swap3A_1201] {strides = array<i32>} : memref<16x1024xf32, #tpu.memory_space<vmem>>, vector<1x16xf32>,
        %swap3A_1203 = vector.shape_cast %swap3A_1202 : vector<1x16xf32> to vector<16xf32>
        %swap3A_1204 = vector.shape_cast %mul3A_1199 : vector<16xf32> to vector<1x16xf32>
        tpu.vector_store %arg12[%swap3A_1200, %swap3A_1201], %swap3A_1204 {strides = array<i32>} : memref<16x1024xf32, #tpu.memory_space<vmem>>, vector<1x16xf32>,
        %get3A_1205 = arith.index_cast %scan3A_783 : i32 to index
        %get3A_1206 = arith.constant 560 : index
        %get3A_1207 = tpu.vector_load %arg8[%get3A_1205, %get3A_1206] {strides = array<i32>} : memref<16x1024xf32, #tpu.memory_space<vmem>>, vector<1x16xf32>,
        %get3A_1208 = vector.shape_cast %get3A_1207 : vector<1x16xf32> to vector<16xf32>
        %mul3A_1209 = arith.constant 3.200000e+01 : f32
        %mul3A_1210 = vector.broadcast %mul3A_1209 : f32 to vector<16xf32>
        %mul3A_1211 = arith.mulf %get3A_1208, %mul3A_1210 : vector<16xf32>
        %swap3A_1212 = arith.index_cast %scan3A_783 : i32 to index
        %swap3A_1213 = arith.constant 560 : index
        %swap3A_1214 = tpu.vector_load %arg12[%swap3A_1212, %swap3A_1213] {strides = array<i32>} : memref<16x1024xf32, #tpu.memory_space<vmem>>, vector<1x16xf32>,
        %swap3A_1215 = vector.shape_cast %swap3A_1214 : vector<1x16xf32> to vector<16xf32>
        %swap3A_1216 = vector.shape_cast %mul3A_1211 : vector<16xf32> to vector<1x16xf32>
        tpu.vector_store %arg12[%swap3A_1212, %swap3A_1213], %swap3A_1216 {strides = array<i32>} : memref<16x1024xf32, #tpu.memory_space<vmem>>, vector<1x16xf32>,
        %get3A_1217 = arith.index_cast %scan3A_783 : i32 to index
        %get3A_1218 = arith.constant 576 : index
        %get3A_1219 = tpu.vector_load %arg8[%get3A_1217, %get3A_1218] {strides = array<i32>} : memref<16x1024xf32, #tpu.memory_space<vmem>>, vector<1x16xf32>,
        %get3A_1220 = vector.shape_cast %get3A_1219 : vector<1x16xf32> to vector<16xf32>
        %mul3A_1221 = arith.constant 3.200000e+01 : f32
        %mul3A_1222 = vector.broadcast %mul3A_1221 : f32 to vector<16xf32>
        %mul3A_1223 = arith.mulf %get3A_1220, %mul3A_1222 : vector<16xf32>
        %swap3A_1224 = arith.index_cast %scan3A_783 : i32 to index
        %swap3A_1225 = arith.constant 576 : index
        %swap3A_1226 = tpu.vector_load %arg12[%swap3A_1224, %swap3A_1225] {strides = array<i32>} : memref<16x1024xf32, #tpu.memory_space<vmem>>, vector<1x16xf32>,
        %swap3A_1227 = vector.shape_cast %swap3A_1226 : vector<1x16xf32> to vector<16xf32>
        %swap3A_1228 = vector.shape_cast %mul3A_1223 : vector<16xf32> to vector<1x16xf32>
        tpu.vector_store %arg12[%swap3A_1224, %swap3A_1225], %swap3A_1228 {strides = array<i32>} : memref<16x1024xf32, #tpu.memory_space<vmem>>, vector<1x16xf32>,
        %get3A_1229 = arith.index_cast %scan3A_783 : i32 to index
        %get3A_1230 = arith.constant 592 : index
        %get3A_1231 = tpu.vector_load %arg8[%get3A_1229, %get3A_1230] {strides = array<i32>} : memref<16x1024xf32, #tpu.memory_space<vmem>>, vector<1x16xf32>,
        %get3A_1232 = vector.shape_cast %get3A_1231 : vector<1x16xf32> to vector<16xf32>
        %mul3A_1233 = arith.constant 3.200000e+01 : f32
        %mul3A_1234 = vector.broadcast %mul3A_1233 : f32 to vector<16xf32>
        %mul3A_1235 = arith.mulf %get3A_1232, %mul3A_1234 : vector<16xf32>
        %swap3A_1236 = arith.index_cast %scan3A_783 : i32 to index
        %swap3A_1237 = arith.constant 592 : index
        %swap3A_1238 = tpu.vector_load %arg12[%swap3A_1236, %swap3A_1237] {strides = array<i32>} : memref<16x1024xf32, #tpu.memory_space<vmem>>, vector<1x16xf32>,
        %swap3A_1239 = vector.shape_cast %swap3A_1238 : vector<1x16xf32> to vector<16xf32>
        %swap3A_1240 = vector.shape_cast %mul3A_1235 : vector<16xf32> to vector<1x16xf32>
        tpu.vector_store %arg12[%swap3A_1236, %swap3A_1237], %swap3A_1240 {strides = array<i32>} : memref<16x1024xf32, #tpu.memory_space<vmem>>, vector<1x16xf32>,
        %get3A_1241 = arith.index_cast %scan3A_783 : i32 to index
        %get3A_1242 = arith.constant 608 : index
        %get3A_1243 = tpu.vector_load %arg8[%get3A_1241, %get3A_1242] {strides = array<i32>} : memref<16x1024xf32, #tpu.memory_space<vmem>>, vector<1x16xf32>,
        %get3A_1244 = vector.shape_cast %get3A_1243 : vector<1x16xf32> to vector<16xf32>
        %mul3A_1245 = arith.constant 3.200000e+01 : f32
        %mul3A_1246 = vector.broadcast %mul3A_1245 : f32 to vector<16xf32>
        %mul3A_1247 = arith.mulf %get3A_1244, %mul3A_1246 : vector<16xf32>
        %swap3A_1248 = arith.index_cast %scan3A_783 : i32 to index
        %swap3A_1249 = arith.constant 608 : index
        %swap3A_1250 = tpu.vector_load %arg12[%swap3A_1248, %swap3A_1249] {strides = array<i32>} : memref<16x1024xf32, #tpu.memory_space<vmem>>, vector<1x16xf32>,
        %swap3A_1251 = vector.shape_cast %swap3A_1250 : vector<1x16xf32> to vector<16xf32>
        %swap3A_1252 = vector.shape_cast %mul3A_1247 : vector<16xf32> to vector<1x16xf32>
        tpu.vector_store %arg12[%swap3A_1248, %swap3A_1249], %swap3A_1252 {strides = array<i32>} : memref<16x1024xf32, #tpu.memory_space<vmem>>, vector<1x16xf32>,
        %get3A_1253 = arith.index_cast %scan3A_783 : i32 to index
        %get3A_1254 = arith.constant 624 : index
        %get3A_1255 = tpu.vector_load %arg8[%get3A_1253, %get3A_1254] {strides = array<i32>} : memref<16x1024xf32, #tpu.memory_space<vmem>>, vector<1x16xf32>,
        %get3A_1256 = vector.shape_cast %get3A_1255 : vector<1x16xf32> to vector<16xf32>
        %mul3A_1257 = arith.constant 3.200000e+01 : f32
        %mul3A_1258 = vector.broadcast %mul3A_1257 : f32 to vector<16xf32>
        %mul3A_1259 = arith.mulf %get3A_1256, %mul3A_1258 : vector<16xf32>
        %swap3A_1260 = arith.index_cast %scan3A_783 : i32 to index
        %swap3A_1261 = arith.constant 624 : index
        %swap3A_1262 = tpu.vector_load %arg12[%swap3A_1260, %swap3A_1261] {strides = array<i32>} : memref<16x1024xf32, #tpu.memory_space<vmem>>, vector<1x16xf32>,
        %swap3A_1263 = vector.shape_cast %swap3A_1262 : vector<1x16xf32> to vector<16xf32>
        %swap3A_1264 = vector.shape_cast %mul3A_1259 : vector<16xf32> to vector<1x16xf32>
        tpu.vector_store %arg12[%swap3A_1260, %swap3A_1261], %swap3A_1264 {strides = array<i32>} : memref<16x1024xf32, #tpu.memory_space<vmem>>, vector<1x16xf32>,
        %get3A_1265 = arith.index_cast %scan3A_783 : i32 to index
        %get3A_1266 = arith.constant 640 : index
        %get3A_1267 = tpu.vector_load %arg8[%get3A_1265, %get3A_1266] {strides = array<i32>} : memref<16x1024xf32, #tpu.memory_space<vmem>>, vector<1x16xf32>,
        %get3A_1268 = vector.shape_cast %get3A_1267 : vector<1x16xf32> to vector<16xf32>
        %mul3A_1269 = arith.constant 3.200000e+01 : f32
        %mul3A_1270 = vector.broadcast %mul3A_1269 : f32 to vector<16xf32>
        %mul3A_1271 = arith.mulf %get3A_1268, %mul3A_1270 : vector<16xf32>
        %swap3A_1272 = arith.index_cast %scan3A_783 : i32 to index
        %swap3A_1273 = arith.constant 640 : index
        %swap3A_1274 = tpu.vector_load %arg12[%swap3A_1272, %swap3A_1273] {strides = array<i32>} : memref<16x1024xf32, #tpu.memory_space<vmem>>, vector<1x16xf32>,
        %swap3A_1275 = vector.shape_cast %swap3A_1274 : vector<1x16xf32> to vector<16xf32>
        %swap3A_1276 = vector.shape_cast %mul3A_1271 : vector<16xf32> to vector<1x16xf32>
        tpu.vector_store %arg12[%swap3A_1272, %swap3A_1273], %swap3A_1276 {strides = array<i32>} : memref<16x1024xf32, #tpu.memory_space<vmem>>, vector<1x16xf32>,
        %get3A_1277 = arith.index_cast %scan3A_783 : i32 to index
        %get3A_1278 = arith.constant 656 : index
        %get3A_1279 = tpu.vector_load %arg8[%get3A_1277, %get3A_1278] {strides = array<i32>} : memref<16x1024xf32, #tpu.memory_space<vmem>>, vector<1x16xf32>,
        %get3A_1280 = vector.shape_cast %get3A_1279 : vector<1x16xf32> to vector<16xf32>
        %mul3A_1281 = arith.constant 3.200000e+01 : f32
        %mul3A_1282 = vector.broadcast %mul3A_1281 : f32 to vector<16xf32>
        %mul3A_1283 = arith.mulf %get3A_1280, %mul3A_1282 : vector<16xf32>
        %swap3A_1284 = arith.index_cast %scan3A_783 : i32 to index
        %swap3A_1285 = arith.constant 656 : index
        %swap3A_1286 = tpu.vector_load %arg12[%swap3A_1284, %swap3A_1285] {strides = array<i32>} : memref<16x1024xf32, #tpu.memory_space<vmem>>, vector<1x16xf32>,
        %swap3A_1287 = vector.shape_cast %swap3A_1286 : vector<1x16xf32> to vector<16xf32>
        %swap3A_1288 = vector.shape_cast %mul3A_1283 : vector<16xf32> to vector<1x16xf32>
        tpu.vector_store %arg12[%swap3A_1284, %swap3A_1285], %swap3A_1288 {strides = array<i32>} : memref<16x1024xf32, #tpu.memory_space<vmem>>, vector<1x16xf32>,
        %get3A_1289 = arith.index_cast %scan3A_783 : i32 to index
        %get3A_1290 = arith.constant 672 : index
        %get3A_1291 = tpu.vector_load %arg8[%get3A_1289, %get3A_1290] {strides = array<i32>} : memref<16x1024xf32, #tpu.memory_space<vmem>>, vector<1x16xf32>,
        %get3A_1292 = vector.shape_cast %get3A_1291 : vector<1x16xf32> to vector<16xf32>
        %mul3A_1293 = arith.constant 3.200000e+01 : f32
        %mul3A_1294 = vector.broadcast %mul3A_1293 : f32 to vector<16xf32>
        %mul3A_1295 = arith.mulf %get3A_1292, %mul3A_1294 : vector<16xf32>
        %swap3A_1296 = arith.index_cast %scan3A_783 : i32 to index
        %swap3A_1297 = arith.constant 672 : index
        %swap3A_1298 = tpu.vector_load %arg12[%swap3A_1296, %swap3A_1297] {strides = array<i32>} : memref<16x1024xf32, #tpu.memory_space<vmem>>, vector<1x16xf32>,
        %swap3A_1299 = vector.shape_cast %swap3A_1298 : vector<1x16xf32> to vector<16xf32>
        %swap3A_1300 = vector.shape_cast %mul3A_1295 : vector<16xf32> to vector<1x16xf32>
        tpu.vector_store %arg12[%swap3A_1296, %swap3A_1297], %swap3A_1300 {strides = array<i32>} : memref<16x1024xf32, #tpu.memory_space<vmem>>, vector<1x16xf32>,
        %get3A_1301 = arith.index_cast %scan3A_783 : i32 to index
        %get3A_1302 = arith.constant 688 : index
        %get3A_1303 = tpu.vector_load %arg8[%get3A_1301, %get3A_1302] {strides = array<i32>} : memref<16x1024xf32, #tpu.memory_space<vmem>>, vector<1x16xf32>,
        %get3A_1304 = vector.shape_cast %get3A_1303 : vector<1x16xf32> to vector<16xf32>
        %mul3A_1305 = arith.constant 3.200000e+01 : f32
        %mul3A_1306 = vector.broadcast %mul3A_1305 : f32 to vector<16xf32>
        %mul3A_1307 = arith.mulf %get3A_1304, %mul3A_1306 : vector<16xf32>
        %swap3A_1308 = arith.index_cast %scan3A_783 : i32 to index
        %swap3A_1309 = arith.constant 688 : index
        %swap3A_1310 = tpu.vector_load %arg12[%swap3A_1308, %swap3A_1309] {strides = array<i32>} : memref<16x1024xf32, #tpu.memory_space<vmem>>, vector<1x16xf32>,
        %swap3A_1311 = vector.shape_cast %swap3A_1310 : vector<1x16xf32> to vector<16xf32>
        %swap3A_1312 = vector.shape_cast %mul3A_1307 : vector<16xf32> to vector<1x16xf32>
        tpu.vector_store %arg12[%swap3A_1308, %swap3A_1309], %swap3A_1312 {strides = array<i32>} : memref<16x1024xf32, #tpu.memory_space<vmem>>, vector<1x16xf32>,
        %get3A_1313 = arith.index_cast %scan3A_783 : i32 to index
        %get3A_1314 = arith.constant 704 : index
        %get3A_1315 = tpu.vector_load %arg8[%get3A_1313, %get3A_1314] {strides = array<i32>} : memref<16x1024xf32, #tpu.memory_space<vmem>>, vector<1x16xf32>,
        %get3A_1316 = vector.shape_cast %get3A_1315 : vector<1x16xf32> to vector<16xf32>
        %mul3A_1317 = arith.constant 3.200000e+01 : f32
        %mul3A_1318 = vector.broadcast %mul3A_1317 : f32 to vector<16xf32>
        %mul3A_1319 = arith.mulf %get3A_1316, %mul3A_1318 : vector<16xf32>
        %swap3A_1320 = arith.index_cast %scan3A_783 : i32 to index
        %swap3A_1321 = arith.constant 704 : index
        %swap3A_1322 = tpu.vector_load %arg12[%swap3A_1320, %swap3A_1321] {strides = array<i32>} : memref<16x1024xf32, #tpu.memory_space<vmem>>, vector<1x16xf32>,
        %swap3A_1323 = vector.shape_cast %swap3A_1322 : vector<1x16xf32> to vector<16xf32>
        %swap3A_1324 = vector.shape_cast %mul3A_1319 : vector<16xf32> to vector<1x16xf32>
        tpu.vector_store %arg12[%swap3A_1320, %swap3A_1321], %swap3A_1324 {strides = array<i32>} : memref<16x1024xf32, #tpu.memory_space<vmem>>, vector<1x16xf32>,
        %get3A_1325 = arith.index_cast %scan3A_783 : i32 to index
        %get3A_1326 = arith.constant 720 : index
        %get3A_1327 = tpu.vector_load %arg8[%get3A_1325, %get3A_1326] {strides = array<i32>} : memref<16x1024xf32, #tpu.memory_space<vmem>>, vector<1x16xf32>,
        %get3A_1328 = vector.shape_cast %get3A_1327 : vector<1x16xf32> to vector<16xf32>
        %mul3A_1329 = arith.constant 3.200000e+01 : f32
        %mul3A_1330 = vector.broadcast %mul3A_1329 : f32 to vector<16xf32>
        %mul3A_1331 = arith.mulf %get3A_1328, %mul3A_1330 : vector<16xf32>
        %swap3A_1332 = arith.index_cast %scan3A_783 : i32 to index
        %swap3A_1333 = arith.constant 720 : index
        %swap3A_1334 = tpu.vector_load %arg12[%swap3A_1332, %swap3A_1333] {strides = array<i32>} : memref<16x1024xf32, #tpu.memory_space<vmem>>, vector<1x16xf32>,
        %swap3A_1335 = vector.shape_cast %swap3A_1334 : vector<1x16xf32> to vector<16xf32>
        %swap3A_1336 = vector.shape_cast %mul3A_1331 : vector<16xf32> to vector<1x16xf32>
        tpu.vector_store %arg12[%swap3A_1332, %swap3A_1333], %swap3A_1336 {strides = array<i32>} : memref<16x1024xf32, #tpu.memory_space<vmem>>, vector<1x16xf32>,
        %get3A_1337 = arith.index_cast %scan3A_783 : i32 to index
        %get3A_1338 = arith.constant 736 : index
        %get3A_1339 = tpu.vector_load %arg8[%get3A_1337, %get3A_1338] {strides = array<i32>} : memref<16x1024xf32, #tpu.memory_space<vmem>>, vector<1x16xf32>,
        %get3A_1340 = vector.shape_cast %get3A_1339 : vector<1x16xf32> to vector<16xf32>
        %mul3A_1341 = arith.constant 3.200000e+01 : f32
        %mul3A_1342 = vector.broadcast %mul3A_1341 : f32 to vector<16xf32>
        %mul3A_1343 = arith.mulf %get3A_1340, %mul3A_1342 : vector<16xf32>
        %swap3A_1344 = arith.index_cast %scan3A_783 : i32 to index
        %swap3A_1345 = arith.constant 736 : index
        %swap3A_1346 = tpu.vector_load %arg12[%swap3A_1344, %swap3A_1345] {strides = array<i32>} : memref<16x1024xf32, #tpu.memory_space<vmem>>, vector<1x16xf32>,
        %swap3A_1347 = vector.shape_cast %swap3A_1346 : vector<1x16xf32> to vector<16xf32>
        %swap3A_1348 = vector.shape_cast %mul3A_1343 : vector<16xf32> to vector<1x16xf32>
        tpu.vector_store %arg12[%swap3A_1344, %swap3A_1345], %swap3A_1348 {strides = array<i32>} : memref<16x1024xf32, #tpu.memory_space<vmem>>, vector<1x16xf32>,
        %get3A_1349 = arith.index_cast %scan3A_783 : i32 to index
        %get3A_1350 = arith.constant 752 : index
        %get3A_1351 = tpu.vector_load %arg8[%get3A_1349, %get3A_1350] {strides = array<i32>} : memref<16x1024xf32, #tpu.memory_space<vmem>>, vector<1x16xf32>,
        %get3A_1352 = vector.shape_cast %get3A_1351 : vector<1x16xf32> to vector<16xf32>
        %mul3A_1353 = arith.constant 3.200000e+01 : f32
        %mul3A_1354 = vector.broadcast %mul3A_1353 : f32 to vector<16xf32>
        %mul3A_1355 = arith.mulf %get3A_1352, %mul3A_1354 : vector<16xf32>
        %swap3A_1356 = arith.index_cast %scan3A_783 : i32 to index
        %swap3A_1357 = arith.constant 752 : index
        %swap3A_1358 = tpu.vector_load %arg12[%swap3A_1356, %swap3A_1357] {strides = array<i32>} : memref<16x1024xf32, #tpu.memory_space<vmem>>, vector<1x16xf32>,
        %swap3A_1359 = vector.shape_cast %swap3A_1358 : vector<1x16xf32> to vector<16xf32>
        %swap3A_1360 = vector.shape_cast %mul3A_1355 : vector<16xf32> to vector<1x16xf32>
        tpu.vector_store %arg12[%swap3A_1356, %swap3A_1357], %swap3A_1360 {strides = array<i32>} : memref<16x1024xf32, #tpu.memory_space<vmem>>, vector<1x16xf32>,
        %get3A_1361 = arith.index_cast %scan3A_783 : i32 to index
        %get3A_1362 = arith.constant 768 : index
        %get3A_1363 = tpu.vector_load %arg8[%get3A_1361, %get3A_1362] {strides = array<i32>} : memref<16x1024xf32, #tpu.memory_space<vmem>>, vector<1x16xf32>,
        %get3A_1364 = vector.shape_cast %get3A_1363 : vector<1x16xf32> to vector<16xf32>
        %mul3A_1365 = arith.constant 3.200000e+01 : f32
        %mul3A_1366 = vector.broadcast %mul3A_1365 : f32 to vector<16xf32>
        %mul3A_1367 = arith.mulf %get3A_1364, %mul3A_1366 : vector<16xf32>
        %swap3A_1368 = arith.index_cast %scan3A_783 : i32 to index
        %swap3A_1369 = arith.constant 768 : index
        %swap3A_1370 = tpu.vector_load %arg12[%swap3A_1368, %swap3A_1369] {strides = array<i32>} : memref<16x1024xf32, #tpu.memory_space<vmem>>, vector<1x16xf32>,
        %swap3A_1371 = vector.shape_cast %swap3A_1370 : vector<1x16xf32> to vector<16xf32>
        %swap3A_1372 = vector.shape_cast %mul3A_1367 : vector<16xf32> to vector<1x16xf32>
        tpu.vector_store %arg12[%swap3A_1368, %swap3A_1369], %swap3A_1372 {strides = array<i32>} : memref<16x1024xf32, #tpu.memory_space<vmem>>, vector<1x16xf32>,
        %get3A_1373 = arith.index_cast %scan3A_783 : i32 to index
        %get3A_1374 = arith.constant 784 : index
        %get3A_1375 = tpu.vector_load %arg8[%get3A_1373, %get3A_1374] {strides = array<i32>} : memref<16x1024xf32, #tpu.memory_space<vmem>>, vector<1x16xf32>,
        %get3A_1376 = vector.shape_cast %get3A_1375 : vector<1x16xf32> to vector<16xf32>
        %mul3A_1377 = arith.constant 3.200000e+01 : f32
        %mul3A_1378 = vector.broadcast %mul3A_1377 : f32 to vector<16xf32>
        %mul3A_1379 = arith.mulf %get3A_1376, %mul3A_1378 : vector<16xf32>
        %swap3A_1380 = arith.index_cast %scan3A_783 : i32 to index
        %swap3A_1381 = arith.constant 784 : index
        %swap3A_1382 = tpu.vector_load %arg12[%swap3A_1380, %swap3A_1381] {strides = array<i32>} : memref<16x1024xf32, #tpu.memory_space<vmem>>, vector<1x16xf32>,
        %swap3A_1383 = vector.shape_cast %swap3A_1382 : vector<1x16xf32> to vector<16xf32>
        %swap3A_1384 = vector.shape_cast %mul3A_1379 : vector<16xf32> to vector<1x16xf32>
        tpu.vector_store %arg12[%swap3A_1380, %swap3A_1381], %swap3A_1384 {strides = array<i32>} : memref<16x1024xf32, #tpu.memory_space<vmem>>, vector<1x16xf32>,
        %get3A_1385 = arith.index_cast %scan3A_783 : i32 to index
        %get3A_1386 = arith.constant 800 : index
        %get3A_1387 = tpu.vector_load %arg8[%get3A_1385, %get3A_1386] {strides = array<i32>} : memref<16x1024xf32, #tpu.memory_space<vmem>>, vector<1x16xf32>,
        %get3A_1388 = vector.shape_cast %get3A_1387 : vector<1x16xf32> to vector<16xf32>
        %mul3A_1389 = arith.constant 3.200000e+01 : f32
        %mul3A_1390 = vector.broadcast %mul3A_1389 : f32 to vector<16xf32>
        %mul3A_1391 = arith.mulf %get3A_1388, %mul3A_1390 : vector<16xf32>
        %swap3A_1392 = arith.index_cast %scan3A_783 : i32 to index
        %swap3A_1393 = arith.constant 800 : index
        %swap3A_1394 = tpu.vector_load %arg12[%swap3A_1392, %swap3A_1393] {strides = array<i32>} : memref<16x1024xf32, #tpu.memory_space<vmem>>, vector<1x16xf32>,
        %swap3A_1395 = vector.shape_cast %swap3A_1394 : vector<1x16xf32> to vector<16xf32>
        %swap3A_1396 = vector.shape_cast %mul3A_1391 : vector<16xf32> to vector<1x16xf32>
        tpu.vector_store %arg12[%swap3A_1392, %swap3A_1393], %swap3A_1396 {strides = array<i32>} : memref<16x1024xf32, #tpu.memory_space<vmem>>, vector<1x16xf32>,
        %get3A_1397 = arith.index_cast %scan3A_783 : i32 to index
        %get3A_1398 = arith.constant 816 : index
        %get3A_1399 = tpu.vector_load %arg8[%get3A_1397, %get3A_1398] {strides = array<i32>} : memref<16x1024xf32, #tpu.memory_space<vmem>>, vector<1x16xf32>,
        %get3A_1400 = vector.shape_cast %get3A_1399 : vector<1x16xf32> to vector<16xf32>
        %mul3A_1401 = arith.constant 3.200000e+01 : f32
        %mul3A_1402 = vector.broadcast %mul3A_1401 : f32 to vector<16xf32>
        %mul3A_1403 = arith.mulf %get3A_1400, %mul3A_1402 : vector<16xf32>
        %swap3A_1404 = arith.index_cast %scan3A_783 : i32 to index
        %swap3A_1405 = arith.constant 816 : index
        %swap3A_1406 = tpu.vector_load %arg12[%swap3A_1404, %swap3A_1405] {strides = array<i32>} : memref<16x1024xf32, #tpu.memory_space<vmem>>, vector<1x16xf32>,
        %swap3A_1407 = vector.shape_cast %swap3A_1406 : vector<1x16xf32> to vector<16xf32>
        %swap3A_1408 = vector.shape_cast %mul3A_1403 : vector<16xf32> to vector<1x16xf32>
        tpu.vector_store %arg12[%swap3A_1404, %swap3A_1405], %swap3A_1408 {strides = array<i32>} : memref<16x1024xf32, #tpu.memory_space<vmem>>, vector<1x16xf32>,
        %get3A_1409 = arith.index_cast %scan3A_783 : i32 to index
        %get3A_1410 = arith.constant 832 : index
        %get3A_1411 = tpu.vector_load %arg8[%get3A_1409, %get3A_1410] {strides = array<i32>} : memref<16x1024xf32, #tpu.memory_space<vmem>>, vector<1x16xf32>,
        %get3A_1412 = vector.shape_cast %get3A_1411 : vector<1x16xf32> to vector<16xf32>
        %mul3A_1413 = arith.constant 3.200000e+01 : f32
        %mul3A_1414 = vector.broadcast %mul3A_1413 : f32 to vector<16xf32>
        %mul3A_1415 = arith.mulf %get3A_1412, %mul3A_1414 : vector<16xf32>
        %swap3A_1416 = arith.index_cast %scan3A_783 : i32 to index
        %swap3A_1417 = arith.constant 832 : index
        %swap3A_1418 = tpu.vector_load %arg12[%swap3A_1416, %swap3A_1417] {strides = array<i32>} : memref<16x1024xf32, #tpu.memory_space<vmem>>, vector<1x16xf32>,
        %swap3A_1419 = vector.shape_cast %swap3A_1418 : vector<1x16xf32> to vector<16xf32>
        %swap3A_1420 = vector.shape_cast %mul3A_1415 : vector<16xf32> to vector<1x16xf32>
        tpu.vector_store %arg12[%swap3A_1416, %swap3A_1417], %swap3A_1420 {strides = array<i32>} : memref<16x1024xf32, #tpu.memory_space<vmem>>, vector<1x16xf32>,
        %get3A_1421 = arith.index_cast %scan3A_783 : i32 to index
        %get3A_1422 = arith.constant 848 : index
        %get3A_1423 = tpu.vector_load %arg8[%get3A_1421, %get3A_1422] {strides = array<i32>} : memref<16x1024xf32, #tpu.memory_space<vmem>>, vector<1x16xf32>,
        %get3A_1424 = vector.shape_cast %get3A_1423 : vector<1x16xf32> to vector<16xf32>
        %mul3A_1425 = arith.constant 3.200000e+01 : f32
        %mul3A_1426 = vector.broadcast %mul3A_1425 : f32 to vector<16xf32>
        %mul3A_1427 = arith.mulf %get3A_1424, %mul3A_1426 : vector<16xf32>
        %swap3A_1428 = arith.index_cast %scan3A_783 : i32 to index
        %swap3A_1429 = arith.constant 848 : index
        %swap3A_1430 = tpu.vector_load %arg12[%swap3A_1428, %swap3A_1429] {strides = array<i32>} : memref<16x1024xf32, #tpu.memory_space<vmem>>, vector<1x16xf32>,
        %swap3A_1431 = vector.shape_cast %swap3A_1430 : vector<1x16xf32> to vector<16xf32>
        %swap3A_1432 = vector.shape_cast %mul3A_1427 : vector<16xf32> to vector<1x16xf32>
        tpu.vector_store %arg12[%swap3A_1428, %swap3A_1429], %swap3A_1432 {strides = array<i32>} : memref<16x1024xf32, #tpu.memory_space<vmem>>, vector<1x16xf32>,
        %get3A_1433 = arith.index_cast %scan3A_783 : i32 to index
        %get3A_1434 = arith.constant 864 : index
        %get3A_1435 = tpu.vector_load %arg8[%get3A_1433, %get3A_1434] {strides = array<i32>} : memref<16x1024xf32, #tpu.memory_space<vmem>>, vector<1x16xf32>,
        %get3A_1436 = vector.shape_cast %get3A_1435 : vector<1x16xf32> to vector<16xf32>
        %mul3A_1437 = arith.constant 3.200000e+01 : f32
        %mul3A_1438 = vector.broadcast %mul3A_1437 : f32 to vector<16xf32>
        %mul3A_1439 = arith.mulf %get3A_1436, %mul3A_1438 : vector<16xf32>
        %swap3A_1440 = arith.index_cast %scan3A_783 : i32 to index
        %swap3A_1441 = arith.constant 864 : index
        %swap3A_1442 = tpu.vector_load %arg12[%swap3A_1440, %swap3A_1441] {strides = array<i32>} : memref<16x1024xf32, #tpu.memory_space<vmem>>, vector<1x16xf32>,
        %swap3A_1443 = vector.shape_cast %swap3A_1442 : vector<1x16xf32> to vector<16xf32>
        %swap3A_1444 = vector.shape_cast %mul3A_1439 : vector<16xf32> to vector<1x16xf32>
        tpu.vector_store %arg12[%swap3A_1440, %swap3A_1441], %swap3A_1444 {strides = array<i32>} : memref<16x1024xf32, #tpu.memory_space<vmem>>, vector<1x16xf32>,
        %get3A_1445 = arith.index_cast %scan3A_783 : i32 to index
        %get3A_1446 = arith.constant 880 : index
        %get3A_1447 = tpu.vector_load %arg8[%get3A_1445, %get3A_1446] {strides = array<i32>} : memref<16x1024xf32, #tpu.memory_space<vmem>>, vector<1x16xf32>,
        %get3A_1448 = vector.shape_cast %get3A_1447 : vector<1x16xf32> to vector<16xf32>
        %mul3A_1449 = arith.constant 3.200000e+01 : f32
        %mul3A_1450 = vector.broadcast %mul3A_1449 : f32 to vector<16xf32>
        %mul3A_1451 = arith.mulf %get3A_1448, %mul3A_1450 : vector<16xf32>
        %swap3A_1452 = arith.index_cast %scan3A_783 : i32 to index
        %swap3A_1453 = arith.constant 880 : index
        %swap3A_1454 = tpu.vector_load %arg12[%swap3A_1452, %swap3A_1453] {strides = array<i32>} : memref<16x1024xf32, #tpu.memory_space<vmem>>, vector<1x16xf32>,
        %swap3A_1455 = vector.shape_cast %swap3A_1454 : vector<1x16xf32> to vector<16xf32>
        %swap3A_1456 = vector.shape_cast %mul3A_1451 : vector<16xf32> to vector<1x16xf32>
        tpu.vector_store %arg12[%swap3A_1452, %swap3A_1453], %swap3A_1456 {strides = array<i32>} : memref<16x1024xf32, #tpu.memory_space<vmem>>, vector<1x16xf32>,
        %get3A_1457 = arith.index_cast %scan3A_783 : i32 to index
        %get3A_1458 = arith.constant 896 : index
        %get3A_1459 = tpu.vector_load %arg8[%get3A_1457, %get3A_1458] {strides = array<i32>} : memref<16x1024xf32, #tpu.memory_space<vmem>>, vector<1x16xf32>,
        %get3A_1460 = vector.shape_cast %get3A_1459 : vector<1x16xf32> to vector<16xf32>
        %mul3A_1461 = arith.constant 3.200000e+01 : f32
        %mul3A_1462 = vector.broadcast %mul3A_1461 : f32 to vector<16xf32>
        %mul3A_1463 = arith.mulf %get3A_1460, %mul3A_1462 : vector<16xf32>
        %swap3A_1464 = arith.index_cast %scan3A_783 : i32 to index
        %swap3A_1465 = arith.constant 896 : index
        %swap3A_1466 = tpu.vector_load %arg12[%swap3A_1464, %swap3A_1465] {strides = array<i32>} : memref<16x1024xf32, #tpu.memory_space<vmem>>, vector<1x16xf32>,
        %swap3A_1467 = vector.shape_cast %swap3A_1466 : vector<1x16xf32> to vector<16xf32>
        %swap3A_1468 = vector.shape_cast %mul3A_1463 : vector<16xf32> to vector<1x16xf32>
        tpu.vector_store %arg12[%swap3A_1464, %swap3A_1465], %swap3A_1468 {strides = array<i32>} : memref<16x1024xf32, #tpu.memory_space<vmem>>, vector<1x16xf32>,
        %get3A_1469 = arith.index_cast %scan3A_783 : i32 to index
        %get3A_1470 = arith.constant 912 : index
        %get3A_1471 = tpu.vector_load %arg8[%get3A_1469, %get3A_1470] {strides = array<i32>} : memref<16x1024xf32, #tpu.memory_space<vmem>>, vector<1x16xf32>,
        %get3A_1472 = vector.shape_cast %get3A_1471 : vector<1x16xf32> to vector<16xf32>
        %mul3A_1473 = arith.constant 3.200000e+01 : f32
        %mul3A_1474 = vector.broadcast %mul3A_1473 : f32 to vector<16xf32>
        %mul3A_1475 = arith.mulf %get3A_1472, %mul3A_1474 : vector<16xf32>
        %swap3A_1476 = arith.index_cast %scan3A_783 : i32 to index
        %swap3A_1477 = arith.constant 912 : index
        %swap3A_1478 = tpu.vector_load %arg12[%swap3A_1476, %swap3A_1477] {strides = array<i32>} : memref<16x1024xf32, #tpu.memory_space<vmem>>, vector<1x16xf32>,
        %swap3A_1479 = vector.shape_cast %swap3A_1478 : vector<1x16xf32> to vector<16xf32>
        %swap3A_1480 = vector.shape_cast %mul3A_1475 : vector<16xf32> to vector<1x16xf32>
        tpu.vector_store %arg12[%swap3A_1476, %swap3A_1477], %swap3A_1480 {strides = array<i32>} : memref<16x1024xf32, #tpu.memory_space<vmem>>, vector<1x16xf32>,
        %get3A_1481 = arith.index_cast %scan3A_783 : i32 to index
        %get3A_1482 = arith.constant 928 : index
        %get3A_1483 = tpu.vector_load %arg8[%get3A_1481, %get3A_1482] {strides = array<i32>} : memref<16x1024xf32, #tpu.memory_space<vmem>>, vector<1x16xf32>,
        %get3A_1484 = vector.shape_cast %get3A_1483 : vector<1x16xf32> to vector<16xf32>
        %mul3A_1485 = arith.constant 3.200000e+01 : f32
        %mul3A_1486 = vector.broadcast %mul3A_1485 : f32 to vector<16xf32>
        %mul3A_1487 = arith.mulf %get3A_1484, %mul3A_1486 : vector<16xf32>
        %swap3A_1488 = arith.index_cast %scan3A_783 : i32 to index
        %swap3A_1489 = arith.constant 928 : index
        %swap3A_1490 = tpu.vector_load %arg12[%swap3A_1488, %swap3A_1489] {strides = array<i32>} : memref<16x1024xf32, #tpu.memory_space<vmem>>, vector<1x16xf32>,
        %swap3A_1491 = vector.shape_cast %swap3A_1490 : vector<1x16xf32> to vector<16xf32>
        %swap3A_1492 = vector.shape_cast %mul3A_1487 : vector<16xf32> to vector<1x16xf32>
        tpu.vector_store %arg12[%swap3A_1488, %swap3A_1489], %swap3A_1492 {strides = array<i32>} : memref<16x1024xf32, #tpu.memory_space<vmem>>, vector<1x16xf32>,
        %get3A_1493 = arith.index_cast %scan3A_783 : i32 to index
        %get3A_1494 = arith.constant 944 : index
        %get3A_1495 = tpu.vector_load %arg8[%get3A_1493, %get3A_1494] {strides = array<i32>} : memref<16x1024xf32, #tpu.memory_space<vmem>>, vector<1x16xf32>,
        %get3A_1496 = vector.shape_cast %get3A_1495 : vector<1x16xf32> to vector<16xf32>
        %mul3A_1497 = arith.constant 3.200000e+01 : f32
        %mul3A_1498 = vector.broadcast %mul3A_1497 : f32 to vector<16xf32>
        %mul3A_1499 = arith.mulf %get3A_1496, %mul3A_1498 : vector<16xf32>
        %swap3A_1500 = arith.index_cast %scan3A_783 : i32 to index
        %swap3A_1501 = arith.constant 944 : index
        %swap3A_1502 = tpu.vector_load %arg12[%swap3A_1500, %swap3A_1501] {strides = array<i32>} : memref<16x1024xf32, #tpu.memory_space<vmem>>, vector<1x16xf32>,
        %swap3A_1503 = vector.shape_cast %swap3A_1502 : vector<1x16xf32> to vector<16xf32>
        %swap3A_1504 = vector.shape_cast %mul3A_1499 : vector<16xf32> to vector<1x16xf32>
        tpu.vector_store %arg12[%swap3A_1500, %swap3A_1501], %swap3A_1504 {strides = array<i32>} : memref<16x1024xf32, #tpu.memory_space<vmem>>, vector<1x16xf32>,
        %get3A_1505 = arith.index_cast %scan3A_783 : i32 to index
        %get3A_1506 = arith.constant 960 : index
        %get3A_1507 = tpu.vector_load %arg8[%get3A_1505, %get3A_1506] {strides = array<i32>} : memref<16x1024xf32, #tpu.memory_space<vmem>>, vector<1x16xf32>,
        %get3A_1508 = vector.shape_cast %get3A_1507 : vector<1x16xf32> to vector<16xf32>
        %mul3A_1509 = arith.constant 3.200000e+01 : f32
        %mul3A_1510 = vector.broadcast %mul3A_1509 : f32 to vector<16xf32>
        %mul3A_1511 = arith.mulf %get3A_1508, %mul3A_1510 : vector<16xf32>
        %swap3A_1512 = arith.index_cast %scan3A_783 : i32 to index
        %swap3A_1513 = arith.constant 960 : index
        %swap3A_1514 = tpu.vector_load %arg12[%swap3A_1512, %swap3A_1513] {strides = array<i32>} : memref<16x1024xf32, #tpu.memory_space<vmem>>, vector<1x16xf32>,
        %swap3A_1515 = vector.shape_cast %swap3A_1514 : vector<1x16xf32> to vector<16xf32>
        %swap3A_1516 = vector.shape_cast %mul3A_1511 : vector<16xf32> to vector<1x16xf32>
        tpu.vector_store %arg12[%swap3A_1512, %swap3A_1513], %swap3A_1516 {strides = array<i32>} : memref<16x1024xf32, #tpu.memory_space<vmem>>, vector<1x16xf32>,
        %get3A_1517 = arith.index_cast %scan3A_783 : i32 to index
        %get3A_1518 = arith.constant 976 : index
        %get3A_1519 = tpu.vector_load %arg8[%get3A_1517, %get3A_1518] {strides = array<i32>} : memref<16x1024xf32, #tpu.memory_space<vmem>>, vector<1x16xf32>,
        %get3A_1520 = vector.shape_cast %get3A_1519 : vector<1x16xf32> to vector<16xf32>
        %mul3A_1521 = arith.constant 3.200000e+01 : f32
        %mul3A_1522 = vector.broadcast %mul3A_1521 : f32 to vector<16xf32>
        %mul3A_1523 = arith.mulf %get3A_1520, %mul3A_1522 : vector<16xf32>
        %swap3A_1524 = arith.index_cast %scan3A_783 : i32 to index
        %swap3A_1525 = arith.constant 976 : index
        %swap3A_1526 = tpu.vector_load %arg12[%swap3A_1524, %swap3A_1525] {strides = array<i32>} : memref<16x1024xf32, #tpu.memory_space<vmem>>, vector<1x16xf32>,
        %swap3A_1527 = vector.shape_cast %swap3A_1526 : vector<1x16xf32> to vector<16xf32>
        %swap3A_1528 = vector.shape_cast %mul3A_1523 : vector<16xf32> to vector<1x16xf32>
        tpu.vector_store %arg12[%swap3A_1524, %swap3A_1525], %swap3A_1528 {strides = array<i32>} : memref<16x1024xf32, #tpu.memory_space<vmem>>, vector<1x16xf32>,
        %get3A_1529 = arith.index_cast %scan3A_783 : i32 to index
        %get3A_1530 = arith.constant 992 : index
        %get3A_1531 = tpu.vector_load %arg8[%get3A_1529, %get3A_1530] {strides = array<i32>} : memref<16x1024xf32, #tpu.memory_space<vmem>>, vector<1x16xf32>,
        %get3A_1532 = vector.shape_cast %get3A_1531 : vector<1x16xf32> to vector<16xf32>
        %mul3A_1533 = arith.constant 3.200000e+01 : f32
        %mul3A_1534 = vector.broadcast %mul3A_1533 : f32 to vector<16xf32>
        %mul3A_1535 = arith.mulf %get3A_1532, %mul3A_1534 : vector<16xf32>
        %swap3A_1536 = arith.index_cast %scan3A_783 : i32 to index
        %swap3A_1537 = arith.constant 992 : index
        %swap3A_1538 = tpu.vector_load %arg12[%swap3A_1536, %swap3A_1537] {strides = array<i32>} : memref<16x1024xf32, #tpu.memory_space<vmem>>, vector<1x16xf32>,
        %swap3A_1539 = vector.shape_cast %swap3A_1538 : vector<1x16xf32> to vector<16xf32>
        %swap3A_1540 = vector.shape_cast %mul3A_1535 : vector<16xf32> to vector<1x16xf32>
        tpu.vector_store %arg12[%swap3A_1536, %swap3A_1537], %swap3A_1540 {strides = array<i32>} : memref<16x1024xf32, #tpu.memory_space<vmem>>, vector<1x16xf32>,
        %get3A_1541 = arith.index_cast %scan3A_783 : i32 to index
        %get3A_1542 = arith.constant 1008 : index
        %get3A_1543 = tpu.vector_load %arg8[%get3A_1541, %get3A_1542] {strides = array<i32>} : memref<16x1024xf32, #tpu.memory_space<vmem>>, vector<1x16xf32>,
        %get3A_1544 = vector.shape_cast %get3A_1543 : vector<1x16xf32> to vector<16xf32>
        %mul3A_1545 = arith.constant 3.200000e+01 : f32
        %mul3A_1546 = vector.broadcast %mul3A_1545 : f32 to vector<16xf32>
        %mul3A_1547 = arith.mulf %get3A_1544, %mul3A_1546 : vector<16xf32>
        %swap3A_1548 = arith.index_cast %scan3A_783 : i32 to index
        %swap3A_1549 = arith.constant 1008 : index
        %swap3A_1550 = tpu.vector_load %arg12[%swap3A_1548, %swap3A_1549] {strides = array<i32>} : memref<16x1024xf32, #tpu.memory_space<vmem>>, vector<1x16xf32>,
        %swap3A_1551 = vector.shape_cast %swap3A_1550 : vector<1x16xf32> to vector<16xf32>
        %swap3A_1552 = vector.shape_cast %mul3A_1547 : vector<16xf32> to vector<1x16xf32>
        tpu.vector_store %arg12[%swap3A_1548, %swap3A_1549], %swap3A_1552 {strides = array<i32>} : memref<16x1024xf32, #tpu.memory_space<vmem>>, vector<1x16xf32>,
        %scan3A_1553 = arith.constant 0 : i32
        scf.yield %scan3A_1553 : i32
      }
      %scan3A_703 = arith.constant 16 : i32
      %mul3A_704 = arith.constant 16 : i32
      %mul3A_705 = arith.muli %add3A_685, %mul3A_704 : i32
      %add3A_706 = arith.addi %mul3A_2, %mul3A_705 : i32
      %dma_start3A_707 = arith.constant 0 : i32
      %dma_start3A_708 = tpu.memref_slice %arg4[%add3A_706, %dma_start3A_707] : memref<32768x1024xf32, #tpu.memory_space<hbm>> -> memref<16x1024xf32, #tpu.memory_space<hbm>>
      %dma_start3A_709 = arith.constant 0 : i32
      %dma_start3A_710 = tpu.memref_slice %arg4[%add3A_706, %dma_start3A_709] : memref<32768x1024xf32, #tpu.memory_space<hbm>> -> memref<16x1024xf32, #tpu.memory_space<hbm>>
      tpu.enqueue_dma source(%arg12 : memref<16x1024xf32, #tpu.memory_space<vmem>>) target(%dma_start3A_710 : memref<16x1024xf32, #tpu.memory_space<hbm>>) target_semaphore(%arg18 : memref<!tpu.dma_semaphore, #tpu.memory_space<semaphore_mem>>)
      %lt3A_711 = arith.constant 15 : i32
      %lt3A_712 = arith.cmpi slt, %scan3A_649, %lt3A_711 : i32
      %convert_element_type3A_713 = arith.extui %lt3A_712 : i1 to i32
      %cond3A_714 = arith.constant 0 : i32
      %cond3A_715 = arith.cmpi ne, %convert_element_type3A_713, %cond3A_714 : i32
      scf.if %cond3A_715 {
        %add3A_783 = arith.constant 4 : i32
        %add3A_784 = arith.addi %add3A_685, %add3A_783 : i32
        %dma_start3A_785 = arith.constant 0 : i32
        %dma_start3A_786 = tpu.memref_slice %arg6[%add3A_784, %dma_start3A_785] : memref<64x16xi32, #tpu.memory_space<vmem>> -> memref<1x16xi32, #tpu.memory_space<vmem>>
        %dma_start3A_787 = tpu.memref_squeeze %dma_start3A_786 : memref<1x16xi32, #tpu.memory_space<vmem>> -> memref<16xi32, #tpu.memory_space<vmem>>
        %dma_start3A_788 = arith.constant 0 : i32
        %dma_start3A_789 = arith.constant 0 : i32
        %dma_start3A_790 = tpu.memref_slice %arg3[%dma_start3A_788, %dma_start3A_789] : memref<100000x1024xf32, #tpu.memory_space<hbm>> -> memref<100000x1024xf32, #tpu.memory_space<hbm>>
        tpu.enqueue_indirect_dma source(%dma_start3A_790 : memref<100000x1024xf32, #tpu.memory_space<hbm>>) target(%arg8 : memref<16x1024xf32, #tpu.memory_space<vmem>>) offsets(%dma_start3A_787 : memref<16xi32, #tpu.memory_space<vmem>>) semaphore(%arg14 : memref<!tpu.dma_semaphore, #tpu.memory_space<semaphore_mem>>)
      } else {
      }
      %mul3A_716 = arith.constant 4 : i32
      %mul3A_717 = arith.muli %scan3A_649, %mul3A_716 : i32
      %add3A_718 = arith.constant 2 : i32
      %add3A_719 = arith.addi %mul3A_717, %add3A_718 : i32
      %dma_wait3A_720 = arith.constant 0 : i32
      %dma_wait3A_721 = arith.constant 0 : i32
      %dma_wait3A_722 = tpu.memref_slice %arg3[%dma_wait3A_720, %dma_wait3A_721] : memref<100000x1024xf32, #tpu.memory_space<hbm>> -> memref<16x1024xf32, #tpu.memory_space<hbm>>
      %dma_wait3A_723 = arith.constant 0 : i32
      %dma_wait3A_724 = arith.constant 0 : i32
      %dma_wait3A_725 = tpu.memref_slice %arg3[%dma_wait3A_723, %dma_wait3A_724] : memref<100000x1024xf32, #tpu.memory_space<hbm>> -> memref<16x1024xf32, #tpu.memory_space<hbm>>
      tpu.wait_dma2 semaphore(%arg15 : memref<!tpu.dma_semaphore, #tpu.memory_space<semaphore_mem>>) src(%dma_wait3A_725 : memref<16x1024xf32, #tpu.memory_space<hbm>>) dst(%arg9 : memref<16x1024xf32, #tpu.memory_space<vmem>>)
      %dma_wait3A_726 = arith.constant 0 : i32
      %dma_wait3A_727 = tpu.memref_slice %arg4[%mul3A_2, %dma_wait3A_726] : memref<32768x1024xf32, #tpu.memory_space<hbm>> -> memref<16x1024xf32, #tpu.memory_space<hbm>>
      %dma_wait3A_728 = arith.constant 0 : i32
      %dma_wait3A_729 = tpu.memref_slice %arg4[%mul3A_2, %dma_wait3A_728] : memref<32768x1024xf32, #tpu.memory_space<hbm>> -> memref<16x1024xf32, #tpu.memory_space<hbm>>
      tpu.wait_dma2 semaphore(%arg17 : memref<!tpu.dma_semaphore, #tpu.memory_space<semaphore_mem>>) src(%arg11 : memref<16x1024xf32, #tpu.memory_space<vmem>>) dst(%dma_wait3A_729 : memref<16x1024xf32, #tpu.memory_space<hbm>>)
      %scan3A_730 = arith.constant 0 : i32
      %scan3A_731 = arith.constant 0 : i32
      %scan3A_732 = arith.constant 16 : i32
      %scan3A_733 = arith.addi %scan3A_731, %scan3A_732 : i32
      %scan3A_734 = arith.constant 1 : i32
      %scan3A_735 = scf.for %scan3A_783 = %scan3A_731 to %scan3A_733 step %scan3A_734 iter_args(%scan3A_784 = %scan3A_730) -> (i32)  : i32 {
        %get3A_785 = arith.index_cast %scan3A_783 : i32 to index
        %get3A_786 = arith.constant 0 : index
        %get3A_787 = tpu.vector_load %arg9[%get3A_785, %get3A_786] {strides = array<i32>} : memref<16x1024xf32, #tpu.memory_space<vmem>>, vector<1x16xf32>,
        %get3A_788 = vector.shape_cast %get3A_787 : vector<1x16xf32> to vector<16xf32>
        %mul3A_789 = arith.constant 3.200000e+01 : f32
        %mul3A_790 = vector.broadcast %mul3A_789 : f32 to vector<16xf32>
        %mul3A_791 = arith.mulf %get3A_788, %mul3A_790 : vector<16xf32>
        %swap3A_792 = arith.index_cast %scan3A_783 : i32 to index
        %swap3A_793 = arith.constant 0 : index
        %swap3A_794 = tpu.vector_load %arg11[%swap3A_792, %swap3A_793] {strides = array<i32>} : memref<16x1024xf32, #tpu.memory_space<vmem>>, vector<1x16xf32>,
        %swap3A_795 = vector.shape_cast %swap3A_794 : vector<1x16xf32> to vector<16xf32>
        %swap3A_796 = vector.shape_cast %mul3A_791 : vector<16xf32> to vector<1x16xf32>
        tpu.vector_store %arg11[%swap3A_792, %swap3A_793], %swap3A_796 {strides = array<i32>} : memref<16x1024xf32, #tpu.memory_space<vmem>>, vector<1x16xf32>,
        %get3A_797 = arith.index_cast %scan3A_783 : i32 to index
        %get3A_798 = arith.constant 16 : index
        %get3A_799 = tpu.vector_load %arg9[%get3A_797, %get3A_798] {strides = array<i32>} : memref<16x1024xf32, #tpu.memory_space<vmem>>, vector<1x16xf32>,
        %get3A_800 = vector.shape_cast %get3A_799 : vector<1x16xf32> to vector<16xf32>
        %mul3A_801 = arith.constant 3.200000e+01 : f32
        %mul3A_802 = vector.broadcast %mul3A_801 : f32 to vector<16xf32>
        %mul3A_803 = arith.mulf %get3A_800, %mul3A_802 : vector<16xf32>
        %swap3A_804 = arith.index_cast %scan3A_783 : i32 to index
        %swap3A_805 = arith.constant 16 : index
        %swap3A_806 = tpu.vector_load %arg11[%swap3A_804, %swap3A_805] {strides = array<i32>} : memref<16x1024xf32, #tpu.memory_space<vmem>>, vector<1x16xf32>,
        %swap3A_807 = vector.shape_cast %swap3A_806 : vector<1x16xf32> to vector<16xf32>
        %swap3A_808 = vector.shape_cast %mul3A_803 : vector<16xf32> to vector<1x16xf32>
        tpu.vector_store %arg11[%swap3A_804, %swap3A_805], %swap3A_808 {strides = array<i32>} : memref<16x1024xf32, #tpu.memory_space<vmem>>, vector<1x16xf32>,
        %get3A_809 = arith.index_cast %scan3A_783 : i32 to index
        %get3A_810 = arith.constant 32 : index
        %get3A_811 = tpu.vector_load %arg9[%get3A_809, %get3A_810] {strides = array<i32>} : memref<16x1024xf32, #tpu.memory_space<vmem>>, vector<1x16xf32>,
        %get3A_812 = vector.shape_cast %get3A_811 : vector<1x16xf32> to vector<16xf32>
        %mul3A_813 = arith.constant 3.200000e+01 : f32
        %mul3A_814 = vector.broadcast %mul3A_813 : f32 to vector<16xf32>
        %mul3A_815 = arith.mulf %get3A_812, %mul3A_814 : vector<16xf32>
        %swap3A_816 = arith.index_cast %scan3A_783 : i32 to index
        %swap3A_817 = arith.constant 32 : index
        %swap3A_818 = tpu.vector_load %arg11[%swap3A_816, %swap3A_817] {strides = array<i32>} : memref<16x1024xf32, #tpu.memory_space<vmem>>, vector<1x16xf32>,
        %swap3A_819 = vector.shape_cast %swap3A_818 : vector<1x16xf32> to vector<16xf32>
        %swap3A_820 = vector.shape_cast %mul3A_815 : vector<16xf32> to vector<1x16xf32>
        tpu.vector_store %arg11[%swap3A_816, %swap3A_817], %swap3A_820 {strides = array<i32>} : memref<16x1024xf32, #tpu.memory_space<vmem>>, vector<1x16xf32>,
        %get3A_821 = arith.index_cast %scan3A_783 : i32 to index
        %get3A_822 = arith.constant 48 : index
        %get3A_823 = tpu.vector_load %arg9[%get3A_821, %get3A_822] {strides = array<i32>} : memref<16x1024xf32, #tpu.memory_space<vmem>>, vector<1x16xf32>,
        %get3A_824 = vector.shape_cast %get3A_823 : vector<1x16xf32> to vector<16xf32>
        %mul3A_825 = arith.constant 3.200000e+01 : f32
        %mul3A_826 = vector.broadcast %mul3A_825 : f32 to vector<16xf32>
        %mul3A_827 = arith.mulf %get3A_824, %mul3A_826 : vector<16xf32>
        %swap3A_828 = arith.index_cast %scan3A_783 : i32 to index
        %swap3A_829 = arith.constant 48 : index
        %swap3A_830 = tpu.vector_load %arg11[%swap3A_828, %swap3A_829] {strides = array<i32>} : memref<16x1024xf32, #tpu.memory_space<vmem>>, vector<1x16xf32>,
        %swap3A_831 = vector.shape_cast %swap3A_830 : vector<1x16xf32> to vector<16xf32>
        %swap3A_832 = vector.shape_cast %mul3A_827 : vector<16xf32> to vector<1x16xf32>
        tpu.vector_store %arg11[%swap3A_828, %swap3A_829], %swap3A_832 {strides = array<i32>} : memref<16x1024xf32, #tpu.memory_space<vmem>>, vector<1x16xf32>,
        %get3A_833 = arith.index_cast %scan3A_783 : i32 to index
        %get3A_834 = arith.constant 64 : index
        %get3A_835 = tpu.vector_load %arg9[%get3A_833, %get3A_834] {strides = array<i32>} : memref<16x1024xf32, #tpu.memory_space<vmem>>, vector<1x16xf32>,
        %get3A_836 = vector.shape_cast %get3A_835 : vector<1x16xf32> to vector<16xf32>
        %mul3A_837 = arith.constant 3.200000e+01 : f32
        %mul3A_838 = vector.broadcast %mul3A_837 : f32 to vector<16xf32>
        %mul3A_839 = arith.mulf %get3A_836, %mul3A_838 : vector<16xf32>
        %swap3A_840 = arith.index_cast %scan3A_783 : i32 to index
        %swap3A_841 = arith.constant 64 : index
        %swap3A_842 = tpu.vector_load %arg11[%swap3A_840, %swap3A_841] {strides = array<i32>} : memref<16x1024xf32, #tpu.memory_space<vmem>>, vector<1x16xf32>,
        %swap3A_843 = vector.shape_cast %swap3A_842 : vector<1x16xf32> to vector<16xf32>
        %swap3A_844 = vector.shape_cast %mul3A_839 : vector<16xf32> to vector<1x16xf32>
        tpu.vector_store %arg11[%swap3A_840, %swap3A_841], %swap3A_844 {strides = array<i32>} : memref<16x1024xf32, #tpu.memory_space<vmem>>, vector<1x16xf32>,
        %get3A_845 = arith.index_cast %scan3A_783 : i32 to index
        %get3A_846 = arith.constant 80 : index
        %get3A_847 = tpu.vector_load %arg9[%get3A_845, %get3A_846] {strides = array<i32>} : memref<16x1024xf32, #tpu.memory_space<vmem>>, vector<1x16xf32>,
        %get3A_848 = vector.shape_cast %get3A_847 : vector<1x16xf32> to vector<16xf32>
        %mul3A_849 = arith.constant 3.200000e+01 : f32
        %mul3A_850 = vector.broadcast %mul3A_849 : f32 to vector<16xf32>
        %mul3A_851 = arith.mulf %get3A_848, %mul3A_850 : vector<16xf32>
        %swap3A_852 = arith.index_cast %scan3A_783 : i32 to index
        %swap3A_853 = arith.constant 80 : index
        %swap3A_854 = tpu.vector_load %arg11[%swap3A_852, %swap3A_853] {strides = array<i32>} : memref<16x1024xf32, #tpu.memory_space<vmem>>, vector<1x16xf32>,
        %swap3A_855 = vector.shape_cast %swap3A_854 : vector<1x16xf32> to vector<16xf32>
        %swap3A_856 = vector.shape_cast %mul3A_851 : vector<16xf32> to vector<1x16xf32>
        tpu.vector_store %arg11[%swap3A_852, %swap3A_853], %swap3A_856 {strides = array<i32>} : memref<16x1024xf32, #tpu.memory_space<vmem>>, vector<1x16xf32>,
        %get3A_857 = arith.index_cast %scan3A_783 : i32 to index
        %get3A_858 = arith.constant 96 : index
        %get3A_859 = tpu.vector_load %arg9[%get3A_857, %get3A_858] {strides = array<i32>} : memref<16x1024xf32, #tpu.memory_space<vmem>>, vector<1x16xf32>,
        %get3A_860 = vector.shape_cast %get3A_859 : vector<1x16xf32> to vector<16xf32>
        %mul3A_861 = arith.constant 3.200000e+01 : f32
        %mul3A_862 = vector.broadcast %mul3A_861 : f32 to vector<16xf32>
        %mul3A_863 = arith.mulf %get3A_860, %mul3A_862 : vector<16xf32>
        %swap3A_864 = arith.index_cast %scan3A_783 : i32 to index
        %swap3A_865 = arith.constant 96 : index
        %swap3A_866 = tpu.vector_load %arg11[%swap3A_864, %swap3A_865] {strides = array<i32>} : memref<16x1024xf32, #tpu.memory_space<vmem>>, vector<1x16xf32>,
        %swap3A_867 = vector.shape_cast %swap3A_866 : vector<1x16xf32> to vector<16xf32>
        %swap3A_868 = vector.shape_cast %mul3A_863 : vector<16xf32> to vector<1x16xf32>
        tpu.vector_store %arg11[%swap3A_864, %swap3A_865], %swap3A_868 {strides = array<i32>} : memref<16x1024xf32, #tpu.memory_space<vmem>>, vector<1x16xf32>,
        %get3A_869 = arith.index_cast %scan3A_783 : i32 to index
        %get3A_870 = arith.constant 112 : index
        %get3A_871 = tpu.vector_load %arg9[%get3A_869, %get3A_870] {strides = array<i32>} : memref<16x1024xf32, #tpu.memory_space<vmem>>, vector<1x16xf32>,
        %get3A_872 = vector.shape_cast %get3A_871 : vector<1x16xf32> to vector<16xf32>
        %mul3A_873 = arith.constant 3.200000e+01 : f32
        %mul3A_874 = vector.broadcast %mul3A_873 : f32 to vector<16xf32>
        %mul3A_875 = arith.mulf %get3A_872, %mul3A_874 : vector<16xf32>
        %swap3A_876 = arith.index_cast %scan3A_783 : i32 to index
        %swap3A_877 = arith.constant 112 : index
        %swap3A_878 = tpu.vector_load %arg11[%swap3A_876, %swap3A_877] {strides = array<i32>} : memref<16x1024xf32, #tpu.memory_space<vmem>>, vector<1x16xf32>,
        %swap3A_879 = vector.shape_cast %swap3A_878 : vector<1x16xf32> to vector<16xf32>
        %swap3A_880 = vector.shape_cast %mul3A_875 : vector<16xf32> to vector<1x16xf32>
        tpu.vector_store %arg11[%swap3A_876, %swap3A_877], %swap3A_880 {strides = array<i32>} : memref<16x1024xf32, #tpu.memory_space<vmem>>, vector<1x16xf32>,
        %get3A_881 = arith.index_cast %scan3A_783 : i32 to index
        %get3A_882 = arith.constant 128 : index
        %get3A_883 = tpu.vector_load %arg9[%get3A_881, %get3A_882] {strides = array<i32>} : memref<16x1024xf32, #tpu.memory_space<vmem>>, vector<1x16xf32>,
        %get3A_884 = vector.shape_cast %get3A_883 : vector<1x16xf32> to vector<16xf32>
        %mul3A_885 = arith.constant 3.200000e+01 : f32
        %mul3A_886 = vector.broadcast %mul3A_885 : f32 to vector<16xf32>
        %mul3A_887 = arith.mulf %get3A_884, %mul3A_886 : vector<16xf32>
        %swap3A_888 = arith.index_cast %scan3A_783 : i32 to index
        %swap3A_889 = arith.constant 128 : index
        %swap3A_890 = tpu.vector_load %arg11[%swap3A_888, %swap3A_889] {strides = array<i32>} : memref<16x1024xf32, #tpu.memory_space<vmem>>, vector<1x16xf32>,
        %swap3A_891 = vector.shape_cast %swap3A_890 : vector<1x16xf32> to vector<16xf32>
        %swap3A_892 = vector.shape_cast %mul3A_887 : vector<16xf32> to vector<1x16xf32>
        tpu.vector_store %arg11[%swap3A_888, %swap3A_889], %swap3A_892 {strides = array<i32>} : memref<16x1024xf32, #tpu.memory_space<vmem>>, vector<1x16xf32>,
        %get3A_893 = arith.index_cast %scan3A_783 : i32 to index
        %get3A_894 = arith.constant 144 : index
        %get3A_895 = tpu.vector_load %arg9[%get3A_893, %get3A_894] {strides = array<i32>} : memref<16x1024xf32, #tpu.memory_space<vmem>>, vector<1x16xf32>,
        %get3A_896 = vector.shape_cast %get3A_895 : vector<1x16xf32> to vector<16xf32>
        %mul3A_897 = arith.constant 3.200000e+01 : f32
        %mul3A_898 = vector.broadcast %mul3A_897 : f32 to vector<16xf32>
        %mul3A_899 = arith.mulf %get3A_896, %mul3A_898 : vector<16xf32>
        %swap3A_900 = arith.index_cast %scan3A_783 : i32 to index
        %swap3A_901 = arith.constant 144 : index
        %swap3A_902 = tpu.vector_load %arg11[%swap3A_900, %swap3A_901] {strides = array<i32>} : memref<16x1024xf32, #tpu.memory_space<vmem>>, vector<1x16xf32>,
        %swap3A_903 = vector.shape_cast %swap3A_902 : vector<1x16xf32> to vector<16xf32>
        %swap3A_904 = vector.shape_cast %mul3A_899 : vector<16xf32> to vector<1x16xf32>
        tpu.vector_store %arg11[%swap3A_900, %swap3A_901], %swap3A_904 {strides = array<i32>} : memref<16x1024xf32, #tpu.memory_space<vmem>>, vector<1x16xf32>,
        %get3A_905 = arith.index_cast %scan3A_783 : i32 to index
        %get3A_906 = arith.constant 160 : index
        %get3A_907 = tpu.vector_load %arg9[%get3A_905, %get3A_906] {strides = array<i32>} : memref<16x1024xf32, #tpu.memory_space<vmem>>, vector<1x16xf32>,
        %get3A_908 = vector.shape_cast %get3A_907 : vector<1x16xf32> to vector<16xf32>
        %mul3A_909 = arith.constant 3.200000e+01 : f32
        %mul3A_910 = vector.broadcast %mul3A_909 : f32 to vector<16xf32>
        %mul3A_911 = arith.mulf %get3A_908, %mul3A_910 : vector<16xf32>
        %swap3A_912 = arith.index_cast %scan3A_783 : i32 to index
        %swap3A_913 = arith.constant 160 : index
        %swap3A_914 = tpu.vector_load %arg11[%swap3A_912, %swap3A_913] {strides = array<i32>} : memref<16x1024xf32, #tpu.memory_space<vmem>>, vector<1x16xf32>,
        %swap3A_915 = vector.shape_cast %swap3A_914 : vector<1x16xf32> to vector<16xf32>
        %swap3A_916 = vector.shape_cast %mul3A_911 : vector<16xf32> to vector<1x16xf32>
        tpu.vector_store %arg11[%swap3A_912, %swap3A_913], %swap3A_916 {strides = array<i32>} : memref<16x1024xf32, #tpu.memory_space<vmem>>, vector<1x16xf32>,
        %get3A_917 = arith.index_cast %scan3A_783 : i32 to index
        %get3A_918 = arith.constant 176 : index
        %get3A_919 = tpu.vector_load %arg9[%get3A_917, %get3A_918] {strides = array<i32>} : memref<16x1024xf32, #tpu.memory_space<vmem>>, vector<1x16xf32>,
        %get3A_920 = vector.shape_cast %get3A_919 : vector<1x16xf32> to vector<16xf32>
        %mul3A_921 = arith.constant 3.200000e+01 : f32
        %mul3A_922 = vector.broadcast %mul3A_921 : f32 to vector<16xf32>
        %mul3A_923 = arith.mulf %get3A_920, %mul3A_922 : vector<16xf32>
        %swap3A_924 = arith.index_cast %scan3A_783 : i32 to index
        %swap3A_925 = arith.constant 176 : index
        %swap3A_926 = tpu.vector_load %arg11[%swap3A_924, %swap3A_925] {strides = array<i32>} : memref<16x1024xf32, #tpu.memory_space<vmem>>, vector<1x16xf32>,
        %swap3A_927 = vector.shape_cast %swap3A_926 : vector<1x16xf32> to vector<16xf32>
        %swap3A_928 = vector.shape_cast %mul3A_923 : vector<16xf32> to vector<1x16xf32>
        tpu.vector_store %arg11[%swap3A_924, %swap3A_925], %swap3A_928 {strides = array<i32>} : memref<16x1024xf32, #tpu.memory_space<vmem>>, vector<1x16xf32>,
        %get3A_929 = arith.index_cast %scan3A_783 : i32 to index
        %get3A_930 = arith.constant 192 : index
        %get3A_931 = tpu.vector_load %arg9[%get3A_929, %get3A_930] {strides = array<i32>} : memref<16x1024xf32, #tpu.memory_space<vmem>>, vector<1x16xf32>,
        %get3A_932 = vector.shape_cast %get3A_931 : vector<1x16xf32> to vector<16xf32>
        %mul3A_933 = arith.constant 3.200000e+01 : f32
        %mul3A_934 = vector.broadcast %mul3A_933 : f32 to vector<16xf32>
        %mul3A_935 = arith.mulf %get3A_932, %mul3A_934 : vector<16xf32>
        %swap3A_936 = arith.index_cast %scan3A_783 : i32 to index
        %swap3A_937 = arith.constant 192 : index
        %swap3A_938 = tpu.vector_load %arg11[%swap3A_936, %swap3A_937] {strides = array<i32>} : memref<16x1024xf32, #tpu.memory_space<vmem>>, vector<1x16xf32>,
        %swap3A_939 = vector.shape_cast %swap3A_938 : vector<1x16xf32> to vector<16xf32>
        %swap3A_940 = vector.shape_cast %mul3A_935 : vector<16xf32> to vector<1x16xf32>
        tpu.vector_store %arg11[%swap3A_936, %swap3A_937], %swap3A_940 {strides = array<i32>} : memref<16x1024xf32, #tpu.memory_space<vmem>>, vector<1x16xf32>,
        %get3A_941 = arith.index_cast %scan3A_783 : i32 to index
        %get3A_942 = arith.constant 208 : index
        %get3A_943 = tpu.vector_load %arg9[%get3A_941, %get3A_942] {strides = array<i32>} : memref<16x1024xf32, #tpu.memory_space<vmem>>, vector<1x16xf32>,
        %get3A_944 = vector.shape_cast %get3A_943 : vector<1x16xf32> to vector<16xf32>
        %mul3A_945 = arith.constant 3.200000e+01 : f32
        %mul3A_946 = vector.broadcast %mul3A_945 : f32 to vector<16xf32>
        %mul3A_947 = arith.mulf %get3A_944, %mul3A_946 : vector<16xf32>
        %swap3A_948 = arith.index_cast %scan3A_783 : i32 to index
        %swap3A_949 = arith.constant 208 : index
        %swap3A_950 = tpu.vector_load %arg11[%swap3A_948, %swap3A_949] {strides = array<i32>} : memref<16x1024xf32, #tpu.memory_space<vmem>>, vector<1x16xf32>,
        %swap3A_951 = vector.shape_cast %swap3A_950 : vector<1x16xf32> to vector<16xf32>
        %swap3A_952 = vector.shape_cast %mul3A_947 : vector<16xf32> to vector<1x16xf32>
        tpu.vector_store %arg11[%swap3A_948, %swap3A_949], %swap3A_952 {strides = array<i32>} : memref<16x1024xf32, #tpu.memory_space<vmem>>, vector<1x16xf32>,
        %get3A_953 = arith.index_cast %scan3A_783 : i32 to index
        %get3A_954 = arith.constant 224 : index
        %get3A_955 = tpu.vector_load %arg9[%get3A_953, %get3A_954] {strides = array<i32>} : memref<16x1024xf32, #tpu.memory_space<vmem>>, vector<1x16xf32>,
        %get3A_956 = vector.shape_cast %get3A_955 : vector<1x16xf32> to vector<16xf32>
        %mul3A_957 = arith.constant 3.200000e+01 : f32
        %mul3A_958 = vector.broadcast %mul3A_957 : f32 to vector<16xf32>
        %mul3A_959 = arith.mulf %get3A_956, %mul3A_958 : vector<16xf32>
        %swap3A_960 = arith.index_cast %scan3A_783 : i32 to index
        %swap3A_961 = arith.constant 224 : index
        %swap3A_962 = tpu.vector_load %arg11[%swap3A_960, %swap3A_961] {strides = array<i32>} : memref<16x1024xf32, #tpu.memory_space<vmem>>, vector<1x16xf32>,
        %swap3A_963 = vector.shape_cast %swap3A_962 : vector<1x16xf32> to vector<16xf32>
        %swap3A_964 = vector.shape_cast %mul3A_959 : vector<16xf32> to vector<1x16xf32>
        tpu.vector_store %arg11[%swap3A_960, %swap3A_961], %swap3A_964 {strides = array<i32>} : memref<16x1024xf32, #tpu.memory_space<vmem>>, vector<1x16xf32>,
        %get3A_965 = arith.index_cast %scan3A_783 : i32 to index
        %get3A_966 = arith.constant 240 : index
        %get3A_967 = tpu.vector_load %arg9[%get3A_965, %get3A_966] {strides = array<i32>} : memref<16x1024xf32, #tpu.memory_space<vmem>>, vector<1x16xf32>,
        %get3A_968 = vector.shape_cast %get3A_967 : vector<1x16xf32> to vector<16xf32>
        %mul3A_969 = arith.constant 3.200000e+01 : f32
        %mul3A_970 = vector.broadcast %mul3A_969 : f32 to vector<16xf32>
        %mul3A_971 = arith.mulf %get3A_968, %mul3A_970 : vector<16xf32>
        %swap3A_972 = arith.index_cast %scan3A_783 : i32 to index
        %swap3A_973 = arith.constant 240 : index
        %swap3A_974 = tpu.vector_load %arg11[%swap3A_972, %swap3A_973] {strides = array<i32>} : memref<16x1024xf32, #tpu.memory_space<vmem>>, vector<1x16xf32>,
        %swap3A_975 = vector.shape_cast %swap3A_974 : vector<1x16xf32> to vector<16xf32>
        %swap3A_976 = vector.shape_cast %mul3A_971 : vector<16xf32> to vector<1x16xf32>
        tpu.vector_store %arg11[%swap3A_972, %swap3A_973], %swap3A_976 {strides = array<i32>} : memref<16x1024xf32, #tpu.memory_space<vmem>>, vector<1x16xf32>,
        %get3A_977 = arith.index_cast %scan3A_783 : i32 to index
        %get3A_978 = arith.constant 256 : index
        %get3A_979 = tpu.vector_load %arg9[%get3A_977, %get3A_978] {strides = array<i32>} : memref<16x1024xf32, #tpu.memory_space<vmem>>, vector<1x16xf32>,
        %get3A_980 = vector.shape_cast %get3A_979 : vector<1x16xf32> to vector<16xf32>
        %mul3A_981 = arith.constant 3.200000e+01 : f32
        %mul3A_982 = vector.broadcast %mul3A_981 : f32 to vector<16xf32>
        %mul3A_983 = arith.mulf %get3A_980, %mul3A_982 : vector<16xf32>
        %swap3A_984 = arith.index_cast %scan3A_783 : i32 to index
        %swap3A_985 = arith.constant 256 : index
        %swap3A_986 = tpu.vector_load %arg11[%swap3A_984, %swap3A_985] {strides = array<i32>} : memref<16x1024xf32, #tpu.memory_space<vmem>>, vector<1x16xf32>,
        %swap3A_987 = vector.shape_cast %swap3A_986 : vector<1x16xf32> to vector<16xf32>
        %swap3A_988 = vector.shape_cast %mul3A_983 : vector<16xf32> to vector<1x16xf32>
        tpu.vector_store %arg11[%swap3A_984, %swap3A_985], %swap3A_988 {strides = array<i32>} : memref<16x1024xf32, #tpu.memory_space<vmem>>, vector<1x16xf32>,
        %get3A_989 = arith.index_cast %scan3A_783 : i32 to index
        %get3A_990 = arith.constant 272 : index
        %get3A_991 = tpu.vector_load %arg9[%get3A_989, %get3A_990] {strides = array<i32>} : memref<16x1024xf32, #tpu.memory_space<vmem>>, vector<1x16xf32>,
        %get3A_992 = vector.shape_cast %get3A_991 : vector<1x16xf32> to vector<16xf32>
        %mul3A_993 = arith.constant 3.200000e+01 : f32
        %mul3A_994 = vector.broadcast %mul3A_993 : f32 to vector<16xf32>
        %mul3A_995 = arith.mulf %get3A_992, %mul3A_994 : vector<16xf32>
        %swap3A_996 = arith.index_cast %scan3A_783 : i32 to index
        %swap3A_997 = arith.constant 272 : index
        %swap3A_998 = tpu.vector_load %arg11[%swap3A_996, %swap3A_997] {strides = array<i32>} : memref<16x1024xf32, #tpu.memory_space<vmem>>, vector<1x16xf32>,
        %swap3A_999 = vector.shape_cast %swap3A_998 : vector<1x16xf32> to vector<16xf32>
        %swap3A_1000 = vector.shape_cast %mul3A_995 : vector<16xf32> to vector<1x16xf32>
        tpu.vector_store %arg11[%swap3A_996, %swap3A_997], %swap3A_1000 {strides = array<i32>} : memref<16x1024xf32, #tpu.memory_space<vmem>>, vector<1x16xf32>,
        %get3A_1001 = arith.index_cast %scan3A_783 : i32 to index
        %get3A_1002 = arith.constant 288 : index
        %get3A_1003 = tpu.vector_load %arg9[%get3A_1001, %get3A_1002] {strides = array<i32>} : memref<16x1024xf32, #tpu.memory_space<vmem>>, vector<1x16xf32>,
        %get3A_1004 = vector.shape_cast %get3A_1003 : vector<1x16xf32> to vector<16xf32>
        %mul3A_1005 = arith.constant 3.200000e+01 : f32
        %mul3A_1006 = vector.broadcast %mul3A_1005 : f32 to vector<16xf32>
        %mul3A_1007 = arith.mulf %get3A_1004, %mul3A_1006 : vector<16xf32>
        %swap3A_1008 = arith.index_cast %scan3A_783 : i32 to index
        %swap3A_1009 = arith.constant 288 : index
        %swap3A_1010 = tpu.vector_load %arg11[%swap3A_1008, %swap3A_1009] {strides = array<i32>} : memref<16x1024xf32, #tpu.memory_space<vmem>>, vector<1x16xf32>,
        %swap3A_1011 = vector.shape_cast %swap3A_1010 : vector<1x16xf32> to vector<16xf32>
        %swap3A_1012 = vector.shape_cast %mul3A_1007 : vector<16xf32> to vector<1x16xf32>
        tpu.vector_store %arg11[%swap3A_1008, %swap3A_1009], %swap3A_1012 {strides = array<i32>} : memref<16x1024xf32, #tpu.memory_space<vmem>>, vector<1x16xf32>,
        %get3A_1013 = arith.index_cast %scan3A_783 : i32 to index
        %get3A_1014 = arith.constant 304 : index
        %get3A_1015 = tpu.vector_load %arg9[%get3A_1013, %get3A_1014] {strides = array<i32>} : memref<16x1024xf32, #tpu.memory_space<vmem>>, vector<1x16xf32>,
        %get3A_1016 = vector.shape_cast %get3A_1015 : vector<1x16xf32> to vector<16xf32>
        %mul3A_1017 = arith.constant 3.200000e+01 : f32
        %mul3A_1018 = vector.broadcast %mul3A_1017 : f32 to vector<16xf32>
        %mul3A_1019 = arith.mulf %get3A_1016, %mul3A_1018 : vector<16xf32>
        %swap3A_1020 = arith.index_cast %scan3A_783 : i32 to index
        %swap3A_1021 = arith.constant 304 : index
        %swap3A_1022 = tpu.vector_load %arg11[%swap3A_1020, %swap3A_1021] {strides = array<i32>} : memref<16x1024xf32, #tpu.memory_space<vmem>>, vector<1x16xf32>,
        %swap3A_1023 = vector.shape_cast %swap3A_1022 : vector<1x16xf32> to vector<16xf32>
        %swap3A_1024 = vector.shape_cast %mul3A_1019 : vector<16xf32> to vector<1x16xf32>
        tpu.vector_store %arg11[%swap3A_1020, %swap3A_1021], %swap3A_1024 {strides = array<i32>} : memref<16x1024xf32, #tpu.memory_space<vmem>>, vector<1x16xf32>,
        %get3A_1025 = arith.index_cast %scan3A_783 : i32 to index
        %get3A_1026 = arith.constant 320 : index
        %get3A_1027 = tpu.vector_load %arg9[%get3A_1025, %get3A_1026] {strides = array<i32>} : memref<16x1024xf32, #tpu.memory_space<vmem>>, vector<1x16xf32>,
        %get3A_1028 = vector.shape_cast %get3A_1027 : vector<1x16xf32> to vector<16xf32>
        %mul3A_1029 = arith.constant 3.200000e+01 : f32
        %mul3A_1030 = vector.broadcast %mul3A_1029 : f32 to vector<16xf32>
        %mul3A_1031 = arith.mulf %get3A_1028, %mul3A_1030 : vector<16xf32>
        %swap3A_1032 = arith.index_cast %scan3A_783 : i32 to index
        %swap3A_1033 = arith.constant 320 : index
        %swap3A_1034 = tpu.vector_load %arg11[%swap3A_1032, %swap3A_1033] {strides = array<i32>} : memref<16x1024xf32, #tpu.memory_space<vmem>>, vector<1x16xf32>,
        %swap3A_1035 = vector.shape_cast %swap3A_1034 : vector<1x16xf32> to vector<16xf32>
        %swap3A_1036 = vector.shape_cast %mul3A_1031 : vector<16xf32> to vector<1x16xf32>
        tpu.vector_store %arg11[%swap3A_1032, %swap3A_1033], %swap3A_1036 {strides = array<i32>} : memref<16x1024xf32, #tpu.memory_space<vmem>>, vector<1x16xf32>,
        %get3A_1037 = arith.index_cast %scan3A_783 : i32 to index
        %get3A_1038 = arith.constant 336 : index
        %get3A_1039 = tpu.vector_load %arg9[%get3A_1037, %get3A_1038] {strides = array<i32>} : memref<16x1024xf32, #tpu.memory_space<vmem>>, vector<1x16xf32>,
        %get3A_1040 = vector.shape_cast %get3A_1039 : vector<1x16xf32> to vector<16xf32>
        %mul3A_1041 = arith.constant 3.200000e+01 : f32
        %mul3A_1042 = vector.broadcast %mul3A_1041 : f32 to vector<16xf32>
        %mul3A_1043 = arith.mulf %get3A_1040, %mul3A_1042 : vector<16xf32>
        %swap3A_1044 = arith.index_cast %scan3A_783 : i32 to index
        %swap3A_1045 = arith.constant 336 : index
        %swap3A_1046 = tpu.vector_load %arg11[%swap3A_1044, %swap3A_1045] {strides = array<i32>} : memref<16x1024xf32, #tpu.memory_space<vmem>>, vector<1x16xf32>,
        %swap3A_1047 = vector.shape_cast %swap3A_1046 : vector<1x16xf32> to vector<16xf32>
        %swap3A_1048 = vector.shape_cast %mul3A_1043 : vector<16xf32> to vector<1x16xf32>
        tpu.vector_store %arg11[%swap3A_1044, %swap3A_1045], %swap3A_1048 {strides = array<i32>} : memref<16x1024xf32, #tpu.memory_space<vmem>>, vector<1x16xf32>,
        %get3A_1049 = arith.index_cast %scan3A_783 : i32 to index
        %get3A_1050 = arith.constant 352 : index
        %get3A_1051 = tpu.vector_load %arg9[%get3A_1049, %get3A_1050] {strides = array<i32>} : memref<16x1024xf32, #tpu.memory_space<vmem>>, vector<1x16xf32>,
        %get3A_1052 = vector.shape_cast %get3A_1051 : vector<1x16xf32> to vector<16xf32>
        %mul3A_1053 = arith.constant 3.200000e+01 : f32
        %mul3A_1054 = vector.broadcast %mul3A_1053 : f32 to vector<16xf32>
        %mul3A_1055 = arith.mulf %get3A_1052, %mul3A_1054 : vector<16xf32>
        %swap3A_1056 = arith.index_cast %scan3A_783 : i32 to index
        %swap3A_1057 = arith.constant 352 : index
        %swap3A_1058 = tpu.vector_load %arg11[%swap3A_1056, %swap3A_1057] {strides = array<i32>} : memref<16x1024xf32, #tpu.memory_space<vmem>>, vector<1x16xf32>,
        %swap3A_1059 = vector.shape_cast %swap3A_1058 : vector<1x16xf32> to vector<16xf32>
        %swap3A_1060 = vector.shape_cast %mul3A_1055 : vector<16xf32> to vector<1x16xf32>
        tpu.vector_store %arg11[%swap3A_1056, %swap3A_1057], %swap3A_1060 {strides = array<i32>} : memref<16x1024xf32, #tpu.memory_space<vmem>>, vector<1x16xf32>,
        %get3A_1061 = arith.index_cast %scan3A_783 : i32 to index
        %get3A_1062 = arith.constant 368 : index
        %get3A_1063 = tpu.vector_load %arg9[%get3A_1061, %get3A_1062] {strides = array<i32>} : memref<16x1024xf32, #tpu.memory_space<vmem>>, vector<1x16xf32>,
        %get3A_1064 = vector.shape_cast %get3A_1063 : vector<1x16xf32> to vector<16xf32>
        %mul3A_1065 = arith.constant 3.200000e+01 : f32
        %mul3A_1066 = vector.broadcast %mul3A_1065 : f32 to vector<16xf32>
        %mul3A_1067 = arith.mulf %get3A_1064, %mul3A_1066 : vector<16xf32>
        %swap3A_1068 = arith.index_cast %scan3A_783 : i32 to index
        %swap3A_1069 = arith.constant 368 : index
        %swap3A_1070 = tpu.vector_load %arg11[%swap3A_1068, %swap3A_1069] {strides = array<i32>} : memref<16x1024xf32, #tpu.memory_space<vmem>>, vector<1x16xf32>,
        %swap3A_1071 = vector.shape_cast %swap3A_1070 : vector<1x16xf32> to vector<16xf32>
        %swap3A_1072 = vector.shape_cast %mul3A_1067 : vector<16xf32> to vector<1x16xf32>
        tpu.vector_store %arg11[%swap3A_1068, %swap3A_1069], %swap3A_1072 {strides = array<i32>} : memref<16x1024xf32, #tpu.memory_space<vmem>>, vector<1x16xf32>,
        %get3A_1073 = arith.index_cast %scan3A_783 : i32 to index
        %get3A_1074 = arith.constant 384 : index
        %get3A_1075 = tpu.vector_load %arg9[%get3A_1073, %get3A_1074] {strides = array<i32>} : memref<16x1024xf32, #tpu.memory_space<vmem>>, vector<1x16xf32>,
        %get3A_1076 = vector.shape_cast %get3A_1075 : vector<1x16xf32> to vector<16xf32>
        %mul3A_1077 = arith.constant 3.200000e+01 : f32
        %mul3A_1078 = vector.broadcast %mul3A_1077 : f32 to vector<16xf32>
        %mul3A_1079 = arith.mulf %get3A_1076, %mul3A_1078 : vector<16xf32>
        %swap3A_1080 = arith.index_cast %scan3A_783 : i32 to index
        %swap3A_1081 = arith.constant 384 : index
        %swap3A_1082 = tpu.vector_load %arg11[%swap3A_1080, %swap3A_1081] {strides = array<i32>} : memref<16x1024xf32, #tpu.memory_space<vmem>>, vector<1x16xf32>,
        %swap3A_1083 = vector.shape_cast %swap3A_1082 : vector<1x16xf32> to vector<16xf32>
        %swap3A_1084 = vector.shape_cast %mul3A_1079 : vector<16xf32> to vector<1x16xf32>
        tpu.vector_store %arg11[%swap3A_1080, %swap3A_1081], %swap3A_1084 {strides = array<i32>} : memref<16x1024xf32, #tpu.memory_space<vmem>>, vector<1x16xf32>,
        %get3A_1085 = arith.index_cast %scan3A_783 : i32 to index
        %get3A_1086 = arith.constant 400 : index
        %get3A_1087 = tpu.vector_load %arg9[%get3A_1085, %get3A_1086] {strides = array<i32>} : memref<16x1024xf32, #tpu.memory_space<vmem>>, vector<1x16xf32>,
        %get3A_1088 = vector.shape_cast %get3A_1087 : vector<1x16xf32> to vector<16xf32>
        %mul3A_1089 = arith.constant 3.200000e+01 : f32
        %mul3A_1090 = vector.broadcast %mul3A_1089 : f32 to vector<16xf32>
        %mul3A_1091 = arith.mulf %get3A_1088, %mul3A_1090 : vector<16xf32>
        %swap3A_1092 = arith.index_cast %scan3A_783 : i32 to index
        %swap3A_1093 = arith.constant 400 : index
        %swap3A_1094 = tpu.vector_load %arg11[%swap3A_1092, %swap3A_1093] {strides = array<i32>} : memref<16x1024xf32, #tpu.memory_space<vmem>>, vector<1x16xf32>,
        %swap3A_1095 = vector.shape_cast %swap3A_1094 : vector<1x16xf32> to vector<16xf32>
        %swap3A_1096 = vector.shape_cast %mul3A_1091 : vector<16xf32> to vector<1x16xf32>
        tpu.vector_store %arg11[%swap3A_1092, %swap3A_1093], %swap3A_1096 {strides = array<i32>} : memref<16x1024xf32, #tpu.memory_space<vmem>>, vector<1x16xf32>,
        %get3A_1097 = arith.index_cast %scan3A_783 : i32 to index
        %get3A_1098 = arith.constant 416 : index
        %get3A_1099 = tpu.vector_load %arg9[%get3A_1097, %get3A_1098] {strides = array<i32>} : memref<16x1024xf32, #tpu.memory_space<vmem>>, vector<1x16xf32>,
        %get3A_1100 = vector.shape_cast %get3A_1099 : vector<1x16xf32> to vector<16xf32>
        %mul3A_1101 = arith.constant 3.200000e+01 : f32
        %mul3A_1102 = vector.broadcast %mul3A_1101 : f32 to vector<16xf32>
        %mul3A_1103 = arith.mulf %get3A_1100, %mul3A_1102 : vector<16xf32>
        %swap3A_1104 = arith.index_cast %scan3A_783 : i32 to index
        %swap3A_1105 = arith.constant 416 : index
        %swap3A_1106 = tpu.vector_load %arg11[%swap3A_1104, %swap3A_1105] {strides = array<i32>} : memref<16x1024xf32, #tpu.memory_space<vmem>>, vector<1x16xf32>,
        %swap3A_1107 = vector.shape_cast %swap3A_1106 : vector<1x16xf32> to vector<16xf32>
        %swap3A_1108 = vector.shape_cast %mul3A_1103 : vector<16xf32> to vector<1x16xf32>
        tpu.vector_store %arg11[%swap3A_1104, %swap3A_1105], %swap3A_1108 {strides = array<i32>} : memref<16x1024xf32, #tpu.memory_space<vmem>>, vector<1x16xf32>,
        %get3A_1109 = arith.index_cast %scan3A_783 : i32 to index
        %get3A_1110 = arith.constant 432 : index
        %get3A_1111 = tpu.vector_load %arg9[%get3A_1109, %get3A_1110] {strides = array<i32>} : memref<16x1024xf32, #tpu.memory_space<vmem>>, vector<1x16xf32>,
        %get3A_1112 = vector.shape_cast %get3A_1111 : vector<1x16xf32> to vector<16xf32>
        %mul3A_1113 = arith.constant 3.200000e+01 : f32
        %mul3A_1114 = vector.broadcast %mul3A_1113 : f32 to vector<16xf32>
        %mul3A_1115 = arith.mulf %get3A_1112, %mul3A_1114 : vector<16xf32>
        %swap3A_1116 = arith.index_cast %scan3A_783 : i32 to index
        %swap3A_1117 = arith.constant 432 : index
        %swap3A_1118 = tpu.vector_load %arg11[%swap3A_1116, %swap3A_1117] {strides = array<i32>} : memref<16x1024xf32, #tpu.memory_space<vmem>>, vector<1x16xf32>,
        %swap3A_1119 = vector.shape_cast %swap3A_1118 : vector<1x16xf32> to vector<16xf32>
        %swap3A_1120 = vector.shape_cast %mul3A_1115 : vector<16xf32> to vector<1x16xf32>
        tpu.vector_store %arg11[%swap3A_1116, %swap3A_1117], %swap3A_1120 {strides = array<i32>} : memref<16x1024xf32, #tpu.memory_space<vmem>>, vector<1x16xf32>,
        %get3A_1121 = arith.index_cast %scan3A_783 : i32 to index
        %get3A_1122 = arith.constant 448 : index
        %get3A_1123 = tpu.vector_load %arg9[%get3A_1121, %get3A_1122] {strides = array<i32>} : memref<16x1024xf32, #tpu.memory_space<vmem>>, vector<1x16xf32>,
        %get3A_1124 = vector.shape_cast %get3A_1123 : vector<1x16xf32> to vector<16xf32>
        %mul3A_1125 = arith.constant 3.200000e+01 : f32
        %mul3A_1126 = vector.broadcast %mul3A_1125 : f32 to vector<16xf32>
        %mul3A_1127 = arith.mulf %get3A_1124, %mul3A_1126 : vector<16xf32>
        %swap3A_1128 = arith.index_cast %scan3A_783 : i32 to index
        %swap3A_1129 = arith.constant 448 : index
        %swap3A_1130 = tpu.vector_load %arg11[%swap3A_1128, %swap3A_1129] {strides = array<i32>} : memref<16x1024xf32, #tpu.memory_space<vmem>>, vector<1x16xf32>,
        %swap3A_1131 = vector.shape_cast %swap3A_1130 : vector<1x16xf32> to vector<16xf32>
        %swap3A_1132 = vector.shape_cast %mul3A_1127 : vector<16xf32> to vector<1x16xf32>
        tpu.vector_store %arg11[%swap3A_1128, %swap3A_1129], %swap3A_1132 {strides = array<i32>} : memref<16x1024xf32, #tpu.memory_space<vmem>>, vector<1x16xf32>,
        %get3A_1133 = arith.index_cast %scan3A_783 : i32 to index
        %get3A_1134 = arith.constant 464 : index
        %get3A_1135 = tpu.vector_load %arg9[%get3A_1133, %get3A_1134] {strides = array<i32>} : memref<16x1024xf32, #tpu.memory_space<vmem>>, vector<1x16xf32>,
        %get3A_1136 = vector.shape_cast %get3A_1135 : vector<1x16xf32> to vector<16xf32>
        %mul3A_1137 = arith.constant 3.200000e+01 : f32
        %mul3A_1138 = vector.broadcast %mul3A_1137 : f32 to vector<16xf32>
        %mul3A_1139 = arith.mulf %get3A_1136, %mul3A_1138 : vector<16xf32>
        %swap3A_1140 = arith.index_cast %scan3A_783 : i32 to index
        %swap3A_1141 = arith.constant 464 : index
        %swap3A_1142 = tpu.vector_load %arg11[%swap3A_1140, %swap3A_1141] {strides = array<i32>} : memref<16x1024xf32, #tpu.memory_space<vmem>>, vector<1x16xf32>,
        %swap3A_1143 = vector.shape_cast %swap3A_1142 : vector<1x16xf32> to vector<16xf32>
        %swap3A_1144 = vector.shape_cast %mul3A_1139 : vector<16xf32> to vector<1x16xf32>
        tpu.vector_store %arg11[%swap3A_1140, %swap3A_1141], %swap3A_1144 {strides = array<i32>} : memref<16x1024xf32, #tpu.memory_space<vmem>>, vector<1x16xf32>,
        %get3A_1145 = arith.index_cast %scan3A_783 : i32 to index
        %get3A_1146 = arith.constant 480 : index
        %get3A_1147 = tpu.vector_load %arg9[%get3A_1145, %get3A_1146] {strides = array<i32>} : memref<16x1024xf32, #tpu.memory_space<vmem>>, vector<1x16xf32>,
        %get3A_1148 = vector.shape_cast %get3A_1147 : vector<1x16xf32> to vector<16xf32>
        %mul3A_1149 = arith.constant 3.200000e+01 : f32
        %mul3A_1150 = vector.broadcast %mul3A_1149 : f32 to vector<16xf32>
        %mul3A_1151 = arith.mulf %get3A_1148, %mul3A_1150 : vector<16xf32>
        %swap3A_1152 = arith.index_cast %scan3A_783 : i32 to index
        %swap3A_1153 = arith.constant 480 : index
        %swap3A_1154 = tpu.vector_load %arg11[%swap3A_1152, %swap3A_1153] {strides = array<i32>} : memref<16x1024xf32, #tpu.memory_space<vmem>>, vector<1x16xf32>,
        %swap3A_1155 = vector.shape_cast %swap3A_1154 : vector<1x16xf32> to vector<16xf32>
        %swap3A_1156 = vector.shape_cast %mul3A_1151 : vector<16xf32> to vector<1x16xf32>
        tpu.vector_store %arg11[%swap3A_1152, %swap3A_1153], %swap3A_1156 {strides = array<i32>} : memref<16x1024xf32, #tpu.memory_space<vmem>>, vector<1x16xf32>,
        %get3A_1157 = arith.index_cast %scan3A_783 : i32 to index
        %get3A_1158 = arith.constant 496 : index
        %get3A_1159 = tpu.vector_load %arg9[%get3A_1157, %get3A_1158] {strides = array<i32>} : memref<16x1024xf32, #tpu.memory_space<vmem>>, vector<1x16xf32>,
        %get3A_1160 = vector.shape_cast %get3A_1159 : vector<1x16xf32> to vector<16xf32>
        %mul3A_1161 = arith.constant 3.200000e+01 : f32
        %mul3A_1162 = vector.broadcast %mul3A_1161 : f32 to vector<16xf32>
        %mul3A_1163 = arith.mulf %get3A_1160, %mul3A_1162 : vector<16xf32>
        %swap3A_1164 = arith.index_cast %scan3A_783 : i32 to index
        %swap3A_1165 = arith.constant 496 : index
        %swap3A_1166 = tpu.vector_load %arg11[%swap3A_1164, %swap3A_1165] {strides = array<i32>} : memref<16x1024xf32, #tpu.memory_space<vmem>>, vector<1x16xf32>,
        %swap3A_1167 = vector.shape_cast %swap3A_1166 : vector<1x16xf32> to vector<16xf32>
        %swap3A_1168 = vector.shape_cast %mul3A_1163 : vector<16xf32> to vector<1x16xf32>
        tpu.vector_store %arg11[%swap3A_1164, %swap3A_1165], %swap3A_1168 {strides = array<i32>} : memref<16x1024xf32, #tpu.memory_space<vmem>>, vector<1x16xf32>,
        %get3A_1169 = arith.index_cast %scan3A_783 : i32 to index
        %get3A_1170 = arith.constant 512 : index
        %get3A_1171 = tpu.vector_load %arg9[%get3A_1169, %get3A_1170] {strides = array<i32>} : memref<16x1024xf32, #tpu.memory_space<vmem>>, vector<1x16xf32>,
        %get3A_1172 = vector.shape_cast %get3A_1171 : vector<1x16xf32> to vector<16xf32>
        %mul3A_1173 = arith.constant 3.200000e+01 : f32
        %mul3A_1174 = vector.broadcast %mul3A_1173 : f32 to vector<16xf32>
        %mul3A_1175 = arith.mulf %get3A_1172, %mul3A_1174 : vector<16xf32>
        %swap3A_1176 = arith.index_cast %scan3A_783 : i32 to index
        %swap3A_1177 = arith.constant 512 : index
        %swap3A_1178 = tpu.vector_load %arg11[%swap3A_1176, %swap3A_1177] {strides = array<i32>} : memref<16x1024xf32, #tpu.memory_space<vmem>>, vector<1x16xf32>,
        %swap3A_1179 = vector.shape_cast %swap3A_1178 : vector<1x16xf32> to vector<16xf32>
        %swap3A_1180 = vector.shape_cast %mul3A_1175 : vector<16xf32> to vector<1x16xf32>
        tpu.vector_store %arg11[%swap3A_1176, %swap3A_1177], %swap3A_1180 {strides = array<i32>} : memref<16x1024xf32, #tpu.memory_space<vmem>>, vector<1x16xf32>,
        %get3A_1181 = arith.index_cast %scan3A_783 : i32 to index
        %get3A_1182 = arith.constant 528 : index
        %get3A_1183 = tpu.vector_load %arg9[%get3A_1181, %get3A_1182] {strides = array<i32>} : memref<16x1024xf32, #tpu.memory_space<vmem>>, vector<1x16xf32>,
        %get3A_1184 = vector.shape_cast %get3A_1183 : vector<1x16xf32> to vector<16xf32>
        %mul3A_1185 = arith.constant 3.200000e+01 : f32
        %mul3A_1186 = vector.broadcast %mul3A_1185 : f32 to vector<16xf32>
        %mul3A_1187 = arith.mulf %get3A_1184, %mul3A_1186 : vector<16xf32>
        %swap3A_1188 = arith.index_cast %scan3A_783 : i32 to index
        %swap3A_1189 = arith.constant 528 : index
        %swap3A_1190 = tpu.vector_load %arg11[%swap3A_1188, %swap3A_1189] {strides = array<i32>} : memref<16x1024xf32, #tpu.memory_space<vmem>>, vector<1x16xf32>,
        %swap3A_1191 = vector.shape_cast %swap3A_1190 : vector<1x16xf32> to vector<16xf32>
        %swap3A_1192 = vector.shape_cast %mul3A_1187 : vector<16xf32> to vector<1x16xf32>
        tpu.vector_store %arg11[%swap3A_1188, %swap3A_1189], %swap3A_1192 {strides = array<i32>} : memref<16x1024xf32, #tpu.memory_space<vmem>>, vector<1x16xf32>,
        %get3A_1193 = arith.index_cast %scan3A_783 : i32 to index
        %get3A_1194 = arith.constant 544 : index
        %get3A_1195 = tpu.vector_load %arg9[%get3A_1193, %get3A_1194] {strides = array<i32>} : memref<16x1024xf32, #tpu.memory_space<vmem>>, vector<1x16xf32>,
        %get3A_1196 = vector.shape_cast %get3A_1195 : vector<1x16xf32> to vector<16xf32>
        %mul3A_1197 = arith.constant 3.200000e+01 : f32
        %mul3A_1198 = vector.broadcast %mul3A_1197 : f32 to vector<16xf32>
        %mul3A_1199 = arith.mulf %get3A_1196, %mul3A_1198 : vector<16xf32>
        %swap3A_1200 = arith.index_cast %scan3A_783 : i32 to index
        %swap3A_1201 = arith.constant 544 : index
        %swap3A_1202 = tpu.vector_load %arg11[%swap3A_1200, %swap3A_1201] {strides = array<i32>} : memref<16x1024xf32, #tpu.memory_space<vmem>>, vector<1x16xf32>,
        %swap3A_1203 = vector.shape_cast %swap3A_1202 : vector<1x16xf32> to vector<16xf32>
        %swap3A_1204 = vector.shape_cast %mul3A_1199 : vector<16xf32> to vector<1x16xf32>
        tpu.vector_store %arg11[%swap3A_1200, %swap3A_1201], %swap3A_1204 {strides = array<i32>} : memref<16x1024xf32, #tpu.memory_space<vmem>>, vector<1x16xf32>,
        %get3A_1205 = arith.index_cast %scan3A_783 : i32 to index
        %get3A_1206 = arith.constant 560 : index
        %get3A_1207 = tpu.vector_load %arg9[%get3A_1205, %get3A_1206] {strides = array<i32>} : memref<16x1024xf32, #tpu.memory_space<vmem>>, vector<1x16xf32>,
        %get3A_1208 = vector.shape_cast %get3A_1207 : vector<1x16xf32> to vector<16xf32>
        %mul3A_1209 = arith.constant 3.200000e+01 : f32
        %mul3A_1210 = vector.broadcast %mul3A_1209 : f32 to vector<16xf32>
        %mul3A_1211 = arith.mulf %get3A_1208, %mul3A_1210 : vector<16xf32>
        %swap3A_1212 = arith.index_cast %scan3A_783 : i32 to index
        %swap3A_1213 = arith.constant 560 : index
        %swap3A_1214 = tpu.vector_load %arg11[%swap3A_1212, %swap3A_1213] {strides = array<i32>} : memref<16x1024xf32, #tpu.memory_space<vmem>>, vector<1x16xf32>,
        %swap3A_1215 = vector.shape_cast %swap3A_1214 : vector<1x16xf32> to vector<16xf32>
        %swap3A_1216 = vector.shape_cast %mul3A_1211 : vector<16xf32> to vector<1x16xf32>
        tpu.vector_store %arg11[%swap3A_1212, %swap3A_1213], %swap3A_1216 {strides = array<i32>} : memref<16x1024xf32, #tpu.memory_space<vmem>>, vector<1x16xf32>,
        %get3A_1217 = arith.index_cast %scan3A_783 : i32 to index
        %get3A_1218 = arith.constant 576 : index
        %get3A_1219 = tpu.vector_load %arg9[%get3A_1217, %get3A_1218] {strides = array<i32>} : memref<16x1024xf32, #tpu.memory_space<vmem>>, vector<1x16xf32>,
        %get3A_1220 = vector.shape_cast %get3A_1219 : vector<1x16xf32> to vector<16xf32>
        %mul3A_1221 = arith.constant 3.200000e+01 : f32
        %mul3A_1222 = vector.broadcast %mul3A_1221 : f32 to vector<16xf32>
        %mul3A_1223 = arith.mulf %get3A_1220, %mul3A_1222 : vector<16xf32>
        %swap3A_1224 = arith.index_cast %scan3A_783 : i32 to index
        %swap3A_1225 = arith.constant 576 : index
        %swap3A_1226 = tpu.vector_load %arg11[%swap3A_1224, %swap3A_1225] {strides = array<i32>} : memref<16x1024xf32, #tpu.memory_space<vmem>>, vector<1x16xf32>,
        %swap3A_1227 = vector.shape_cast %swap3A_1226 : vector<1x16xf32> to vector<16xf32>
        %swap3A_1228 = vector.shape_cast %mul3A_1223 : vector<16xf32> to vector<1x16xf32>
        tpu.vector_store %arg11[%swap3A_1224, %swap3A_1225], %swap3A_1228 {strides = array<i32>} : memref<16x1024xf32, #tpu.memory_space<vmem>>, vector<1x16xf32>,
        %get3A_1229 = arith.index_cast %scan3A_783 : i32 to index
        %get3A_1230 = arith.constant 592 : index
        %get3A_1231 = tpu.vector_load %arg9[%get3A_1229, %get3A_1230] {strides = array<i32>} : memref<16x1024xf32, #tpu.memory_space<vmem>>, vector<1x16xf32>,
        %get3A_1232 = vector.shape_cast %get3A_1231 : vector<1x16xf32> to vector<16xf32>
        %mul3A_1233 = arith.constant 3.200000e+01 : f32
        %mul3A_1234 = vector.broadcast %mul3A_1233 : f32 to vector<16xf32>
        %mul3A_1235 = arith.mulf %get3A_1232, %mul3A_1234 : vector<16xf32>
        %swap3A_1236 = arith.index_cast %scan3A_783 : i32 to index
        %swap3A_1237 = arith.constant 592 : index
        %swap3A_1238 = tpu.vector_load %arg11[%swap3A_1236, %swap3A_1237] {strides = array<i32>} : memref<16x1024xf32, #tpu.memory_space<vmem>>, vector<1x16xf32>,
        %swap3A_1239 = vector.shape_cast %swap3A_1238 : vector<1x16xf32> to vector<16xf32>
        %swap3A_1240 = vector.shape_cast %mul3A_1235 : vector<16xf32> to vector<1x16xf32>
        tpu.vector_store %arg11[%swap3A_1236, %swap3A_1237], %swap3A_1240 {strides = array<i32>} : memref<16x1024xf32, #tpu.memory_space<vmem>>, vector<1x16xf32>,
        %get3A_1241 = arith.index_cast %scan3A_783 : i32 to index
        %get3A_1242 = arith.constant 608 : index
        %get3A_1243 = tpu.vector_load %arg9[%get3A_1241, %get3A_1242] {strides = array<i32>} : memref<16x1024xf32, #tpu.memory_space<vmem>>, vector<1x16xf32>,
        %get3A_1244 = vector.shape_cast %get3A_1243 : vector<1x16xf32> to vector<16xf32>
        %mul3A_1245 = arith.constant 3.200000e+01 : f32
        %mul3A_1246 = vector.broadcast %mul3A_1245 : f32 to vector<16xf32>
        %mul3A_1247 = arith.mulf %get3A_1244, %mul3A_1246 : vector<16xf32>
        %swap3A_1248 = arith.index_cast %scan3A_783 : i32 to index
        %swap3A_1249 = arith.constant 608 : index
        %swap3A_1250 = tpu.vector_load %arg11[%swap3A_1248, %swap3A_1249] {strides = array<i32>} : memref<16x1024xf32, #tpu.memory_space<vmem>>, vector<1x16xf32>,
        %swap3A_1251 = vector.shape_cast %swap3A_1250 : vector<1x16xf32> to vector<16xf32>
        %swap3A_1252 = vector.shape_cast %mul3A_1247 : vector<16xf32> to vector<1x16xf32>
        tpu.vector_store %arg11[%swap3A_1248, %swap3A_1249], %swap3A_1252 {strides = array<i32>} : memref<16x1024xf32, #tpu.memory_space<vmem>>, vector<1x16xf32>,
        %get3A_1253 = arith.index_cast %scan3A_783 : i32 to index
        %get3A_1254 = arith.constant 624 : index
        %get3A_1255 = tpu.vector_load %arg9[%get3A_1253, %get3A_1254] {strides = array<i32>} : memref<16x1024xf32, #tpu.memory_space<vmem>>, vector<1x16xf32>,
        %get3A_1256 = vector.shape_cast %get3A_1255 : vector<1x16xf32> to vector<16xf32>
        %mul3A_1257 = arith.constant 3.200000e+01 : f32
        %mul3A_1258 = vector.broadcast %mul3A_1257 : f32 to vector<16xf32>
        %mul3A_1259 = arith.mulf %get3A_1256, %mul3A_1258 : vector<16xf32>
        %swap3A_1260 = arith.index_cast %scan3A_783 : i32 to index
        %swap3A_1261 = arith.constant 624 : index
        %swap3A_1262 = tpu.vector_load %arg11[%swap3A_1260, %swap3A_1261] {strides = array<i32>} : memref<16x1024xf32, #tpu.memory_space<vmem>>, vector<1x16xf32>,
        %swap3A_1263 = vector.shape_cast %swap3A_1262 : vector<1x16xf32> to vector<16xf32>
        %swap3A_1264 = vector.shape_cast %mul3A_1259 : vector<16xf32> to vector<1x16xf32>
        tpu.vector_store %arg11[%swap3A_1260, %swap3A_1261], %swap3A_1264 {strides = array<i32>} : memref<16x1024xf32, #tpu.memory_space<vmem>>, vector<1x16xf32>,
        %get3A_1265 = arith.index_cast %scan3A_783 : i32 to index
        %get3A_1266 = arith.constant 640 : index
        %get3A_1267 = tpu.vector_load %arg9[%get3A_1265, %get3A_1266] {strides = array<i32>} : memref<16x1024xf32, #tpu.memory_space<vmem>>, vector<1x16xf32>,
        %get3A_1268 = vector.shape_cast %get3A_1267 : vector<1x16xf32> to vector<16xf32>
        %mul3A_1269 = arith.constant 3.200000e+01 : f32
        %mul3A_1270 = vector.broadcast %mul3A_1269 : f32 to vector<16xf32>
        %mul3A_1271 = arith.mulf %get3A_1268, %mul3A_1270 : vector<16xf32>
        %swap3A_1272 = arith.index_cast %scan3A_783 : i32 to index
        %swap3A_1273 = arith.constant 640 : index
        %swap3A_1274 = tpu.vector_load %arg11[%swap3A_1272, %swap3A_1273] {strides = array<i32>} : memref<16x1024xf32, #tpu.memory_space<vmem>>, vector<1x16xf32>,
        %swap3A_1275 = vector.shape_cast %swap3A_1274 : vector<1x16xf32> to vector<16xf32>
        %swap3A_1276 = vector.shape_cast %mul3A_1271 : vector<16xf32> to vector<1x16xf32>
        tpu.vector_store %arg11[%swap3A_1272, %swap3A_1273], %swap3A_1276 {strides = array<i32>} : memref<16x1024xf32, #tpu.memory_space<vmem>>, vector<1x16xf32>,
        %get3A_1277 = arith.index_cast %scan3A_783 : i32 to index
        %get3A_1278 = arith.constant 656 : index
        %get3A_1279 = tpu.vector_load %arg9[%get3A_1277, %get3A_1278] {strides = array<i32>} : memref<16x1024xf32, #tpu.memory_space<vmem>>, vector<1x16xf32>,
        %get3A_1280 = vector.shape_cast %get3A_1279 : vector<1x16xf32> to vector<16xf32>
        %mul3A_1281 = arith.constant 3.200000e+01 : f32
        %mul3A_1282 = vector.broadcast %mul3A_1281 : f32 to vector<16xf32>
        %mul3A_1283 = arith.mulf %get3A_1280, %mul3A_1282 : vector<16xf32>
        %swap3A_1284 = arith.index_cast %scan3A_783 : i32 to index
        %swap3A_1285 = arith.constant 656 : index
        %swap3A_1286 = tpu.vector_load %arg11[%swap3A_1284, %swap3A_1285] {strides = array<i32>} : memref<16x1024xf32, #tpu.memory_space<vmem>>, vector<1x16xf32>,
        %swap3A_1287 = vector.shape_cast %swap3A_1286 : vector<1x16xf32> to vector<16xf32>
        %swap3A_1288 = vector.shape_cast %mul3A_1283 : vector<16xf32> to vector<1x16xf32>
        tpu.vector_store %arg11[%swap3A_1284, %swap3A_1285], %swap3A_1288 {strides = array<i32>} : memref<16x1024xf32, #tpu.memory_space<vmem>>, vector<1x16xf32>,
        %get3A_1289 = arith.index_cast %scan3A_783 : i32 to index
        %get3A_1290 = arith.constant 672 : index
        %get3A_1291 = tpu.vector_load %arg9[%get3A_1289, %get3A_1290] {strides = array<i32>} : memref<16x1024xf32, #tpu.memory_space<vmem>>, vector<1x16xf32>,
        %get3A_1292 = vector.shape_cast %get3A_1291 : vector<1x16xf32> to vector<16xf32>
        %mul3A_1293 = arith.constant 3.200000e+01 : f32
        %mul3A_1294 = vector.broadcast %mul3A_1293 : f32 to vector<16xf32>
        %mul3A_1295 = arith.mulf %get3A_1292, %mul3A_1294 : vector<16xf32>
        %swap3A_1296 = arith.index_cast %scan3A_783 : i32 to index
        %swap3A_1297 = arith.constant 672 : index
        %swap3A_1298 = tpu.vector_load %arg11[%swap3A_1296, %swap3A_1297] {strides = array<i32>} : memref<16x1024xf32, #tpu.memory_space<vmem>>, vector<1x16xf32>,
        %swap3A_1299 = vector.shape_cast %swap3A_1298 : vector<1x16xf32> to vector<16xf32>
        %swap3A_1300 = vector.shape_cast %mul3A_1295 : vector<16xf32> to vector<1x16xf32>
        tpu.vector_store %arg11[%swap3A_1296, %swap3A_1297], %swap3A_1300 {strides = array<i32>} : memref<16x1024xf32, #tpu.memory_space<vmem>>, vector<1x16xf32>,
        %get3A_1301 = arith.index_cast %scan3A_783 : i32 to index
        %get3A_1302 = arith.constant 688 : index
        %get3A_1303 = tpu.vector_load %arg9[%get3A_1301, %get3A_1302] {strides = array<i32>} : memref<16x1024xf32, #tpu.memory_space<vmem>>, vector<1x16xf32>,
        %get3A_1304 = vector.shape_cast %get3A_1303 : vector<1x16xf32> to vector<16xf32>
        %mul3A_1305 = arith.constant 3.200000e+01 : f32
        %mul3A_1306 = vector.broadcast %mul3A_1305 : f32 to vector<16xf32>
        %mul3A_1307 = arith.mulf %get3A_1304, %mul3A_1306 : vector<16xf32>
        %swap3A_1308 = arith.index_cast %scan3A_783 : i32 to index
        %swap3A_1309 = arith.constant 688 : index
        %swap3A_1310 = tpu.vector_load %arg11[%swap3A_1308, %swap3A_1309] {strides = array<i32>} : memref<16x1024xf32, #tpu.memory_space<vmem>>, vector<1x16xf32>,
        %swap3A_1311 = vector.shape_cast %swap3A_1310 : vector<1x16xf32> to vector<16xf32>
        %swap3A_1312 = vector.shape_cast %mul3A_1307 : vector<16xf32> to vector<1x16xf32>
        tpu.vector_store %arg11[%swap3A_1308, %swap3A_1309], %swap3A_1312 {strides = array<i32>} : memref<16x1024xf32, #tpu.memory_space<vmem>>, vector<1x16xf32>,
        %get3A_1313 = arith.index_cast %scan3A_783 : i32 to index
        %get3A_1314 = arith.constant 704 : index
        %get3A_1315 = tpu.vector_load %arg9[%get3A_1313, %get3A_1314] {strides = array<i32>} : memref<16x1024xf32, #tpu.memory_space<vmem>>, vector<1x16xf32>,
        %get3A_1316 = vector.shape_cast %get3A_1315 : vector<1x16xf32> to vector<16xf32>
        %mul3A_1317 = arith.constant 3.200000e+01 : f32
        %mul3A_1318 = vector.broadcast %mul3A_1317 : f32 to vector<16xf32>
        %mul3A_1319 = arith.mulf %get3A_1316, %mul3A_1318 : vector<16xf32>
        %swap3A_1320 = arith.index_cast %scan3A_783 : i32 to index
        %swap3A_1321 = arith.constant 704 : index
        %swap3A_1322 = tpu.vector_load %arg11[%swap3A_1320, %swap3A_1321] {strides = array<i32>} : memref<16x1024xf32, #tpu.memory_space<vmem>>, vector<1x16xf32>,
        %swap3A_1323 = vector.shape_cast %swap3A_1322 : vector<1x16xf32> to vector<16xf32>
        %swap3A_1324 = vector.shape_cast %mul3A_1319 : vector<16xf32> to vector<1x16xf32>
        tpu.vector_store %arg11[%swap3A_1320, %swap3A_1321], %swap3A_1324 {strides = array<i32>} : memref<16x1024xf32, #tpu.memory_space<vmem>>, vector<1x16xf32>,
        %get3A_1325 = arith.index_cast %scan3A_783 : i32 to index
        %get3A_1326 = arith.constant 720 : index
        %get3A_1327 = tpu.vector_load %arg9[%get3A_1325, %get3A_1326] {strides = array<i32>} : memref<16x1024xf32, #tpu.memory_space<vmem>>, vector<1x16xf32>,
        %get3A_1328 = vector.shape_cast %get3A_1327 : vector<1x16xf32> to vector<16xf32>
        %mul3A_1329 = arith.constant 3.200000e+01 : f32
        %mul3A_1330 = vector.broadcast %mul3A_1329 : f32 to vector<16xf32>
        %mul3A_1331 = arith.mulf %get3A_1328, %mul3A_1330 : vector<16xf32>
        %swap3A_1332 = arith.index_cast %scan3A_783 : i32 to index
        %swap3A_1333 = arith.constant 720 : index
        %swap3A_1334 = tpu.vector_load %arg11[%swap3A_1332, %swap3A_1333] {strides = array<i32>} : memref<16x1024xf32, #tpu.memory_space<vmem>>, vector<1x16xf32>,
        %swap3A_1335 = vector.shape_cast %swap3A_1334 : vector<1x16xf32> to vector<16xf32>
        %swap3A_1336 = vector.shape_cast %mul3A_1331 : vector<16xf32> to vector<1x16xf32>
        tpu.vector_store %arg11[%swap3A_1332, %swap3A_1333], %swap3A_1336 {strides = array<i32>} : memref<16x1024xf32, #tpu.memory_space<vmem>>, vector<1x16xf32>,
        %get3A_1337 = arith.index_cast %scan3A_783 : i32 to index
        %get3A_1338 = arith.constant 736 : index
        %get3A_1339 = tpu.vector_load %arg9[%get3A_1337, %get3A_1338] {strides = array<i32>} : memref<16x1024xf32, #tpu.memory_space<vmem>>, vector<1x16xf32>,
        %get3A_1340 = vector.shape_cast %get3A_1339 : vector<1x16xf32> to vector<16xf32>
        %mul3A_1341 = arith.constant 3.200000e+01 : f32
        %mul3A_1342 = vector.broadcast %mul3A_1341 : f32 to vector<16xf32>
        %mul3A_1343 = arith.mulf %get3A_1340, %mul3A_1342 : vector<16xf32>
        %swap3A_1344 = arith.index_cast %scan3A_783 : i32 to index
        %swap3A_1345 = arith.constant 736 : index
        %swap3A_1346 = tpu.vector_load %arg11[%swap3A_1344, %swap3A_1345] {strides = array<i32>} : memref<16x1024xf32, #tpu.memory_space<vmem>>, vector<1x16xf32>,
        %swap3A_1347 = vector.shape_cast %swap3A_1346 : vector<1x16xf32> to vector<16xf32>
        %swap3A_1348 = vector.shape_cast %mul3A_1343 : vector<16xf32> to vector<1x16xf32>
        tpu.vector_store %arg11[%swap3A_1344, %swap3A_1345], %swap3A_1348 {strides = array<i32>} : memref<16x1024xf32, #tpu.memory_space<vmem>>, vector<1x16xf32>,
        %get3A_1349 = arith.index_cast %scan3A_783 : i32 to index
        %get3A_1350 = arith.constant 752 : index
        %get3A_1351 = tpu.vector_load %arg9[%get3A_1349, %get3A_1350] {strides = array<i32>} : memref<16x1024xf32, #tpu.memory_space<vmem>>, vector<1x16xf32>,
        %get3A_1352 = vector.shape_cast %get3A_1351 : vector<1x16xf32> to vector<16xf32>
        %mul3A_1353 = arith.constant 3.200000e+01 : f32
        %mul3A_1354 = vector.broadcast %mul3A_1353 : f32 to vector<16xf32>
        %mul3A_1355 = arith.mulf %get3A_1352, %mul3A_1354 : vector<16xf32>
        %swap3A_1356 = arith.index_cast %scan3A_783 : i32 to index
        %swap3A_1357 = arith.constant 752 : index
        %swap3A_1358 = tpu.vector_load %arg11[%swap3A_1356, %swap3A_1357] {strides = array<i32>} : memref<16x1024xf32, #tpu.memory_space<vmem>>, vector<1x16xf32>,
        %swap3A_1359 = vector.shape_cast %swap3A_1358 : vector<1x16xf32> to vector<16xf32>
        %swap3A_1360 = vector.shape_cast %mul3A_1355 : vector<16xf32> to vector<1x16xf32>
        tpu.vector_store %arg11[%swap3A_1356, %swap3A_1357], %swap3A_1360 {strides = array<i32>} : memref<16x1024xf32, #tpu.memory_space<vmem>>, vector<1x16xf32>,
        %get3A_1361 = arith.index_cast %scan3A_783 : i32 to index
        %get3A_1362 = arith.constant 768 : index
        %get3A_1363 = tpu.vector_load %arg9[%get3A_1361, %get3A_1362] {strides = array<i32>} : memref<16x1024xf32, #tpu.memory_space<vmem>>, vector<1x16xf32>,
        %get3A_1364 = vector.shape_cast %get3A_1363 : vector<1x16xf32> to vector<16xf32>
        %mul3A_1365 = arith.constant 3.200000e+01 : f32
        %mul3A_1366 = vector.broadcast %mul3A_1365 : f32 to vector<16xf32>
        %mul3A_1367 = arith.mulf %get3A_1364, %mul3A_1366 : vector<16xf32>
        %swap3A_1368 = arith.index_cast %scan3A_783 : i32 to index
        %swap3A_1369 = arith.constant 768 : index
        %swap3A_1370 = tpu.vector_load %arg11[%swap3A_1368, %swap3A_1369] {strides = array<i32>} : memref<16x1024xf32, #tpu.memory_space<vmem>>, vector<1x16xf32>,
        %swap3A_1371 = vector.shape_cast %swap3A_1370 : vector<1x16xf32> to vector<16xf32>
        %swap3A_1372 = vector.shape_cast %mul3A_1367 : vector<16xf32> to vector<1x16xf32>
        tpu.vector_store %arg11[%swap3A_1368, %swap3A_1369], %swap3A_1372 {strides = array<i32>} : memref<16x1024xf32, #tpu.memory_space<vmem>>, vector<1x16xf32>,
        %get3A_1373 = arith.index_cast %scan3A_783 : i32 to index
        %get3A_1374 = arith.constant 784 : index
        %get3A_1375 = tpu.vector_load %arg9[%get3A_1373, %get3A_1374] {strides = array<i32>} : memref<16x1024xf32, #tpu.memory_space<vmem>>, vector<1x16xf32>,
        %get3A_1376 = vector.shape_cast %get3A_1375 : vector<1x16xf32> to vector<16xf32>
        %mul3A_1377 = arith.constant 3.200000e+01 : f32
        %mul3A_1378 = vector.broadcast %mul3A_1377 : f32 to vector<16xf32>
        %mul3A_1379 = arith.mulf %get3A_1376, %mul3A_1378 : vector<16xf32>
        %swap3A_1380 = arith.index_cast %scan3A_783 : i32 to index
        %swap3A_1381 = arith.constant 784 : index
        %swap3A_1382 = tpu.vector_load %arg11[%swap3A_1380, %swap3A_1381] {strides = array<i32>} : memref<16x1024xf32, #tpu.memory_space<vmem>>, vector<1x16xf32>,
        %swap3A_1383 = vector.shape_cast %swap3A_1382 : vector<1x16xf32> to vector<16xf32>
        %swap3A_1384 = vector.shape_cast %mul3A_1379 : vector<16xf32> to vector<1x16xf32>
        tpu.vector_store %arg11[%swap3A_1380, %swap3A_1381], %swap3A_1384 {strides = array<i32>} : memref<16x1024xf32, #tpu.memory_space<vmem>>, vector<1x16xf32>,
        %get3A_1385 = arith.index_cast %scan3A_783 : i32 to index
        %get3A_1386 = arith.constant 800 : index
        %get3A_1387 = tpu.vector_load %arg9[%get3A_1385, %get3A_1386] {strides = array<i32>} : memref<16x1024xf32, #tpu.memory_space<vmem>>, vector<1x16xf32>,
        %get3A_1388 = vector.shape_cast %get3A_1387 : vector<1x16xf32> to vector<16xf32>
        %mul3A_1389 = arith.constant 3.200000e+01 : f32
        %mul3A_1390 = vector.broadcast %mul3A_1389 : f32 to vector<16xf32>
        %mul3A_1391 = arith.mulf %get3A_1388, %mul3A_1390 : vector<16xf32>
        %swap3A_1392 = arith.index_cast %scan3A_783 : i32 to index
        %swap3A_1393 = arith.constant 800 : index
        %swap3A_1394 = tpu.vector_load %arg11[%swap3A_1392, %swap3A_1393] {strides = array<i32>} : memref<16x1024xf32, #tpu.memory_space<vmem>>, vector<1x16xf32>,
        %swap3A_1395 = vector.shape_cast %swap3A_1394 : vector<1x16xf32> to vector<16xf32>
        %swap3A_1396 = vector.shape_cast %mul3A_1391 : vector<16xf32> to vector<1x16xf32>
        tpu.vector_store %arg11[%swap3A_1392, %swap3A_1393], %swap3A_1396 {strides = array<i32>} : memref<16x1024xf32, #tpu.memory_space<vmem>>, vector<1x16xf32>,
        %get3A_1397 = arith.index_cast %scan3A_783 : i32 to index
        %get3A_1398 = arith.constant 816 : index
        %get3A_1399 = tpu.vector_load %arg9[%get3A_1397, %get3A_1398] {strides = array<i32>} : memref<16x1024xf32, #tpu.memory_space<vmem>>, vector<1x16xf32>,
        %get3A_1400 = vector.shape_cast %get3A_1399 : vector<1x16xf32> to vector<16xf32>
        %mul3A_1401 = arith.constant 3.200000e+01 : f32
        %mul3A_1402 = vector.broadcast %mul3A_1401 : f32 to vector<16xf32>
        %mul3A_1403 = arith.mulf %get3A_1400, %mul3A_1402 : vector<16xf32>
        %swap3A_1404 = arith.index_cast %scan3A_783 : i32 to index
        %swap3A_1405 = arith.constant 816 : index
        %swap3A_1406 = tpu.vector_load %arg11[%swap3A_1404, %swap3A_1405] {strides = array<i32>} : memref<16x1024xf32, #tpu.memory_space<vmem>>, vector<1x16xf32>,
        %swap3A_1407 = vector.shape_cast %swap3A_1406 : vector<1x16xf32> to vector<16xf32>
        %swap3A_1408 = vector.shape_cast %mul3A_1403 : vector<16xf32> to vector<1x16xf32>
        tpu.vector_store %arg11[%swap3A_1404, %swap3A_1405], %swap3A_1408 {strides = array<i32>} : memref<16x1024xf32, #tpu.memory_space<vmem>>, vector<1x16xf32>,
        %get3A_1409 = arith.index_cast %scan3A_783 : i32 to index
        %get3A_1410 = arith.constant 832 : index
        %get3A_1411 = tpu.vector_load %arg9[%get3A_1409, %get3A_1410] {strides = array<i32>} : memref<16x1024xf32, #tpu.memory_space<vmem>>, vector<1x16xf32>,
        %get3A_1412 = vector.shape_cast %get3A_1411 : vector<1x16xf32> to vector<16xf32>
        %mul3A_1413 = arith.constant 3.200000e+01 : f32
        %mul3A_1414 = vector.broadcast %mul3A_1413 : f32 to vector<16xf32>
        %mul3A_1415 = arith.mulf %get3A_1412, %mul3A_1414 : vector<16xf32>
        %swap3A_1416 = arith.index_cast %scan3A_783 : i32 to index
        %swap3A_1417 = arith.constant 832 : index
        %swap3A_1418 = tpu.vector_load %arg11[%swap3A_1416, %swap3A_1417] {strides = array<i32>} : memref<16x1024xf32, #tpu.memory_space<vmem>>, vector<1x16xf32>,
        %swap3A_1419 = vector.shape_cast %swap3A_1418 : vector<1x16xf32> to vector<16xf32>
        %swap3A_1420 = vector.shape_cast %mul3A_1415 : vector<16xf32> to vector<1x16xf32>
        tpu.vector_store %arg11[%swap3A_1416, %swap3A_1417], %swap3A_1420 {strides = array<i32>} : memref<16x1024xf32, #tpu.memory_space<vmem>>, vector<1x16xf32>,
        %get3A_1421 = arith.index_cast %scan3A_783 : i32 to index
        %get3A_1422 = arith.constant 848 : index
        %get3A_1423 = tpu.vector_load %arg9[%get3A_1421, %get3A_1422] {strides = array<i32>} : memref<16x1024xf32, #tpu.memory_space<vmem>>, vector<1x16xf32>,
        %get3A_1424 = vector.shape_cast %get3A_1423 : vector<1x16xf32> to vector<16xf32>
        %mul3A_1425 = arith.constant 3.200000e+01 : f32
        %mul3A_1426 = vector.broadcast %mul3A_1425 : f32 to vector<16xf32>
        %mul3A_1427 = arith.mulf %get3A_1424, %mul3A_1426 : vector<16xf32>
        %swap3A_1428 = arith.index_cast %scan3A_783 : i32 to index
        %swap3A_1429 = arith.constant 848 : index
        %swap3A_1430 = tpu.vector_load %arg11[%swap3A_1428, %swap3A_1429] {strides = array<i32>} : memref<16x1024xf32, #tpu.memory_space<vmem>>, vector<1x16xf32>,
        %swap3A_1431 = vector.shape_cast %swap3A_1430 : vector<1x16xf32> to vector<16xf32>
        %swap3A_1432 = vector.shape_cast %mul3A_1427 : vector<16xf32> to vector<1x16xf32>
        tpu.vector_store %arg11[%swap3A_1428, %swap3A_1429], %swap3A_1432 {strides = array<i32>} : memref<16x1024xf32, #tpu.memory_space<vmem>>, vector<1x16xf32>,
        %get3A_1433 = arith.index_cast %scan3A_783 : i32 to index
        %get3A_1434 = arith.constant 864 : index
        %get3A_1435 = tpu.vector_load %arg9[%get3A_1433, %get3A_1434] {strides = array<i32>} : memref<16x1024xf32, #tpu.memory_space<vmem>>, vector<1x16xf32>,
        %get3A_1436 = vector.shape_cast %get3A_1435 : vector<1x16xf32> to vector<16xf32>
        %mul3A_1437 = arith.constant 3.200000e+01 : f32
        %mul3A_1438 = vector.broadcast %mul3A_1437 : f32 to vector<16xf32>
        %mul3A_1439 = arith.mulf %get3A_1436, %mul3A_1438 : vector<16xf32>
        %swap3A_1440 = arith.index_cast %scan3A_783 : i32 to index
        %swap3A_1441 = arith.constant 864 : index
        %swap3A_1442 = tpu.vector_load %arg11[%swap3A_1440, %swap3A_1441] {strides = array<i32>} : memref<16x1024xf32, #tpu.memory_space<vmem>>, vector<1x16xf32>,
        %swap3A_1443 = vector.shape_cast %swap3A_1442 : vector<1x16xf32> to vector<16xf32>
        %swap3A_1444 = vector.shape_cast %mul3A_1439 : vector<16xf32> to vector<1x16xf32>
        tpu.vector_store %arg11[%swap3A_1440, %swap3A_1441], %swap3A_1444 {strides = array<i32>} : memref<16x1024xf32, #tpu.memory_space<vmem>>, vector<1x16xf32>,
        %get3A_1445 = arith.index_cast %scan3A_783 : i32 to index
        %get3A_1446 = arith.constant 880 : index
        %get3A_1447 = tpu.vector_load %arg9[%get3A_1445, %get3A_1446] {strides = array<i32>} : memref<16x1024xf32, #tpu.memory_space<vmem>>, vector<1x16xf32>,
        %get3A_1448 = vector.shape_cast %get3A_1447 : vector<1x16xf32> to vector<16xf32>
        %mul3A_1449 = arith.constant 3.200000e+01 : f32
        %mul3A_1450 = vector.broadcast %mul3A_1449 : f32 to vector<16xf32>
        %mul3A_1451 = arith.mulf %get3A_1448, %mul3A_1450 : vector<16xf32>
        %swap3A_1452 = arith.index_cast %scan3A_783 : i32 to index
        %swap3A_1453 = arith.constant 880 : index
        %swap3A_1454 = tpu.vector_load %arg11[%swap3A_1452, %swap3A_1453] {strides = array<i32>} : memref<16x1024xf32, #tpu.memory_space<vmem>>, vector<1x16xf32>,
        %swap3A_1455 = vector.shape_cast %swap3A_1454 : vector<1x16xf32> to vector<16xf32>
        %swap3A_1456 = vector.shape_cast %mul3A_1451 : vector<16xf32> to vector<1x16xf32>
        tpu.vector_store %arg11[%swap3A_1452, %swap3A_1453], %swap3A_1456 {strides = array<i32>} : memref<16x1024xf32, #tpu.memory_space<vmem>>, vector<1x16xf32>,
        %get3A_1457 = arith.index_cast %scan3A_783 : i32 to index
        %get3A_1458 = arith.constant 896 : index
        %get3A_1459 = tpu.vector_load %arg9[%get3A_1457, %get3A_1458] {strides = array<i32>} : memref<16x1024xf32, #tpu.memory_space<vmem>>, vector<1x16xf32>,
        %get3A_1460 = vector.shape_cast %get3A_1459 : vector<1x16xf32> to vector<16xf32>
        %mul3A_1461 = arith.constant 3.200000e+01 : f32
        %mul3A_1462 = vector.broadcast %mul3A_1461 : f32 to vector<16xf32>
        %mul3A_1463 = arith.mulf %get3A_1460, %mul3A_1462 : vector<16xf32>
        %swap3A_1464 = arith.index_cast %scan3A_783 : i32 to index
        %swap3A_1465 = arith.constant 896 : index
        %swap3A_1466 = tpu.vector_load %arg11[%swap3A_1464, %swap3A_1465] {strides = array<i32>} : memref<16x1024xf32, #tpu.memory_space<vmem>>, vector<1x16xf32>,
        %swap3A_1467 = vector.shape_cast %swap3A_1466 : vector<1x16xf32> to vector<16xf32>
        %swap3A_1468 = vector.shape_cast %mul3A_1463 : vector<16xf32> to vector<1x16xf32>
        tpu.vector_store %arg11[%swap3A_1464, %swap3A_1465], %swap3A_1468 {strides = array<i32>} : memref<16x1024xf32, #tpu.memory_space<vmem>>, vector<1x16xf32>,
        %get3A_1469 = arith.index_cast %scan3A_783 : i32 to index
        %get3A_1470 = arith.constant 912 : index
        %get3A_1471 = tpu.vector_load %arg9[%get3A_1469, %get3A_1470] {strides = array<i32>} : memref<16x1024xf32, #tpu.memory_space<vmem>>, vector<1x16xf32>,
        %get3A_1472 = vector.shape_cast %get3A_1471 : vector<1x16xf32> to vector<16xf32>
        %mul3A_1473 = arith.constant 3.200000e+01 : f32
        %mul3A_1474 = vector.broadcast %mul3A_1473 : f32 to vector<16xf32>
        %mul3A_1475 = arith.mulf %get3A_1472, %mul3A_1474 : vector<16xf32>
        %swap3A_1476 = arith.index_cast %scan3A_783 : i32 to index
        %swap3A_1477 = arith.constant 912 : index
        %swap3A_1478 = tpu.vector_load %arg11[%swap3A_1476, %swap3A_1477] {strides = array<i32>} : memref<16x1024xf32, #tpu.memory_space<vmem>>, vector<1x16xf32>,
        %swap3A_1479 = vector.shape_cast %swap3A_1478 : vector<1x16xf32> to vector<16xf32>
        %swap3A_1480 = vector.shape_cast %mul3A_1475 : vector<16xf32> to vector<1x16xf32>
        tpu.vector_store %arg11[%swap3A_1476, %swap3A_1477], %swap3A_1480 {strides = array<i32>} : memref<16x1024xf32, #tpu.memory_space<vmem>>, vector<1x16xf32>,
        %get3A_1481 = arith.index_cast %scan3A_783 : i32 to index
        %get3A_1482 = arith.constant 928 : index
        %get3A_1483 = tpu.vector_load %arg9[%get3A_1481, %get3A_1482] {strides = array<i32>} : memref<16x1024xf32, #tpu.memory_space<vmem>>, vector<1x16xf32>,
        %get3A_1484 = vector.shape_cast %get3A_1483 : vector<1x16xf32> to vector<16xf32>
        %mul3A_1485 = arith.constant 3.200000e+01 : f32
        %mul3A_1486 = vector.broadcast %mul3A_1485 : f32 to vector<16xf32>
        %mul3A_1487 = arith.mulf %get3A_1484, %mul3A_1486 : vector<16xf32>
        %swap3A_1488 = arith.index_cast %scan3A_783 : i32 to index
        %swap3A_1489 = arith.constant 928 : index
        %swap3A_1490 = tpu.vector_load %arg11[%swap3A_1488, %swap3A_1489] {strides = array<i32>} : memref<16x1024xf32, #tpu.memory_space<vmem>>, vector<1x16xf32>,
        %swap3A_1491 = vector.shape_cast %swap3A_1490 : vector<1x16xf32> to vector<16xf32>
        %swap3A_1492 = vector.shape_cast %mul3A_1487 : vector<16xf32> to vector<1x16xf32>
        tpu.vector_store %arg11[%swap3A_1488, %swap3A_1489], %swap3A_1492 {strides = array<i32>} : memref<16x1024xf32, #tpu.memory_space<vmem>>, vector<1x16xf32>,
        %get3A_1493 = arith.index_cast %scan3A_783 : i32 to index
        %get3A_1494 = arith.constant 944 : index
        %get3A_1495 = tpu.vector_load %arg9[%get3A_1493, %get3A_1494] {strides = array<i32>} : memref<16x1024xf32, #tpu.memory_space<vmem>>, vector<1x16xf32>,
        %get3A_1496 = vector.shape_cast %get3A_1495 : vector<1x16xf32> to vector<16xf32>
        %mul3A_1497 = arith.constant 3.200000e+01 : f32
        %mul3A_1498 = vector.broadcast %mul3A_1497 : f32 to vector<16xf32>
        %mul3A_1499 = arith.mulf %get3A_1496, %mul3A_1498 : vector<16xf32>
        %swap3A_1500 = arith.index_cast %scan3A_783 : i32 to index
        %swap3A_1501 = arith.constant 944 : index
        %swap3A_1502 = tpu.vector_load %arg11[%swap3A_1500, %swap3A_1501] {strides = array<i32>} : memref<16x1024xf32, #tpu.memory_space<vmem>>, vector<1x16xf32>,
        %swap3A_1503 = vector.shape_cast %swap3A_1502 : vector<1x16xf32> to vector<16xf32>
        %swap3A_1504 = vector.shape_cast %mul3A_1499 : vector<16xf32> to vector<1x16xf32>
        tpu.vector_store %arg11[%swap3A_1500, %swap3A_1501], %swap3A_1504 {strides = array<i32>} : memref<16x1024xf32, #tpu.memory_space<vmem>>, vector<1x16xf32>,
        %get3A_1505 = arith.index_cast %scan3A_783 : i32 to index
        %get3A_1506 = arith.constant 960 : index
        %get3A_1507 = tpu.vector_load %arg9[%get3A_1505, %get3A_1506] {strides = array<i32>} : memref<16x1024xf32, #tpu.memory_space<vmem>>, vector<1x16xf32>,
        %get3A_1508 = vector.shape_cast %get3A_1507 : vector<1x16xf32> to vector<16xf32>
        %mul3A_1509 = arith.constant 3.200000e+01 : f32
        %mul3A_1510 = vector.broadcast %mul3A_1509 : f32 to vector<16xf32>
        %mul3A_1511 = arith.mulf %get3A_1508, %mul3A_1510 : vector<16xf32>
        %swap3A_1512 = arith.index_cast %scan3A_783 : i32 to index
        %swap3A_1513 = arith.constant 960 : index
        %swap3A_1514 = tpu.vector_load %arg11[%swap3A_1512, %swap3A_1513] {strides = array<i32>} : memref<16x1024xf32, #tpu.memory_space<vmem>>, vector<1x16xf32>,
        %swap3A_1515 = vector.shape_cast %swap3A_1514 : vector<1x16xf32> to vector<16xf32>
        %swap3A_1516 = vector.shape_cast %mul3A_1511 : vector<16xf32> to vector<1x16xf32>
        tpu.vector_store %arg11[%swap3A_1512, %swap3A_1513], %swap3A_1516 {strides = array<i32>} : memref<16x1024xf32, #tpu.memory_space<vmem>>, vector<1x16xf32>,
        %get3A_1517 = arith.index_cast %scan3A_783 : i32 to index
        %get3A_1518 = arith.constant 976 : index
        %get3A_1519 = tpu.vector_load %arg9[%get3A_1517, %get3A_1518] {strides = array<i32>} : memref<16x1024xf32, #tpu.memory_space<vmem>>, vector<1x16xf32>,
        %get3A_1520 = vector.shape_cast %get3A_1519 : vector<1x16xf32> to vector<16xf32>
        %mul3A_1521 = arith.constant 3.200000e+01 : f32
        %mul3A_1522 = vector.broadcast %mul3A_1521 : f32 to vector<16xf32>
        %mul3A_1523 = arith.mulf %get3A_1520, %mul3A_1522 : vector<16xf32>
        %swap3A_1524 = arith.index_cast %scan3A_783 : i32 to index
        %swap3A_1525 = arith.constant 976 : index
        %swap3A_1526 = tpu.vector_load %arg11[%swap3A_1524, %swap3A_1525] {strides = array<i32>} : memref<16x1024xf32, #tpu.memory_space<vmem>>, vector<1x16xf32>,
        %swap3A_1527 = vector.shape_cast %swap3A_1526 : vector<1x16xf32> to vector<16xf32>
        %swap3A_1528 = vector.shape_cast %mul3A_1523 : vector<16xf32> to vector<1x16xf32>
        tpu.vector_store %arg11[%swap3A_1524, %swap3A_1525], %swap3A_1528 {strides = array<i32>} : memref<16x1024xf32, #tpu.memory_space<vmem>>, vector<1x16xf32>,
        %get3A_1529 = arith.index_cast %scan3A_783 : i32 to index
        %get3A_1530 = arith.constant 992 : index
        %get3A_1531 = tpu.vector_load %arg9[%get3A_1529, %get3A_1530] {strides = array<i32>} : memref<16x1024xf32, #tpu.memory_space<vmem>>, vector<1x16xf32>,
        %get3A_1532 = vector.shape_cast %get3A_1531 : vector<1x16xf32> to vector<16xf32>
        %mul3A_1533 = arith.constant 3.200000e+01 : f32
        %mul3A_1534 = vector.broadcast %mul3A_1533 : f32 to vector<16xf32>
        %mul3A_1535 = arith.mulf %get3A_1532, %mul3A_1534 : vector<16xf32>
        %swap3A_1536 = arith.index_cast %scan3A_783 : i32 to index
        %swap3A_1537 = arith.constant 992 : index
        %swap3A_1538 = tpu.vector_load %arg11[%swap3A_1536, %swap3A_1537] {strides = array<i32>} : memref<16x1024xf32, #tpu.memory_space<vmem>>, vector<1x16xf32>,
        %swap3A_1539 = vector.shape_cast %swap3A_1538 : vector<1x16xf32> to vector<16xf32>
        %swap3A_1540 = vector.shape_cast %mul3A_1535 : vector<16xf32> to vector<1x16xf32>
        tpu.vector_store %arg11[%swap3A_1536, %swap3A_1537], %swap3A_1540 {strides = array<i32>} : memref<16x1024xf32, #tpu.memory_space<vmem>>, vector<1x16xf32>,
        %get3A_1541 = arith.index_cast %scan3A_783 : i32 to index
        %get3A_1542 = arith.constant 1008 : index
        %get3A_1543 = tpu.vector_load %arg9[%get3A_1541, %get3A_1542] {strides = array<i32>} : memref<16x1024xf32, #tpu.memory_space<vmem>>, vector<1x16xf32>,
        %get3A_1544 = vector.shape_cast %get3A_1543 : vector<1x16xf32> to vector<16xf32>
        %mul3A_1545 = arith.constant 3.200000e+01 : f32
        %mul3A_1546 = vector.broadcast %mul3A_1545 : f32 to vector<16xf32>
        %mul3A_1547 = arith.mulf %get3A_1544, %mul3A_1546 : vector<16xf32>
        %swap3A_1548 = arith.index_cast %scan3A_783 : i32 to index
        %swap3A_1549 = arith.constant 1008 : index
        %swap3A_1550 = tpu.vector_load %arg11[%swap3A_1548, %swap3A_1549] {strides = array<i32>} : memref<16x1024xf32, #tpu.memory_space<vmem>>, vector<1x16xf32>,
        %swap3A_1551 = vector.shape_cast %swap3A_1550 : vector<1x16xf32> to vector<16xf32>
        %swap3A_1552 = vector.shape_cast %mul3A_1547 : vector<16xf32> to vector<1x16xf32>
        tpu.vector_store %arg11[%swap3A_1548, %swap3A_1549], %swap3A_1552 {strides = array<i32>} : memref<16x1024xf32, #tpu.memory_space<vmem>>, vector<1x16xf32>,
        %scan3A_1553 = arith.constant 0 : i32
        scf.yield %scan3A_1553 : i32
      }
      %scan3A_736 = arith.constant 16 : i32
      %mul3A_737 = arith.constant 16 : i32
      %mul3A_738 = arith.muli %add3A_719, %mul3A_737 : i32
      %add3A_739 = arith.addi %mul3A_2, %mul3A_738 : i32
      %dma_start3A_740 = arith.constant 0 : i32
      %dma_start3A_741 = tpu.memref_slice %arg4[%add3A_739, %dma_start3A_740] : memref<32768x1024xf32, #tpu.memory_space<hbm>> -> memref<16x1024xf32, #tpu.memory_space<hbm>>
      %dma_start3A_742 = arith.constant 0 : i32
      %dma_start3A_743 = tpu.memref_slice %arg4[%add3A_739, %dma_start3A_742] : memref<32768x1024xf32, #tpu.memory_space<hbm>> -> memref<16x1024xf32, #tpu.memory_space<hbm>>
      tpu.enqueue_dma source(%arg11 : memref<16x1024xf32, #tpu.memory_space<vmem>>) target(%dma_start3A_743 : memref<16x1024xf32, #tpu.memory_space<hbm>>) target_semaphore(%arg17 : memref<!tpu.dma_semaphore, #tpu.memory_space<semaphore_mem>>)
      %lt3A_744 = arith.constant 15 : i32
      %lt3A_745 = arith.cmpi slt, %scan3A_649, %lt3A_744 : i32
      %convert_element_type3A_746 = arith.extui %lt3A_745 : i1 to i32
      %cond3A_747 = arith.constant 0 : i32
      %cond3A_748 = arith.cmpi ne, %convert_element_type3A_746, %cond3A_747 : i32
      scf.if %cond3A_748 {
        %add3A_783 = arith.constant 4 : i32
        %add3A_784 = arith.addi %add3A_719, %add3A_783 : i32
        %dma_start3A_785 = arith.constant 0 : i32
        %dma_start3A_786 = tpu.memref_slice %arg6[%add3A_784, %dma_start3A_785] : memref<64x16xi32, #tpu.memory_space<vmem>> -> memref<1x16xi32, #tpu.memory_space<vmem>>
        %dma_start3A_787 = tpu.memref_squeeze %dma_start3A_786 : memref<1x16xi32, #tpu.memory_space<vmem>> -> memref<16xi32, #tpu.memory_space<vmem>>
        %dma_start3A_788 = arith.constant 0 : i32
        %dma_start3A_789 = arith.constant 0 : i32
        %dma_start3A_790 = tpu.memref_slice %arg3[%dma_start3A_788, %dma_start3A_789] : memref<100000x1024xf32, #tpu.memory_space<hbm>> -> memref<100000x1024xf32, #tpu.memory_space<hbm>>
        tpu.enqueue_indirect_dma source(%dma_start3A_790 : memref<100000x1024xf32, #tpu.memory_space<hbm>>) target(%arg9 : memref<16x1024xf32, #tpu.memory_space<vmem>>) offsets(%dma_start3A_787 : memref<16xi32, #tpu.memory_space<vmem>>) semaphore(%arg15 : memref<!tpu.dma_semaphore, #tpu.memory_space<semaphore_mem>>)
      } else {
      }
      %mul3A_749 = arith.constant 4 : i32
      %mul3A_750 = arith.muli %scan3A_649, %mul3A_749 : i32
      %add3A_751 = arith.constant 3 : i32
      %add3A_752 = arith.addi %mul3A_750, %add3A_751 : i32
      %dma_wait3A_753 = arith.constant 0 : i32
      %dma_wait3A_754 = arith.constant 0 : i32
      %dma_wait3A_755 = tpu.memref_slice %arg3[%dma_wait3A_753, %dma_wait3A_754] : memref<100000x1024xf32, #tpu.memory_space<hbm>> -> memref<16x1024xf32, #tpu.memory_space<hbm>>
      %dma_wait3A_756 = arith.constant 0 : i32
      %dma_wait3A_757 = arith.constant 0 : i32
      %dma_wait3A_758 = tpu.memref_slice %arg3[%dma_wait3A_756, %dma_wait3A_757] : memref<100000x1024xf32, #tpu.memory_space<hbm>> -> memref<16x1024xf32, #tpu.memory_space<hbm>>
      tpu.wait_dma2 semaphore(%arg16 : memref<!tpu.dma_semaphore, #tpu.memory_space<semaphore_mem>>) src(%dma_wait3A_758 : memref<16x1024xf32, #tpu.memory_space<hbm>>) dst(%arg10 : memref<16x1024xf32, #tpu.memory_space<vmem>>)
      %dma_wait3A_759 = arith.constant 0 : i32
      %dma_wait3A_760 = tpu.memref_slice %arg4[%mul3A_2, %dma_wait3A_759] : memref<32768x1024xf32, #tpu.memory_space<hbm>> -> memref<16x1024xf32, #tpu.memory_space<hbm>>
      %dma_wait3A_761 = arith.constant 0 : i32
      %dma_wait3A_762 = tpu.memref_slice %arg4[%mul3A_2, %dma_wait3A_761] : memref<32768x1024xf32, #tpu.memory_space<hbm>> -> memref<16x1024xf32, #tpu.memory_space<hbm>>
      tpu.wait_dma2 semaphore(%arg18 : memref<!tpu.dma_semaphore, #tpu.memory_space<semaphore_mem>>) src(%arg12 : memref<16x1024xf32, #tpu.memory_space<vmem>>) dst(%dma_wait3A_762 : memref<16x1024xf32, #tpu.memory_space<hbm>>)
      %scan3A_763 = arith.constant 0 : i32
      %scan3A_764 = arith.constant 0 : i32
      %scan3A_765 = arith.constant 16 : i32
      %scan3A_766 = arith.addi %scan3A_764, %scan3A_765 : i32
      %scan3A_767 = arith.constant 1 : i32
      %scan3A_768 = scf.for %scan3A_783 = %scan3A_764 to %scan3A_766 step %scan3A_767 iter_args(%scan3A_784 = %scan3A_763) -> (i32)  : i32 {
        %get3A_785 = arith.index_cast %scan3A_783 : i32 to index
        %get3A_786 = arith.constant 0 : index
        %get3A_787 = tpu.vector_load %arg10[%get3A_785, %get3A_786] {strides = array<i32>} : memref<16x1024xf32, #tpu.memory_space<vmem>>, vector<1x16xf32>,
        %get3A_788 = vector.shape_cast %get3A_787 : vector<1x16xf32> to vector<16xf32>
        %mul3A_789 = arith.constant 3.200000e+01 : f32
        %mul3A_790 = vector.broadcast %mul3A_789 : f32 to vector<16xf32>
        %mul3A_791 = arith.mulf %get3A_788, %mul3A_790 : vector<16xf32>
        %swap3A_792 = arith.index_cast %scan3A_783 : i32 to index
        %swap3A_793 = arith.constant 0 : index
        %swap3A_794 = tpu.vector_load %arg12[%swap3A_792, %swap3A_793] {strides = array<i32>} : memref<16x1024xf32, #tpu.memory_space<vmem>>, vector<1x16xf32>,
        %swap3A_795 = vector.shape_cast %swap3A_794 : vector<1x16xf32> to vector<16xf32>
        %swap3A_796 = vector.shape_cast %mul3A_791 : vector<16xf32> to vector<1x16xf32>
        tpu.vector_store %arg12[%swap3A_792, %swap3A_793], %swap3A_796 {strides = array<i32>} : memref<16x1024xf32, #tpu.memory_space<vmem>>, vector<1x16xf32>,
        %get3A_797 = arith.index_cast %scan3A_783 : i32 to index
        %get3A_798 = arith.constant 16 : index
        %get3A_799 = tpu.vector_load %arg10[%get3A_797, %get3A_798] {strides = array<i32>} : memref<16x1024xf32, #tpu.memory_space<vmem>>, vector<1x16xf32>,
        %get3A_800 = vector.shape_cast %get3A_799 : vector<1x16xf32> to vector<16xf32>
        %mul3A_801 = arith.constant 3.200000e+01 : f32
        %mul3A_802 = vector.broadcast %mul3A_801 : f32 to vector<16xf32>
        %mul3A_803 = arith.mulf %get3A_800, %mul3A_802 : vector<16xf32>
        %swap3A_804 = arith.index_cast %scan3A_783 : i32 to index
        %swap3A_805 = arith.constant 16 : index
        %swap3A_806 = tpu.vector_load %arg12[%swap3A_804, %swap3A_805] {strides = array<i32>} : memref<16x1024xf32, #tpu.memory_space<vmem>>, vector<1x16xf32>,
        %swap3A_807 = vector.shape_cast %swap3A_806 : vector<1x16xf32> to vector<16xf32>
        %swap3A_808 = vector.shape_cast %mul3A_803 : vector<16xf32> to vector<1x16xf32>
        tpu.vector_store %arg12[%swap3A_804, %swap3A_805], %swap3A_808 {strides = array<i32>} : memref<16x1024xf32, #tpu.memory_space<vmem>>, vector<1x16xf32>,
        %get3A_809 = arith.index_cast %scan3A_783 : i32 to index
        %get3A_810 = arith.constant 32 : index
        %get3A_811 = tpu.vector_load %arg10[%get3A_809, %get3A_810] {strides = array<i32>} : memref<16x1024xf32, #tpu.memory_space<vmem>>, vector<1x16xf32>,
        %get3A_812 = vector.shape_cast %get3A_811 : vector<1x16xf32> to vector<16xf32>
        %mul3A_813 = arith.constant 3.200000e+01 : f32
        %mul3A_814 = vector.broadcast %mul3A_813 : f32 to vector<16xf32>
        %mul3A_815 = arith.mulf %get3A_812, %mul3A_814 : vector<16xf32>
        %swap3A_816 = arith.index_cast %scan3A_783 : i32 to index
        %swap3A_817 = arith.constant 32 : index
        %swap3A_818 = tpu.vector_load %arg12[%swap3A_816, %swap3A_817] {strides = array<i32>} : memref<16x1024xf32, #tpu.memory_space<vmem>>, vector<1x16xf32>,
        %swap3A_819 = vector.shape_cast %swap3A_818 : vector<1x16xf32> to vector<16xf32>
        %swap3A_820 = vector.shape_cast %mul3A_815 : vector<16xf32> to vector<1x16xf32>
        tpu.vector_store %arg12[%swap3A_816, %swap3A_817], %swap3A_820 {strides = array<i32>} : memref<16x1024xf32, #tpu.memory_space<vmem>>, vector<1x16xf32>,
        %get3A_821 = arith.index_cast %scan3A_783 : i32 to index
        %get3A_822 = arith.constant 48 : index
        %get3A_823 = tpu.vector_load %arg10[%get3A_821, %get3A_822] {strides = array<i32>} : memref<16x1024xf32, #tpu.memory_space<vmem>>, vector<1x16xf32>,
        %get3A_824 = vector.shape_cast %get3A_823 : vector<1x16xf32> to vector<16xf32>
        %mul3A_825 = arith.constant 3.200000e+01 : f32
        %mul3A_826 = vector.broadcast %mul3A_825 : f32 to vector<16xf32>
        %mul3A_827 = arith.mulf %get3A_824, %mul3A_826 : vector<16xf32>
        %swap3A_828 = arith.index_cast %scan3A_783 : i32 to index
        %swap3A_829 = arith.constant 48 : index
        %swap3A_830 = tpu.vector_load %arg12[%swap3A_828, %swap3A_829] {strides = array<i32>} : memref<16x1024xf32, #tpu.memory_space<vmem>>, vector<1x16xf32>,
        %swap3A_831 = vector.shape_cast %swap3A_830 : vector<1x16xf32> to vector<16xf32>
        %swap3A_832 = vector.shape_cast %mul3A_827 : vector<16xf32> to vector<1x16xf32>
        tpu.vector_store %arg12[%swap3A_828, %swap3A_829], %swap3A_832 {strides = array<i32>} : memref<16x1024xf32, #tpu.memory_space<vmem>>, vector<1x16xf32>,
        %get3A_833 = arith.index_cast %scan3A_783 : i32 to index
        %get3A_834 = arith.constant 64 : index
        %get3A_835 = tpu.vector_load %arg10[%get3A_833, %get3A_834] {strides = array<i32>} : memref<16x1024xf32, #tpu.memory_space<vmem>>, vector<1x16xf32>,
        %get3A_836 = vector.shape_cast %get3A_835 : vector<1x16xf32> to vector<16xf32>
        %mul3A_837 = arith.constant 3.200000e+01 : f32
        %mul3A_838 = vector.broadcast %mul3A_837 : f32 to vector<16xf32>
        %mul3A_839 = arith.mulf %get3A_836, %mul3A_838 : vector<16xf32>
        %swap3A_840 = arith.index_cast %scan3A_783 : i32 to index
        %swap3A_841 = arith.constant 64 : index
        %swap3A_842 = tpu.vector_load %arg12[%swap3A_840, %swap3A_841] {strides = array<i32>} : memref<16x1024xf32, #tpu.memory_space<vmem>>, vector<1x16xf32>,
        %swap3A_843 = vector.shape_cast %swap3A_842 : vector<1x16xf32> to vector<16xf32>
        %swap3A_844 = vector.shape_cast %mul3A_839 : vector<16xf32> to vector<1x16xf32>
        tpu.vector_store %arg12[%swap3A_840, %swap3A_841], %swap3A_844 {strides = array<i32>} : memref<16x1024xf32, #tpu.memory_space<vmem>>, vector<1x16xf32>,
        %get3A_845 = arith.index_cast %scan3A_783 : i32 to index
        %get3A_846 = arith.constant 80 : index
        %get3A_847 = tpu.vector_load %arg10[%get3A_845, %get3A_846] {strides = array<i32>} : memref<16x1024xf32, #tpu.memory_space<vmem>>, vector<1x16xf32>,
        %get3A_848 = vector.shape_cast %get3A_847 : vector<1x16xf32> to vector<16xf32>
        %mul3A_849 = arith.constant 3.200000e+01 : f32
        %mul3A_850 = vector.broadcast %mul3A_849 : f32 to vector<16xf32>
        %mul3A_851 = arith.mulf %get3A_848, %mul3A_850 : vector<16xf32>
        %swap3A_852 = arith.index_cast %scan3A_783 : i32 to index
        %swap3A_853 = arith.constant 80 : index
        %swap3A_854 = tpu.vector_load %arg12[%swap3A_852, %swap3A_853] {strides = array<i32>} : memref<16x1024xf32, #tpu.memory_space<vmem>>, vector<1x16xf32>,
        %swap3A_855 = vector.shape_cast %swap3A_854 : vector<1x16xf32> to vector<16xf32>
        %swap3A_856 = vector.shape_cast %mul3A_851 : vector<16xf32> to vector<1x16xf32>
        tpu.vector_store %arg12[%swap3A_852, %swap3A_853], %swap3A_856 {strides = array<i32>} : memref<16x1024xf32, #tpu.memory_space<vmem>>, vector<1x16xf32>,
        %get3A_857 = arith.index_cast %scan3A_783 : i32 to index
        %get3A_858 = arith.constant 96 : index
        %get3A_859 = tpu.vector_load %arg10[%get3A_857, %get3A_858] {strides = array<i32>} : memref<16x1024xf32, #tpu.memory_space<vmem>>, vector<1x16xf32>,
        %get3A_860 = vector.shape_cast %get3A_859 : vector<1x16xf32> to vector<16xf32>
        %mul3A_861 = arith.constant 3.200000e+01 : f32
        %mul3A_862 = vector.broadcast %mul3A_861 : f32 to vector<16xf32>
        %mul3A_863 = arith.mulf %get3A_860, %mul3A_862 : vector<16xf32>
        %swap3A_864 = arith.index_cast %scan3A_783 : i32 to index
        %swap3A_865 = arith.constant 96 : index
        %swap3A_866 = tpu.vector_load %arg12[%swap3A_864, %swap3A_865] {strides = array<i32>} : memref<16x1024xf32, #tpu.memory_space<vmem>>, vector<1x16xf32>,
        %swap3A_867 = vector.shape_cast %swap3A_866 : vector<1x16xf32> to vector<16xf32>
        %swap3A_868 = vector.shape_cast %mul3A_863 : vector<16xf32> to vector<1x16xf32>
        tpu.vector_store %arg12[%swap3A_864, %swap3A_865], %swap3A_868 {strides = array<i32>} : memref<16x1024xf32, #tpu.memory_space<vmem>>, vector<1x16xf32>,
        %get3A_869 = arith.index_cast %scan3A_783 : i32 to index
        %get3A_870 = arith.constant 112 : index
        %get3A_871 = tpu.vector_load %arg10[%get3A_869, %get3A_870] {strides = array<i32>} : memref<16x1024xf32, #tpu.memory_space<vmem>>, vector<1x16xf32>,
        %get3A_872 = vector.shape_cast %get3A_871 : vector<1x16xf32> to vector<16xf32>
        %mul3A_873 = arith.constant 3.200000e+01 : f32
        %mul3A_874 = vector.broadcast %mul3A_873 : f32 to vector<16xf32>
        %mul3A_875 = arith.mulf %get3A_872, %mul3A_874 : vector<16xf32>
        %swap3A_876 = arith.index_cast %scan3A_783 : i32 to index
        %swap3A_877 = arith.constant 112 : index
        %swap3A_878 = tpu.vector_load %arg12[%swap3A_876, %swap3A_877] {strides = array<i32>} : memref<16x1024xf32, #tpu.memory_space<vmem>>, vector<1x16xf32>,
        %swap3A_879 = vector.shape_cast %swap3A_878 : vector<1x16xf32> to vector<16xf32>
        %swap3A_880 = vector.shape_cast %mul3A_875 : vector<16xf32> to vector<1x16xf32>
        tpu.vector_store %arg12[%swap3A_876, %swap3A_877], %swap3A_880 {strides = array<i32>} : memref<16x1024xf32, #tpu.memory_space<vmem>>, vector<1x16xf32>,
        %get3A_881 = arith.index_cast %scan3A_783 : i32 to index
        %get3A_882 = arith.constant 128 : index
        %get3A_883 = tpu.vector_load %arg10[%get3A_881, %get3A_882] {strides = array<i32>} : memref<16x1024xf32, #tpu.memory_space<vmem>>, vector<1x16xf32>,
        %get3A_884 = vector.shape_cast %get3A_883 : vector<1x16xf32> to vector<16xf32>
        %mul3A_885 = arith.constant 3.200000e+01 : f32
        %mul3A_886 = vector.broadcast %mul3A_885 : f32 to vector<16xf32>
        %mul3A_887 = arith.mulf %get3A_884, %mul3A_886 : vector<16xf32>
        %swap3A_888 = arith.index_cast %scan3A_783 : i32 to index
        %swap3A_889 = arith.constant 128 : index
        %swap3A_890 = tpu.vector_load %arg12[%swap3A_888, %swap3A_889] {strides = array<i32>} : memref<16x1024xf32, #tpu.memory_space<vmem>>, vector<1x16xf32>,
        %swap3A_891 = vector.shape_cast %swap3A_890 : vector<1x16xf32> to vector<16xf32>
        %swap3A_892 = vector.shape_cast %mul3A_887 : vector<16xf32> to vector<1x16xf32>
        tpu.vector_store %arg12[%swap3A_888, %swap3A_889], %swap3A_892 {strides = array<i32>} : memref<16x1024xf32, #tpu.memory_space<vmem>>, vector<1x16xf32>,
        %get3A_893 = arith.index_cast %scan3A_783 : i32 to index
        %get3A_894 = arith.constant 144 : index
        %get3A_895 = tpu.vector_load %arg10[%get3A_893, %get3A_894] {strides = array<i32>} : memref<16x1024xf32, #tpu.memory_space<vmem>>, vector<1x16xf32>,
        %get3A_896 = vector.shape_cast %get3A_895 : vector<1x16xf32> to vector<16xf32>
        %mul3A_897 = arith.constant 3.200000e+01 : f32
        %mul3A_898 = vector.broadcast %mul3A_897 : f32 to vector<16xf32>
        %mul3A_899 = arith.mulf %get3A_896, %mul3A_898 : vector<16xf32>
        %swap3A_900 = arith.index_cast %scan3A_783 : i32 to index
        %swap3A_901 = arith.constant 144 : index
        %swap3A_902 = tpu.vector_load %arg12[%swap3A_900, %swap3A_901] {strides = array<i32>} : memref<16x1024xf32, #tpu.memory_space<vmem>>, vector<1x16xf32>,
        %swap3A_903 = vector.shape_cast %swap3A_902 : vector<1x16xf32> to vector<16xf32>
        %swap3A_904 = vector.shape_cast %mul3A_899 : vector<16xf32> to vector<1x16xf32>
        tpu.vector_store %arg12[%swap3A_900, %swap3A_901], %swap3A_904 {strides = array<i32>} : memref<16x1024xf32, #tpu.memory_space<vmem>>, vector<1x16xf32>,
        %get3A_905 = arith.index_cast %scan3A_783 : i32 to index
        %get3A_906 = arith.constant 160 : index
        %get3A_907 = tpu.vector_load %arg10[%get3A_905, %get3A_906] {strides = array<i32>} : memref<16x1024xf32, #tpu.memory_space<vmem>>, vector<1x16xf32>,
        %get3A_908 = vector.shape_cast %get3A_907 : vector<1x16xf32> to vector<16xf32>
        %mul3A_909 = arith.constant 3.200000e+01 : f32
        %mul3A_910 = vector.broadcast %mul3A_909 : f32 to vector<16xf32>
        %mul3A_911 = arith.mulf %get3A_908, %mul3A_910 : vector<16xf32>
        %swap3A_912 = arith.index_cast %scan3A_783 : i32 to index
        %swap3A_913 = arith.constant 160 : index
        %swap3A_914 = tpu.vector_load %arg12[%swap3A_912, %swap3A_913] {strides = array<i32>} : memref<16x1024xf32, #tpu.memory_space<vmem>>, vector<1x16xf32>,
        %swap3A_915 = vector.shape_cast %swap3A_914 : vector<1x16xf32> to vector<16xf32>
        %swap3A_916 = vector.shape_cast %mul3A_911 : vector<16xf32> to vector<1x16xf32>
        tpu.vector_store %arg12[%swap3A_912, %swap3A_913], %swap3A_916 {strides = array<i32>} : memref<16x1024xf32, #tpu.memory_space<vmem>>, vector<1x16xf32>,
        %get3A_917 = arith.index_cast %scan3A_783 : i32 to index
        %get3A_918 = arith.constant 176 : index
        %get3A_919 = tpu.vector_load %arg10[%get3A_917, %get3A_918] {strides = array<i32>} : memref<16x1024xf32, #tpu.memory_space<vmem>>, vector<1x16xf32>,
        %get3A_920 = vector.shape_cast %get3A_919 : vector<1x16xf32> to vector<16xf32>
        %mul3A_921 = arith.constant 3.200000e+01 : f32
        %mul3A_922 = vector.broadcast %mul3A_921 : f32 to vector<16xf32>
        %mul3A_923 = arith.mulf %get3A_920, %mul3A_922 : vector<16xf32>
        %swap3A_924 = arith.index_cast %scan3A_783 : i32 to index
        %swap3A_925 = arith.constant 176 : index
        %swap3A_926 = tpu.vector_load %arg12[%swap3A_924, %swap3A_925] {strides = array<i32>} : memref<16x1024xf32, #tpu.memory_space<vmem>>, vector<1x16xf32>,
        %swap3A_927 = vector.shape_cast %swap3A_926 : vector<1x16xf32> to vector<16xf32>
        %swap3A_928 = vector.shape_cast %mul3A_923 : vector<16xf32> to vector<1x16xf32>
        tpu.vector_store %arg12[%swap3A_924, %swap3A_925], %swap3A_928 {strides = array<i32>} : memref<16x1024xf32, #tpu.memory_space<vmem>>, vector<1x16xf32>,
        %get3A_929 = arith.index_cast %scan3A_783 : i32 to index
        %get3A_930 = arith.constant 192 : index
        %get3A_931 = tpu.vector_load %arg10[%get3A_929, %get3A_930] {strides = array<i32>} : memref<16x1024xf32, #tpu.memory_space<vmem>>, vector<1x16xf32>,
        %get3A_932 = vector.shape_cast %get3A_931 : vector<1x16xf32> to vector<16xf32>
        %mul3A_933 = arith.constant 3.200000e+01 : f32
        %mul3A_934 = vector.broadcast %mul3A_933 : f32 to vector<16xf32>
        %mul3A_935 = arith.mulf %get3A_932, %mul3A_934 : vector<16xf32>
        %swap3A_936 = arith.index_cast %scan3A_783 : i32 to index
        %swap3A_937 = arith.constant 192 : index
        %swap3A_938 = tpu.vector_load %arg12[%swap3A_936, %swap3A_937] {strides = array<i32>} : memref<16x1024xf32, #tpu.memory_space<vmem>>, vector<1x16xf32>,
        %swap3A_939 = vector.shape_cast %swap3A_938 : vector<1x16xf32> to vector<16xf32>
        %swap3A_940 = vector.shape_cast %mul3A_935 : vector<16xf32> to vector<1x16xf32>
        tpu.vector_store %arg12[%swap3A_936, %swap3A_937], %swap3A_940 {strides = array<i32>} : memref<16x1024xf32, #tpu.memory_space<vmem>>, vector<1x16xf32>,
        %get3A_941 = arith.index_cast %scan3A_783 : i32 to index
        %get3A_942 = arith.constant 208 : index
        %get3A_943 = tpu.vector_load %arg10[%get3A_941, %get3A_942] {strides = array<i32>} : memref<16x1024xf32, #tpu.memory_space<vmem>>, vector<1x16xf32>,
        %get3A_944 = vector.shape_cast %get3A_943 : vector<1x16xf32> to vector<16xf32>
        %mul3A_945 = arith.constant 3.200000e+01 : f32
        %mul3A_946 = vector.broadcast %mul3A_945 : f32 to vector<16xf32>
        %mul3A_947 = arith.mulf %get3A_944, %mul3A_946 : vector<16xf32>
        %swap3A_948 = arith.index_cast %scan3A_783 : i32 to index
        %swap3A_949 = arith.constant 208 : index
        %swap3A_950 = tpu.vector_load %arg12[%swap3A_948, %swap3A_949] {strides = array<i32>} : memref<16x1024xf32, #tpu.memory_space<vmem>>, vector<1x16xf32>,
        %swap3A_951 = vector.shape_cast %swap3A_950 : vector<1x16xf32> to vector<16xf32>
        %swap3A_952 = vector.shape_cast %mul3A_947 : vector<16xf32> to vector<1x16xf32>
        tpu.vector_store %arg12[%swap3A_948, %swap3A_949], %swap3A_952 {strides = array<i32>} : memref<16x1024xf32, #tpu.memory_space<vmem>>, vector<1x16xf32>,
        %get3A_953 = arith.index_cast %scan3A_783 : i32 to index
        %get3A_954 = arith.constant 224 : index
        %get3A_955 = tpu.vector_load %arg10[%get3A_953, %get3A_954] {strides = array<i32>} : memref<16x1024xf32, #tpu.memory_space<vmem>>, vector<1x16xf32>,
        %get3A_956 = vector.shape_cast %get3A_955 : vector<1x16xf32> to vector<16xf32>
        %mul3A_957 = arith.constant 3.200000e+01 : f32
        %mul3A_958 = vector.broadcast %mul3A_957 : f32 to vector<16xf32>
        %mul3A_959 = arith.mulf %get3A_956, %mul3A_958 : vector<16xf32>
        %swap3A_960 = arith.index_cast %scan3A_783 : i32 to index
        %swap3A_961 = arith.constant 224 : index
        %swap3A_962 = tpu.vector_load %arg12[%swap3A_960, %swap3A_961] {strides = array<i32>} : memref<16x1024xf32, #tpu.memory_space<vmem>>, vector<1x16xf32>,
        %swap3A_963 = vector.shape_cast %swap3A_962 : vector<1x16xf32> to vector<16xf32>
        %swap3A_964 = vector.shape_cast %mul3A_959 : vector<16xf32> to vector<1x16xf32>
        tpu.vector_store %arg12[%swap3A_960, %swap3A_961], %swap3A_964 {strides = array<i32>} : memref<16x1024xf32, #tpu.memory_space<vmem>>, vector<1x16xf32>,
        %get3A_965 = arith.index_cast %scan3A_783 : i32 to index
        %get3A_966 = arith.constant 240 : index
        %get3A_967 = tpu.vector_load %arg10[%get3A_965, %get3A_966] {strides = array<i32>} : memref<16x1024xf32, #tpu.memory_space<vmem>>, vector<1x16xf32>,
        %get3A_968 = vector.shape_cast %get3A_967 : vector<1x16xf32> to vector<16xf32>
        %mul3A_969 = arith.constant 3.200000e+01 : f32
        %mul3A_970 = vector.broadcast %mul3A_969 : f32 to vector<16xf32>
        %mul3A_971 = arith.mulf %get3A_968, %mul3A_970 : vector<16xf32>
        %swap3A_972 = arith.index_cast %scan3A_783 : i32 to index
        %swap3A_973 = arith.constant 240 : index
        %swap3A_974 = tpu.vector_load %arg12[%swap3A_972, %swap3A_973] {strides = array<i32>} : memref<16x1024xf32, #tpu.memory_space<vmem>>, vector<1x16xf32>,
        %swap3A_975 = vector.shape_cast %swap3A_974 : vector<1x16xf32> to vector<16xf32>
        %swap3A_976 = vector.shape_cast %mul3A_971 : vector<16xf32> to vector<1x16xf32>
        tpu.vector_store %arg12[%swap3A_972, %swap3A_973], %swap3A_976 {strides = array<i32>} : memref<16x1024xf32, #tpu.memory_space<vmem>>, vector<1x16xf32>,
        %get3A_977 = arith.index_cast %scan3A_783 : i32 to index
        %get3A_978 = arith.constant 256 : index
        %get3A_979 = tpu.vector_load %arg10[%get3A_977, %get3A_978] {strides = array<i32>} : memref<16x1024xf32, #tpu.memory_space<vmem>>, vector<1x16xf32>,
        %get3A_980 = vector.shape_cast %get3A_979 : vector<1x16xf32> to vector<16xf32>
        %mul3A_981 = arith.constant 3.200000e+01 : f32
        %mul3A_982 = vector.broadcast %mul3A_981 : f32 to vector<16xf32>
        %mul3A_983 = arith.mulf %get3A_980, %mul3A_982 : vector<16xf32>
        %swap3A_984 = arith.index_cast %scan3A_783 : i32 to index
        %swap3A_985 = arith.constant 256 : index
        %swap3A_986 = tpu.vector_load %arg12[%swap3A_984, %swap3A_985] {strides = array<i32>} : memref<16x1024xf32, #tpu.memory_space<vmem>>, vector<1x16xf32>,
        %swap3A_987 = vector.shape_cast %swap3A_986 : vector<1x16xf32> to vector<16xf32>
        %swap3A_988 = vector.shape_cast %mul3A_983 : vector<16xf32> to vector<1x16xf32>
        tpu.vector_store %arg12[%swap3A_984, %swap3A_985], %swap3A_988 {strides = array<i32>} : memref<16x1024xf32, #tpu.memory_space<vmem>>, vector<1x16xf32>,
        %get3A_989 = arith.index_cast %scan3A_783 : i32 to index
        %get3A_990 = arith.constant 272 : index
        %get3A_991 = tpu.vector_load %arg10[%get3A_989, %get3A_990] {strides = array<i32>} : memref<16x1024xf32, #tpu.memory_space<vmem>>, vector<1x16xf32>,
        %get3A_992 = vector.shape_cast %get3A_991 : vector<1x16xf32> to vector<16xf32>
        %mul3A_993 = arith.constant 3.200000e+01 : f32
        %mul3A_994 = vector.broadcast %mul3A_993 : f32 to vector<16xf32>
        %mul3A_995 = arith.mulf %get3A_992, %mul3A_994 : vector<16xf32>
        %swap3A_996 = arith.index_cast %scan3A_783 : i32 to index
        %swap3A_997 = arith.constant 272 : index
        %swap3A_998 = tpu.vector_load %arg12[%swap3A_996, %swap3A_997] {strides = array<i32>} : memref<16x1024xf32, #tpu.memory_space<vmem>>, vector<1x16xf32>,
        %swap3A_999 = vector.shape_cast %swap3A_998 : vector<1x16xf32> to vector<16xf32>
        %swap3A_1000 = vector.shape_cast %mul3A_995 : vector<16xf32> to vector<1x16xf32>
        tpu.vector_store %arg12[%swap3A_996, %swap3A_997], %swap3A_1000 {strides = array<i32>} : memref<16x1024xf32, #tpu.memory_space<vmem>>, vector<1x16xf32>,
        %get3A_1001 = arith.index_cast %scan3A_783 : i32 to index
        %get3A_1002 = arith.constant 288 : index
        %get3A_1003 = tpu.vector_load %arg10[%get3A_1001, %get3A_1002] {strides = array<i32>} : memref<16x1024xf32, #tpu.memory_space<vmem>>, vector<1x16xf32>,
        %get3A_1004 = vector.shape_cast %get3A_1003 : vector<1x16xf32> to vector<16xf32>
        %mul3A_1005 = arith.constant 3.200000e+01 : f32
        %mul3A_1006 = vector.broadcast %mul3A_1005 : f32 to vector<16xf32>
        %mul3A_1007 = arith.mulf %get3A_1004, %mul3A_1006 : vector<16xf32>
        %swap3A_1008 = arith.index_cast %scan3A_783 : i32 to index
        %swap3A_1009 = arith.constant 288 : index
        %swap3A_1010 = tpu.vector_load %arg12[%swap3A_1008, %swap3A_1009] {strides = array<i32>} : memref<16x1024xf32, #tpu.memory_space<vmem>>, vector<1x16xf32>,
        %swap3A_1011 = vector.shape_cast %swap3A_1010 : vector<1x16xf32> to vector<16xf32>
        %swap3A_1012 = vector.shape_cast %mul3A_1007 : vector<16xf32> to vector<1x16xf32>
        tpu.vector_store %arg12[%swap3A_1008, %swap3A_1009], %swap3A_1012 {strides = array<i32>} : memref<16x1024xf32, #tpu.memory_space<vmem>>, vector<1x16xf32>,
        %get3A_1013 = arith.index_cast %scan3A_783 : i32 to index
        %get3A_1014 = arith.constant 304 : index
        %get3A_1015 = tpu.vector_load %arg10[%get3A_1013, %get3A_1014] {strides = array<i32>} : memref<16x1024xf32, #tpu.memory_space<vmem>>, vector<1x16xf32>,
        %get3A_1016 = vector.shape_cast %get3A_1015 : vector<1x16xf32> to vector<16xf32>
        %mul3A_1017 = arith.constant 3.200000e+01 : f32
        %mul3A_1018 = vector.broadcast %mul3A_1017 : f32 to vector<16xf32>
        %mul3A_1019 = arith.mulf %get3A_1016, %mul3A_1018 : vector<16xf32>
        %swap3A_1020 = arith.index_cast %scan3A_783 : i32 to index
        %swap3A_1021 = arith.constant 304 : index
        %swap3A_1022 = tpu.vector_load %arg12[%swap3A_1020, %swap3A_1021] {strides = array<i32>} : memref<16x1024xf32, #tpu.memory_space<vmem>>, vector<1x16xf32>,
        %swap3A_1023 = vector.shape_cast %swap3A_1022 : vector<1x16xf32> to vector<16xf32>
        %swap3A_1024 = vector.shape_cast %mul3A_1019 : vector<16xf32> to vector<1x16xf32>
        tpu.vector_store %arg12[%swap3A_1020, %swap3A_1021], %swap3A_1024 {strides = array<i32>} : memref<16x1024xf32, #tpu.memory_space<vmem>>, vector<1x16xf32>,
        %get3A_1025 = arith.index_cast %scan3A_783 : i32 to index
        %get3A_1026 = arith.constant 320 : index
        %get3A_1027 = tpu.vector_load %arg10[%get3A_1025, %get3A_1026] {strides = array<i32>} : memref<16x1024xf32, #tpu.memory_space<vmem>>, vector<1x16xf32>,
        %get3A_1028 = vector.shape_cast %get3A_1027 : vector<1x16xf32> to vector<16xf32>
        %mul3A_1029 = arith.constant 3.200000e+01 : f32
        %mul3A_1030 = vector.broadcast %mul3A_1029 : f32 to vector<16xf32>
        %mul3A_1031 = arith.mulf %get3A_1028, %mul3A_1030 : vector<16xf32>
        %swap3A_1032 = arith.index_cast %scan3A_783 : i32 to index
        %swap3A_1033 = arith.constant 320 : index
        %swap3A_1034 = tpu.vector_load %arg12[%swap3A_1032, %swap3A_1033] {strides = array<i32>} : memref<16x1024xf32, #tpu.memory_space<vmem>>, vector<1x16xf32>,
        %swap3A_1035 = vector.shape_cast %swap3A_1034 : vector<1x16xf32> to vector<16xf32>
        %swap3A_1036 = vector.shape_cast %mul3A_1031 : vector<16xf32> to vector<1x16xf32>
        tpu.vector_store %arg12[%swap3A_1032, %swap3A_1033], %swap3A_1036 {strides = array<i32>} : memref<16x1024xf32, #tpu.memory_space<vmem>>, vector<1x16xf32>,
        %get3A_1037 = arith.index_cast %scan3A_783 : i32 to index
        %get3A_1038 = arith.constant 336 : index
        %get3A_1039 = tpu.vector_load %arg10[%get3A_1037, %get3A_1038] {strides = array<i32>} : memref<16x1024xf32, #tpu.memory_space<vmem>>, vector<1x16xf32>,
        %get3A_1040 = vector.shape_cast %get3A_1039 : vector<1x16xf32> to vector<16xf32>
        %mul3A_1041 = arith.constant 3.200000e+01 : f32
        %mul3A_1042 = vector.broadcast %mul3A_1041 : f32 to vector<16xf32>
        %mul3A_1043 = arith.mulf %get3A_1040, %mul3A_1042 : vector<16xf32>
        %swap3A_1044 = arith.index_cast %scan3A_783 : i32 to index
        %swap3A_1045 = arith.constant 336 : index
        %swap3A_1046 = tpu.vector_load %arg12[%swap3A_1044, %swap3A_1045] {strides = array<i32>} : memref<16x1024xf32, #tpu.memory_space<vmem>>, vector<1x16xf32>,
        %swap3A_1047 = vector.shape_cast %swap3A_1046 : vector<1x16xf32> to vector<16xf32>
        %swap3A_1048 = vector.shape_cast %mul3A_1043 : vector<16xf32> to vector<1x16xf32>
        tpu.vector_store %arg12[%swap3A_1044, %swap3A_1045], %swap3A_1048 {strides = array<i32>} : memref<16x1024xf32, #tpu.memory_space<vmem>>, vector<1x16xf32>,
        %get3A_1049 = arith.index_cast %scan3A_783 : i32 to index
        %get3A_1050 = arith.constant 352 : index
        %get3A_1051 = tpu.vector_load %arg10[%get3A_1049, %get3A_1050] {strides = array<i32>} : memref<16x1024xf32, #tpu.memory_space<vmem>>, vector<1x16xf32>,
        %get3A_1052 = vector.shape_cast %get3A_1051 : vector<1x16xf32> to vector<16xf32>
        %mul3A_1053 = arith.constant 3.200000e+01 : f32
        %mul3A_1054 = vector.broadcast %mul3A_1053 : f32 to vector<16xf32>
        %mul3A_1055 = arith.mulf %get3A_1052, %mul3A_1054 : vector<16xf32>
        %swap3A_1056 = arith.index_cast %scan3A_783 : i32 to index
        %swap3A_1057 = arith.constant 352 : index
        %swap3A_1058 = tpu.vector_load %arg12[%swap3A_1056, %swap3A_1057] {strides = array<i32>} : memref<16x1024xf32, #tpu.memory_space<vmem>>, vector<1x16xf32>,
        %swap3A_1059 = vector.shape_cast %swap3A_1058 : vector<1x16xf32> to vector<16xf32>
        %swap3A_1060 = vector.shape_cast %mul3A_1055 : vector<16xf32> to vector<1x16xf32>
        tpu.vector_store %arg12[%swap3A_1056, %swap3A_1057], %swap3A_1060 {strides = array<i32>} : memref<16x1024xf32, #tpu.memory_space<vmem>>, vector<1x16xf32>,
        %get3A_1061 = arith.index_cast %scan3A_783 : i32 to index
        %get3A_1062 = arith.constant 368 : index
        %get3A_1063 = tpu.vector_load %arg10[%get3A_1061, %get3A_1062] {strides = array<i32>} : memref<16x1024xf32, #tpu.memory_space<vmem>>, vector<1x16xf32>,
        %get3A_1064 = vector.shape_cast %get3A_1063 : vector<1x16xf32> to vector<16xf32>
        %mul3A_1065 = arith.constant 3.200000e+01 : f32
        %mul3A_1066 = vector.broadcast %mul3A_1065 : f32 to vector<16xf32>
        %mul3A_1067 = arith.mulf %get3A_1064, %mul3A_1066 : vector<16xf32>
        %swap3A_1068 = arith.index_cast %scan3A_783 : i32 to index
        %swap3A_1069 = arith.constant 368 : index
        %swap3A_1070 = tpu.vector_load %arg12[%swap3A_1068, %swap3A_1069] {strides = array<i32>} : memref<16x1024xf32, #tpu.memory_space<vmem>>, vector<1x16xf32>,
        %swap3A_1071 = vector.shape_cast %swap3A_1070 : vector<1x16xf32> to vector<16xf32>
        %swap3A_1072 = vector.shape_cast %mul3A_1067 : vector<16xf32> to vector<1x16xf32>
        tpu.vector_store %arg12[%swap3A_1068, %swap3A_1069], %swap3A_1072 {strides = array<i32>} : memref<16x1024xf32, #tpu.memory_space<vmem>>, vector<1x16xf32>,
        %get3A_1073 = arith.index_cast %scan3A_783 : i32 to index
        %get3A_1074 = arith.constant 384 : index
        %get3A_1075 = tpu.vector_load %arg10[%get3A_1073, %get3A_1074] {strides = array<i32>} : memref<16x1024xf32, #tpu.memory_space<vmem>>, vector<1x16xf32>,
        %get3A_1076 = vector.shape_cast %get3A_1075 : vector<1x16xf32> to vector<16xf32>
        %mul3A_1077 = arith.constant 3.200000e+01 : f32
        %mul3A_1078 = vector.broadcast %mul3A_1077 : f32 to vector<16xf32>
        %mul3A_1079 = arith.mulf %get3A_1076, %mul3A_1078 : vector<16xf32>
        %swap3A_1080 = arith.index_cast %scan3A_783 : i32 to index
        %swap3A_1081 = arith.constant 384 : index
        %swap3A_1082 = tpu.vector_load %arg12[%swap3A_1080, %swap3A_1081] {strides = array<i32>} : memref<16x1024xf32, #tpu.memory_space<vmem>>, vector<1x16xf32>,
        %swap3A_1083 = vector.shape_cast %swap3A_1082 : vector<1x16xf32> to vector<16xf32>
        %swap3A_1084 = vector.shape_cast %mul3A_1079 : vector<16xf32> to vector<1x16xf32>
        tpu.vector_store %arg12[%swap3A_1080, %swap3A_1081], %swap3A_1084 {strides = array<i32>} : memref<16x1024xf32, #tpu.memory_space<vmem>>, vector<1x16xf32>,
        %get3A_1085 = arith.index_cast %scan3A_783 : i32 to index
        %get3A_1086 = arith.constant 400 : index
        %get3A_1087 = tpu.vector_load %arg10[%get3A_1085, %get3A_1086] {strides = array<i32>} : memref<16x1024xf32, #tpu.memory_space<vmem>>, vector<1x16xf32>,
        %get3A_1088 = vector.shape_cast %get3A_1087 : vector<1x16xf32> to vector<16xf32>
        %mul3A_1089 = arith.constant 3.200000e+01 : f32
        %mul3A_1090 = vector.broadcast %mul3A_1089 : f32 to vector<16xf32>
        %mul3A_1091 = arith.mulf %get3A_1088, %mul3A_1090 : vector<16xf32>
        %swap3A_1092 = arith.index_cast %scan3A_783 : i32 to index
        %swap3A_1093 = arith.constant 400 : index
        %swap3A_1094 = tpu.vector_load %arg12[%swap3A_1092, %swap3A_1093] {strides = array<i32>} : memref<16x1024xf32, #tpu.memory_space<vmem>>, vector<1x16xf32>,
        %swap3A_1095 = vector.shape_cast %swap3A_1094 : vector<1x16xf32> to vector<16xf32>
        %swap3A_1096 = vector.shape_cast %mul3A_1091 : vector<16xf32> to vector<1x16xf32>
        tpu.vector_store %arg12[%swap3A_1092, %swap3A_1093], %swap3A_1096 {strides = array<i32>} : memref<16x1024xf32, #tpu.memory_space<vmem>>, vector<1x16xf32>,
        %get3A_1097 = arith.index_cast %scan3A_783 : i32 to index
        %get3A_1098 = arith.constant 416 : index
        %get3A_1099 = tpu.vector_load %arg10[%get3A_1097, %get3A_1098] {strides = array<i32>} : memref<16x1024xf32, #tpu.memory_space<vmem>>, vector<1x16xf32>,
        %get3A_1100 = vector.shape_cast %get3A_1099 : vector<1x16xf32> to vector<16xf32>
        %mul3A_1101 = arith.constant 3.200000e+01 : f32
        %mul3A_1102 = vector.broadcast %mul3A_1101 : f32 to vector<16xf32>
        %mul3A_1103 = arith.mulf %get3A_1100, %mul3A_1102 : vector<16xf32>
        %swap3A_1104 = arith.index_cast %scan3A_783 : i32 to index
        %swap3A_1105 = arith.constant 416 : index
        %swap3A_1106 = tpu.vector_load %arg12[%swap3A_1104, %swap3A_1105] {strides = array<i32>} : memref<16x1024xf32, #tpu.memory_space<vmem>>, vector<1x16xf32>,
        %swap3A_1107 = vector.shape_cast %swap3A_1106 : vector<1x16xf32> to vector<16xf32>
        %swap3A_1108 = vector.shape_cast %mul3A_1103 : vector<16xf32> to vector<1x16xf32>
        tpu.vector_store %arg12[%swap3A_1104, %swap3A_1105], %swap3A_1108 {strides = array<i32>} : memref<16x1024xf32, #tpu.memory_space<vmem>>, vector<1x16xf32>,
        %get3A_1109 = arith.index_cast %scan3A_783 : i32 to index
        %get3A_1110 = arith.constant 432 : index
        %get3A_1111 = tpu.vector_load %arg10[%get3A_1109, %get3A_1110] {strides = array<i32>} : memref<16x1024xf32, #tpu.memory_space<vmem>>, vector<1x16xf32>,
        %get3A_1112 = vector.shape_cast %get3A_1111 : vector<1x16xf32> to vector<16xf32>
        %mul3A_1113 = arith.constant 3.200000e+01 : f32
        %mul3A_1114 = vector.broadcast %mul3A_1113 : f32 to vector<16xf32>
        %mul3A_1115 = arith.mulf %get3A_1112, %mul3A_1114 : vector<16xf32>
        %swap3A_1116 = arith.index_cast %scan3A_783 : i32 to index
        %swap3A_1117 = arith.constant 432 : index
        %swap3A_1118 = tpu.vector_load %arg12[%swap3A_1116, %swap3A_1117] {strides = array<i32>} : memref<16x1024xf32, #tpu.memory_space<vmem>>, vector<1x16xf32>,
        %swap3A_1119 = vector.shape_cast %swap3A_1118 : vector<1x16xf32> to vector<16xf32>
        %swap3A_1120 = vector.shape_cast %mul3A_1115 : vector<16xf32> to vector<1x16xf32>
        tpu.vector_store %arg12[%swap3A_1116, %swap3A_1117], %swap3A_1120 {strides = array<i32>} : memref<16x1024xf32, #tpu.memory_space<vmem>>, vector<1x16xf32>,
        %get3A_1121 = arith.index_cast %scan3A_783 : i32 to index
        %get3A_1122 = arith.constant 448 : index
        %get3A_1123 = tpu.vector_load %arg10[%get3A_1121, %get3A_1122] {strides = array<i32>} : memref<16x1024xf32, #tpu.memory_space<vmem>>, vector<1x16xf32>,
        %get3A_1124 = vector.shape_cast %get3A_1123 : vector<1x16xf32> to vector<16xf32>
        %mul3A_1125 = arith.constant 3.200000e+01 : f32
        %mul3A_1126 = vector.broadcast %mul3A_1125 : f32 to vector<16xf32>
        %mul3A_1127 = arith.mulf %get3A_1124, %mul3A_1126 : vector<16xf32>
        %swap3A_1128 = arith.index_cast %scan3A_783 : i32 to index
        %swap3A_1129 = arith.constant 448 : index
        %swap3A_1130 = tpu.vector_load %arg12[%swap3A_1128, %swap3A_1129] {strides = array<i32>} : memref<16x1024xf32, #tpu.memory_space<vmem>>, vector<1x16xf32>,
        %swap3A_1131 = vector.shape_cast %swap3A_1130 : vector<1x16xf32> to vector<16xf32>
        %swap3A_1132 = vector.shape_cast %mul3A_1127 : vector<16xf32> to vector<1x16xf32>
        tpu.vector_store %arg12[%swap3A_1128, %swap3A_1129], %swap3A_1132 {strides = array<i32>} : memref<16x1024xf32, #tpu.memory_space<vmem>>, vector<1x16xf32>,
        %get3A_1133 = arith.index_cast %scan3A_783 : i32 to index
        %get3A_1134 = arith.constant 464 : index
        %get3A_1135 = tpu.vector_load %arg10[%get3A_1133, %get3A_1134] {strides = array<i32>} : memref<16x1024xf32, #tpu.memory_space<vmem>>, vector<1x16xf32>,
        %get3A_1136 = vector.shape_cast %get3A_1135 : vector<1x16xf32> to vector<16xf32>
        %mul3A_1137 = arith.constant 3.200000e+01 : f32
        %mul3A_1138 = vector.broadcast %mul3A_1137 : f32 to vector<16xf32>
        %mul3A_1139 = arith.mulf %get3A_1136, %mul3A_1138 : vector<16xf32>
        %swap3A_1140 = arith.index_cast %scan3A_783 : i32 to index
        %swap3A_1141 = arith.constant 464 : index
        %swap3A_1142 = tpu.vector_load %arg12[%swap3A_1140, %swap3A_1141] {strides = array<i32>} : memref<16x1024xf32, #tpu.memory_space<vmem>>, vector<1x16xf32>,
        %swap3A_1143 = vector.shape_cast %swap3A_1142 : vector<1x16xf32> to vector<16xf32>
        %swap3A_1144 = vector.shape_cast %mul3A_1139 : vector<16xf32> to vector<1x16xf32>
        tpu.vector_store %arg12[%swap3A_1140, %swap3A_1141], %swap3A_1144 {strides = array<i32>} : memref<16x1024xf32, #tpu.memory_space<vmem>>, vector<1x16xf32>,
        %get3A_1145 = arith.index_cast %scan3A_783 : i32 to index
        %get3A_1146 = arith.constant 480 : index
        %get3A_1147 = tpu.vector_load %arg10[%get3A_1145, %get3A_1146] {strides = array<i32>} : memref<16x1024xf32, #tpu.memory_space<vmem>>, vector<1x16xf32>,
        %get3A_1148 = vector.shape_cast %get3A_1147 : vector<1x16xf32> to vector<16xf32>
        %mul3A_1149 = arith.constant 3.200000e+01 : f32
        %mul3A_1150 = vector.broadcast %mul3A_1149 : f32 to vector<16xf32>
        %mul3A_1151 = arith.mulf %get3A_1148, %mul3A_1150 : vector<16xf32>
        %swap3A_1152 = arith.index_cast %scan3A_783 : i32 to index
        %swap3A_1153 = arith.constant 480 : index
        %swap3A_1154 = tpu.vector_load %arg12[%swap3A_1152, %swap3A_1153] {strides = array<i32>} : memref<16x1024xf32, #tpu.memory_space<vmem>>, vector<1x16xf32>,
        %swap3A_1155 = vector.shape_cast %swap3A_1154 : vector<1x16xf32> to vector<16xf32>
        %swap3A_1156 = vector.shape_cast %mul3A_1151 : vector<16xf32> to vector<1x16xf32>
        tpu.vector_store %arg12[%swap3A_1152, %swap3A_1153], %swap3A_1156 {strides = array<i32>} : memref<16x1024xf32, #tpu.memory_space<vmem>>, vector<1x16xf32>,
        %get3A_1157 = arith.index_cast %scan3A_783 : i32 to index
        %get3A_1158 = arith.constant 496 : index
        %get3A_1159 = tpu.vector_load %arg10[%get3A_1157, %get3A_1158] {strides = array<i32>} : memref<16x1024xf32, #tpu.memory_space<vmem>>, vector<1x16xf32>,
        %get3A_1160 = vector.shape_cast %get3A_1159 : vector<1x16xf32> to vector<16xf32>
        %mul3A_1161 = arith.constant 3.200000e+01 : f32
        %mul3A_1162 = vector.broadcast %mul3A_1161 : f32 to vector<16xf32>
        %mul3A_1163 = arith.mulf %get3A_1160, %mul3A_1162 : vector<16xf32>
        %swap3A_1164 = arith.index_cast %scan3A_783 : i32 to index
        %swap3A_1165 = arith.constant 496 : index
        %swap3A_1166 = tpu.vector_load %arg12[%swap3A_1164, %swap3A_1165] {strides = array<i32>} : memref<16x1024xf32, #tpu.memory_space<vmem>>, vector<1x16xf32>,
        %swap3A_1167 = vector.shape_cast %swap3A_1166 : vector<1x16xf32> to vector<16xf32>
        %swap3A_1168 = vector.shape_cast %mul3A_1163 : vector<16xf32> to vector<1x16xf32>
        tpu.vector_store %arg12[%swap3A_1164, %swap3A_1165], %swap3A_1168 {strides = array<i32>} : memref<16x1024xf32, #tpu.memory_space<vmem>>, vector<1x16xf32>,
        %get3A_1169 = arith.index_cast %scan3A_783 : i32 to index
        %get3A_1170 = arith.constant 512 : index
        %get3A_1171 = tpu.vector_load %arg10[%get3A_1169, %get3A_1170] {strides = array<i32>} : memref<16x1024xf32, #tpu.memory_space<vmem>>, vector<1x16xf32>,
        %get3A_1172 = vector.shape_cast %get3A_1171 : vector<1x16xf32> to vector<16xf32>
        %mul3A_1173 = arith.constant 3.200000e+01 : f32
        %mul3A_1174 = vector.broadcast %mul3A_1173 : f32 to vector<16xf32>
        %mul3A_1175 = arith.mulf %get3A_1172, %mul3A_1174 : vector<16xf32>
        %swap3A_1176 = arith.index_cast %scan3A_783 : i32 to index
        %swap3A_1177 = arith.constant 512 : index
        %swap3A_1178 = tpu.vector_load %arg12[%swap3A_1176, %swap3A_1177] {strides = array<i32>} : memref<16x1024xf32, #tpu.memory_space<vmem>>, vector<1x16xf32>,
        %swap3A_1179 = vector.shape_cast %swap3A_1178 : vector<1x16xf32> to vector<16xf32>
        %swap3A_1180 = vector.shape_cast %mul3A_1175 : vector<16xf32> to vector<1x16xf32>
        tpu.vector_store %arg12[%swap3A_1176, %swap3A_1177], %swap3A_1180 {strides = array<i32>} : memref<16x1024xf32, #tpu.memory_space<vmem>>, vector<1x16xf32>,
        %get3A_1181 = arith.index_cast %scan3A_783 : i32 to index
        %get3A_1182 = arith.constant 528 : index
        %get3A_1183 = tpu.vector_load %arg10[%get3A_1181, %get3A_1182] {strides = array<i32>} : memref<16x1024xf32, #tpu.memory_space<vmem>>, vector<1x16xf32>,
        %get3A_1184 = vector.shape_cast %get3A_1183 : vector<1x16xf32> to vector<16xf32>
        %mul3A_1185 = arith.constant 3.200000e+01 : f32
        %mul3A_1186 = vector.broadcast %mul3A_1185 : f32 to vector<16xf32>
        %mul3A_1187 = arith.mulf %get3A_1184, %mul3A_1186 : vector<16xf32>
        %swap3A_1188 = arith.index_cast %scan3A_783 : i32 to index
        %swap3A_1189 = arith.constant 528 : index
        %swap3A_1190 = tpu.vector_load %arg12[%swap3A_1188, %swap3A_1189] {strides = array<i32>} : memref<16x1024xf32, #tpu.memory_space<vmem>>, vector<1x16xf32>,
        %swap3A_1191 = vector.shape_cast %swap3A_1190 : vector<1x16xf32> to vector<16xf32>
        %swap3A_1192 = vector.shape_cast %mul3A_1187 : vector<16xf32> to vector<1x16xf32>
        tpu.vector_store %arg12[%swap3A_1188, %swap3A_1189], %swap3A_1192 {strides = array<i32>} : memref<16x1024xf32, #tpu.memory_space<vmem>>, vector<1x16xf32>,
        %get3A_1193 = arith.index_cast %scan3A_783 : i32 to index
        %get3A_1194 = arith.constant 544 : index
        %get3A_1195 = tpu.vector_load %arg10[%get3A_1193, %get3A_1194] {strides = array<i32>} : memref<16x1024xf32, #tpu.memory_space<vmem>>, vector<1x16xf32>,
        %get3A_1196 = vector.shape_cast %get3A_1195 : vector<1x16xf32> to vector<16xf32>
        %mul3A_1197 = arith.constant 3.200000e+01 : f32
        %mul3A_1198 = vector.broadcast %mul3A_1197 : f32 to vector<16xf32>
        %mul3A_1199 = arith.mulf %get3A_1196, %mul3A_1198 : vector<16xf32>
        %swap3A_1200 = arith.index_cast %scan3A_783 : i32 to index
        %swap3A_1201 = arith.constant 544 : index
        %swap3A_1202 = tpu.vector_load %arg12[%swap3A_1200, %swap3A_1201] {strides = array<i32>} : memref<16x1024xf32, #tpu.memory_space<vmem>>, vector<1x16xf32>,
        %swap3A_1203 = vector.shape_cast %swap3A_1202 : vector<1x16xf32> to vector<16xf32>
        %swap3A_1204 = vector.shape_cast %mul3A_1199 : vector<16xf32> to vector<1x16xf32>
        tpu.vector_store %arg12[%swap3A_1200, %swap3A_1201], %swap3A_1204 {strides = array<i32>} : memref<16x1024xf32, #tpu.memory_space<vmem>>, vector<1x16xf32>,
        %get3A_1205 = arith.index_cast %scan3A_783 : i32 to index
        %get3A_1206 = arith.constant 560 : index
        %get3A_1207 = tpu.vector_load %arg10[%get3A_1205, %get3A_1206] {strides = array<i32>} : memref<16x1024xf32, #tpu.memory_space<vmem>>, vector<1x16xf32>,
        %get3A_1208 = vector.shape_cast %get3A_1207 : vector<1x16xf32> to vector<16xf32>
        %mul3A_1209 = arith.constant 3.200000e+01 : f32
        %mul3A_1210 = vector.broadcast %mul3A_1209 : f32 to vector<16xf32>
        %mul3A_1211 = arith.mulf %get3A_1208, %mul3A_1210 : vector<16xf32>
        %swap3A_1212 = arith.index_cast %scan3A_783 : i32 to index
        %swap3A_1213 = arith.constant 560 : index
        %swap3A_1214 = tpu.vector_load %arg12[%swap3A_1212, %swap3A_1213] {strides = array<i32>} : memref<16x1024xf32, #tpu.memory_space<vmem>>, vector<1x16xf32>,
        %swap3A_1215 = vector.shape_cast %swap3A_1214 : vector<1x16xf32> to vector<16xf32>
        %swap3A_1216 = vector.shape_cast %mul3A_1211 : vector<16xf32> to vector<1x16xf32>
        tpu.vector_store %arg12[%swap3A_1212, %swap3A_1213], %swap3A_1216 {strides = array<i32>} : memref<16x1024xf32, #tpu.memory_space<vmem>>, vector<1x16xf32>,
        %get3A_1217 = arith.index_cast %scan3A_783 : i32 to index
        %get3A_1218 = arith.constant 576 : index
        %get3A_1219 = tpu.vector_load %arg10[%get3A_1217, %get3A_1218] {strides = array<i32>} : memref<16x1024xf32, #tpu.memory_space<vmem>>, vector<1x16xf32>,
        %get3A_1220 = vector.shape_cast %get3A_1219 : vector<1x16xf32> to vector<16xf32>
        %mul3A_1221 = arith.constant 3.200000e+01 : f32
        %mul3A_1222 = vector.broadcast %mul3A_1221 : f32 to vector<16xf32>
        %mul3A_1223 = arith.mulf %get3A_1220, %mul3A_1222 : vector<16xf32>
        %swap3A_1224 = arith.index_cast %scan3A_783 : i32 to index
        %swap3A_1225 = arith.constant 576 : index
        %swap3A_1226 = tpu.vector_load %arg12[%swap3A_1224, %swap3A_1225] {strides = array<i32>} : memref<16x1024xf32, #tpu.memory_space<vmem>>, vector<1x16xf32>,
        %swap3A_1227 = vector.shape_cast %swap3A_1226 : vector<1x16xf32> to vector<16xf32>
        %swap3A_1228 = vector.shape_cast %mul3A_1223 : vector<16xf32> to vector<1x16xf32>
        tpu.vector_store %arg12[%swap3A_1224, %swap3A_1225], %swap3A_1228 {strides = array<i32>} : memref<16x1024xf32, #tpu.memory_space<vmem>>, vector<1x16xf32>,
        %get3A_1229 = arith.index_cast %scan3A_783 : i32 to index
        %get3A_1230 = arith.constant 592 : index
        %get3A_1231 = tpu.vector_load %arg10[%get3A_1229, %get3A_1230] {strides = array<i32>} : memref<16x1024xf32, #tpu.memory_space<vmem>>, vector<1x16xf32>,
        %get3A_1232 = vector.shape_cast %get3A_1231 : vector<1x16xf32> to vector<16xf32>
        %mul3A_1233 = arith.constant 3.200000e+01 : f32
        %mul3A_1234 = vector.broadcast %mul3A_1233 : f32 to vector<16xf32>
        %mul3A_1235 = arith.mulf %get3A_1232, %mul3A_1234 : vector<16xf32>
        %swap3A_1236 = arith.index_cast %scan3A_783 : i32 to index
        %swap3A_1237 = arith.constant 592 : index
        %swap3A_1238 = tpu.vector_load %arg12[%swap3A_1236, %swap3A_1237] {strides = array<i32>} : memref<16x1024xf32, #tpu.memory_space<vmem>>, vector<1x16xf32>,
        %swap3A_1239 = vector.shape_cast %swap3A_1238 : vector<1x16xf32> to vector<16xf32>
        %swap3A_1240 = vector.shape_cast %mul3A_1235 : vector<16xf32> to vector<1x16xf32>
        tpu.vector_store %arg12[%swap3A_1236, %swap3A_1237], %swap3A_1240 {strides = array<i32>} : memref<16x1024xf32, #tpu.memory_space<vmem>>, vector<1x16xf32>,
        %get3A_1241 = arith.index_cast %scan3A_783 : i32 to index
        %get3A_1242 = arith.constant 608 : index
        %get3A_1243 = tpu.vector_load %arg10[%get3A_1241, %get3A_1242] {strides = array<i32>} : memref<16x1024xf32, #tpu.memory_space<vmem>>, vector<1x16xf32>,
        %get3A_1244 = vector.shape_cast %get3A_1243 : vector<1x16xf32> to vector<16xf32>
        %mul3A_1245 = arith.constant 3.200000e+01 : f32
        %mul3A_1246 = vector.broadcast %mul3A_1245 : f32 to vector<16xf32>
        %mul3A_1247 = arith.mulf %get3A_1244, %mul3A_1246 : vector<16xf32>
        %swap3A_1248 = arith.index_cast %scan3A_783 : i32 to index
        %swap3A_1249 = arith.constant 608 : index
        %swap3A_1250 = tpu.vector_load %arg12[%swap3A_1248, %swap3A_1249] {strides = array<i32>} : memref<16x1024xf32, #tpu.memory_space<vmem>>, vector<1x16xf32>,
        %swap3A_1251 = vector.shape_cast %swap3A_1250 : vector<1x16xf32> to vector<16xf32>
        %swap3A_1252 = vector.shape_cast %mul3A_1247 : vector<16xf32> to vector<1x16xf32>
        tpu.vector_store %arg12[%swap3A_1248, %swap3A_1249], %swap3A_1252 {strides = array<i32>} : memref<16x1024xf32, #tpu.memory_space<vmem>>, vector<1x16xf32>,
        %get3A_1253 = arith.index_cast %scan3A_783 : i32 to index
        %get3A_1254 = arith.constant 624 : index
        %get3A_1255 = tpu.vector_load %arg10[%get3A_1253, %get3A_1254] {strides = array<i32>} : memref<16x1024xf32, #tpu.memory_space<vmem>>, vector<1x16xf32>,
        %get3A_1256 = vector.shape_cast %get3A_1255 : vector<1x16xf32> to vector<16xf32>
        %mul3A_1257 = arith.constant 3.200000e+01 : f32
        %mul3A_1258 = vector.broadcast %mul3A_1257 : f32 to vector<16xf32>
        %mul3A_1259 = arith.mulf %get3A_1256, %mul3A_1258 : vector<16xf32>
        %swap3A_1260 = arith.index_cast %scan3A_783 : i32 to index
        %swap3A_1261 = arith.constant 624 : index
        %swap3A_1262 = tpu.vector_load %arg12[%swap3A_1260, %swap3A_1261] {strides = array<i32>} : memref<16x1024xf32, #tpu.memory_space<vmem>>, vector<1x16xf32>,
        %swap3A_1263 = vector.shape_cast %swap3A_1262 : vector<1x16xf32> to vector<16xf32>
        %swap3A_1264 = vector.shape_cast %mul3A_1259 : vector<16xf32> to vector<1x16xf32>
        tpu.vector_store %arg12[%swap3A_1260, %swap3A_1261], %swap3A_1264 {strides = array<i32>} : memref<16x1024xf32, #tpu.memory_space<vmem>>, vector<1x16xf32>,
        %get3A_1265 = arith.index_cast %scan3A_783 : i32 to index
        %get3A_1266 = arith.constant 640 : index
        %get3A_1267 = tpu.vector_load %arg10[%get3A_1265, %get3A_1266] {strides = array<i32>} : memref<16x1024xf32, #tpu.memory_space<vmem>>, vector<1x16xf32>,
        %get3A_1268 = vector.shape_cast %get3A_1267 : vector<1x16xf32> to vector<16xf32>
        %mul3A_1269 = arith.constant 3.200000e+01 : f32
        %mul3A_1270 = vector.broadcast %mul3A_1269 : f32 to vector<16xf32>
        %mul3A_1271 = arith.mulf %get3A_1268, %mul3A_1270 : vector<16xf32>
        %swap3A_1272 = arith.index_cast %scan3A_783 : i32 to index
        %swap3A_1273 = arith.constant 640 : index
        %swap3A_1274 = tpu.vector_load %arg12[%swap3A_1272, %swap3A_1273] {strides = array<i32>} : memref<16x1024xf32, #tpu.memory_space<vmem>>, vector<1x16xf32>,
        %swap3A_1275 = vector.shape_cast %swap3A_1274 : vector<1x16xf32> to vector<16xf32>
        %swap3A_1276 = vector.shape_cast %mul3A_1271 : vector<16xf32> to vector<1x16xf32>
        tpu.vector_store %arg12[%swap3A_1272, %swap3A_1273], %swap3A_1276 {strides = array<i32>} : memref<16x1024xf32, #tpu.memory_space<vmem>>, vector<1x16xf32>,
        %get3A_1277 = arith.index_cast %scan3A_783 : i32 to index
        %get3A_1278 = arith.constant 656 : index
        %get3A_1279 = tpu.vector_load %arg10[%get3A_1277, %get3A_1278] {strides = array<i32>} : memref<16x1024xf32, #tpu.memory_space<vmem>>, vector<1x16xf32>,
        %get3A_1280 = vector.shape_cast %get3A_1279 : vector<1x16xf32> to vector<16xf32>
        %mul3A_1281 = arith.constant 3.200000e+01 : f32
        %mul3A_1282 = vector.broadcast %mul3A_1281 : f32 to vector<16xf32>
        %mul3A_1283 = arith.mulf %get3A_1280, %mul3A_1282 : vector<16xf32>
        %swap3A_1284 = arith.index_cast %scan3A_783 : i32 to index
        %swap3A_1285 = arith.constant 656 : index
        %swap3A_1286 = tpu.vector_load %arg12[%swap3A_1284, %swap3A_1285] {strides = array<i32>} : memref<16x1024xf32, #tpu.memory_space<vmem>>, vector<1x16xf32>,
        %swap3A_1287 = vector.shape_cast %swap3A_1286 : vector<1x16xf32> to vector<16xf32>
        %swap3A_1288 = vector.shape_cast %mul3A_1283 : vector<16xf32> to vector<1x16xf32>
        tpu.vector_store %arg12[%swap3A_1284, %swap3A_1285], %swap3A_1288 {strides = array<i32>} : memref<16x1024xf32, #tpu.memory_space<vmem>>, vector<1x16xf32>,
        %get3A_1289 = arith.index_cast %scan3A_783 : i32 to index
        %get3A_1290 = arith.constant 672 : index
        %get3A_1291 = tpu.vector_load %arg10[%get3A_1289, %get3A_1290] {strides = array<i32>} : memref<16x1024xf32, #tpu.memory_space<vmem>>, vector<1x16xf32>,
        %get3A_1292 = vector.shape_cast %get3A_1291 : vector<1x16xf32> to vector<16xf32>
        %mul3A_1293 = arith.constant 3.200000e+01 : f32
        %mul3A_1294 = vector.broadcast %mul3A_1293 : f32 to vector<16xf32>
        %mul3A_1295 = arith.mulf %get3A_1292, %mul3A_1294 : vector<16xf32>
        %swap3A_1296 = arith.index_cast %scan3A_783 : i32 to index
        %swap3A_1297 = arith.constant 672 : index
        %swap3A_1298 = tpu.vector_load %arg12[%swap3A_1296, %swap3A_1297] {strides = array<i32>} : memref<16x1024xf32, #tpu.memory_space<vmem>>, vector<1x16xf32>,
        %swap3A_1299 = vector.shape_cast %swap3A_1298 : vector<1x16xf32> to vector<16xf32>
        %swap3A_1300 = vector.shape_cast %mul3A_1295 : vector<16xf32> to vector<1x16xf32>
        tpu.vector_store %arg12[%swap3A_1296, %swap3A_1297], %swap3A_1300 {strides = array<i32>} : memref<16x1024xf32, #tpu.memory_space<vmem>>, vector<1x16xf32>,
        %get3A_1301 = arith.index_cast %scan3A_783 : i32 to index
        %get3A_1302 = arith.constant 688 : index
        %get3A_1303 = tpu.vector_load %arg10[%get3A_1301, %get3A_1302] {strides = array<i32>} : memref<16x1024xf32, #tpu.memory_space<vmem>>, vector<1x16xf32>,
        %get3A_1304 = vector.shape_cast %get3A_1303 : vector<1x16xf32> to vector<16xf32>
        %mul3A_1305 = arith.constant 3.200000e+01 : f32
        %mul3A_1306 = vector.broadcast %mul3A_1305 : f32 to vector<16xf32>
        %mul3A_1307 = arith.mulf %get3A_1304, %mul3A_1306 : vector<16xf32>
        %swap3A_1308 = arith.index_cast %scan3A_783 : i32 to index
        %swap3A_1309 = arith.constant 688 : index
        %swap3A_1310 = tpu.vector_load %arg12[%swap3A_1308, %swap3A_1309] {strides = array<i32>} : memref<16x1024xf32, #tpu.memory_space<vmem>>, vector<1x16xf32>,
        %swap3A_1311 = vector.shape_cast %swap3A_1310 : vector<1x16xf32> to vector<16xf32>
        %swap3A_1312 = vector.shape_cast %mul3A_1307 : vector<16xf32> to vector<1x16xf32>
        tpu.vector_store %arg12[%swap3A_1308, %swap3A_1309], %swap3A_1312 {strides = array<i32>} : memref<16x1024xf32, #tpu.memory_space<vmem>>, vector<1x16xf32>,
        %get3A_1313 = arith.index_cast %scan3A_783 : i32 to index
        %get3A_1314 = arith.constant 704 : index
        %get3A_1315 = tpu.vector_load %arg10[%get3A_1313, %get3A_1314] {strides = array<i32>} : memref<16x1024xf32, #tpu.memory_space<vmem>>, vector<1x16xf32>,
        %get3A_1316 = vector.shape_cast %get3A_1315 : vector<1x16xf32> to vector<16xf32>
        %mul3A_1317 = arith.constant 3.200000e+01 : f32
        %mul3A_1318 = vector.broadcast %mul3A_1317 : f32 to vector<16xf32>
        %mul3A_1319 = arith.mulf %get3A_1316, %mul3A_1318 : vector<16xf32>
        %swap3A_1320 = arith.index_cast %scan3A_783 : i32 to index
        %swap3A_1321 = arith.constant 704 : index
        %swap3A_1322 = tpu.vector_load %arg12[%swap3A_1320, %swap3A_1321] {strides = array<i32>} : memref<16x1024xf32, #tpu.memory_space<vmem>>, vector<1x16xf32>,
        %swap3A_1323 = vector.shape_cast %swap3A_1322 : vector<1x16xf32> to vector<16xf32>
        %swap3A_1324 = vector.shape_cast %mul3A_1319 : vector<16xf32> to vector<1x16xf32>
        tpu.vector_store %arg12[%swap3A_1320, %swap3A_1321], %swap3A_1324 {strides = array<i32>} : memref<16x1024xf32, #tpu.memory_space<vmem>>, vector<1x16xf32>,
        %get3A_1325 = arith.index_cast %scan3A_783 : i32 to index
        %get3A_1326 = arith.constant 720 : index
        %get3A_1327 = tpu.vector_load %arg10[%get3A_1325, %get3A_1326] {strides = array<i32>} : memref<16x1024xf32, #tpu.memory_space<vmem>>, vector<1x16xf32>,
        %get3A_1328 = vector.shape_cast %get3A_1327 : vector<1x16xf32> to vector<16xf32>
        %mul3A_1329 = arith.constant 3.200000e+01 : f32
        %mul3A_1330 = vector.broadcast %mul3A_1329 : f32 to vector<16xf32>
        %mul3A_1331 = arith.mulf %get3A_1328, %mul3A_1330 : vector<16xf32>
        %swap3A_1332 = arith.index_cast %scan3A_783 : i32 to index
        %swap3A_1333 = arith.constant 720 : index
        %swap3A_1334 = tpu.vector_load %arg12[%swap3A_1332, %swap3A_1333] {strides = array<i32>} : memref<16x1024xf32, #tpu.memory_space<vmem>>, vector<1x16xf32>,
        %swap3A_1335 = vector.shape_cast %swap3A_1334 : vector<1x16xf32> to vector<16xf32>
        %swap3A_1336 = vector.shape_cast %mul3A_1331 : vector<16xf32> to vector<1x16xf32>
        tpu.vector_store %arg12[%swap3A_1332, %swap3A_1333], %swap3A_1336 {strides = array<i32>} : memref<16x1024xf32, #tpu.memory_space<vmem>>, vector<1x16xf32>,
        %get3A_1337 = arith.index_cast %scan3A_783 : i32 to index
        %get3A_1338 = arith.constant 736 : index
        %get3A_1339 = tpu.vector_load %arg10[%get3A_1337, %get3A_1338] {strides = array<i32>} : memref<16x1024xf32, #tpu.memory_space<vmem>>, vector<1x16xf32>,
        %get3A_1340 = vector.shape_cast %get3A_1339 : vector<1x16xf32> to vector<16xf32>
        %mul3A_1341 = arith.constant 3.200000e+01 : f32
        %mul3A_1342 = vector.broadcast %mul3A_1341 : f32 to vector<16xf32>
        %mul3A_1343 = arith.mulf %get3A_1340, %mul3A_1342 : vector<16xf32>
        %swap3A_1344 = arith.index_cast %scan3A_783 : i32 to index
        %swap3A_1345 = arith.constant 736 : index
        %swap3A_1346 = tpu.vector_load %arg12[%swap3A_1344, %swap3A_1345] {strides = array<i32>} : memref<16x1024xf32, #tpu.memory_space<vmem>>, vector<1x16xf32>,
        %swap3A_1347 = vector.shape_cast %swap3A_1346 : vector<1x16xf32> to vector<16xf32>
        %swap3A_1348 = vector.shape_cast %mul3A_1343 : vector<16xf32> to vector<1x16xf32>
        tpu.vector_store %arg12[%swap3A_1344, %swap3A_1345], %swap3A_1348 {strides = array<i32>} : memref<16x1024xf32, #tpu.memory_space<vmem>>, vector<1x16xf32>,
        %get3A_1349 = arith.index_cast %scan3A_783 : i32 to index
        %get3A_1350 = arith.constant 752 : index
        %get3A_1351 = tpu.vector_load %arg10[%get3A_1349, %get3A_1350] {strides = array<i32>} : memref<16x1024xf32, #tpu.memory_space<vmem>>, vector<1x16xf32>,
        %get3A_1352 = vector.shape_cast %get3A_1351 : vector<1x16xf32> to vector<16xf32>
        %mul3A_1353 = arith.constant 3.200000e+01 : f32
        %mul3A_1354 = vector.broadcast %mul3A_1353 : f32 to vector<16xf32>
        %mul3A_1355 = arith.mulf %get3A_1352, %mul3A_1354 : vector<16xf32>
        %swap3A_1356 = arith.index_cast %scan3A_783 : i32 to index
        %swap3A_1357 = arith.constant 752 : index
        %swap3A_1358 = tpu.vector_load %arg12[%swap3A_1356, %swap3A_1357] {strides = array<i32>} : memref<16x1024xf32, #tpu.memory_space<vmem>>, vector<1x16xf32>,
        %swap3A_1359 = vector.shape_cast %swap3A_1358 : vector<1x16xf32> to vector<16xf32>
        %swap3A_1360 = vector.shape_cast %mul3A_1355 : vector<16xf32> to vector<1x16xf32>
        tpu.vector_store %arg12[%swap3A_1356, %swap3A_1357], %swap3A_1360 {strides = array<i32>} : memref<16x1024xf32, #tpu.memory_space<vmem>>, vector<1x16xf32>,
        %get3A_1361 = arith.index_cast %scan3A_783 : i32 to index
        %get3A_1362 = arith.constant 768 : index
        %get3A_1363 = tpu.vector_load %arg10[%get3A_1361, %get3A_1362] {strides = array<i32>} : memref<16x1024xf32, #tpu.memory_space<vmem>>, vector<1x16xf32>,
        %get3A_1364 = vector.shape_cast %get3A_1363 : vector<1x16xf32> to vector<16xf32>
        %mul3A_1365 = arith.constant 3.200000e+01 : f32
        %mul3A_1366 = vector.broadcast %mul3A_1365 : f32 to vector<16xf32>
        %mul3A_1367 = arith.mulf %get3A_1364, %mul3A_1366 : vector<16xf32>
        %swap3A_1368 = arith.index_cast %scan3A_783 : i32 to index
        %swap3A_1369 = arith.constant 768 : index
        %swap3A_1370 = tpu.vector_load %arg12[%swap3A_1368, %swap3A_1369] {strides = array<i32>} : memref<16x1024xf32, #tpu.memory_space<vmem>>, vector<1x16xf32>,
        %swap3A_1371 = vector.shape_cast %swap3A_1370 : vector<1x16xf32> to vector<16xf32>
        %swap3A_1372 = vector.shape_cast %mul3A_1367 : vector<16xf32> to vector<1x16xf32>
        tpu.vector_store %arg12[%swap3A_1368, %swap3A_1369], %swap3A_1372 {strides = array<i32>} : memref<16x1024xf32, #tpu.memory_space<vmem>>, vector<1x16xf32>,
        %get3A_1373 = arith.index_cast %scan3A_783 : i32 to index
        %get3A_1374 = arith.constant 784 : index
        %get3A_1375 = tpu.vector_load %arg10[%get3A_1373, %get3A_1374] {strides = array<i32>} : memref<16x1024xf32, #tpu.memory_space<vmem>>, vector<1x16xf32>,
        %get3A_1376 = vector.shape_cast %get3A_1375 : vector<1x16xf32> to vector<16xf32>
        %mul3A_1377 = arith.constant 3.200000e+01 : f32
        %mul3A_1378 = vector.broadcast %mul3A_1377 : f32 to vector<16xf32>
        %mul3A_1379 = arith.mulf %get3A_1376, %mul3A_1378 : vector<16xf32>
        %swap3A_1380 = arith.index_cast %scan3A_783 : i32 to index
        %swap3A_1381 = arith.constant 784 : index
        %swap3A_1382 = tpu.vector_load %arg12[%swap3A_1380, %swap3A_1381] {strides = array<i32>} : memref<16x1024xf32, #tpu.memory_space<vmem>>, vector<1x16xf32>,
        %swap3A_1383 = vector.shape_cast %swap3A_1382 : vector<1x16xf32> to vector<16xf32>
        %swap3A_1384 = vector.shape_cast %mul3A_1379 : vector<16xf32> to vector<1x16xf32>
        tpu.vector_store %arg12[%swap3A_1380, %swap3A_1381], %swap3A_1384 {strides = array<i32>} : memref<16x1024xf32, #tpu.memory_space<vmem>>, vector<1x16xf32>,
        %get3A_1385 = arith.index_cast %scan3A_783 : i32 to index
        %get3A_1386 = arith.constant 800 : index
        %get3A_1387 = tpu.vector_load %arg10[%get3A_1385, %get3A_1386] {strides = array<i32>} : memref<16x1024xf32, #tpu.memory_space<vmem>>, vector<1x16xf32>,
        %get3A_1388 = vector.shape_cast %get3A_1387 : vector<1x16xf32> to vector<16xf32>
        %mul3A_1389 = arith.constant 3.200000e+01 : f32
        %mul3A_1390 = vector.broadcast %mul3A_1389 : f32 to vector<16xf32>
        %mul3A_1391 = arith.mulf %get3A_1388, %mul3A_1390 : vector<16xf32>
        %swap3A_1392 = arith.index_cast %scan3A_783 : i32 to index
        %swap3A_1393 = arith.constant 800 : index
        %swap3A_1394 = tpu.vector_load %arg12[%swap3A_1392, %swap3A_1393] {strides = array<i32>} : memref<16x1024xf32, #tpu.memory_space<vmem>>, vector<1x16xf32>,
        %swap3A_1395 = vector.shape_cast %swap3A_1394 : vector<1x16xf32> to vector<16xf32>
        %swap3A_1396 = vector.shape_cast %mul3A_1391 : vector<16xf32> to vector<1x16xf32>
        tpu.vector_store %arg12[%swap3A_1392, %swap3A_1393], %swap3A_1396 {strides = array<i32>} : memref<16x1024xf32, #tpu.memory_space<vmem>>, vector<1x16xf32>,
        %get3A_1397 = arith.index_cast %scan3A_783 : i32 to index
        %get3A_1398 = arith.constant 816 : index
        %get3A_1399 = tpu.vector_load %arg10[%get3A_1397, %get3A_1398] {strides = array<i32>} : memref<16x1024xf32, #tpu.memory_space<vmem>>, vector<1x16xf32>,
        %get3A_1400 = vector.shape_cast %get3A_1399 : vector<1x16xf32> to vector<16xf32>
        %mul3A_1401 = arith.constant 3.200000e+01 : f32
        %mul3A_1402 = vector.broadcast %mul3A_1401 : f32 to vector<16xf32>
        %mul3A_1403 = arith.mulf %get3A_1400, %mul3A_1402 : vector<16xf32>
        %swap3A_1404 = arith.index_cast %scan3A_783 : i32 to index
        %swap3A_1405 = arith.constant 816 : index
        %swap3A_1406 = tpu.vector_load %arg12[%swap3A_1404, %swap3A_1405] {strides = array<i32>} : memref<16x1024xf32, #tpu.memory_space<vmem>>, vector<1x16xf32>,
        %swap3A_1407 = vector.shape_cast %swap3A_1406 : vector<1x16xf32> to vector<16xf32>
        %swap3A_1408 = vector.shape_cast %mul3A_1403 : vector<16xf32> to vector<1x16xf32>
        tpu.vector_store %arg12[%swap3A_1404, %swap3A_1405], %swap3A_1408 {strides = array<i32>} : memref<16x1024xf32, #tpu.memory_space<vmem>>, vector<1x16xf32>,
        %get3A_1409 = arith.index_cast %scan3A_783 : i32 to index
        %get3A_1410 = arith.constant 832 : index
        %get3A_1411 = tpu.vector_load %arg10[%get3A_1409, %get3A_1410] {strides = array<i32>} : memref<16x1024xf32, #tpu.memory_space<vmem>>, vector<1x16xf32>,
        %get3A_1412 = vector.shape_cast %get3A_1411 : vector<1x16xf32> to vector<16xf32>
        %mul3A_1413 = arith.constant 3.200000e+01 : f32
        %mul3A_1414 = vector.broadcast %mul3A_1413 : f32 to vector<16xf32>
        %mul3A_1415 = arith.mulf %get3A_1412, %mul3A_1414 : vector<16xf32>
        %swap3A_1416 = arith.index_cast %scan3A_783 : i32 to index
        %swap3A_1417 = arith.constant 832 : index
        %swap3A_1418 = tpu.vector_load %arg12[%swap3A_1416, %swap3A_1417] {strides = array<i32>} : memref<16x1024xf32, #tpu.memory_space<vmem>>, vector<1x16xf32>,
        %swap3A_1419 = vector.shape_cast %swap3A_1418 : vector<1x16xf32> to vector<16xf32>
        %swap3A_1420 = vector.shape_cast %mul3A_1415 : vector<16xf32> to vector<1x16xf32>
        tpu.vector_store %arg12[%swap3A_1416, %swap3A_1417], %swap3A_1420 {strides = array<i32>} : memref<16x1024xf32, #tpu.memory_space<vmem>>, vector<1x16xf32>,
        %get3A_1421 = arith.index_cast %scan3A_783 : i32 to index
        %get3A_1422 = arith.constant 848 : index
        %get3A_1423 = tpu.vector_load %arg10[%get3A_1421, %get3A_1422] {strides = array<i32>} : memref<16x1024xf32, #tpu.memory_space<vmem>>, vector<1x16xf32>,
        %get3A_1424 = vector.shape_cast %get3A_1423 : vector<1x16xf32> to vector<16xf32>
        %mul3A_1425 = arith.constant 3.200000e+01 : f32
        %mul3A_1426 = vector.broadcast %mul3A_1425 : f32 to vector<16xf32>
        %mul3A_1427 = arith.mulf %get3A_1424, %mul3A_1426 : vector<16xf32>
        %swap3A_1428 = arith.index_cast %scan3A_783 : i32 to index
        %swap3A_1429 = arith.constant 848 : index
        %swap3A_1430 = tpu.vector_load %arg12[%swap3A_1428, %swap3A_1429] {strides = array<i32>} : memref<16x1024xf32, #tpu.memory_space<vmem>>, vector<1x16xf32>,
        %swap3A_1431 = vector.shape_cast %swap3A_1430 : vector<1x16xf32> to vector<16xf32>
        %swap3A_1432 = vector.shape_cast %mul3A_1427 : vector<16xf32> to vector<1x16xf32>
        tpu.vector_store %arg12[%swap3A_1428, %swap3A_1429], %swap3A_1432 {strides = array<i32>} : memref<16x1024xf32, #tpu.memory_space<vmem>>, vector<1x16xf32>,
        %get3A_1433 = arith.index_cast %scan3A_783 : i32 to index
        %get3A_1434 = arith.constant 864 : index
        %get3A_1435 = tpu.vector_load %arg10[%get3A_1433, %get3A_1434] {strides = array<i32>} : memref<16x1024xf32, #tpu.memory_space<vmem>>, vector<1x16xf32>,
        %get3A_1436 = vector.shape_cast %get3A_1435 : vector<1x16xf32> to vector<16xf32>
        %mul3A_1437 = arith.constant 3.200000e+01 : f32
        %mul3A_1438 = vector.broadcast %mul3A_1437 : f32 to vector<16xf32>
        %mul3A_1439 = arith.mulf %get3A_1436, %mul3A_1438 : vector<16xf32>
        %swap3A_1440 = arith.index_cast %scan3A_783 : i32 to index
        %swap3A_1441 = arith.constant 864 : index
        %swap3A_1442 = tpu.vector_load %arg12[%swap3A_1440, %swap3A_1441] {strides = array<i32>} : memref<16x1024xf32, #tpu.memory_space<vmem>>, vector<1x16xf32>,
        %swap3A_1443 = vector.shape_cast %swap3A_1442 : vector<1x16xf32> to vector<16xf32>
        %swap3A_1444 = vector.shape_cast %mul3A_1439 : vector<16xf32> to vector<1x16xf32>
        tpu.vector_store %arg12[%swap3A_1440, %swap3A_1441], %swap3A_1444 {strides = array<i32>} : memref<16x1024xf32, #tpu.memory_space<vmem>>, vector<1x16xf32>,
        %get3A_1445 = arith.index_cast %scan3A_783 : i32 to index
        %get3A_1446 = arith.constant 880 : index
        %get3A_1447 = tpu.vector_load %arg10[%get3A_1445, %get3A_1446] {strides = array<i32>} : memref<16x1024xf32, #tpu.memory_space<vmem>>, vector<1x16xf32>,
        %get3A_1448 = vector.shape_cast %get3A_1447 : vector<1x16xf32> to vector<16xf32>
        %mul3A_1449 = arith.constant 3.200000e+01 : f32
        %mul3A_1450 = vector.broadcast %mul3A_1449 : f32 to vector<16xf32>
        %mul3A_1451 = arith.mulf %get3A_1448, %mul3A_1450 : vector<16xf32>
        %swap3A_1452 = arith.index_cast %scan3A_783 : i32 to index
        %swap3A_1453 = arith.constant 880 : index
        %swap3A_1454 = tpu.vector_load %arg12[%swap3A_1452, %swap3A_1453] {strides = array<i32>} : memref<16x1024xf32, #tpu.memory_space<vmem>>, vector<1x16xf32>,
        %swap3A_1455 = vector.shape_cast %swap3A_1454 : vector<1x16xf32> to vector<16xf32>
        %swap3A_1456 = vector.shape_cast %mul3A_1451 : vector<16xf32> to vector<1x16xf32>
        tpu.vector_store %arg12[%swap3A_1452, %swap3A_1453], %swap3A_1456 {strides = array<i32>} : memref<16x1024xf32, #tpu.memory_space<vmem>>, vector<1x16xf32>,
        %get3A_1457 = arith.index_cast %scan3A_783 : i32 to index
        %get3A_1458 = arith.constant 896 : index
        %get3A_1459 = tpu.vector_load %arg10[%get3A_1457, %get3A_1458] {strides = array<i32>} : memref<16x1024xf32, #tpu.memory_space<vmem>>, vector<1x16xf32>,
        %get3A_1460 = vector.shape_cast %get3A_1459 : vector<1x16xf32> to vector<16xf32>
        %mul3A_1461 = arith.constant 3.200000e+01 : f32
        %mul3A_1462 = vector.broadcast %mul3A_1461 : f32 to vector<16xf32>
        %mul3A_1463 = arith.mulf %get3A_1460, %mul3A_1462 : vector<16xf32>
        %swap3A_1464 = arith.index_cast %scan3A_783 : i32 to index
        %swap3A_1465 = arith.constant 896 : index
        %swap3A_1466 = tpu.vector_load %arg12[%swap3A_1464, %swap3A_1465] {strides = array<i32>} : memref<16x1024xf32, #tpu.memory_space<vmem>>, vector<1x16xf32>,
        %swap3A_1467 = vector.shape_cast %swap3A_1466 : vector<1x16xf32> to vector<16xf32>
        %swap3A_1468 = vector.shape_cast %mul3A_1463 : vector<16xf32> to vector<1x16xf32>
        tpu.vector_store %arg12[%swap3A_1464, %swap3A_1465], %swap3A_1468 {strides = array<i32>} : memref<16x1024xf32, #tpu.memory_space<vmem>>, vector<1x16xf32>,
        %get3A_1469 = arith.index_cast %scan3A_783 : i32 to index
        %get3A_1470 = arith.constant 912 : index
        %get3A_1471 = tpu.vector_load %arg10[%get3A_1469, %get3A_1470] {strides = array<i32>} : memref<16x1024xf32, #tpu.memory_space<vmem>>, vector<1x16xf32>,
        %get3A_1472 = vector.shape_cast %get3A_1471 : vector<1x16xf32> to vector<16xf32>
        %mul3A_1473 = arith.constant 3.200000e+01 : f32
        %mul3A_1474 = vector.broadcast %mul3A_1473 : f32 to vector<16xf32>
        %mul3A_1475 = arith.mulf %get3A_1472, %mul3A_1474 : vector<16xf32>
        %swap3A_1476 = arith.index_cast %scan3A_783 : i32 to index
        %swap3A_1477 = arith.constant 912 : index
        %swap3A_1478 = tpu.vector_load %arg12[%swap3A_1476, %swap3A_1477] {strides = array<i32>} : memref<16x1024xf32, #tpu.memory_space<vmem>>, vector<1x16xf32>,
        %swap3A_1479 = vector.shape_cast %swap3A_1478 : vector<1x16xf32> to vector<16xf32>
        %swap3A_1480 = vector.shape_cast %mul3A_1475 : vector<16xf32> to vector<1x16xf32>
        tpu.vector_store %arg12[%swap3A_1476, %swap3A_1477], %swap3A_1480 {strides = array<i32>} : memref<16x1024xf32, #tpu.memory_space<vmem>>, vector<1x16xf32>,
        %get3A_1481 = arith.index_cast %scan3A_783 : i32 to index
        %get3A_1482 = arith.constant 928 : index
        %get3A_1483 = tpu.vector_load %arg10[%get3A_1481, %get3A_1482] {strides = array<i32>} : memref<16x1024xf32, #tpu.memory_space<vmem>>, vector<1x16xf32>,
        %get3A_1484 = vector.shape_cast %get3A_1483 : vector<1x16xf32> to vector<16xf32>
        %mul3A_1485 = arith.constant 3.200000e+01 : f32
        %mul3A_1486 = vector.broadcast %mul3A_1485 : f32 to vector<16xf32>
        %mul3A_1487 = arith.mulf %get3A_1484, %mul3A_1486 : vector<16xf32>
        %swap3A_1488 = arith.index_cast %scan3A_783 : i32 to index
        %swap3A_1489 = arith.constant 928 : index
        %swap3A_1490 = tpu.vector_load %arg12[%swap3A_1488, %swap3A_1489] {strides = array<i32>} : memref<16x1024xf32, #tpu.memory_space<vmem>>, vector<1x16xf32>,
        %swap3A_1491 = vector.shape_cast %swap3A_1490 : vector<1x16xf32> to vector<16xf32>
        %swap3A_1492 = vector.shape_cast %mul3A_1487 : vector<16xf32> to vector<1x16xf32>
        tpu.vector_store %arg12[%swap3A_1488, %swap3A_1489], %swap3A_1492 {strides = array<i32>} : memref<16x1024xf32, #tpu.memory_space<vmem>>, vector<1x16xf32>,
        %get3A_1493 = arith.index_cast %scan3A_783 : i32 to index
        %get3A_1494 = arith.constant 944 : index
        %get3A_1495 = tpu.vector_load %arg10[%get3A_1493, %get3A_1494] {strides = array<i32>} : memref<16x1024xf32, #tpu.memory_space<vmem>>, vector<1x16xf32>,
        %get3A_1496 = vector.shape_cast %get3A_1495 : vector<1x16xf32> to vector<16xf32>
        %mul3A_1497 = arith.constant 3.200000e+01 : f32
        %mul3A_1498 = vector.broadcast %mul3A_1497 : f32 to vector<16xf32>
        %mul3A_1499 = arith.mulf %get3A_1496, %mul3A_1498 : vector<16xf32>
        %swap3A_1500 = arith.index_cast %scan3A_783 : i32 to index
        %swap3A_1501 = arith.constant 944 : index
        %swap3A_1502 = tpu.vector_load %arg12[%swap3A_1500, %swap3A_1501] {strides = array<i32>} : memref<16x1024xf32, #tpu.memory_space<vmem>>, vector<1x16xf32>,
        %swap3A_1503 = vector.shape_cast %swap3A_1502 : vector<1x16xf32> to vector<16xf32>
        %swap3A_1504 = vector.shape_cast %mul3A_1499 : vector<16xf32> to vector<1x16xf32>
        tpu.vector_store %arg12[%swap3A_1500, %swap3A_1501], %swap3A_1504 {strides = array<i32>} : memref<16x1024xf32, #tpu.memory_space<vmem>>, vector<1x16xf32>,
        %get3A_1505 = arith.index_cast %scan3A_783 : i32 to index
        %get3A_1506 = arith.constant 960 : index
        %get3A_1507 = tpu.vector_load %arg10[%get3A_1505, %get3A_1506] {strides = array<i32>} : memref<16x1024xf32, #tpu.memory_space<vmem>>, vector<1x16xf32>,
        %get3A_1508 = vector.shape_cast %get3A_1507 : vector<1x16xf32> to vector<16xf32>
        %mul3A_1509 = arith.constant 3.200000e+01 : f32
        %mul3A_1510 = vector.broadcast %mul3A_1509 : f32 to vector<16xf32>
        %mul3A_1511 = arith.mulf %get3A_1508, %mul3A_1510 : vector<16xf32>
        %swap3A_1512 = arith.index_cast %scan3A_783 : i32 to index
        %swap3A_1513 = arith.constant 960 : index
        %swap3A_1514 = tpu.vector_load %arg12[%swap3A_1512, %swap3A_1513] {strides = array<i32>} : memref<16x1024xf32, #tpu.memory_space<vmem>>, vector<1x16xf32>,
        %swap3A_1515 = vector.shape_cast %swap3A_1514 : vector<1x16xf32> to vector<16xf32>
        %swap3A_1516 = vector.shape_cast %mul3A_1511 : vector<16xf32> to vector<1x16xf32>
        tpu.vector_store %arg12[%swap3A_1512, %swap3A_1513], %swap3A_1516 {strides = array<i32>} : memref<16x1024xf32, #tpu.memory_space<vmem>>, vector<1x16xf32>,
        %get3A_1517 = arith.index_cast %scan3A_783 : i32 to index
        %get3A_1518 = arith.constant 976 : index
        %get3A_1519 = tpu.vector_load %arg10[%get3A_1517, %get3A_1518] {strides = array<i32>} : memref<16x1024xf32, #tpu.memory_space<vmem>>, vector<1x16xf32>,
        %get3A_1520 = vector.shape_cast %get3A_1519 : vector<1x16xf32> to vector<16xf32>
        %mul3A_1521 = arith.constant 3.200000e+01 : f32
        %mul3A_1522 = vector.broadcast %mul3A_1521 : f32 to vector<16xf32>
        %mul3A_1523 = arith.mulf %get3A_1520, %mul3A_1522 : vector<16xf32>
        %swap3A_1524 = arith.index_cast %scan3A_783 : i32 to index
        %swap3A_1525 = arith.constant 976 : index
        %swap3A_1526 = tpu.vector_load %arg12[%swap3A_1524, %swap3A_1525] {strides = array<i32>} : memref<16x1024xf32, #tpu.memory_space<vmem>>, vector<1x16xf32>,
        %swap3A_1527 = vector.shape_cast %swap3A_1526 : vector<1x16xf32> to vector<16xf32>
        %swap3A_1528 = vector.shape_cast %mul3A_1523 : vector<16xf32> to vector<1x16xf32>
        tpu.vector_store %arg12[%swap3A_1524, %swap3A_1525], %swap3A_1528 {strides = array<i32>} : memref<16x1024xf32, #tpu.memory_space<vmem>>, vector<1x16xf32>,
        %get3A_1529 = arith.index_cast %scan3A_783 : i32 to index
        %get3A_1530 = arith.constant 992 : index
        %get3A_1531 = tpu.vector_load %arg10[%get3A_1529, %get3A_1530] {strides = array<i32>} : memref<16x1024xf32, #tpu.memory_space<vmem>>, vector<1x16xf32>,
        %get3A_1532 = vector.shape_cast %get3A_1531 : vector<1x16xf32> to vector<16xf32>
        %mul3A_1533 = arith.constant 3.200000e+01 : f32
        %mul3A_1534 = vector.broadcast %mul3A_1533 : f32 to vector<16xf32>
        %mul3A_1535 = arith.mulf %get3A_1532, %mul3A_1534 : vector<16xf32>
        %swap3A_1536 = arith.index_cast %scan3A_783 : i32 to index
        %swap3A_1537 = arith.constant 992 : index
        %swap3A_1538 = tpu.vector_load %arg12[%swap3A_1536, %swap3A_1537] {strides = array<i32>} : memref<16x1024xf32, #tpu.memory_space<vmem>>, vector<1x16xf32>,
        %swap3A_1539 = vector.shape_cast %swap3A_1538 : vector<1x16xf32> to vector<16xf32>
        %swap3A_1540 = vector.shape_cast %mul3A_1535 : vector<16xf32> to vector<1x16xf32>
        tpu.vector_store %arg12[%swap3A_1536, %swap3A_1537], %swap3A_1540 {strides = array<i32>} : memref<16x1024xf32, #tpu.memory_space<vmem>>, vector<1x16xf32>,
        %get3A_1541 = arith.index_cast %scan3A_783 : i32 to index
        %get3A_1542 = arith.constant 1008 : index
        %get3A_1543 = tpu.vector_load %arg10[%get3A_1541, %get3A_1542] {strides = array<i32>} : memref<16x1024xf32, #tpu.memory_space<vmem>>, vector<1x16xf32>,
        %get3A_1544 = vector.shape_cast %get3A_1543 : vector<1x16xf32> to vector<16xf32>
        %mul3A_1545 = arith.constant 3.200000e+01 : f32
        %mul3A_1546 = vector.broadcast %mul3A_1545 : f32 to vector<16xf32>
        %mul3A_1547 = arith.mulf %get3A_1544, %mul3A_1546 : vector<16xf32>
        %swap3A_1548 = arith.index_cast %scan3A_783 : i32 to index
        %swap3A_1549 = arith.constant 1008 : index
        %swap3A_1550 = tpu.vector_load %arg12[%swap3A_1548, %swap3A_1549] {strides = array<i32>} : memref<16x1024xf32, #tpu.memory_space<vmem>>, vector<1x16xf32>,
        %swap3A_1551 = vector.shape_cast %swap3A_1550 : vector<1x16xf32> to vector<16xf32>
        %swap3A_1552 = vector.shape_cast %mul3A_1547 : vector<16xf32> to vector<1x16xf32>
        tpu.vector_store %arg12[%swap3A_1548, %swap3A_1549], %swap3A_1552 {strides = array<i32>} : memref<16x1024xf32, #tpu.memory_space<vmem>>, vector<1x16xf32>,
        %scan3A_1553 = arith.constant 0 : i32
        scf.yield %scan3A_1553 : i32
      }
      %scan3A_769 = arith.constant 16 : i32
      %mul3A_770 = arith.constant 16 : i32
      %mul3A_771 = arith.muli %add3A_752, %mul3A_770 : i32
      %add3A_772 = arith.addi %mul3A_2, %mul3A_771 : i32
      %dma_start3A_773 = arith.constant 0 : i32
      %dma_start3A_774 = tpu.memref_slice %arg4[%add3A_772, %dma_start3A_773] : memref<32768x1024xf32, #tpu.memory_space<hbm>> -> memref<16x1024xf32, #tpu.memory_space<hbm>>
      %dma_start3A_775 = arith.constant 0 : i32
      %dma_start3A_776 = tpu.memref_slice %arg4[%add3A_772, %dma_start3A_775] : memref<32768x1024xf32, #tpu.memory_space<hbm>> -> memref<16x1024xf32, #tpu.memory_space<hbm>>
      tpu.enqueue_dma source(%arg12 : memref<16x1024xf32, #tpu.memory_space<vmem>>) target(%dma_start3A_776 : memref<16x1024xf32, #tpu.memory_space<hbm>>) target_semaphore(%arg18 : memref<!tpu.dma_semaphore, #tpu.memory_space<semaphore_mem>>)
      %lt3A_777 = arith.constant 15 : i32
      %lt3A_778 = arith.cmpi slt, %scan3A_649, %lt3A_777 : i32
      %convert_element_type3A_779 = arith.extui %lt3A_778 : i1 to i32
      %cond3A_780 = arith.constant 0 : i32
      %cond3A_781 = arith.cmpi ne, %convert_element_type3A_779, %cond3A_780 : i32
      scf.if %cond3A_781 {
        %add3A_783 = arith.constant 4 : i32
        %add3A_784 = arith.addi %add3A_752, %add3A_783 : i32
        %dma_start3A_785 = arith.constant 0 : i32
        %dma_start3A_786 = tpu.memref_slice %arg6[%add3A_784, %dma_start3A_785] : memref<64x16xi32, #tpu.memory_space<vmem>> -> memref<1x16xi32, #tpu.memory_space<vmem>>
        %dma_start3A_787 = tpu.memref_squeeze %dma_start3A_786 : memref<1x16xi32, #tpu.memory_space<vmem>> -> memref<16xi32, #tpu.memory_space<vmem>>
        %dma_start3A_788 = arith.constant 0 : i32
        %dma_start3A_789 = arith.constant 0 : i32
        %dma_start3A_790 = tpu.memref_slice %arg3[%dma_start3A_788, %dma_start3A_789] : memref<100000x1024xf32, #tpu.memory_space<hbm>> -> memref<100000x1024xf32, #tpu.memory_space<hbm>>
        tpu.enqueue_indirect_dma source(%dma_start3A_790 : memref<100000x1024xf32, #tpu.memory_space<hbm>>) target(%arg10 : memref<16x1024xf32, #tpu.memory_space<vmem>>) offsets(%dma_start3A_787 : memref<16xi32, #tpu.memory_space<vmem>>) semaphore(%arg16 : memref<!tpu.dma_semaphore, #tpu.memory_space<semaphore_mem>>)
      } else {
      }
      %scan3A_782 = arith.constant 0 : i32
      scf.yield %scan3A_782 : i32
    }
    %scan3A_641 = arith.constant 16 : i32
    %dma_wait3A = arith.constant 0 : i32
    %dma_wait3A_642 = tpu.memref_slice %arg4[%mul3A_2, %dma_wait3A] : memref<32768x1024xf32, #tpu.memory_space<hbm>> -> memref<16x1024xf32, #tpu.memory_space<hbm>>
    %dma_wait3A_643 = arith.constant 0 : i32
    %dma_wait3A_644 = tpu.memref_slice %arg4[%mul3A_2, %dma_wait3A_643] : memref<32768x1024xf32, #tpu.memory_space<hbm>> -> memref<16x1024xf32, #tpu.memory_space<hbm>>
    tpu.wait_dma2 semaphore(%arg17 : memref<!tpu.dma_semaphore, #tpu.memory_space<semaphore_mem>>) src(%arg11 : memref<16x1024xf32, #tpu.memory_space<vmem>>) dst(%dma_wait3A_644 : memref<16x1024xf32, #tpu.memory_space<hbm>>)
    %dma_wait3A_645 = arith.constant 0 : i32
    %dma_wait3A_646 = tpu.memref_slice %arg4[%mul3A_2, %dma_wait3A_645] : memref<32768x1024xf32, #tpu.memory_space<hbm>> -> memref<16x1024xf32, #tpu.memory_space<hbm>>
    %dma_wait3A_647 = arith.constant 0 : i32
    %dma_wait3A_648 = tpu.memref_slice %arg4[%mul3A_2, %dma_wait3A_647] : memref<32768x1024xf32, #tpu.memory_space<hbm>> -> memref<16x1024xf32, #tpu.memory_space<hbm>>
    tpu.wait_dma2 semaphore(%arg18 : memref<!tpu.dma_semaphore, #tpu.memory_space<semaphore_mem>>) src(%arg12 : memref<16x1024xf32, #tpu.memory_space<vmem>>) dst(%dma_wait3A_648 : memref<16x1024xf32, #tpu.memory_space<hbm>>)
    return
  }
}

</mosaic_0001>

<sc_bundles>
// kernel: _gather_scale.3.cloned.1.call-start
scs
__scs_entry_jumppad:
0x0: {  	(pc) =	sbr.rel $0x88, $3  }
0x1: {  	(tag) =	ssettag $0x0;
	lr =	simm.s32 $0x1  }
0x2: {  	[smem:$0x3F9F] =	sst lr;
	_ =	strace $0xD0000000  }
0x3: {  	_ = 	snop  }
0x4: {  	_ = 	snop  }
0x5: {  	_ = 	snop  }
0x6: {  	_ = 	snop  }
0x7: {  	_ = 	snop  }
__scs_overlays_trampoline_lowered:
0x8: {  	[smem:$0x3FAE] =	sst s0  }
0x9: {  	[smem:$0x3FAF] =	sst s1  }
0xa: {  	[smem:$0x3FB0] =	sst s2  }
0xb: {  	[smem:$0x3FB1] =	sst s3  }
0xc: {  	[smem:$0x3FB2] =	sst s4  }
0xd: {  	[smem:$0x3FB3] =	sst s5  }
0xe: {  	[smem:$0x3FB4] =	sst s6  }
0xf: {  	[smem:$0x3FB5] =	sst s7  }
0x10: {  	[smem:$0x3FB6] =	sst s8  }
0x11: {  	[smem:$0x3FB7] =	sst s9;
	s0 =	simm.s32 @!p0 $0x0  }
0x12: {  	s1 =	sld [smem:$0x3F9D];
	s0 =	simm.s32 @p0 $0x1  }
0x13: {  	[smem:$0x3FB8] =	sst s0;
	s0 =	simm.s32 @!p1 $0x0  }
0x14: {  	s2 =	sld [smem:$0x3F9C];
	s0 =	simm.s32 @p1 $0x1  }
0x15: {  	[smem:$0x3FB9] =	sst s0;
	s0 =	simm.s32 @!p2 $0x0  }
0x16: {  	s3 =	sld [smem:$0x3FDB];
	s0 =	simm.s32 @p2 $0x1  }
0x17: {  	s4 =	simm.s32 $0x1BF5;
	[smem:$0x3FBB] =	sst s0  }
0x18: {  	s0 =	sld [smem:$0x3F9E];
	_ =	swait.ge [sflag:s4], $0x0  }
0x19: {  	s7 =	sld [smem:$0x3F9F]  }
0x1a: {  	s8 =	sadd.s32 $0xFFFFE003, lr  }
0x1b: {  	s9 =	sadd.s32 $0xFFFFFEF7, lr;
	s5 =	simm.s32 $0xFFFFFFFF;
	p2 =	slt.u32 s8, $0xFFFFF086  }
0x1c: {  	p1 =	slt.u32 s9, $0xF7A;
	s5 =	simm.s32 @!p2 $0x0  }
0x1d: {  	s5 =	simm.s32 @p1 $0x1;
	p0 =	seq.s32 s7, s2  }
0x1e: {  	s7 =	smul.u32 @!p0 $0xF7A, s2;
	p2 =	seq.s32 @!p0 s5, $0x0  }
0x1f: {  	s9 =	smul.u32 $0xF7A, s1;
	s8 =	simm.s32 @!p0 $0x1BF5;
	p2 =	por !p2, p0  }
0x20: {  	[sflag:s8] =	ssyncset.s32 @!p0 $0xFFFFF086;
	s6 =	sadd.s32 @!p0 s3, s7;
	s7 =	simm.s32 @!p0 $0x108  }
0x21: {  	s3 =	sadd.s32 s3, s9;
	s6 =	sadd.s32 @!p0 $0x88, s6;
	s7 =	simm.s32 @p2 $0x1082  }
0x22: {  	[simem:s7], [sflag:s8] =	dma.local @!p0 [hbm:s6], $0xF7A  }
0x23: {  	s9 =	sor.u32 $0xD0000000, s2;
	s6 =	simm.s32 $0x108;
	_ =	swait.ge @!p0 [sflag:s8], $0x0  }
0x24: {  	s3 =	sadd.s32 $0x88, s3;
	s6 =	simm.s32 @!p1 $0x1082;
	[sflag:s4] =	ssyncset.s32 $0xFFFFF086  }
0x25: {  	[simem:s6], [sflag:s4] =	dma.local [hbm:s3], $0xF7A  }
0x26: {  	[smem:$0x3F9F] =	sst s1;
	(tag) =	ssettag s2;
	_ =	strace s9  }
0x27: {  	s1 =	sld [smem:$0x3FAF]  }
0x28: {  	s2 =	sld [smem:$0x3FB0]  }
0x29: {  	s4 =	sld [smem:$0x3FB2]  }
0x2a: {  	p0 =	seq.s32 s5, $0x0;
	s5 =	sld [smem:$0x3FB3]  }
0x2b: {  	s6 =	sld [smem:$0x3FB4]  }
0x2c: {  	s7 =	sld [smem:$0x3FB5]  }
0x2d: {  	s3 =	simm.s32 $0x108;
	s8 =	sld [smem:$0x3FB6]  }
0x2e: {  	s3 =	simm.s32 @!p0 $0x1082;
	s9 =	sld [smem:$0x3FB7]  }
0x2f: {  	lr =	sadd.s32 s0, s3;
	s0 =	sld [smem:$0x3FAE]  }
0x30: {  	s3 =	sld [smem:$0x3FB1]  }
0x31: {  	[smem:$0x3FBA] =	sst s10  }
0x32: {  	s10 =	sld [smem:$0x3FB8];
	_ =	sdelay $0x3  }
0x33: {  	p0 =	seq.s32 s10, $0x1;
	s10 =	sld [smem:$0x3FBA];
	_ =	sdelay $0x3  }
0x34: {  	[smem:$0x3FBA] =	sst s10  }
0x35: {  	s10 =	sld [smem:$0x3FB9];
	_ =	sdelay $0x3  }
0x36: {  	p1 =	seq.s32 s10, $0x1;
	s10 =	sld [smem:$0x3FBA];
	_ =	sdelay $0x3  }
0x37: {  	[smem:$0x3FBA] =	sst s10  }
0x38: {  	s10 =	sld [smem:$0x3FBB]  }
0x39: {  	_ = 	snop;
	(pc) =	sbr.ind lr, $3  }
0x3a: {  	_ = 	snop  }
0x3b: {  	_ = 	snop  }
0x3c: {  	p2 =	seq.s32 s10, $0x1;
	s10 =	sld [smem:$0x3FBA]  }
0x3d: {  	_ =	shalt  }
0x3e: {  	_ =	shalt  }
0x3f: {  	_ =	shalt  }
0x40: {  	_ =	shalt  }
0x41: {  	_ =	shalt  }
0x42: {  	_ =	shalt  }
0x43: {  	_ =	shalt  }
0x44: {  	_ =	shalt  }
0x45: {  	_ =	shalt  }
0x46: {  	_ =	shalt  }
0x47: {  	_ =	shalt  }
0x48: {  	_ =	shalt  }
0x49: {  	_ =	shalt  }
0x4a: {  	_ =	shalt  }
0x4b: {  	_ =	shalt  }
0x4c: {  	_ =	shalt  }
0x4d: {  	_ =	shalt  }
0x4e: {  	_ =	shalt  }
0x4f: {  	_ =	shalt  }
0x50: {  	_ =	shalt  }
0x51: {  	_ =	shalt  }
0x52: {  	_ =	shalt  }
0x53: {  	_ =	shalt  }
0x54: {  	_ =	shalt  }
0x55: {  	_ =	shalt  }
0x56: {  	_ =	shalt  }
0x57: {  	_ =	shalt  }
0x58: {  	_ =	shalt  }
0x59: {  	_ =	shalt  }
0x5a: {  	_ =	shalt  }
0x5b: {  	_ =	shalt  }
0x5c: {  	_ =	shalt  }
0x5d: {  	_ =	shalt  }
0x5e: {  	_ =	shalt  }
0x5f: {  	_ =	shalt  }
0x60: {  	_ =	shalt  }
0x61: {  	_ =	shalt  }
0x62: {  	_ =	shalt  }
0x63: {  	_ =	shalt  }
0x64: {  	_ =	shalt  }
0x65: {  	_ =	shalt  }
0x66: {  	_ =	shalt  }
0x67: {  	_ =	shalt  }
0x68: {  	_ =	shalt  }
0x69: {  	_ =	shalt  }
0x6a: {  	_ =	shalt  }
0x6b: {  	_ =	shalt  }
0x6c: {  	_ =	shalt  }
0x6d: {  	_ =	shalt  }
0x6e: {  	_ =	shalt  }
0x6f: {  	_ =	shalt  }
0x70: {  	_ =	shalt  }
0x71: {  	_ =	shalt  }
0x72: {  	_ =	shalt  }
0x73: {  	_ =	shalt  }
0x74: {  	_ =	shalt  }
0x75: {  	_ =	shalt  }
0x76: {  	_ =	shalt  }
0x77: {  	_ =	shalt  }
0x78: {  	_ =	shalt  }
0x79: {  	_ =	shalt  }
0x7a: {  	_ =	shalt  }
0x7b: {  	_ =	shalt  }
0x7c: {  	_ =	shalt  }
0x7d: {  	_ =	shalt  }
0x7e: {  	_ =	shalt  }
0x7f: {  	_ =	shalt  }
0x80: {  	_ =	shalt  }
0x81: {  	_ =	shalt  }
0x82: {  	_ =	shalt  }
0x83: {  	_ =	shalt  }
0x84: {  	_ =	shalt  }
0x85: {  	_ =	shalt  }
0x86: {  	_ =	shalt  }
0x87: {  	_ =	shalt  }
.Lfunc_end0:
.L_simem_size_0:
called_computation_lowered:
.L_overlay_start_0:
0x88: {  	s2 =	sld [smem:$0x3FD9]  }
0x89: {  	s3 =	sld [smem:$0x3FFE];
	_ =	sdelay $0x1  }
0x8a: {  	s1 =	srdreg.scid  }
0x8b: {  	s0 =	sand.u32 $0x1, s1  }
0x8c: {  	s18 =	sshll.u32 s0, $0xA;
	s2 =	sadd.s32 s3, s2  }
0x8d: {  	s2 =	sadd.s32 s2, s18  }
0x8e: {  	[smem:$0x3FC6] =	sst s2  }
0x8f: {  	_ = 	snop  }
0x90: {  	s2 =	sld [smem:$0x3FC9]  }
0x91: {  	s19 =	sld [smem:$0x3FC8]  }
0x92: {  	s4 =	sld [smem:$0x3FD0];
	(tm) =	ssettm $0x1  }
0x93: {  	s5 =	sld [smem:$0x3FFB];
	_ =	sdelay $0x3  }
0x94: {  	_ =	strace s5  }
0x95: {  	s5 =	sld [smem:$0x3FFC];
	_ =	sdelay $0x3  }
0x96: {  	_ =	strace s5  }
0x97: {  	s5 =	sld [smem:$0x3FFD];
	_ =	sdelay $0x3  }
0x98: {  	_ =	strace s5  }
0x99: {  	_ =	strace $0x8FFFFFFF  }
0x9a: {  	s20 =	sld [smem:$0x3FDB];
	_ =	sdelay $0x1  }
0x9b: {  	s6 =	simm.s32 $_scs_section_size  }
0x9c: {  	s7 =	simm.s32 $_size__tile_overlayer_lowered;
	s8 =	simm.s32 $_tile_overlayer_lowered  }
0x9d: {  	s23 =	simm.s32 $0x1BFF;
	s22 =	sshll.u32 s8, $0x1;
	s5 =	sadd.s32 s6, s20  }
0x9e: {  	s9 =	simm.s32 $0x0;
	s21 =	sshll.u32 s7, $0x1;
	s7 =	sadd.s32 s22, s5  }
0x9f: {  	[timem:s9], [sflag:s23] =	dma.local [hbm:s7], s21  }
0xa0: {  	_ =	swait.ge [sflag:s23], s21  }
0xa1: {  	s6 =	ssub.s32 $0x0, s21;
	[sflag:s23] =	ssyncset.done $0x0  }
0xa2: {  	[sflag:s23] =	ssyncadd.s32 s6;
	_ =	sdelay $0x1  }
0xa3: {  	s24 =	simm.s32 $0x1B8B  }
0xa4: {  	_ =	swait.ge [sflag:s24], $0x1  }
0xa5: {  	[sflag:s24] =	ssyncset.done $0x0  }
0xa6: {  	s25 =	simm.s32 $0x1B8E;
	[sflag:s24] =	ssyncadd.s32 $0xFFFFFFFF  }
0xa7: {  	s26 =	simm.s32 $execute0_lowered;
	[smem:$0x3FD2] =	sst s25  }
0xa8: {  	s6 =	sshll.u32 s26, $0x1;
	_ =	strace $0x80000046;
	[dreg:$0x1] =	wrdreg $0xFFFFFFFF  }
0xa9: {  	s28 =	simm.s32 $_size_execute0_lowered;
	s5 =	sadd.s32 s5, s6;
	[dreg:$0x0] =	wrdreg $0x0  }
0xaa: {  	s6 =	sshll.u32 s28, $0x1;
	[dreg:$0x2] =	wrdreg s5  }
0xab: {  	[dreg:$0x3] =	wrdreg s6  }
0xac: {  	[dreg:$0x4] =	wrdreg $0xC0  }
0xad: {  	_ =	task [dreg:s9], $0x5FFFF  }
0xae: {  	[dreg:$0x1] =	wrdreg $0xFFFFFFFF  }
0xaf: {  	[dreg:$0x0] =	wrdreg $0x60  }
0xb0: {  	[dreg:$0x2] =	wrdreg s2  }
0xb1: {  	[dreg:$0x3] =	wrdreg s19  }
0xb2: {  	[dreg:$0x4] =	wrdreg s4  }
0xb3: {  	[dreg:$0x5] =	wrdreg $0x9  }
0xb4: {  	_ =	task.clear_ibuf [dreg:s9], $0x6FFFF;
	_ =	strace $0x90000046  }
0xb5: {  	s29 =	simm.s32 $0x9;
	_ =	strace $0x80000048  }
0xb6: {  	_ =	swait.ge [sflag:s29], $0x1  }
0xb7: {  	[sflag:s29] =	ssyncadd.s32 $0xFFFFFFFF  }
0xb8: {  	_ =	strace $0x90000048  }
0xb9: {  	_ =	sfence  }
0xba: {  	s30 =	sld [smem:$0x0];
	_ =	sdelay $0x2  }
0xbb: {  	s31 =	sshll.u32 s1, $0xD;
	s1 =	sshrl.u32 s1, $0x2  }
0xbc: {  	s3 =	sand.u32 $0x4000, s31;
	s1 =	sadd.s32 s1, s30  }
0xbd: {  	s0 =	sor.u32 s3, s0;
	s1 =	sshll.u32 s1, $0x11  }
0xbe: {  	s0 =	sor.u32 s1, s0  }
0xbf: {  	s0 =	sadd.s32 $0x8F2B, s0  }
0xc0: {  	[sflag:s0] =	ssyncadd.remote.s32 $0x1  }
0xc1: {  	_ =	sfence.sel $0xFFFF  }
0xc2: {  	[dreg:$0x0] =	wrdreg $0xFFFFFFFF;
	(pc) =	sbr.abs _section_cstart, $3  }
0xc3: {  	[dreg:$0x1] =	wrdreg $0xFFFFFFFF  }
0xc4: {  	_ =	task.clear_ibuf [dreg:s9], $0x2FFFF;
	_ =	strace $0x9FFFFFFF  }
0xc5: {  	(tm) =	ssettm $0x7FFFFFFF  }
tec
execute0_lowered:
.L_overlay_start_1:
0x0: {  	(tag) =	ssettag $0x1  }
0x1: {  	s0 =	rddreg [dreg:$0x0]  }
0x2: {  	s1 =	rddreg [dreg:$0x1]  }
0x3: {  	s10 =	rddreg [dreg:$0x2];
	s4 =	simm.s32 $0x0  }
0x4: {  	s2 =	srdreg.scid;
	s7 =	stileid.u32;
	s29 =	simm.s32 $0xEC00  }
0x5: {  	s30 =	simm.s32 $0xF400;
	s31 =	simm.s32 $0xFC00;
	s12 =	simm.s32 $0x11400  }
0x6: {  	s13 =	simm.s32 $0x11C00;
	s23 =	simm.s32 $0x1;
	s11 =	simm.s32 $0x3  }
0x7: {  	s14 =	simm.s32 $0x5;
	s15 =	simm.s32 $0x4;
	s16 =	simm.s32 $0x0  }
0x8: {  	[smem:$0x7FF] =	sst s4;
	s2 =	sand.u32 $0x1, s2;
	s5 =	sshll.u32 s7, $0x1  }
0x9: {  	s24 =	sshll.u32 s7, $0x2;
	s8 =	sadd.s32 $0x200, s1;
	s9 =	sadd.s32 $0x300, s1  }
0xa: {  	_ =	strace $0x80000047;
	s3 =	ssub.s32 $0x2, s2;
	s2 =	sor.u32 s2, s5  }
0xb: {  	s7 =	sand.u32 $0x30, s24;
	s24 =	simm.s32 $0x12400;
	s6 =	sshrl.u32 s3, $0x1  }
0xc: {  	s25 =	sshll.u32 s2, $0x9;
	s5 =	sshll.u32 s2, $0xA;
	s0 =	sadd.s32 s0, s7  }
.Ltmp0:
0xd: {  	s7 =	sadd.s32 $0x100, s1;
	s26 =	sshll.u32 s2, $0x11;
	(pc) =	sbr.rel .LBB2_1-.Ltmp0, $4  }
0xe: {  	s3 =	ssub.s32 s3, s6;
	s6 =	sand.u32 $0xE00, s25;
	s10 =	sadd.s32 s10, s26  }
0xf: {  	v2 =	vlaneseq.u32;
	s25 =	simm.s32 $0x2;
	s26 =	simm.s32 $0x6;
	s0 =	sadd.s32 s6, s0  }
0x10: {  	vm0 =	vmmov $0xffff;
	v1 =	vshrl.u32 v2, $0x3;
	s28 =	smax.u32 s3, $0x1;
	s3 =	simm.s32 $0x10C00;
	[dreg:$0x4] =	wrdreg s0  }
0x11: {  	v0 =	vand.u32 $0x7, v2;
	v2 =	vor.u32 $0x8, v2;
	v1 =	vmul.u32 $0x8, v1;
	s6 =	simm.s32 $0x16400;
	[dreg:$0x5] =	wrdreg s28;
	s0 =	simm.s32 $0x10400  }
.LBB2_16:
0x12: {  	_ =	swait.ge [sflag:s14], $0x4000  }
0x13: {  	[sflag:s14] =	ssyncset.done $0x0  }
0x14: {  	[sflag:s14] =	ssyncadd.s32 $0xFFFFC000  }
0x15: {  	_ =	swait.ge [sflag:s26], $0x4000  }
0x16: {  	s16 =	rddreg [dreg:$0x6]  }
0x17: {  	s2 =	rddreg [dreg:$0x5];
	s16 =	sadd.s32 $0x1, s16  }
0x18: {  	p0 =	sne.s32 s16, s2  }
.Ltmp1:
0x19: {  	_ = 	snop;
	(pc) =	sbr.rel @!p0 .LBB2_17-.Ltmp1, $3  }
0x1a: {  	_ =	sdelay $0x1  }
0x1b: {  	[sflag:s26] =	ssyncset.done $0x0  }
0x1c: {  	[sflag:s26] =	ssyncadd.s32 $0xFFFFC000  }
.LBB2_1:
0x1d: {  	[dreg:$0x6] =	wrdreg s16  }
0x1e: {  	s2 =	rddreg [dreg:$0x4]  }
0x1f: {  	s21 =	simm.s32 $0x80;
	s17 =	simm.s32 $0x200;
	s22 =	simm.s32 $0x7  }
0x20: {  	[tilespmem:s4], [sflag:$0x7] =	stream.strided.gather [hbm4b:s2+s21], $0x400, s17, s21, $0x38;
	[tilespmem:$0x1A400] =	vst v63  }
0x21: {  	_ =	swait.ge [sflag:s22], $0x400  }
0x22: {  	[sflag:s22] =	ssyncset.done $0x0  }
0x23: {  	[sflag:s22] =	ssyncadd.s32 $0xFFFFFC00  }
0x24: {  	v3 =	vld [tilespmem:$0x0]  }
0x25: {  	v4 =	vld [tilespmem:$0x10]  }
0x26: {  	v5 =	vld [tilespmem:$0x20]  }
0x27: {  	v6 =	vld [tilespmem:$0x30]  }
0x28: {  	v7 =	vld [tilespmem:$0x40]  }
0x29: {  	v8 =	vld [tilespmem:$0x50];
	[tilespmem:$0x400] =	vst v3  }
0x2a: {  	v54 =	vld [tilespmem:$0x60];
	[tilespmem:$0x480] =	vst v4  }
0x2b: {  	v55 =	vld [tilespmem:$0x70];
	[tilespmem:$0x500] =	vst v5  }
0x2c: {  	v56 =	vld [tilespmem:$0x80];
	[tilespmem:$0x580] =	vst v6  }
0x2d: {  	v57 =	vld [tilespmem:$0x90];
	[tilespmem:$0x600] =	vst v7  }
0x2e: {  	v58 =	vld [tilespmem:$0xA0];
	[tilespmem:$0x680] =	vst v8  }
0x2f: {  	v59 =	vld [tilespmem:$0xB0];
	[tilespmem:$0x700] =	vst v54  }
0x30: {  	v60 =	vld [tilespmem:$0xC0];
	[tilespmem:$0x780] =	vst v55  }
0x31: {  	v61 =	vld [tilespmem:$0xD0];
	[tilespmem:$0x800] =	vst v56  }
0x32: {  	v62 =	vld [tilespmem:$0xE0];
	[tilespmem:$0x880] =	vst v57  }
0x33: {  	v63 =	vld [tilespmem:$0xF0];
	[tilespmem:$0x900] =	vst v58  }
0x34: {  	v12 =	vld [tilespmem:$0x100];
	[tilespmem:$0x980] =	vst v59  }
0x35: {  	v13 =	vld [tilespmem:$0x110];
	[tilespmem:$0xA00] =	vst v60  }
0x36: {  	v14 =	vld [tilespmem:$0x120];
	[tilespmem:$0xA80] =	vst v61  }
0x37: {  	v15 =	vld [tilespmem:$0x130];
	[tilespmem:$0xB00] =	vst v62  }
0x38: {  	v16 =	vld [tilespmem:$0x140];
	[tilespmem:$0xB80] =	vst v63  }
0x39: {  	v17 =	vld [tilespmem:$0x150];
	[tilespmem:$0xC00] =	vst v12  }
0x3a: {  	v18 =	vld [tilespmem:$0x160];
	[tilespmem:$0xC80] =	vst v13  }
0x3b: {  	v19 =	vld [tilespmem:$0x170];
	[tilespmem:$0xD00] =	vst v14  }
0x3c: {  	v20 =	vld [tilespmem:$0x180];
	[tilespmem:$0xD80] =	vst v15  }
0x3d: {  	v21 =	vld [tilespmem:$0x190];
	[tilespmem:$0xE00] =	vst v16  }
0x3e: {  	v22 =	vld [tilespmem:$0x1A0];
	[tilespmem:$0xE80] =	vst v17  }
0x3f: {  	v23 =	vld [tilespmem:$0x1B0];
	[tilespmem:$0xF00] =	vst v18  }
0x40: {  	v24 =	vld [tilespmem:$0x1C0];
	[tilespmem:$0xF80] =	vst v19  }
0x41: {  	v25 =	vld [tilespmem:$0x1D0];
	[tilespmem:$0x1000] =	vst v20  }
0x42: {  	v26 =	vld [tilespmem:$0x1E0];
	[tilespmem:$0x1080] =	vst v21  }
0x43: {  	v27 =	vld [tilespmem:$0x1F0];
	[tilespmem:$0x1100] =	vst v22  }
0x44: {  	v28 =	vld [tilespmem:$0x200];
	[tilespmem:$0x1180] =	vst v23  }
0x45: {  	v29 =	vld [tilespmem:$0x210];
	[tilespmem:$0x1200] =	vst v24  }
0x46: {  	v30 =	vld [tilespmem:$0x220];
	[tilespmem:$0x1280] =	vst v25  }
0x47: {  	v31 =	vld [tilespmem:$0x230];
	[tilespmem:$0x1300] =	vst v26  }
0x48: {  	v32 =	vld [tilespmem:$0x240];
	[tilespmem:$0x1380] =	vst v27  }
0x49: {  	v33 =	vld [tilespmem:$0x250];
	[tilespmem:$0x1400] =	vst v28  }
0x4a: {  	v34 =	vld [tilespmem:$0x260];
	[tilespmem:$0x1480] =	vst v29  }
0x4b: {  	v35 =	vld [tilespmem:$0x270];
	[tilespmem:$0x1500] =	vst v30  }
0x4c: {  	v36 =	vld [tilespmem:$0x280];
	[tilespmem:$0x1580] =	vst v31  }
0x4d: {  	v37 =	vld [tilespmem:$0x290];
	[tilespmem:$0x1600] =	vst v32  }
0x4e: {  	v38 =	vld [tilespmem:$0x2A0];
	[tilespmem:$0x1680] =	vst v33  }
0x4f: {  	v39 =	vld [tilespmem:$0x2B0];
	[tilespmem:$0x1700] =	vst v34  }
0x50: {  	v40 =	vld [tilespmem:$0x2C0];
	[tilespmem:$0x1780] =	vst v35  }
0x51: {  	v41 =	vld [tilespmem:$0x2D0];
	[tilespmem:$0x1800] =	vst v36  }
0x52: {  	v42 =	vld [tilespmem:$0x2E0];
	[tilespmem:$0x1880] =	vst v37  }
0x53: {  	v43 =	vld [tilespmem:$0x2F0];
	[tilespmem:$0x1900] =	vst v38  }
0x54: {  	v44 =	vld [tilespmem:$0x300];
	[tilespmem:$0x1980] =	vst v39  }
0x55: {  	v45 =	vld [tilespmem:$0x310];
	[tilespmem:$0x1A00] =	vst v40  }
0x56: {  	v46 =	vld [tilespmem:$0x320];
	[tilespmem:$0x1A80] =	vst v41  }
0x57: {  	v47 =	vld [tilespmem:$0x330];
	[tilespmem:$0x1B00] =	vst v42  }
0x58: {  	v48 =	vld [tilespmem:$0x340];
	[tilespmem:$0x1B80] =	vst v43  }
0x59: {  	v49 =	vld [tilespmem:$0x350];
	[tilespmem:$0x1C00] =	vst v44  }
0x5a: {  	v50 =	vld [tilespmem:$0x360];
	[tilespmem:$0x1C80] =	vst v45  }
0x5b: {  	v51 =	vld [tilespmem:$0x370];
	[tilespmem:$0x1D00] =	vst v46  }
0x5c: {  	v52 =	vld [tilespmem:$0x380];
	[tilespmem:$0x1D80] =	vst v47  }
0x5d: {  	v53 =	vld [tilespmem:$0x390];
	[tilespmem:$0x1E00] =	vst v48  }
0x5e: {  	[tilespmem:$0x1E80] =	vst v49;
	v54 =	vld [tilespmem:$0x3A0]  }
0x5f: {  	[tilespmem:$0x1F00] =	vst v50;
	v55 =	vld [tilespmem:$0x3B0];
	v9 =	vshll.u32 v3, $0x3  }
0x60: {  	[tilespmem:$0x1F80] =	vst v51;
	v56 =	vld [tilespmem:$0x3C0];
	v3 =	vand.u32 $0x7, v3;
	v9 =	vand.u32 $0xFFFFFFC0, v9  }
0x61: {  	[tilespmem:$0x2000] =	vst v52;
	v57 =	vld [tilespmem:$0x3D0];
	v3 =	vor.u32 v3, v9  }
0x62: {  	[tilespmem:$0x2080] =	vst v53;
	v58 =	vld [tilespmem:$0x3E0];
	v9 =	vperm.xlane v3, v0  }
0x63: {  	v59 =	vld [tilespmem:$0x3F0];
	[tilespmem:$0x2100] =	vst v54  }
0x64: {  	[tilespmem:$0x2180] =	vst v55;
	v60 =	vadd.s32 v1, v9  }
0x65: {  	[tilespmem:$0x2200] =	vst v56  }
0x66: {  	[tilespmem:$0x2280] =	vst v57  }
0x67: {  	[tilespmem:$0x2300] =	vst v58  }
0x68: {  	s28 =	simm.s32 $0x2400;
	[tilespmem:$0x2380] =	vst v59  }
0x69: {  	[tilespmem:s28], [sflag:$0x1] =	stream.indirect_vreg.gather [hbm4b:s1+s4], $0x80, v60, vm0, $0xb8;
	[tilespmem:$0x1A400] =	vst v63  }
0x6a: {  	s16 =	simm.s32 $0x2C00;
	v3 =	vperm.xlane v3, v2  }
0x6b: {  	[tilespmem:s16], [sflag:$0x1] =	stream.indirect_vreg.gather [hbm4b:s7+s4], $0x80, v60, vm0, $0xb8;
	[tilespmem:$0x1A400] =	vst v63  }
0x6c: {  	s17 =	simm.s32 $0x3400;
	v3 =	vadd.s32 v1, v3  }
0x6d: {  	[tilespmem:s17], [sflag:$0x1] =	stream.indirect_vreg.gather [hbm4b:s8+s4], $0x80, v60, vm0, $0xb8;
	[tilespmem:$0x1A400] =	vst v63  }
0x6e: {  	s18 =	simm.s32 $0x3C00  }
0x6f: {  	[tilespmem:s18], [sflag:$0x1] =	stream.indirect_vreg.gather [hbm4b:s9+s4], $0x80, v60, vm0, $0xb8;
	[tilespmem:$0x1A400] =	vst v63  }
0x70: {  	s19 =	simm.s32 $0x4400  }
0x71: {  	[tilespmem:s19], [sflag:$0x1] =	stream.indirect_vreg.gather [hbm4b:s1+s4], $0x80, v3, vm0, $0xb8;
	[tilespmem:$0x1A400] =	vst v63  }
0x72: {  	s20 =	simm.s32 $0x4C00  }
0x73: {  	[tilespmem:s20], [sflag:$0x1] =	stream.indirect_vreg.gather [hbm4b:s7+s4], $0x80, v3, vm0, $0xb8;
	[tilespmem:$0x1A400] =	vst v63  }
0x74: {  	s21 =	simm.s32 $0x5400  }
0x75: {  	[tilespmem:s21], [sflag:$0x1] =	stream.indirect_vreg.gather [hbm4b:s8+s4], $0x80, v3, vm0, $0xb8;
	[tilespmem:$0x1A400] =	vst v63  }
0x76: {  	s22 =	simm.s32 $0x5C00  }
0x77: {  	[tilespmem:s22], [sflag:$0x1] =	stream.indirect_vreg.gather [hbm4b:s9+s4], $0x80, v3, vm0, $0xb8;
	[tilespmem:$0x1A400] =	vst v63  }
0x78: {  	v3 =	vld [tilespmem:$0x480];
	_ =	sdelay $0x4  }
0x79: {  	v61 =	vshll.u32 v3, $0x3  }
0x7a: {  	v3 =	vand.u32 $0x7, v3;
	v4 =	vand.u32 $0xFFFFFFC0, v61  }
0x7b: {  	v3 =	vor.u32 v3, v4  }
0x7c: {  	v4 =	vperm.xlane v3, v0;
	_ =	sdelay $0x1  }
0x7d: {  	v4 =	vadd.s32 v1, v4;
	_ =	sdelay $0x3  }
0x7e: {  	s28 =	simm.s32 $0x6400  }
0x7f: {  	[tilespmem:s28], [sflag:$0x2] =	stream.indirect_vreg.gather [hbm4b:s1+s4], $0x80, v4, vm0, $0xb8;
	[tilespmem:$0x1A400] =	vst v63  }
0x80: {  	s16 =	simm.s32 $0x6C00;
	v3 =	vperm.xlane v3, v2  }
0x81: {  	[tilespmem:s16], [sflag:$0x2] =	stream.indirect_vreg.gather [hbm4b:s7+s4], $0x80, v4, vm0, $0xb8;
	[tilespmem:$0x1A400] =	vst v63  }
0x82: {  	s17 =	simm.s32 $0x7400;
	v3 =	vadd.s32 v1, v3  }
0x83: {  	[tilespmem:s17], [sflag:$0x2] =	stream.indirect_vreg.gather [hbm4b:s8+s4], $0x80, v4, vm0, $0xb8;
	[tilespmem:$0x1A400] =	vst v63  }
0x84: {  	s18 =	simm.s32 $0x7C00  }
0x85: {  	[tilespmem:s18], [sflag:$0x2] =	stream.indirect_vreg.gather [hbm4b:s9+s4], $0x80, v4, vm0, $0xb8;
	[tilespmem:$0x1A400] =	vst v63  }
0x86: {  	s19 =	simm.s32 $0x8400  }
0x87: {  	[tilespmem:s19], [sflag:$0x2] =	stream.indirect_vreg.gather [hbm4b:s1+s4], $0x80, v3, vm0, $0xb8;
	[tilespmem:$0x1A400] =	vst v63  }
0x88: {  	s20 =	simm.s32 $0x8C00  }
0x89: {  	[tilespmem:s20], [sflag:$0x2] =	stream.indirect_vreg.gather [hbm4b:s7+s4], $0x80, v3, vm0, $0xb8;
	[tilespmem:$0x1A400] =	vst v63  }
0x8a: {  	s21 =	simm.s32 $0x9400  }
0x8b: {  	[tilespmem:s21], [sflag:$0x2] =	stream.indirect_vreg.gather [hbm4b:s8+s4], $0x80, v3, vm0, $0xb8;
	[tilespmem:$0x1A400] =	vst v63  }
0x8c: {  	s22 =	simm.s32 $0x9C00  }
0x8d: {  	[tilespmem:s22], [sflag:$0x2] =	stream.indirect_vreg.gather [hbm4b:s9+s4], $0x80, v3, vm0, $0xb8;
	[tilespmem:$0x1A400] =	vst v63  }
0x8e: {  	v3 =	vld [tilespmem:$0x500];
	_ =	sdelay $0x4  }
0x8f: {  	v62 =	vshll.u32 v3, $0x3  }
0x90: {  	v3 =	vand.u32 $0x7, v3;
	v4 =	vand.u32 $0xFFFFFFC0, v62  }
0x91: {  	v3 =	vor.u32 v3, v4  }
0x92: {  	v4 =	vperm.xlane v3, v0;
	_ =	sdelay $0x1  }
0x93: {  	v4 =	vadd.s32 v1, v4;
	_ =	sdelay $0x3  }
0x94: {  	s28 =	simm.s32 $0xA400  }
0x95: {  	[tilespmem:s28], [sflag:$0x3] =	stream.indirect_vreg.gather [hbm4b:s1+s4], $0x80, v4, vm0, $0xb8;
	[tilespmem:$0x1A400] =	vst v63  }
0x96: {  	s16 =	simm.s32 $0xAC00;
	v3 =	vperm.xlane v3, v2  }
0x97: {  	[tilespmem:s16], [sflag:$0x3] =	stream.indirect_vreg.gather [hbm4b:s7+s4], $0x80, v4, vm0, $0xb8;
	[tilespmem:$0x1A400] =	vst v63  }
0x98: {  	s17 =	simm.s32 $0xB400;
	v3 =	vadd.s32 v1, v3  }
0x99: {  	[tilespmem:s17], [sflag:$0x3] =	stream.indirect_vreg.gather [hbm4b:s8+s4], $0x80, v4, vm0, $0xb8;
	[tilespmem:$0x1A400] =	vst v63  }
0x9a: {  	s18 =	simm.s32 $0xBC00  }
0x9b: {  	[tilespmem:s18], [sflag:$0x3] =	stream.indirect_vreg.gather [hbm4b:s9+s4], $0x80, v4, vm0, $0xb8;
	[tilespmem:$0x1A400] =	vst v63  }
0x9c: {  	s19 =	simm.s32 $0xC400  }
0x9d: {  	[tilespmem:s19], [sflag:$0x3] =	stream.indirect_vreg.gather [hbm4b:s1+s4], $0x80, v3, vm0, $0xb8;
	[tilespmem:$0x1A400] =	vst v63  }
0x9e: {  	s20 =	simm.s32 $0xCC00  }
0x9f: {  	[tilespmem:s20], [sflag:$0x3] =	stream.indirect_vreg.gather [hbm4b:s7+s4], $0x80, v3, vm0, $0xb8;
	[tilespmem:$0x1A400] =	vst v63  }
0xa0: {  	s21 =	simm.s32 $0xD400  }
0xa1: {  	[tilespmem:s21], [sflag:$0x3] =	stream.indirect_vreg.gather [hbm4b:s8+s4], $0x80, v3, vm0, $0xb8;
	[tilespmem:$0x1A400] =	vst v63  }
0xa2: {  	s22 =	simm.s32 $0xDC00  }
0xa3: {  	[tilespmem:s22], [sflag:$0x3] =	stream.indirect_vreg.gather [hbm4b:s9+s4], $0x80, v3, vm0, $0xb8;
	[tilespmem:$0x1A400] =	vst v63  }
0xa4: {  	v3 =	vld [tilespmem:$0x580];
	_ =	sdelay $0x4  }
0xa5: {  	v63 =	vshll.u32 v3, $0x3  }
0xa6: {  	v3 =	vand.u32 $0x7, v3;
	v4 =	vand.u32 $0xFFFFFFC0, v63  }
0xa7: {  	v3 =	vor.u32 v3, v4  }
0xa8: {  	v4 =	vperm.xlane v3, v0;
	_ =	sdelay $0x1  }
0xa9: {  	v4 =	vadd.s32 v1, v4;
	_ =	sdelay $0x3  }
0xaa: {  	s28 =	simm.s32 $0xE400  }
0xab: {  	[tilespmem:s28], [sflag:$0x4] =	stream.indirect_vreg.gather [hbm4b:s1+s4], $0x80, v4, vm0, $0xb8;
	[tilespmem:$0x1A400] =	vst v63  }
0xac: {  	v3 =	vperm.xlane v3, v2  }
0xad: {  	[tilespmem:s29], [sflag:$0x4] =	stream.indirect_vreg.gather [hbm4b:s7+s4], $0x80, v4, vm0, $0xb8;
	[tilespmem:$0x1A400] =	vst v63  }
0xae: {  	v3 =	vadd.s32 v1, v3  }
0xaf: {  	[tilespmem:s30], [sflag:$0x4] =	stream.indirect_vreg.gather [hbm4b:s8+s4], $0x80, v4, vm0, $0xb8;
	[tilespmem:$0x1A400] =	vst v63  }
0xb0: {  	_ = 	snop  }
0xb1: {  	[tilespmem:s31], [sflag:$0x4] =	stream.indirect_vreg.gather [hbm4b:s9+s4], $0x80, v4, vm0, $0xb8;
	[tilespmem:$0x1A400] =	vst v63  }
0xb2: {  	_ = 	snop  }
0xb3: {  	[tilespmem:s0], [sflag:$0x4] =	stream.indirect_vreg.gather [hbm4b:s1+s4], $0x80, v3, vm0, $0xb8;
	[tilespmem:$0x1A400] =	vst v63  }
0xb4: {  	_ = 	snop  }
0xb5: {  	[tilespmem:s3], [sflag:$0x4] =	stream.indirect_vreg.gather [hbm4b:s7+s4], $0x80, v3, vm0, $0xb8;
	[tilespmem:$0x1A400] =	vst v63  }
0xb6: {  	_ = 	snop  }
0xb7: {  	[tilespmem:s12], [sflag:$0x4] =	stream.indirect_vreg.gather [hbm4b:s8+s4], $0x80, v3, vm0, $0xb8;
	[tilespmem:$0x1A400] =	vst v63  }
0xb8: {  	s16 =	simm.s32 $0x0  }
0xb9: {  	[tilespmem:s13], [sflag:$0x4] =	stream.indirect_vreg.gather [hbm4b:s9+s4], $0x80, v3, vm0, $0xb8;
	[tilespmem:$0x1A400] =	vst v63  }
.LBB2_2:
0xba: {  	_ =	swait.ge [sflag:s23], $0x4000  }
0xbb: {  	p0 =	seq.s32 s16, $0x0;
	[sflag:s23] =	ssyncset.done $0x0  }
0xbc: {  	s2 =	simm.s32 @!p0 $0x5;
	[sflag:s23] =	ssyncadd.s32 $0xFFFFC000  }
0xbd: {  	_ =	swait.ge @!p0 [sflag:s2], $0x4000  }
0xbe: {  	s17 =	simm.s32 $0x0;
	s18 =	simm.s32 $0xFFFFC000;
	[sflag:s2] =	ssyncset.done @!p0 $0x0  }
0xbf: {  	s19 =	simm.s32 $0x0;
	s20 =	simm.s32 $0x0;
	[sflag:s2] =	ssyncadd.s32 @!p0 $0xFFFFC000  }
.LBB2_3:
0xc0: {  	s2 =	sadd.s32 $0x4000, s18  }
0xc1: {  	s21 =	sand.u32 $0x380, s20;
	s2 =	sand.u32 $0x2000, s2  }
0xc2: {  	s21 =	sor.u32 s21, s2  }
0xc3: {  	v3 =	vld [tilespmem:s21+$0x2400]  }
0xc4: {  	v4 =	vld [tilespmem:s21+$0x2410]  }
0xc5: {  	v6 =	vld [tilespmem:s21+$0x2430]  }
0xc6: {  	v5 =	vld [tilespmem:s21+$0x2420]  }
0xc7: {  	v8 =	vld [tilespmem:s21+$0x2450]  }
0xc8: {  	v7 =	vld [tilespmem:s21+$0x2440];
	v3 =	vmul.f32 $3.200000000e+01, v3  }
0xc9: {  	v40 =	vld [tilespmem:s21+$0x2470];
	v4 =	vmul.f32 $3.200000000e+01, v4  }
0xca: {  	v9 =	vld [tilespmem:s21+$0x2460];
	v41 =	vmul.f32 $3.200000000e+01, v6;
	[tilespmem:s21+$0x12400] =	vst v3  }
0xcb: {  	v43 =	vld [tilespmem:s21+$0x2810];
	v3 =	vmul.f32 $3.200000000e+01, v5;
	[tilespmem:s21+$0x12410] =	vst v4  }
0xcc: {  	v42 =	vld [tilespmem:s21+$0x2800];
	v44 =	vmul.f32 $3.200000000e+01, v8;
	[tilespmem:s21+$0x12430] =	vst v41  }
0xcd: {  	v46 =	vld [tilespmem:s21+$0x2830];
	[tilespmem:s21+$0x12420] =	vst v3;
	v3 =	vmul.f32 $3.200000000e+01, v7  }
0xce: {  	v45 =	vld [tilespmem:s21+$0x2820];
	v47 =	vmul.f32 $3.200000000e+01, v40;
	[tilespmem:s21+$0x12450] =	vst v44  }
0xcf: {  	v49 =	vld [tilespmem:s21+$0x2850];
	[tilespmem:s21+$0x12440] =	vst v3;
	v3 =	vmul.f32 $3.200000000e+01, v9  }
0xd0: {  	v48 =	vld [tilespmem:s21+$0x2840];
	v50 =	vmul.f32 $3.200000000e+01, v43;
	[tilespmem:s21+$0x12470] =	vst v47  }
0xd1: {  	v52 =	vld [tilespmem:s21+$0x2870];
	[tilespmem:s21+$0x12460] =	vst v3;
	v3 =	vmul.f32 $3.200000000e+01, v42  }
0xd2: {  	v51 =	vld [tilespmem:s21+$0x2860];
	v53 =	vmul.f32 $3.200000000e+01, v46;
	[tilespmem:s21+$0x12810] =	vst v50  }
0xd3: {  	v55 =	vld [tilespmem:s21+$0x2C10];
	[tilespmem:s21+$0x12800] =	vst v3;
	v3 =	vmul.f32 $3.200000000e+01, v45  }
0xd4: {  	v54 =	vld [tilespmem:s21+$0x2C00];
	v56 =	vmul.f32 $3.200000000e+01, v49;
	[tilespmem:s21+$0x12830] =	vst v53  }
0xd5: {  	v58 =	vld [tilespmem:s21+$0x2C30];
	[tilespmem:s21+$0x12820] =	vst v3;
	v3 =	vmul.f32 $3.200000000e+01, v48  }
0xd6: {  	v57 =	vld [tilespmem:s21+$0x2C20];
	v59 =	vmul.f32 $3.200000000e+01, v52;
	[tilespmem:s21+$0x12850] =	vst v56  }
0xd7: {  	v61 =	vld [tilespmem:s21+$0x2C50];
	[tilespmem:s21+$0x12840] =	vst v3;
	v3 =	vmul.f32 $3.200000000e+01, v51  }
0xd8: {  	v60 =	vld [tilespmem:s21+$0x2C40];
	v62 =	vmul.f32 $3.200000000e+01, v55;
	[tilespmem:s21+$0x12870] =	vst v59  }
0xd9: {  	v12 =	vld [tilespmem:s21+$0x2C70];
	[tilespmem:s21+$0x12860] =	vst v3;
	v3 =	vmul.f32 $3.200000000e+01, v54  }
0xda: {  	v63 =	vld [tilespmem:s21+$0x2C60];
	v13 =	vmul.f32 $3.200000000e+01, v58;
	[tilespmem:s21+$0x12C10] =	vst v62  }
0xdb: {  	v15 =	vld [tilespmem:s21+$0x3010];
	[tilespmem:s21+$0x12C00] =	vst v3;
	v3 =	vmul.f32 $3.200000000e+01, v57  }
0xdc: {  	v14 =	vld [tilespmem:s21+$0x3000];
	v16 =	vmul.f32 $3.200000000e+01, v61;
	[tilespmem:s21+$0x12C30] =	vst v13  }
0xdd: {  	v18 =	vld [tilespmem:s21+$0x3030];
	[tilespmem:s21+$0x12C20] =	vst v3;
	v3 =	vmul.f32 $3.200000000e+01, v60  }
0xde: {  	v17 =	vld [tilespmem:s21+$0x3020];
	v19 =	vmul.f32 $3.200000000e+01, v12;
	[tilespmem:s21+$0x12C50] =	vst v16  }
0xdf: {  	v21 =	vld [tilespmem:s21+$0x3050];
	[tilespmem:s21+$0x12C40] =	vst v3;
	v3 =	vmul.f32 $3.200000000e+01, v63  }
0xe0: {  	v20 =	vld [tilespmem:s21+$0x3040];
	v22 =	vmul.f32 $3.200000000e+01, v15;
	[tilespmem:s21+$0x12C70] =	vst v19  }
0xe1: {  	v24 =	vld [tilespmem:s21+$0x3070];
	[tilespmem:s21+$0x12C60] =	vst v3;
	v3 =	vmul.f32 $3.200000000e+01, v14  }
0xe2: {  	v23 =	vld [tilespmem:s21+$0x3060];
	v25 =	vmul.f32 $3.200000000e+01, v18;
	[tilespmem:s21+$0x13010] =	vst v22  }
0xe3: {  	v27 =	vld [tilespmem:s21+$0x3410];
	[tilespmem:s21+$0x13000] =	vst v3;
	v3 =	vmul.f32 $3.200000000e+01, v17  }
0xe4: {  	v26 =	vld [tilespmem:s21+$0x3400];
	v28 =	vmul.f32 $3.200000000e+01, v21;
	[tilespmem:s21+$0x13030] =	vst v25  }
0xe5: {  	v30 =	vld [tilespmem:s21+$0x3430];
	[tilespmem:s21+$0x13020] =	vst v3;
	v3 =	vmul.f32 $3.200000000e+01, v20  }
0xe6: {  	v29 =	vld [tilespmem:s21+$0x3420];
	v31 =	vmul.f32 $3.200000000e+01, v24;
	[tilespmem:s21+$0x13050] =	vst v28  }
0xe7: {  	v33 =	vld [tilespmem:s21+$0x3450];
	[tilespmem:s21+$0x13040] =	vst v3;
	v3 =	vmul.f32 $3.200000000e+01, v23  }
0xe8: {  	v32 =	vld [tilespmem:s21+$0x3440];
	v34 =	vmul.f32 $3.200000000e+01, v27;
	[tilespmem:s21+$0x13070] =	vst v31  }
0xe9: {  	v36 =	vld [tilespmem:s21+$0x3470];
	[tilespmem:s21+$0x13060] =	vst v3;
	v3 =	vmul.f32 $3.200000000e+01, v26  }
0xea: {  	v35 =	vld [tilespmem:s21+$0x3460];
	v37 =	vmul.f32 $3.200000000e+01, v30;
	[tilespmem:s21+$0x13410] =	vst v34  }
0xeb: {  	v39 =	vld [tilespmem:s21+$0x3810];
	[tilespmem:s21+$0x13400] =	vst v3;
	v3 =	vmul.f32 $3.200000000e+01, v29  }
0xec: {  	v38 =	vld [tilespmem:s21+$0x3800];
	v40 =	vmul.f32 $3.200000000e+01, v33;
	[tilespmem:s21+$0x13430] =	vst v37  }
0xed: {  	v42 =	vld [tilespmem:s21+$0x3830];
	[tilespmem:s21+$0x13420] =	vst v3;
	v3 =	vmul.f32 $3.200000000e+01, v32  }
0xee: {  	v43 =	vmul.f32 $3.200000000e+01, v36;
	v41 =	vld [tilespmem:s21+$0x3820];
	[tilespmem:s21+$0x13450] =	vst v40  }
0xef: {  	v45 =	vld [tilespmem:s21+$0x3850];
	[tilespmem:s21+$0x13440] =	vst v3;
	v3 =	vmul.f32 $3.200000000e+01, v35  }
0xf0: {  	v46 =	vmul.f32 $3.200000000e+01, v39;
	v44 =	vld [tilespmem:s21+$0x3840];
	[tilespmem:s21+$0x13470] =	vst v43  }
0xf1: {  	v48 =	vld [tilespmem:s21+$0x3870];
	[tilespmem:s21+$0x13460] =	vst v3;
	v3 =	vmul.f32 $3.200000000e+01, v38  }
0xf2: {  	v47 =	vld [tilespmem:s21+$0x3860];
	[tilespmem:s21+$0x13810] =	vst v46;
	v49 =	vmul.f32 $3.200000000e+01, v42  }
0xf3: {  	v51 =	vld [tilespmem:s21+$0x3C10];
	[tilespmem:s21+$0x13800] =	vst v3;
	v3 =	vmul.f32 $3.200000000e+01, v41  }
0xf4: {  	v50 =	vld [tilespmem:s21+$0x3C00];
	[tilespmem:s21+$0x13830] =	vst v49;
	v52 =	vmul.f32 $3.200000000e+01, v45  }
0xf5: {  	v54 =	vld [tilespmem:s21+$0x3C30];
	[tilespmem:s21+$0x13820] =	vst v3;
	v3 =	vmul.f32 $3.200000000e+01, v44  }
0xf6: {  	v53 =	vld [tilespmem:s21+$0x3C20];
	[tilespmem:s21+$0x13850] =	vst v52;
	v55 =	vmul.f32 $3.200000000e+01, v48  }
0xf7: {  	v57 =	vld [tilespmem:s21+$0x3C50];
	[tilespmem:s21+$0x13840] =	vst v3;
	v3 =	vmul.f32 $3.200000000e+01, v47  }
0xf8: {  	v56 =	vld [tilespmem:s21+$0x3C40];
	[tilespmem:s21+$0x13870] =	vst v55;
	v58 =	vmul.f32 $3.200000000e+01, v51  }
0xf9: {  	v60 =	vld [tilespmem:s21+$0x3C70];
	[tilespmem:s21+$0x13860] =	vst v3;
	v3 =	vmul.f32 $3.200000000e+01, v50  }
0xfa: {  	v59 =	vld [tilespmem:s21+$0x3C60];
	[tilespmem:s21+$0x13C10] =	vst v58;
	v61 =	vmul.f32 $3.200000000e+01, v54  }
0xfb: {  	[tilespmem:s21+$0x13C00] =	vst v3;
	v3 =	vmul.f32 $3.200000000e+01, v53  }
0xfc: {  	[tilespmem:s21+$0x13C30] =	vst v61;
	v62 =	vmul.f32 $3.200000000e+01, v57  }
0xfd: {  	[tilespmem:s21+$0x13C20] =	vst v3;
	v3 =	vmul.f32 $3.200000000e+01, v56  }
0xfe: {  	s22 =	sand.u32 $0x7, s17;
	[tilespmem:s21+$0x13C50] =	vst v62;
	v63 =	vmul.f32 $3.200000000e+01, v60  }
0xff: {  	s2 =	sshll.u32 s22, $0x7;
	[tilespmem:s21+$0x13C40] =	vst v3;
	v3 =	vmul.f32 $3.200000000e+01, v59  }
0x100: {  	s2 =	sadd.s32 s2, s19;
	[tilespmem:s21+$0x13C70] =	vst v63  }
0x101: {  	s28 =	sor.u32 $0x1C00, s2;
	[tilespmem:s21+$0x13C60] =	vst v3  }
0x102: {  	v3 =	vld [tilespmem:s28+$0x2400];
	_ =	sdelay $0x4  }
0x103: {  	v3 =	vmul.f32 $3.200000000e+01, v3;
	_ =	sdelay $0x1  }
0x104: {  	s22 =	sor.u32 $0x1C10, s2;
	[tilespmem:s28+$0x12400] =	vst v3  }
0x105: {  	v3 =	vld [tilespmem:s22+$0x2400];
	_ =	sdelay $0x4  }
0x106: {  	v3 =	vmul.f32 $3.200000000e+01, v3;
	_ =	sdelay $0x1  }
0x107: {  	s28 =	sor.u32 $0x1C20, s2;
	[tilespmem:s22+$0x12400] =	vst v3  }
0x108: {  	v3 =	vld [tilespmem:s28+$0x2400];
	_ =	sdelay $0x4  }
0x109: {  	v3 =	vmul.f32 $3.200000000e+01, v3;
	_ =	sdelay $0x1  }
0x10a: {  	s22 =	sor.u32 $0x1C30, s2;
	[tilespmem:s28+$0x12400] =	vst v3  }
0x10b: {  	v3 =	vld [tilespmem:s22+$0x2400];
	_ =	sdelay $0x4  }
0x10c: {  	v3 =	vmul.f32 $3.200000000e+01, v3;
	_ =	sdelay $0x1  }
0x10d: {  	s28 =	sor.u32 $0x1C40, s2;
	[tilespmem:s22+$0x12400] =	vst v3  }
0x10e: {  	v3 =	vld [tilespmem:s28+$0x2400];
	_ =	sdelay $0x4  }
0x10f: {  	v3 =	vmul.f32 $3.200000000e+01, v3;
	_ =	sdelay $0x1  }
0x110: {  	s22 =	sor.u32 $0x1C50, s2;
	[tilespmem:s28+$0x12400] =	vst v3  }
0x111: {  	v3 =	vld [tilespmem:s22+$0x2400];
	_ =	sdelay $0x4  }
0x112: {  	v3 =	vmul.f32 $3.200000000e+01, v3;
	_ =	sdelay $0x1  }
0x113: {  	s28 =	sor.u32 $0x1C60, s2;
	[tilespmem:s22+$0x12400] =	vst v3  }
0x114: {  	v3 =	vld [tilespmem:s28+$0x2400];
	_ =	sdelay $0x4  }
0x115: {  	v3 =	vmul.f32 $3.200000000e+01, v3;
	_ =	sdelay $0x1  }
0x116: {  	s2 =	sor.u32 $0x1C70, s2;
	[tilespmem:s28+$0x12400] =	vst v3  }
0x117: {  	v3 =	vld [tilespmem:s2+$0x2400];
	_ =	sdelay $0x1  }
0x118: {  	p1 =	sne.s32 s20, $0x780  }
.Ltmp2:
0x119: {  	_ = 	snop;
	(pc) =	sbr.rel @p1 .LBB2_3-.Ltmp2, $4  }
0x11a: {  	_ = 	snop  }
0x11b: {  	v3 =	vmul.f32 $3.200000000e+01, v3  }
0x11c: {  	s17 =	sadd.s32 $0x1, s17  }
0x11d: {  	s18 =	sadd.s32 $0x400, s18;
	s20 =	sadd.s32 $0x80, s20;
	s19 =	sadd.s32 $0x400, s19;
	[tilespmem:s2+$0x12400] =	vst v3  }
0x11e: {  	p1 =	sne.s32 s16, $0xF  }
.Ltmp3:
0x11f: {  	_ = 	snop;
	(pc) =	sbr.rel @p1 .LBB2_6-.Ltmp3, $4  }
0x120: {  	_ = 	snop  }
0x121: {  	s2 =	sshll.u32 s16, $0xD  }
0x122: {  	s2 =	sadd.s32 s2, s10  }
0x123: {  	[hbm4b:s2+s4] =	stream.linear.scatter [tilespmem:s24], [sflag:$0x5], $0x4000, $0x38;
	[tilespmem:$0x1A400] =	vst v63  }
.Ltmp4:
0x124: {  	(pc) =	sbr.rel .LBB2_7-.Ltmp4, $4  }
0x125: {  	_ = 	snop  }
0x126: {  	_ =	swait.ge [sflag:s25], $0x4000  }
0x127: {  	[sflag:s25] =	ssyncset.done $0x0  }
0x128: {  	[sflag:s25] =	ssyncadd.s32 $0xFFFFC000  }
.LBB2_6:
0x129: {  	s2 =	sshll.u32 s16, $0x9  }
0x12a: {  	s2 =	sand.u32 $0x3FFFFE00, s2  }
0x12b: {  	v3 =	vld [tilespmem:s2+$0x600];
	_ =	sdelay $0x4  }
0x12c: {  	v4 =	vshll.u32 v3, $0x3  }
0x12d: {  	v3 =	vand.u32 $0x7, v3;
	v4 =	vand.u32 $0xFFFFFFC0, v4  }
0x12e: {  	v3 =	vor.u32 v3, v4  }
0x12f: {  	v4 =	vperm.xlane v3, v0;
	_ =	sdelay $0x1  }
0x130: {  	v4 =	vadd.s32 v1, v4;
	_ =	sdelay $0x3  }
0x131: {  	s28 =	simm.s32 $0x2400  }
0x132: {  	[tilespmem:s28], [sflag:$0x1] =	stream.indirect_vreg.gather [hbm4b:s1+s4], $0x80, v4, vm0, $0xb8;
	[tilespmem:$0x1A400] =	vst v63  }
0x133: {  	s17 =	simm.s32 $0x2C00;
	v3 =	vperm.xlane v3, v2  }
0x134: {  	[tilespmem:s17], [sflag:$0x1] =	stream.indirect_vreg.gather [hbm4b:s7+s4], $0x80, v4, vm0, $0xb8;
	[tilespmem:$0x1A400] =	vst v63  }
0x135: {  	s18 =	simm.s32 $0x3400;
	v3 =	vadd.s32 v1, v3  }
0x136: {  	[tilespmem:s18], [sflag:$0x1] =	stream.indirect_vreg.gather [hbm4b:s8+s4], $0x80, v4, vm0, $0xb8;
	[tilespmem:$0x1A400] =	vst v63  }
0x137: {  	s19 =	simm.s32 $0x3C00  }
0x138: {  	[tilespmem:s19], [sflag:$0x1] =	stream.indirect_vreg.gather [hbm4b:s9+s4], $0x80, v4, vm0, $0xb8;
	[tilespmem:$0x1A400] =	vst v63  }
0x139: {  	s20 =	simm.s32 $0x4400  }
0x13a: {  	[tilespmem:s20], [sflag:$0x1] =	stream.indirect_vreg.gather [hbm4b:s1+s4], $0x80, v3, vm0, $0xb8;
	[tilespmem:$0x1A400] =	vst v63  }
0x13b: {  	s21 =	simm.s32 $0x4C00  }
0x13c: {  	[tilespmem:s21], [sflag:$0x1] =	stream.indirect_vreg.gather [hbm4b:s7+s4], $0x80, v3, vm0, $0xb8;
	[tilespmem:$0x1A400] =	vst v63  }
0x13d: {  	s22 =	simm.s32 $0x5400  }
0x13e: {  	[tilespmem:s22], [sflag:$0x1] =	stream.indirect_vreg.gather [hbm4b:s8+s4], $0x80, v3, vm0, $0xb8;
	[tilespmem:$0x1A400] =	vst v63  }
.Ltmp5:
0x13f: {  	s28 =	simm.s32 $0x5C00;
	(pc) =	sbr.rel @p0 .LBB2_8-.Ltmp5, $4  }
0x140: {  	[tilespmem:s28], [sflag:$0x1] =	stream.indirect_vreg.gather [hbm4b:s9+s4], $0x80, v3, vm0, $0xb8;
	[tilespmem:$0x1A400] =	vst v63  }
0x141: {  	_ =	swait.ge [sflag:s25], $0x4000  }
0x142: {  	[sflag:s25] =	ssyncset.done $0x0  }
0x143: {  	[sflag:s25] =	ssyncadd.s32 $0xFFFFC000  }
.LBB2_7:
0x144: {  	_ =	swait.ge [sflag:s26], $0x4000  }
0x145: {  	[sflag:s26] =	ssyncset.done $0x0  }
0x146: {  	[sflag:s26] =	ssyncadd.s32 $0xFFFFC000  }
.LBB2_8:
0x147: {  	s17 =	simm.s32 $0x0  }
0x148: {  	s18 =	simm.s32 $0xFFFFC000;
	s19 =	simm.s32 $0x0;
	s20 =	simm.s32 $0x0  }
.LBB2_9:
0x149: {  	s2 =	sadd.s32 $0x4000, s18  }
0x14a: {  	s21 =	sand.u32 $0x380, s20;
	s2 =	sand.u32 $0x2000, s2  }
0x14b: {  	s21 =	sor.u32 s21, s2  }
0x14c: {  	v3 =	vld [tilespmem:s21+$0x6400]  }
0x14d: {  	v4 =	vld [tilespmem:s21+$0x6410]  }
0x14e: {  	v6 =	vld [tilespmem:s21+$0x6430]  }
0x14f: {  	v5 =	vld [tilespmem:s21+$0x6420]  }
0x150: {  	v8 =	vld [tilespmem:s21+$0x6450]  }
0x151: {  	v7 =	vld [tilespmem:s21+$0x6440];
	v3 =	vmul.f32 $3.200000000e+01, v3  }
0x152: {  	v40 =	vld [tilespmem:s21+$0x6470];
	v4 =	vmul.f32 $3.200000000e+01, v4  }
0x153: {  	v9 =	vld [tilespmem:s21+$0x6460];
	v41 =	vmul.f32 $3.200000000e+01, v6;
	[tilespmem:s21+$0x16400] =	vst v3  }
0x154: {  	v43 =	vld [tilespmem:s21+$0x6810];
	v3 =	vmul.f32 $3.200000000e+01, v5;
	[tilespmem:s21+$0x16410] =	vst v4  }
0x155: {  	v42 =	vld [tilespmem:s21+$0x6800];
	v44 =	vmul.f32 $3.200000000e+01, v8;
	[tilespmem:s21+$0x16430] =	vst v41  }
0x156: {  	v46 =	vld [tilespmem:s21+$0x6830];
	[tilespmem:s21+$0x16420] =	vst v3;
	v3 =	vmul.f32 $3.200000000e+01, v7  }
0x157: {  	v45 =	vld [tilespmem:s21+$0x6820];
	v47 =	vmul.f32 $3.200000000e+01, v40;
	[tilespmem:s21+$0x16450] =	vst v44  }
0x158: {  	v49 =	vld [tilespmem:s21+$0x6850];
	[tilespmem:s21+$0x16440] =	vst v3;
	v3 =	vmul.f32 $3.200000000e+01, v9  }
0x159: {  	v48 =	vld [tilespmem:s21+$0x6840];
	v50 =	vmul.f32 $3.200000000e+01, v43;
	[tilespmem:s21+$0x16470] =	vst v47  }
0x15a: {  	v52 =	vld [tilespmem:s21+$0x6870];
	[tilespmem:s21+$0x16460] =	vst v3;
	v3 =	vmul.f32 $3.200000000e+01, v42  }
0x15b: {  	v51 =	vld [tilespmem:s21+$0x6860];
	v53 =	vmul.f32 $3.200000000e+01, v46;
	[tilespmem:s21+$0x16810] =	vst v50  }
0x15c: {  	v55 =	vld [tilespmem:s21+$0x6C10];
	[tilespmem:s21+$0x16800] =	vst v3;
	v3 =	vmul.f32 $3.200000000e+01, v45  }
0x15d: {  	v54 =	vld [tilespmem:s21+$0x6C00];
	v56 =	vmul.f32 $3.200000000e+01, v49;
	[tilespmem:s21+$0x16830] =	vst v53  }
0x15e: {  	v58 =	vld [tilespmem:s21+$0x6C30];
	[tilespmem:s21+$0x16820] =	vst v3;
	v3 =	vmul.f32 $3.200000000e+01, v48  }
0x15f: {  	v57 =	vld [tilespmem:s21+$0x6C20];
	v59 =	vmul.f32 $3.200000000e+01, v52;
	[tilespmem:s21+$0x16850] =	vst v56  }
0x160: {  	v61 =	vld [tilespmem:s21+$0x6C50];
	[tilespmem:s21+$0x16840] =	vst v3;
	v3 =	vmul.f32 $3.200000000e+01, v51  }
0x161: {  	v60 =	vld [tilespmem:s21+$0x6C40];
	v62 =	vmul.f32 $3.200000000e+01, v55;
	[tilespmem:s21+$0x16870] =	vst v59  }
0x162: {  	v12 =	vld [tilespmem:s21+$0x6C70];
	[tilespmem:s21+$0x16860] =	vst v3;
	v3 =	vmul.f32 $3.200000000e+01, v54  }
0x163: {  	v63 =	vld [tilespmem:s21+$0x6C60];
	v13 =	vmul.f32 $3.200000000e+01, v58;
	[tilespmem:s21+$0x16C10] =	vst v62  }
0x164: {  	v15 =	vld [tilespmem:s21+$0x7010];
	[tilespmem:s21+$0x16C00] =	vst v3;
	v3 =	vmul.f32 $3.200000000e+01, v57  }
0x165: {  	v14 =	vld [tilespmem:s21+$0x7000];
	v16 =	vmul.f32 $3.200000000e+01, v61;
	[tilespmem:s21+$0x16C30] =	vst v13  }
0x166: {  	v18 =	vld [tilespmem:s21+$0x7030];
	[tilespmem:s21+$0x16C20] =	vst v3;
	v3 =	vmul.f32 $3.200000000e+01, v60  }
0x167: {  	v17 =	vld [tilespmem:s21+$0x7020];
	v19 =	vmul.f32 $3.200000000e+01, v12;
	[tilespmem:s21+$0x16C50] =	vst v16  }
0x168: {  	v21 =	vld [tilespmem:s21+$0x7050];
	[tilespmem:s21+$0x16C40] =	vst v3;
	v3 =	vmul.f32 $3.200000000e+01, v63  }
0x169: {  	v20 =	vld [tilespmem:s21+$0x7040];
	v22 =	vmul.f32 $3.200000000e+01, v15;
	[tilespmem:s21+$0x16C70] =	vst v19  }
0x16a: {  	v24 =	vld [tilespmem:s21+$0x7070];
	[tilespmem:s21+$0x16C60] =	vst v3;
	v3 =	vmul.f32 $3.200000000e+01, v14  }
0x16b: {  	v23 =	vld [tilespmem:s21+$0x7060];
	v25 =	vmul.f32 $3.200000000e+01, v18;
	[tilespmem:s21+$0x17010] =	vst v22  }
0x16c: {  	v27 =	vld [tilespmem:s21+$0x7410];
	[tilespmem:s21+$0x17000] =	vst v3;
	v3 =	vmul.f32 $3.200000000e+01, v17  }
0x16d: {  	v26 =	vld [tilespmem:s21+$0x7400];
	v28 =	vmul.f32 $3.200000000e+01, v21;
	[tilespmem:s21+$0x17030] =	vst v25  }
0x16e: {  	v30 =	vld [tilespmem:s21+$0x7430];
	[tilespmem:s21+$0x17020] =	vst v3;
	v3 =	vmul.f32 $3.200000000e+01, v20  }
0x16f: {  	v29 =	vld [tilespmem:s21+$0x7420];
	v31 =	vmul.f32 $3.200000000e+01, v24;
	[tilespmem:s21+$0x17050] =	vst v28  }
0x170: {  	v33 =	vld [tilespmem:s21+$0x7450];
	[tilespmem:s21+$0x17040] =	vst v3;
	v3 =	vmul.f32 $3.200000000e+01, v23  }
0x171: {  	v32 =	vld [tilespmem:s21+$0x7440];
	v34 =	vmul.f32 $3.200000000e+01, v27;
	[tilespmem:s21+$0x17070] =	vst v31  }
0x172: {  	v36 =	vld [tilespmem:s21+$0x7470];
	[tilespmem:s21+$0x17060] =	vst v3;
	v3 =	vmul.f32 $3.200000000e+01, v26  }
0x173: {  	v35 =	vld [tilespmem:s21+$0x7460];
	v37 =	vmul.f32 $3.200000000e+01, v30;
	[tilespmem:s21+$0x17410] =	vst v34  }
0x174: {  	v39 =	vld [tilespmem:s21+$0x7810];
	[tilespmem:s21+$0x17400] =	vst v3;
	v3 =	vmul.f32 $3.200000000e+01, v29  }
0x175: {  	v38 =	vld [tilespmem:s21+$0x7800];
	v40 =	vmul.f32 $3.200000000e+01, v33;
	[tilespmem:s21+$0x17430] =	vst v37  }
0x176: {  	v42 =	vld [tilespmem:s21+$0x7830];
	[tilespmem:s21+$0x17420] =	vst v3;
	v3 =	vmul.f32 $3.200000000e+01, v32  }
0x177: {  	v43 =	vmul.f32 $3.200000000e+01, v36;
	v41 =	vld [tilespmem:s21+$0x7820];
	[tilespmem:s21+$0x17450] =	vst v40  }
0x178: {  	v45 =	vld [tilespmem:s21+$0x7850];
	[tilespmem:s21+$0x17440] =	vst v3;
	v3 =	vmul.f32 $3.200000000e+01, v35  }
0x179: {  	v46 =	vmul.f32 $3.200000000e+01, v39;
	v44 =	vld [tilespmem:s21+$0x7840];
	[tilespmem:s21+$0x17470] =	vst v43  }
0x17a: {  	v48 =	vld [tilespmem:s21+$0x7870];
	[tilespmem:s21+$0x17460] =	vst v3;
	v3 =	vmul.f32 $3.200000000e+01, v38  }
0x17b: {  	v47 =	vld [tilespmem:s21+$0x7860];
	[tilespmem:s21+$0x17810] =	vst v46;
	v49 =	vmul.f32 $3.200000000e+01, v42  }
0x17c: {  	v51 =	vld [tilespmem:s21+$0x7C10];
	[tilespmem:s21+$0x17800] =	vst v3;
	v3 =	vmul.f32 $3.200000000e+01, v41  }
0x17d: {  	v50 =	vld [tilespmem:s21+$0x7C00];
	[tilespmem:s21+$0x17830] =	vst v49;
	v52 =	vmul.f32 $3.200000000e+01, v45  }
0x17e: {  	v54 =	vld [tilespmem:s21+$0x7C30];
	[tilespmem:s21+$0x17820] =	vst v3;
	v3 =	vmul.f32 $3.200000000e+01, v44  }
0x17f: {  	v53 =	vld [tilespmem:s21+$0x7C20];
	[tilespmem:s21+$0x17850] =	vst v52;
	v55 =	vmul.f32 $3.200000000e+01, v48  }
0x180: {  	v57 =	vld [tilespmem:s21+$0x7C50];
	[tilespmem:s21+$0x17840] =	vst v3;
	v3 =	vmul.f32 $3.200000000e+01, v47  }
0x181: {  	v56 =	vld [tilespmem:s21+$0x7C40];
	[tilespmem:s21+$0x17870] =	vst v55;
	v58 =	vmul.f32 $3.200000000e+01, v51  }
0x182: {  	v60 =	vld [tilespmem:s21+$0x7C70];
	[tilespmem:s21+$0x17860] =	vst v3;
	v3 =	vmul.f32 $3.200000000e+01, v50  }
0x183: {  	v59 =	vld [tilespmem:s21+$0x7C60];
	[tilespmem:s21+$0x17C10] =	vst v58;
	v61 =	vmul.f32 $3.200000000e+01, v54  }
0x184: {  	[tilespmem:s21+$0x17C00] =	vst v3;
	v3 =	vmul.f32 $3.200000000e+01, v53  }
0x185: {  	[tilespmem:s21+$0x17C30] =	vst v61;
	v62 =	vmul.f32 $3.200000000e+01, v57  }
0x186: {  	[tilespmem:s21+$0x17C20] =	vst v3;
	v3 =	vmul.f32 $3.200000000e+01, v56  }
0x187: {  	s22 =	sand.u32 $0x7, s17;
	[tilespmem:s21+$0x17C50] =	vst v62;
	v63 =	vmul.f32 $3.200000000e+01, v60  }
0x188: {  	s2 =	sshll.u32 s22, $0x7;
	[tilespmem:s21+$0x17C40] =	vst v3;
	v3 =	vmul.f32 $3.200000000e+01, v59  }
0x189: {  	s2 =	sadd.s32 s2, s19;
	[tilespmem:s21+$0x17C70] =	vst v63  }
0x18a: {  	s28 =	sor.u32 $0x1C00, s2;
	[tilespmem:s21+$0x17C60] =	vst v3  }
0x18b: {  	v3 =	vld [tilespmem:s28+$0x6400];
	_ =	sdelay $0x4  }
0x18c: {  	v3 =	vmul.f32 $3.200000000e+01, v3;
	_ =	sdelay $0x1  }
0x18d: {  	s22 =	sor.u32 $0x1C10, s2;
	[tilespmem:s28+$0x16400] =	vst v3  }
0x18e: {  	v3 =	vld [tilespmem:s22+$0x6400];
	_ =	sdelay $0x4  }
0x18f: {  	v3 =	vmul.f32 $3.200000000e+01, v3;
	_ =	sdelay $0x1  }
0x190: {  	s28 =	sor.u32 $0x1C20, s2;
	[tilespmem:s22+$0x16400] =	vst v3  }
0x191: {  	v3 =	vld [tilespmem:s28+$0x6400];
	_ =	sdelay $0x4  }
0x192: {  	v3 =	vmul.f32 $3.200000000e+01, v3;
	_ =	sdelay $0x1  }
0x193: {  	s22 =	sor.u32 $0x1C30, s2;
	[tilespmem:s28+$0x16400] =	vst v3  }
0x194: {  	v3 =	vld [tilespmem:s22+$0x6400];
	_ =	sdelay $0x4  }
0x195: {  	v3 =	vmul.f32 $3.200000000e+01, v3;
	_ =	sdelay $0x1  }
0x196: {  	s28 =	sor.u32 $0x1C40, s2;
	[tilespmem:s22+$0x16400] =	vst v3  }
0x197: {  	v3 =	vld [tilespmem:s28+$0x6400];
	_ =	sdelay $0x4  }
0x198: {  	v3 =	vmul.f32 $3.200000000e+01, v3;
	_ =	sdelay $0x1  }
0x199: {  	s22 =	sor.u32 $0x1C50, s2;
	[tilespmem:s28+$0x16400] =	vst v3  }
0x19a: {  	v3 =	vld [tilespmem:s22+$0x6400];
	_ =	sdelay $0x4  }
0x19b: {  	v3 =	vmul.f32 $3.200000000e+01, v3;
	_ =	sdelay $0x1  }
0x19c: {  	s28 =	sor.u32 $0x1C60, s2;
	[tilespmem:s22+$0x16400] =	vst v3  }
0x19d: {  	v3 =	vld [tilespmem:s28+$0x6400];
	_ =	sdelay $0x4  }
0x19e: {  	v3 =	vmul.f32 $3.200000000e+01, v3;
	_ =	sdelay $0x1  }
0x19f: {  	s2 =	sor.u32 $0x1C70, s2;
	[tilespmem:s28+$0x16400] =	vst v3  }
0x1a0: {  	v3 =	vld [tilespmem:s2+$0x6400];
	_ =	sdelay $0x1  }
0x1a1: {  	p0 =	sne.s32 s20, $0x780  }
.Ltmp6:
0x1a2: {  	_ = 	snop;
	(pc) =	sbr.rel @p0 .LBB2_9-.Ltmp6, $4  }
0x1a3: {  	_ = 	snop  }
0x1a4: {  	v3 =	vmul.f32 $3.200000000e+01, v3  }
0x1a5: {  	s17 =	sadd.s32 $0x1, s17  }
0x1a6: {  	s18 =	sadd.s32 $0x400, s18;
	s20 =	sadd.s32 $0x80, s20;
	s19 =	sadd.s32 $0x400, s19;
	[tilespmem:s2+$0x16400] =	vst v3  }
0x1a7: {  	s2 =	sshll.u32 s16, $0x6  }
0x1a8: {  	s2 =	sadd.s32 s2, s5  }
0x1a9: {  	s17 =	rddreg [dreg:$0x2];
	s2 =	sshll.u32 s2, $0x7  }
0x1aa: {  	s17 =	sadd.s32 s17, s2  }
0x1ab: {  	p0 =	seq.s32 s16, $0xF;
	s2 =	sadd.s32 $0x800, s17  }
0x1ac: {  	[hbm4b:s2+s4] =	stream.linear.scatter [tilespmem:s6], [sflag:$0x6], $0x4000, $0x38;
	[tilespmem:$0x1A400] =	vst v63  }
0x1ad: {  	s2 =	sshll.u32 @!p0 s16, $0x9  }
0x1ae: {  	s18 =	sand.u32 @!p0 $0x3FFFFE00, s2  }
0x1af: {  	v3 =	vld @!p0 [tilespmem:s18+$0x680];
	_ =	sdelay $0x4  }
0x1b0: {  	v4 =	vshll.u32 @!p0 v3, $0x3  }
0x1b1: {  	v5 =	vlaneseq.u32 @!p0;
	v3 =	vand.u32 @!p0 $0x7, v3;
	v4 =	vand.u32 @!p0 $0xFFFFFFC0, v4  }
0x1b2: {  	v6 =	vshrl.u32 @!p0 v5, $0x3;
	v3 =	vor.u32 @!p0 v3, v4;
	v4 =	vand.u32 @!p0 $0x7, v5  }
0x1b3: {  	v6 =	vmul.u32 @!p0 $0x8, v6;
	v4 =	vperm.xlane @!p0 v3, v4;
	_ =	sdelay $0x1  }
0x1b4: {  	v4 =	vadd.s32 @!p0 v6, v4;
	_ =	sdelay $0x3  }
0x1b5: {  	vm1 =	vmmov @!p0 $0xffff;
	s19 =	simm.s32 @!p0 $0x6400;
	s2 =	simm.s32 @!p0 $0x0  }
0x1b6: {  	v5 =	vor.u32 @!p0 $0x8, v5;
	[tilespmem:s19], [sflag:$0x2] =	stream.indirect_vreg.gather @!p0 [hbm4b:s1+s2], $0x80, v4, vm1, $0xb8;
	[tilespmem:$0x1A400] =	vst v63  }
0x1b7: {  	v3 =	vperm.xlane @!p0 v3, v5;
	s19 =	simm.s32 @!p0 $0x6C00  }
0x1b8: {  	[tilespmem:s19], [sflag:$0x2] =	stream.indirect_vreg.gather @!p0 [hbm4b:s7+s2], $0x80, v4, vm1, $0xb8;
	[tilespmem:$0x1A400] =	vst v63  }
0x1b9: {  	v3 =	vadd.s32 @!p0 v6, v3;
	s19 =	simm.s32 @!p0 $0x7400  }
0x1ba: {  	[tilespmem:s19], [sflag:$0x2] =	stream.indirect_vreg.gather @!p0 [hbm4b:s8+s2], $0x80, v4, vm1, $0xb8;
	[tilespmem:$0x1A400] =	vst v63  }
0x1bb: {  	s19 =	simm.s32 @!p0 $0x7C00  }
0x1bc: {  	[tilespmem:s19], [sflag:$0x2] =	stream.indirect_vreg.gather @!p0 [hbm4b:s9+s2], $0x80, v4, vm1, $0xb8;
	[tilespmem:$0x1A400] =	vst v63  }
0x1bd: {  	s19 =	simm.s32 @!p0 $0x8400  }
0x1be: {  	[tilespmem:s19], [sflag:$0x2] =	stream.indirect_vreg.gather @!p0 [hbm4b:s1+s2], $0x80, v3, vm1, $0xb8;
	[tilespmem:$0x1A400] =	vst v63  }
0x1bf: {  	s19 =	simm.s32 @!p0 $0x8C00  }
0x1c0: {  	[tilespmem:s19], [sflag:$0x2] =	stream.indirect_vreg.gather @!p0 [hbm4b:s7+s2], $0x80, v3, vm1, $0xb8;
	[tilespmem:$0x1A400] =	vst v63  }
0x1c1: {  	s19 =	simm.s32 @!p0 $0x9400  }
0x1c2: {  	[tilespmem:s19], [sflag:$0x2] =	stream.indirect_vreg.gather @!p0 [hbm4b:s8+s2], $0x80, v3, vm1, $0xb8;
	[tilespmem:$0x1A400] =	vst v63  }
0x1c3: {  	s19 =	simm.s32 @!p0 $0x9C00  }
0x1c4: {  	[tilespmem:s19], [sflag:$0x2] =	stream.indirect_vreg.gather @!p0 [hbm4b:s9+s2], $0x80, v3, vm1, $0xb8;
	[tilespmem:$0x1A400] =	vst v63  }
0x1c5: {  	_ =	swait.ge [sflag:s11], $0x4000  }
0x1c6: {  	[sflag:s11] =	ssyncset.done $0x0  }
0x1c7: {  	[sflag:s11] =	ssyncadd.s32 $0xFFFFC000  }
0x1c8: {  	_ =	swait.ge [sflag:s14], $0x4000  }
0x1c9: {  	s20 =	simm.s32 $0xFFFFC000;
	s21 =	simm.s32 $0x0;
	[sflag:s14] =	ssyncset.done $0x0  }
0x1ca: {  	s22 =	simm.s32 $0x0;
	s19 =	simm.s32 $0x0;
	[sflag:s14] =	ssyncadd.s32 $0xFFFFC000  }
.LBB2_11:
0x1cb: {  	s2 =	sadd.s32 $0x4000, s20  }
0x1cc: {  	s28 =	sand.u32 $0x380, s22;
	s2 =	sand.u32 $0x2000, s2  }
0x1cd: {  	s2 =	sor.u32 s28, s2  }
0x1ce: {  	v3 =	vld [tilespmem:s2+$0xA400]  }
0x1cf: {  	v4 =	vld [tilespmem:s2+$0xA410]  }
0x1d0: {  	v6 =	vld [tilespmem:s2+$0xA430]  }
0x1d1: {  	v5 =	vld [tilespmem:s2+$0xA420]  }
0x1d2: {  	v8 =	vld [tilespmem:s2+$0xA450]  }
0x1d3: {  	v7 =	vld [tilespmem:s2+$0xA440];
	v3 =	vmul.f32 $3.200000000e+01, v3  }
0x1d4: {  	v40 =	vld [tilespmem:s2+$0xA470];
	v4 =	vmul.f32 $3.200000000e+01, v4  }
0x1d5: {  	v9 =	vld [tilespmem:s2+$0xA460];
	v41 =	vmul.f32 $3.200000000e+01, v6;
	[tilespmem:s2+$0x12400] =	vst v3  }
0x1d6: {  	v43 =	vld [tilespmem:s2+$0xA810];
	v3 =	vmul.f32 $3.200000000e+01, v5;
	[tilespmem:s2+$0x12410] =	vst v4  }
0x1d7: {  	v42 =	vld [tilespmem:s2+$0xA800];
	v44 =	vmul.f32 $3.200000000e+01, v8;
	[tilespmem:s2+$0x12430] =	vst v41  }
0x1d8: {  	v46 =	vld [tilespmem:s2+$0xA830];
	[tilespmem:s2+$0x12420] =	vst v3;
	v3 =	vmul.f32 $3.200000000e+01, v7  }
0x1d9: {  	v45 =	vld [tilespmem:s2+$0xA820];
	v47 =	vmul.f32 $3.200000000e+01, v40;
	[tilespmem:s2+$0x12450] =	vst v44  }
0x1da: {  	v49 =	vld [tilespmem:s2+$0xA850];
	[tilespmem:s2+$0x12440] =	vst v3;
	v3 =	vmul.f32 $3.200000000e+01, v9  }
0x1db: {  	v48 =	vld [tilespmem:s2+$0xA840];
	v50 =	vmul.f32 $3.200000000e+01, v43;
	[tilespmem:s2+$0x12470] =	vst v47  }
0x1dc: {  	v52 =	vld [tilespmem:s2+$0xA870];
	[tilespmem:s2+$0x12460] =	vst v3;
	v3 =	vmul.f32 $3.200000000e+01, v42  }
0x1dd: {  	v51 =	vld [tilespmem:s2+$0xA860];
	v53 =	vmul.f32 $3.200000000e+01, v46;
	[tilespmem:s2+$0x12810] =	vst v50  }
0x1de: {  	v55 =	vld [tilespmem:s2+$0xAC10];
	[tilespmem:s2+$0x12800] =	vst v3;
	v3 =	vmul.f32 $3.200000000e+01, v45  }
0x1df: {  	v54 =	vld [tilespmem:s2+$0xAC00];
	v56 =	vmul.f32 $3.200000000e+01, v49;
	[tilespmem:s2+$0x12830] =	vst v53  }
0x1e0: {  	v58 =	vld [tilespmem:s2+$0xAC30];
	[tilespmem:s2+$0x12820] =	vst v3;
	v3 =	vmul.f32 $3.200000000e+01, v48  }
0x1e1: {  	v57 =	vld [tilespmem:s2+$0xAC20];
	v59 =	vmul.f32 $3.200000000e+01, v52;
	[tilespmem:s2+$0x12850] =	vst v56  }
0x1e2: {  	v61 =	vld [tilespmem:s2+$0xAC50];
	[tilespmem:s2+$0x12840] =	vst v3;
	v3 =	vmul.f32 $3.200000000e+01, v51  }
0x1e3: {  	v60 =	vld [tilespmem:s2+$0xAC40];
	v62 =	vmul.f32 $3.200000000e+01, v55;
	[tilespmem:s2+$0x12870] =	vst v59  }
0x1e4: {  	v12 =	vld [tilespmem:s2+$0xAC70];
	[tilespmem:s2+$0x12860] =	vst v3;
	v3 =	vmul.f32 $3.200000000e+01, v54  }
0x1e5: {  	v63 =	vld [tilespmem:s2+$0xAC60];
	v13 =	vmul.f32 $3.200000000e+01, v58;
	[tilespmem:s2+$0x12C10] =	vst v62  }
0x1e6: {  	v15 =	vld [tilespmem:s2+$0xB010];
	[tilespmem:s2+$0x12C00] =	vst v3;
	v3 =	vmul.f32 $3.200000000e+01, v57  }
0x1e7: {  	v14 =	vld [tilespmem:s2+$0xB000];
	v16 =	vmul.f32 $3.200000000e+01, v61;
	[tilespmem:s2+$0x12C30] =	vst v13  }
0x1e8: {  	v18 =	vld [tilespmem:s2+$0xB030];
	[tilespmem:s2+$0x12C20] =	vst v3;
	v3 =	vmul.f32 $3.200000000e+01, v60  }
0x1e9: {  	v17 =	vld [tilespmem:s2+$0xB020];
	v19 =	vmul.f32 $3.200000000e+01, v12;
	[tilespmem:s2+$0x12C50] =	vst v16  }
0x1ea: {  	v21 =	vld [tilespmem:s2+$0xB050];
	[tilespmem:s2+$0x12C40] =	vst v3;
	v3 =	vmul.f32 $3.200000000e+01, v63  }
0x1eb: {  	v20 =	vld [tilespmem:s2+$0xB040];
	v22 =	vmul.f32 $3.200000000e+01, v15;
	[tilespmem:s2+$0x12C70] =	vst v19  }
0x1ec: {  	v24 =	vld [tilespmem:s2+$0xB070];
	[tilespmem:s2+$0x12C60] =	vst v3;
	v3 =	vmul.f32 $3.200000000e+01, v14  }
0x1ed: {  	v23 =	vld [tilespmem:s2+$0xB060];
	v25 =	vmul.f32 $3.200000000e+01, v18;
	[tilespmem:s2+$0x13010] =	vst v22  }
0x1ee: {  	v27 =	vld [tilespmem:s2+$0xB410];
	[tilespmem:s2+$0x13000] =	vst v3;
	v3 =	vmul.f32 $3.200000000e+01, v17  }
0x1ef: {  	v26 =	vld [tilespmem:s2+$0xB400];
	v28 =	vmul.f32 $3.200000000e+01, v21;
	[tilespmem:s2+$0x13030] =	vst v25  }
0x1f0: {  	v30 =	vld [tilespmem:s2+$0xB430];
	[tilespmem:s2+$0x13020] =	vst v3;
	v3 =	vmul.f32 $3.200000000e+01, v20  }
0x1f1: {  	v29 =	vld [tilespmem:s2+$0xB420];
	v31 =	vmul.f32 $3.200000000e+01, v24;
	[tilespmem:s2+$0x13050] =	vst v28  }
0x1f2: {  	v33 =	vld [tilespmem:s2+$0xB450];
	[tilespmem:s2+$0x13040] =	vst v3;
	v3 =	vmul.f32 $3.200000000e+01, v23  }
0x1f3: {  	v32 =	vld [tilespmem:s2+$0xB440];
	v34 =	vmul.f32 $3.200000000e+01, v27;
	[tilespmem:s2+$0x13070] =	vst v31  }
0x1f4: {  	v36 =	vld [tilespmem:s2+$0xB470];
	[tilespmem:s2+$0x13060] =	vst v3;
	v3 =	vmul.f32 $3.200000000e+01, v26  }
0x1f5: {  	v35 =	vld [tilespmem:s2+$0xB460];
	v37 =	vmul.f32 $3.200000000e+01, v30;
	[tilespmem:s2+$0x13410] =	vst v34  }
0x1f6: {  	v39 =	vld [tilespmem:s2+$0xB810];
	[tilespmem:s2+$0x13400] =	vst v3;
	v3 =	vmul.f32 $3.200000000e+01, v29  }
0x1f7: {  	v38 =	vld [tilespmem:s2+$0xB800];
	v40 =	vmul.f32 $3.200000000e+01, v33;
	[tilespmem:s2+$0x13430] =	vst v37  }
0x1f8: {  	v42 =	vld [tilespmem:s2+$0xB830];
	[tilespmem:s2+$0x13420] =	vst v3;
	v3 =	vmul.f32 $3.200000000e+01, v32  }
0x1f9: {  	v43 =	vmul.f32 $3.200000000e+01, v36;
	v41 =	vld [tilespmem:s2+$0xB820];
	[tilespmem:s2+$0x13450] =	vst v40  }
0x1fa: {  	v45 =	vld [tilespmem:s2+$0xB850];
	[tilespmem:s2+$0x13440] =	vst v3;
	v3 =	vmul.f32 $3.200000000e+01, v35  }
0x1fb: {  	v46 =	vmul.f32 $3.200000000e+01, v39;
	v44 =	vld [tilespmem:s2+$0xB840];
	[tilespmem:s2+$0x13470] =	vst v43  }
0x1fc: {  	v48 =	vld [tilespmem:s2+$0xB870];
	[tilespmem:s2+$0x13460] =	vst v3;
	v3 =	vmul.f32 $3.200000000e+01, v38  }
0x1fd: {  	v47 =	vld [tilespmem:s2+$0xB860];
	[tilespmem:s2+$0x13810] =	vst v46;
	v49 =	vmul.f32 $3.200000000e+01, v42  }
0x1fe: {  	v51 =	vld [tilespmem:s2+$0xBC10];
	[tilespmem:s2+$0x13800] =	vst v3;
	v3 =	vmul.f32 $3.200000000e+01, v41  }
0x1ff: {  	v50 =	vld [tilespmem:s2+$0xBC00];
	[tilespmem:s2+$0x13830] =	vst v49;
	v52 =	vmul.f32 $3.200000000e+01, v45  }
0x200: {  	v54 =	vld [tilespmem:s2+$0xBC30];
	[tilespmem:s2+$0x13820] =	vst v3;
	v3 =	vmul.f32 $3.200000000e+01, v44  }
0x201: {  	v53 =	vld [tilespmem:s2+$0xBC20];
	[tilespmem:s2+$0x13850] =	vst v52;
	v55 =	vmul.f32 $3.200000000e+01, v48  }
0x202: {  	v57 =	vld [tilespmem:s2+$0xBC50];
	[tilespmem:s2+$0x13840] =	vst v3;
	v3 =	vmul.f32 $3.200000000e+01, v47  }
0x203: {  	v56 =	vld [tilespmem:s2+$0xBC40];
	[tilespmem:s2+$0x13870] =	vst v55;
	v58 =	vmul.f32 $3.200000000e+01, v51  }
0x204: {  	v60 =	vld [tilespmem:s2+$0xBC70];
	[tilespmem:s2+$0x13860] =	vst v3;
	v3 =	vmul.f32 $3.200000000e+01, v50  }
0x205: {  	v59 =	vld [tilespmem:s2+$0xBC60];
	[tilespmem:s2+$0x13C10] =	vst v58;
	v61 =	vmul.f32 $3.200000000e+01, v54  }
0x206: {  	[tilespmem:s2+$0x13C00] =	vst v3;
	v3 =	vmul.f32 $3.200000000e+01, v53  }
0x207: {  	[tilespmem:s2+$0x13C30] =	vst v61;
	v62 =	vmul.f32 $3.200000000e+01, v57  }
0x208: {  	[tilespmem:s2+$0x13C20] =	vst v3;
	v3 =	vmul.f32 $3.200000000e+01, v56  }
0x209: {  	s28 =	sand.u32 $0x7, s19;
	[tilespmem:s2+$0x13C50] =	vst v62;
	v63 =	vmul.f32 $3.200000000e+01, v60  }
0x20a: {  	s28 =	sshll.u32 s28, $0x7;
	[tilespmem:s2+$0x13C40] =	vst v3;
	v3 =	vmul.f32 $3.200000000e+01, v59  }
0x20b: {  	s28 =	sadd.s32 s28, s21;
	[tilespmem:s2+$0x13C70] =	vst v63  }
0x20c: {  	[tilespmem:s2+$0x13C60] =	vst v3;
	s2 =	sor.u32 $0x1C00, s28  }
0x20d: {  	v3 =	vld [tilespmem:s2+$0xA400];
	_ =	sdelay $0x4  }
0x20e: {  	v3 =	vmul.f32 $3.200000000e+01, v3;
	_ =	sdelay $0x1  }
0x20f: {  	[tilespmem:s2+$0x12400] =	vst v3;
	s2 =	sor.u32 $0x1C10, s28  }
0x210: {  	v3 =	vld [tilespmem:s2+$0xA400];
	_ =	sdelay $0x4  }
0x211: {  	v3 =	vmul.f32 $3.200000000e+01, v3;
	_ =	sdelay $0x1  }
0x212: {  	[tilespmem:s2+$0x12400] =	vst v3;
	s2 =	sor.u32 $0x1C20, s28  }
0x213: {  	v3 =	vld [tilespmem:s2+$0xA400];
	_ =	sdelay $0x4  }
0x214: {  	v3 =	vmul.f32 $3.200000000e+01, v3;
	_ =	sdelay $0x1  }
0x215: {  	[tilespmem:s2+$0x12400] =	vst v3;
	s2 =	sor.u32 $0x1C30, s28  }
0x216: {  	v3 =	vld [tilespmem:s2+$0xA400];
	_ =	sdelay $0x4  }
0x217: {  	v3 =	vmul.f32 $3.200000000e+01, v3;
	_ =	sdelay $0x1  }
0x218: {  	[tilespmem:s2+$0x12400] =	vst v3;
	s2 =	sor.u32 $0x1C40, s28  }
0x219: {  	v3 =	vld [tilespmem:s2+$0xA400];
	_ =	sdelay $0x4  }
0x21a: {  	v3 =	vmul.f32 $3.200000000e+01, v3;
	_ =	sdelay $0x1  }
0x21b: {  	[tilespmem:s2+$0x12400] =	vst v3;
	s2 =	sor.u32 $0x1C50, s28  }
0x21c: {  	v3 =	vld [tilespmem:s2+$0xA400];
	_ =	sdelay $0x4  }
0x21d: {  	v3 =	vmul.f32 $3.200000000e+01, v3;
	_ =	sdelay $0x1  }
0x21e: {  	[tilespmem:s2+$0x12400] =	vst v3;
	s2 =	sor.u32 $0x1C60, s28  }
0x21f: {  	v3 =	vld [tilespmem:s2+$0xA400];
	_ =	sdelay $0x4  }
0x220: {  	v3 =	vmul.f32 $3.200000000e+01, v3;
	_ =	sdelay $0x1  }
0x221: {  	s28 =	sor.u32 $0x1C70, s28;
	[tilespmem:s2+$0x12400] =	vst v3  }
0x222: {  	v3 =	vld [tilespmem:s28+$0xA400];
	_ =	sdelay $0x1  }
0x223: {  	p1 =	sne.s32 s22, $0x780  }
.Ltmp7:
0x224: {  	_ = 	snop;
	(pc) =	sbr.rel @p1 .LBB2_11-.Ltmp7, $4  }
0x225: {  	_ = 	snop  }
0x226: {  	v3 =	vmul.f32 $3.200000000e+01, v3  }
0x227: {  	s20 =	sadd.s32 $0x400, s20  }
0x228: {  	s22 =	sadd.s32 $0x80, s22;
	s19 =	sadd.s32 $0x1, s19;
	s21 =	sadd.s32 $0x400, s21;
	[tilespmem:s28+$0x12400] =	vst v3  }
0x229: {  	s2 =	sadd.s32 $0x1000, s17  }
0x22a: {  	[hbm4b:s2+s4] =	stream.linear.scatter [tilespmem:s24], [sflag:$0x5], $0x4000, $0x38;
	[tilespmem:$0x1A400] =	vst v63  }
0x22b: {  	v3 =	vld @!p0 [tilespmem:s18+$0x700];
	_ =	sdelay $0x4  }
0x22c: {  	v4 =	vshll.u32 @!p0 v3, $0x3  }
0x22d: {  	v5 =	vlaneseq.u32 @!p0;
	v3 =	vand.u32 @!p0 $0x7, v3;
	v4 =	vand.u32 @!p0 $0xFFFFFFC0, v4  }
0x22e: {  	v6 =	vshrl.u32 @!p0 v5, $0x3;
	v3 =	vor.u32 @!p0 v3, v4;
	v4 =	vand.u32 @!p0 $0x7, v5  }
0x22f: {  	v6 =	vmul.u32 @!p0 $0x8, v6;
	v4 =	vperm.xlane @!p0 v3, v4;
	_ =	sdelay $0x1  }
0x230: {  	v4 =	vadd.s32 @!p0 v6, v4;
	_ =	sdelay $0x3  }
0x231: {  	s2 =	simm.s32 @!p0 $0x0;
	s18 =	simm.s32 @!p0 $0xA400  }
0x232: {  	v5 =	vor.u32 @!p0 $0x8, v5;
	[tilespmem:s18], [sflag:$0x3] =	stream.indirect_vreg.gather @!p0 [hbm4b:s1+s2], $0x80, v4, vm1, $0xb8;
	[tilespmem:$0x1A400] =	vst v63  }
0x233: {  	v3 =	vperm.xlane @!p0 v3, v5;
	s18 =	simm.s32 @!p0 $0xAC00  }
0x234: {  	[tilespmem:s18], [sflag:$0x3] =	stream.indirect_vreg.gather @!p0 [hbm4b:s7+s2], $0x80, v4, vm1, $0xb8;
	[tilespmem:$0x1A400] =	vst v63  }
0x235: {  	v3 =	vadd.s32 @!p0 v6, v3;
	s18 =	simm.s32 @!p0 $0xB400  }
0x236: {  	[tilespmem:s18], [sflag:$0x3] =	stream.indirect_vreg.gather @!p0 [hbm4b:s8+s2], $0x80, v4, vm1, $0xb8;
	[tilespmem:$0x1A400] =	vst v63  }
0x237: {  	s18 =	simm.s32 @!p0 $0xBC00  }
0x238: {  	[tilespmem:s18], [sflag:$0x3] =	stream.indirect_vreg.gather @!p0 [hbm4b:s9+s2], $0x80, v4, vm1, $0xb8;
	[tilespmem:$0x1A400] =	vst v63  }
0x239: {  	s18 =	simm.s32 @!p0 $0xC400  }
0x23a: {  	[tilespmem:s18], [sflag:$0x3] =	stream.indirect_vreg.gather @!p0 [hbm4b:s1+s2], $0x80, v3, vm1, $0xb8;
	[tilespmem:$0x1A400] =	vst v63  }
0x23b: {  	s18 =	simm.s32 @!p0 $0xCC00  }
0x23c: {  	[tilespmem:s18], [sflag:$0x3] =	stream.indirect_vreg.gather @!p0 [hbm4b:s7+s2], $0x80, v3, vm1, $0xb8;
	[tilespmem:$0x1A400] =	vst v63  }
0x23d: {  	s18 =	simm.s32 @!p0 $0xD400  }
0x23e: {  	[tilespmem:s18], [sflag:$0x3] =	stream.indirect_vreg.gather @!p0 [hbm4b:s8+s2], $0x80, v3, vm1, $0xb8;
	[tilespmem:$0x1A400] =	vst v63  }
0x23f: {  	s18 =	simm.s32 @!p0 $0xDC00  }
0x240: {  	[tilespmem:s18], [sflag:$0x3] =	stream.indirect_vreg.gather @!p0 [hbm4b:s9+s2], $0x80, v3, vm1, $0xb8;
	[tilespmem:$0x1A400] =	vst v63  }
0x241: {  	_ =	swait.ge [sflag:s15], $0x4000  }
0x242: {  	[sflag:s15] =	ssyncset.done $0x0  }
0x243: {  	[sflag:s15] =	ssyncadd.s32 $0xFFFFC000  }
0x244: {  	_ =	swait.ge [sflag:s26], $0x4000  }
0x245: {  	s19 =	simm.s32 $0xFFFFC000;
	s20 =	simm.s32 $0x0;
	[sflag:s26] =	ssyncset.done $0x0  }
0x246: {  	s21 =	simm.s32 $0x0;
	s18 =	simm.s32 $0x0;
	[sflag:s26] =	ssyncadd.s32 $0xFFFFC000  }
.LBB2_13:
0x247: {  	s2 =	sadd.s32 $0x4000, s19  }
0x248: {  	s22 =	sand.u32 $0x380, s21;
	s2 =	sand.u32 $0x2000, s2  }
0x249: {  	s2 =	sor.u32 s22, s2  }
0x24a: {  	v3 =	vld [tilespmem:s2+$0xE400]  }
0x24b: {  	v4 =	vld [tilespmem:s2+$0xE410]  }
0x24c: {  	v6 =	vld [tilespmem:s2+$0xE430]  }
0x24d: {  	v5 =	vld [tilespmem:s2+$0xE420]  }
0x24e: {  	v8 =	vld [tilespmem:s2+$0xE450]  }
0x24f: {  	v7 =	vld [tilespmem:s2+$0xE440];
	v3 =	vmul.f32 $3.200000000e+01, v3  }
0x250: {  	v40 =	vld [tilespmem:s2+$0xE470];
	v4 =	vmul.f32 $3.200000000e+01, v4  }
0x251: {  	v9 =	vld [tilespmem:s2+$0xE460];
	v41 =	vmul.f32 $3.200000000e+01, v6;
	[tilespmem:s2+$0x16400] =	vst v3  }
0x252: {  	v43 =	vld [tilespmem:s2+$0xE810];
	v3 =	vmul.f32 $3.200000000e+01, v5;
	[tilespmem:s2+$0x16410] =	vst v4  }
0x253: {  	v42 =	vld [tilespmem:s2+$0xE800];
	v44 =	vmul.f32 $3.200000000e+01, v8;
	[tilespmem:s2+$0x16430] =	vst v41  }
0x254: {  	v46 =	vld [tilespmem:s2+$0xE830];
	[tilespmem:s2+$0x16420] =	vst v3;
	v3 =	vmul.f32 $3.200000000e+01, v7  }
0x255: {  	v45 =	vld [tilespmem:s2+$0xE820];
	v47 =	vmul.f32 $3.200000000e+01, v40;
	[tilespmem:s2+$0x16450] =	vst v44  }
0x256: {  	v49 =	vld [tilespmem:s2+$0xE850];
	[tilespmem:s2+$0x16440] =	vst v3;
	v3 =	vmul.f32 $3.200000000e+01, v9  }
0x257: {  	v48 =	vld [tilespmem:s2+$0xE840];
	v50 =	vmul.f32 $3.200000000e+01, v43;
	[tilespmem:s2+$0x16470] =	vst v47  }
0x258: {  	v52 =	vld [tilespmem:s2+$0xE870];
	[tilespmem:s2+$0x16460] =	vst v3;
	v3 =	vmul.f32 $3.200000000e+01, v42  }
0x259: {  	v51 =	vld [tilespmem:s2+$0xE860];
	v53 =	vmul.f32 $3.200000000e+01, v46;
	[tilespmem:s2+$0x16810] =	vst v50  }
0x25a: {  	v55 =	vld [tilespmem:s2+$0xEC10];
	[tilespmem:s2+$0x16800] =	vst v3;
	v3 =	vmul.f32 $3.200000000e+01, v45  }
0x25b: {  	v54 =	vld [tilespmem:s2+$0xEC00];
	v56 =	vmul.f32 $3.200000000e+01, v49;
	[tilespmem:s2+$0x16830] =	vst v53  }
0x25c: {  	v58 =	vld [tilespmem:s2+$0xEC30];
	[tilespmem:s2+$0x16820] =	vst v3;
	v3 =	vmul.f32 $3.200000000e+01, v48  }
0x25d: {  	v57 =	vld [tilespmem:s2+$0xEC20];
	v59 =	vmul.f32 $3.200000000e+01, v52;
	[tilespmem:s2+$0x16850] =	vst v56  }
0x25e: {  	v61 =	vld [tilespmem:s2+$0xEC50];
	[tilespmem:s2+$0x16840] =	vst v3;
	v3 =	vmul.f32 $3.200000000e+01, v51  }
0x25f: {  	v60 =	vld [tilespmem:s2+$0xEC40];
	v62 =	vmul.f32 $3.200000000e+01, v55;
	[tilespmem:s2+$0x16870] =	vst v59  }
0x260: {  	v12 =	vld [tilespmem:s2+$0xEC70];
	[tilespmem:s2+$0x16860] =	vst v3;
	v3 =	vmul.f32 $3.200000000e+01, v54  }
0x261: {  	v63 =	vld [tilespmem:s2+$0xEC60];
	v13 =	vmul.f32 $3.200000000e+01, v58;
	[tilespmem:s2+$0x16C10] =	vst v62  }
0x262: {  	v15 =	vld [tilespmem:s2+$0xF010];
	[tilespmem:s2+$0x16C00] =	vst v3;
	v3 =	vmul.f32 $3.200000000e+01, v57  }
0x263: {  	v14 =	vld [tilespmem:s2+$0xF000];
	v16 =	vmul.f32 $3.200000000e+01, v61;
	[tilespmem:s2+$0x16C30] =	vst v13  }
0x264: {  	v18 =	vld [tilespmem:s2+$0xF030];
	[tilespmem:s2+$0x16C20] =	vst v3;
	v3 =	vmul.f32 $3.200000000e+01, v60  }
0x265: {  	v17 =	vld [tilespmem:s2+$0xF020];
	v19 =	vmul.f32 $3.200000000e+01, v12;
	[tilespmem:s2+$0x16C50] =	vst v16  }
0x266: {  	v21 =	vld [tilespmem:s2+$0xF050];
	[tilespmem:s2+$0x16C40] =	vst v3;
	v3 =	vmul.f32 $3.200000000e+01, v63  }
0x267: {  	v20 =	vld [tilespmem:s2+$0xF040];
	v22 =	vmul.f32 $3.200000000e+01, v15;
	[tilespmem:s2+$0x16C70] =	vst v19  }
0x268: {  	v24 =	vld [tilespmem:s2+$0xF070];
	[tilespmem:s2+$0x16C60] =	vst v3;
	v3 =	vmul.f32 $3.200000000e+01, v14  }
0x269: {  	v23 =	vld [tilespmem:s2+$0xF060];
	v25 =	vmul.f32 $3.200000000e+01, v18;
	[tilespmem:s2+$0x17010] =	vst v22  }
0x26a: {  	v27 =	vld [tilespmem:s2+$0xF410];
	[tilespmem:s2+$0x17000] =	vst v3;
	v3 =	vmul.f32 $3.200000000e+01, v17  }
0x26b: {  	v26 =	vld [tilespmem:s2+$0xF400];
	v28 =	vmul.f32 $3.200000000e+01, v21;
	[tilespmem:s2+$0x17030] =	vst v25  }
0x26c: {  	v30 =	vld [tilespmem:s2+$0xF430];
	[tilespmem:s2+$0x17020] =	vst v3;
	v3 =	vmul.f32 $3.200000000e+01, v20  }
0x26d: {  	v29 =	vld [tilespmem:s2+$0xF420];
	v31 =	vmul.f32 $3.200000000e+01, v24;
	[tilespmem:s2+$0x17050] =	vst v28  }
0x26e: {  	v33 =	vld [tilespmem:s2+$0xF450];
	[tilespmem:s2+$0x17040] =	vst v3;
	v3 =	vmul.f32 $3.200000000e+01, v23  }
0x26f: {  	v32 =	vld [tilespmem:s2+$0xF440];
	v34 =	vmul.f32 $3.200000000e+01, v27;
	[tilespmem:s2+$0x17070] =	vst v31  }
0x270: {  	v36 =	vld [tilespmem:s2+$0xF470];
	[tilespmem:s2+$0x17060] =	vst v3;
	v3 =	vmul.f32 $3.200000000e+01, v26  }
0x271: {  	v35 =	vld [tilespmem:s2+$0xF460];
	v37 =	vmul.f32 $3.200000000e+01, v30;
	[tilespmem:s2+$0x17410] =	vst v34  }
0x272: {  	v39 =	vld [tilespmem:s2+$0xF810];
	[tilespmem:s2+$0x17400] =	vst v3;
	v3 =	vmul.f32 $3.200000000e+01, v29  }
0x273: {  	v38 =	vld [tilespmem:s2+$0xF800];
	v40 =	vmul.f32 $3.200000000e+01, v33;
	[tilespmem:s2+$0x17430] =	vst v37  }
0x274: {  	v42 =	vld [tilespmem:s2+$0xF830];
	[tilespmem:s2+$0x17420] =	vst v3;
	v3 =	vmul.f32 $3.200000000e+01, v32  }
0x275: {  	v43 =	vmul.f32 $3.200000000e+01, v36;
	v41 =	vld [tilespmem:s2+$0xF820];
	[tilespmem:s2+$0x17450] =	vst v40  }
0x276: {  	v45 =	vld [tilespmem:s2+$0xF850];
	[tilespmem:s2+$0x17440] =	vst v3;
	v3 =	vmul.f32 $3.200000000e+01, v35  }
0x277: {  	v46 =	vmul.f32 $3.200000000e+01, v39;
	v44 =	vld [tilespmem:s2+$0xF840];
	[tilespmem:s2+$0x17470] =	vst v43  }
0x278: {  	v48 =	vld [tilespmem:s2+$0xF870];
	[tilespmem:s2+$0x17460] =	vst v3;
	v3 =	vmul.f32 $3.200000000e+01, v38  }
0x279: {  	v47 =	vld [tilespmem:s2+$0xF860];
	[tilespmem:s2+$0x17810] =	vst v46;
	v49 =	vmul.f32 $3.200000000e+01, v42  }
0x27a: {  	v51 =	vld [tilespmem:s2+$0xFC10];
	[tilespmem:s2+$0x17800] =	vst v3;
	v3 =	vmul.f32 $3.200000000e+01, v41  }
0x27b: {  	v50 =	vld [tilespmem:s2+$0xFC00];
	[tilespmem:s2+$0x17830] =	vst v49;
	v52 =	vmul.f32 $3.200000000e+01, v45  }
0x27c: {  	v54 =	vld [tilespmem:s2+$0xFC30];
	[tilespmem:s2+$0x17820] =	vst v3;
	v3 =	vmul.f32 $3.200000000e+01, v44  }
0x27d: {  	v53 =	vld [tilespmem:s2+$0xFC20];
	[tilespmem:s2+$0x17850] =	vst v52;
	v55 =	vmul.f32 $3.200000000e+01, v48  }
0x27e: {  	v57 =	vld [tilespmem:s2+$0xFC50];
	[tilespmem:s2+$0x17840] =	vst v3;
	v3 =	vmul.f32 $3.200000000e+01, v47  }
0x27f: {  	v56 =	vld [tilespmem:s2+$0xFC40];
	[tilespmem:s2+$0x17870] =	vst v55;
	v58 =	vmul.f32 $3.200000000e+01, v51  }
0x280: {  	v60 =	vld [tilespmem:s2+$0xFC70];
	[tilespmem:s2+$0x17860] =	vst v3;
	v3 =	vmul.f32 $3.200000000e+01, v50  }
0x281: {  	v59 =	vld [tilespmem:s2+$0xFC60];
	[tilespmem:s2+$0x17C10] =	vst v58;
	v61 =	vmul.f32 $3.200000000e+01, v54  }
0x282: {  	[tilespmem:s2+$0x17C00] =	vst v3;
	v3 =	vmul.f32 $3.200000000e+01, v53  }
0x283: {  	[tilespmem:s2+$0x17C30] =	vst v61;
	v62 =	vmul.f32 $3.200000000e+01, v57  }
0x284: {  	[tilespmem:s2+$0x17C20] =	vst v3;
	v3 =	vmul.f32 $3.200000000e+01, v56  }
0x285: {  	s28 =	sand.u32 $0x7, s18;
	[tilespmem:s2+$0x17C50] =	vst v62;
	v63 =	vmul.f32 $3.200000000e+01, v60  }
0x286: {  	s22 =	sshll.u32 s28, $0x7;
	[tilespmem:s2+$0x17C40] =	vst v3;
	v3 =	vmul.f32 $3.200000000e+01, v59  }
0x287: {  	s22 =	sadd.s32 s22, s20;
	[tilespmem:s2+$0x17C70] =	vst v63  }
0x288: {  	s28 =	sor.u32 $0x1C00, s22;
	[tilespmem:s2+$0x17C60] =	vst v3  }
0x289: {  	v3 =	vld [tilespmem:s28+$0xE400];
	_ =	sdelay $0x4  }
0x28a: {  	v3 =	vmul.f32 $3.200000000e+01, v3;
	_ =	sdelay $0x1  }
0x28b: {  	[tilespmem:s28+$0x16400] =	vst v3;
	s28 =	sor.u32 $0x1C10, s22  }
0x28c: {  	v3 =	vld [tilespmem:s28+$0xE400];
	_ =	sdelay $0x4  }
0x28d: {  	v3 =	vmul.f32 $3.200000000e+01, v3;
	_ =	sdelay $0x1  }
0x28e: {  	[tilespmem:s28+$0x16400] =	vst v3;
	s28 =	sor.u32 $0x1C20, s22  }
0x28f: {  	v3 =	vld [tilespmem:s28+$0xE400];
	_ =	sdelay $0x4  }
0x290: {  	v3 =	vmul.f32 $3.200000000e+01, v3;
	_ =	sdelay $0x1  }
0x291: {  	[tilespmem:s28+$0x16400] =	vst v3;
	s28 =	sor.u32 $0x1C30, s22  }
0x292: {  	v3 =	vld [tilespmem:s28+$0xE400];
	_ =	sdelay $0x4  }
0x293: {  	v3 =	vmul.f32 $3.200000000e+01, v3;
	_ =	sdelay $0x1  }
0x294: {  	[tilespmem:s28+$0x16400] =	vst v3;
	s28 =	sor.u32 $0x1C40, s22  }
0x295: {  	v3 =	vld [tilespmem:s28+$0xE400];
	_ =	sdelay $0x4  }
0x296: {  	v3 =	vmul.f32 $3.200000000e+01, v3;
	_ =	sdelay $0x1  }
0x297: {  	[tilespmem:s28+$0x16400] =	vst v3;
	s28 =	sor.u32 $0x1C50, s22  }
0x298: {  	v3 =	vld [tilespmem:s28+$0xE400];
	_ =	sdelay $0x4  }
0x299: {  	v3 =	vmul.f32 $3.200000000e+01, v3;
	_ =	sdelay $0x1  }
0x29a: {  	[tilespmem:s28+$0x16400] =	vst v3;
	s28 =	sor.u32 $0x1C60, s22  }
0x29b: {  	v3 =	vld [tilespmem:s28+$0xE400];
	_ =	sdelay $0x4  }
0x29c: {  	v3 =	vmul.f32 $3.200000000e+01, v3;
	_ =	sdelay $0x1  }
0x29d: {  	[tilespmem:s28+$0x16400] =	vst v3;
	s28 =	sor.u32 $0x1C70, s22  }
0x29e: {  	v3 =	vld [tilespmem:s28+$0xE400];
	_ =	sdelay $0x1  }
0x29f: {  	p1 =	sne.s32 s21, $0x780  }
.Ltmp8:
0x2a0: {  	_ = 	snop;
	(pc) =	sbr.rel @p1 .LBB2_13-.Ltmp8, $4  }
0x2a1: {  	_ = 	snop  }
0x2a2: {  	v3 =	vmul.f32 $3.200000000e+01, v3  }
0x2a3: {  	s18 =	sadd.s32 $0x1, s18  }
0x2a4: {  	s19 =	sadd.s32 $0x400, s19;
	s21 =	sadd.s32 $0x80, s21;
	s20 =	sadd.s32 $0x400, s20;
	[tilespmem:s28+$0x16400] =	vst v3  }
.Ltmp9:
0x2a5: {  	(pc) =	sbr.rel @p0 .LBB2_16-.Ltmp9, $3  }
0x2a6: {  	_ =	sdelay $0x1  }
0x2a7: {  	s2 =	sadd.s32 $0x1800, s17  }
0x2a8: {  	[hbm4b:s2+s4] =	stream.linear.scatter [tilespmem:s6], [sflag:$0x6], $0x4000, $0x38;
	[tilespmem:$0x1A400] =	vst v63  }
0x2a9: {  	s2 =	sshll.u32 s16, $0x9  }
0x2aa: {  	s2 =	sand.u32 $0x3FFFFE00, s2  }
0x2ab: {  	v3 =	vld [tilespmem:s2+$0x780];
	_ =	sdelay $0x4  }
0x2ac: {  	v4 =	vshll.u32 v3, $0x3  }
0x2ad: {  	v3 =	vand.u32 $0x7, v3;
	v4 =	vand.u32 $0xFFFFFFC0, v4  }
0x2ae: {  	v3 =	vor.u32 v3, v4  }
0x2af: {  	v4 =	vperm.xlane v3, v0;
	_ =	sdelay $0x1  }
0x2b0: {  	v4 =	vadd.s32 v1, v4;
	_ =	sdelay $0x3  }
0x2b1: {  	s28 =	simm.s32 $0xE400  }
0x2b2: {  	[tilespmem:s28], [sflag:$0x4] =	stream.indirect_vreg.gather [hbm4b:s1+s4], $0x80, v4, vm0, $0xb8;
	[tilespmem:$0x1A400] =	vst v63  }
0x2b3: {  	v3 =	vperm.xlane v3, v2  }
0x2b4: {  	[tilespmem:s29], [sflag:$0x4] =	stream.indirect_vreg.gather [hbm4b:s7+s4], $0x80, v4, vm0, $0xb8;
	[tilespmem:$0x1A400] =	vst v63  }
0x2b5: {  	v3 =	vadd.s32 v1, v3  }
0x2b6: {  	[tilespmem:s30], [sflag:$0x4] =	stream.indirect_vreg.gather [hbm4b:s8+s4], $0x80, v4, vm0, $0xb8;
	[tilespmem:$0x1A400] =	vst v63  }
0x2b7: {  	_ = 	snop  }
0x2b8: {  	[tilespmem:s31], [sflag:$0x4] =	stream.indirect_vreg.gather [hbm4b:s9+s4], $0x80, v4, vm0, $0xb8;
	[tilespmem:$0x1A400] =	vst v63  }
0x2b9: {  	_ = 	snop  }
0x2ba: {  	[tilespmem:s0], [sflag:$0x4] =	stream.indirect_vreg.gather [hbm4b:s1+s4], $0x80, v3, vm0, $0xb8;
	[tilespmem:$0x1A400] =	vst v63  }
0x2bb: {  	_ = 	snop  }
0x2bc: {  	[tilespmem:s3], [sflag:$0x4] =	stream.indirect_vreg.gather [hbm4b:s7+s4], $0x80, v3, vm0, $0xb8;
	[tilespmem:$0x1A400] =	vst v63  }
.Ltmp10:
0x2bd: {  	_ = 	snop;
	(pc) =	sbr.rel .LBB2_2-.Ltmp10, $4  }
0x2be: {  	_ = 	snop  }
0x2bf: {  	[tilespmem:s12], [sflag:$0x4] =	stream.indirect_vreg.gather [hbm4b:s8+s4], $0x80, v3, vm0, $0xb8;
	[tilespmem:$0x1A400] =	vst v63  }
0x2c0: {  	s16 =	sadd.s32 $0x1, s16  }
0x2c1: {  	[tilespmem:s13], [sflag:$0x4] =	stream.indirect_vreg.gather [hbm4b:s9+s4], $0x80, v3, vm0, $0xb8;
	[tilespmem:$0x1A400] =	vst v63  }
.LBB2_17:
0x2c2: {  	_ =	sfence.sel $0x180000  }
0x2c3: {  	[bflag:$0x0] =	sbarrier.arrive $0xFFFF  }
0x2c4: {  	_ =	strace $0x90000047  }
0x2c5: {  	s0 =	stileid.u32;
	[bflag:$0x2] =	sbarrier.arrive $0xFFFF  }
0x2c6: {  	p0 =	sne.s32 s0, $0x0;
	s0 =	rddreg [dreg:$0x3]  }
0x2c7: {  	s0 =	sadd.s32 @!p0 $0x100000, s0  }
0x2c8: {  	[sflag:s0] =	ssyncadd.tile.s32 @!p0 $0x1;
	_ =	shalt  }
.Lfunc_end2:
_tile_overlayer_lowered:
.L_overlay_start_2:
0x2c9: {  	(tag) =	ssettag $0x2  }
0x2ca: {  	s0 =	rddreg [dreg:$0x0];
	s2 =	stileid.u32  }
0x2cb: {  	s1 =	rddreg [dreg:$0x1];
	p0 =	sne.s32 s2, $0x0  }
0x2cc: {  	s3 =	rddreg [dreg:$0x2];
	[bflag:$0x3] =	sbarrier.arrive $0xFFFF;
	s2 =	simm.s32 @!p0 $0x1C07  }
0x2cd: {  	[timem:s3], [sflag:s2] =	dma.local @!p0 [hbm:s0], s1  }
0x2ce: {  	s0 =	simm.s32 @!p0 $0x7  }
0x2cf: {  	_ =	swait.ge @!p0 [sflag:s0], s1  }
0x2d0: {  	s1 =	ssub.s32 @!p0 $0x0, s1;
	[sflag:s0] =	ssyncset.done @!p0 $0x0  }
0x2d1: {  	[sflag:s0] =	ssyncadd.s32 @!p0 s1  }
0x2d2: {  	[bflag:$0x3] =	sbarrier.arrive $0xFFFF  }
0x2d3: {  	_ =	shalt  }

</sc_bundles>
